<compile_context>
chip_gen: v7x
topology: tpu7x:2x2x1
jax: 0.10.2.dev20260603
libtpu: 0.0.44.dev20260713+nightly
codegen_flags: <defaults>
</compile_context>

<pallas_src>
import functools

import jax
import jax.numpy as jnp
from jax import lax
from jax.experimental import pallas as pl
from jax.experimental.pallas import tpu as pltpu
from jax.experimental.pallas import tpu_sc as plsc

B = 16384
D = 64
NC = 2
NS = 16
L = 16
NW = NC * NS
BPW = B // NW
HALF = BPW // 2
NG = HALF // L


def _sc_body(user_hbm, item_hbm, ut_hbm, it_hbm, out_hbm,
             uidx_v, iidx_v, urows_v, irows_v, out_v, scr_v, sem_u, sem_i):
    wid = lax.axis_index("s") * NC + lax.axis_index("c")
    base = wid * BPW

    pltpu.sync_copy(user_hbm.at[pl.ds(base, BPW)], uidx_v)
    pltpu.sync_copy(item_hbm.at[pl.ds(base, BPW)], iidx_v)

    lanes = lax.iota(jnp.int32, L)

    def group_body(half, g, _):
        rbase = half * HALF + g * L
        vbase = g * L
        ivu = uidx_v[pl.ds(rbase, L)]
        ivi = iidx_v[pl.ds(rbase, L)]
        copies = []
        for j in range(L):
            copies.append(pltpu.async_copy(
                ut_hbm.at[ivu[j]], urows_v.at[vbase + j], sem_u))
            copies.append(pltpu.async_copy(
                it_hbm.at[ivi[j]], irows_v.at[vbase + j], sem_i))
        for c in copies:
            c.wait()

        for r16 in range(L):
            r = vbase + r16
            acc = urows_v[r, pl.ds(0, L)] * irows_v[r, pl.ds(0, L)]
            for c in range(1, D // L):
                acc = acc + (urows_v[r, pl.ds(c * L, L)]
                             * irows_v[r, pl.ds(c * L, L)])
            scr_v[pl.ds(r16 * L, L)] = acc
        x = plsc.load_gather(scr_v, [lanes * L])
        for c in range(1, L):
            x = x + plsc.load_gather(scr_v, [lanes * L + c])

        e = jnp.exp(-jnp.abs(x))
        out_v[pl.ds(rbase, L)] = jnp.where(
            x >= 0, 1.0 / (1.0 + e), e / (1.0 + e))
        return 0

    lax.fori_loop(0, NG, functools.partial(group_body, 0), 0)
    lax.fori_loop(0, NG, functools.partial(group_body, 1), 0)

    pltpu.sync_copy(out_v, out_hbm.at[pl.ds(base, BPW)])


def kernel(user, item, user_table, item_table):
    mesh = plsc.VectorSubcoreMesh(core_axis_name="c", subcore_axis_name="s")
    k = functools.partial(
        pl.kernel,
        mesh=mesh,
        compiler_params=pltpu.CompilerParams(
            needs_layout_passes=False, use_tc_tiling_on_sc=True),
        out_type=jax.ShapeDtypeStruct((B,), jnp.float32),
        scratch_types=[
            pltpu.VMEM((BPW,), jnp.int32),
            pltpu.VMEM((BPW,), jnp.int32),
            pltpu.VMEM((HALF, D), jnp.float32),
            pltpu.VMEM((HALF, D), jnp.float32),
            pltpu.VMEM((BPW,), jnp.float32),
            pltpu.VMEM((L * L,), jnp.float32),
            pltpu.SemaphoreType.DMA,
            pltpu.SemaphoreType.DMA,
        ],
    )(_sc_body)
    return k(user, item, user_table, item_table)

# --- scband reference (transcript-rebuilt; emitter-appended) ---
"""Pipeline reference for scband-signal-mf-31387620999899 (READ-ONLY COPY).

The authoritative reference and input builder live on the scoring server;
editing this copy changes nothing except your own understanding.
"""

import jax, jax.numpy as jnp
import numpy as np

N_USERS = 1000000
N_ITEMS = 1000000
EMBED_DIM = 64
BATCH = 16384

def setup_inputs(seed: int = 0) -> dict:
    key = jax.random.key(seed)
    k_user, k_item, k_ut, k_it = jax.random.split(key, 4)
    user = jax.random.randint(k_user, (BATCH,), 0, N_USERS, dtype=jnp.int64 if jax.config.jax_enable_x64 else jnp.int32).astype(jnp.int32)
    item = jax.random.randint(k_item, (BATCH,), 0, N_ITEMS, dtype=jnp.int64 if jax.config.jax_enable_x64 else jnp.int32).astype(jnp.int32)
    # xavier_uniform init: bound = sqrt(6/(fan_in+fan_out))
    bound_u = float(np.sqrt(6.0 / (N_USERS + EMBED_DIM)))
    bound_i = float(np.sqrt(6.0 / (N_ITEMS + EMBED_DIM)))
    user_table = jax.random.uniform(k_ut, (N_USERS, EMBED_DIM), minval=-bound_u, maxval=bound_u, dtype=jnp.float32)
    item_table = jax.random.uniform(k_it, (N_ITEMS, EMBED_DIM), minval=-bound_i, maxval=bound_i, dtype=jnp.float32)
    return {"user": user, "item": item, "user_table": user_table, "item_table": item_table}

def reference(user, item, user_table, item_table):
    user_embed = jnp.take(user_table, user, axis=0)
    item_embed = jnp.take(item_table, item, axis=0)
    predicted_rating = jnp.sum(user_embed * item_embed, axis=1)
    predicted_rating = jax.nn.sigmoid(predicted_rating)
    return predicted_rating

if __name__ == "__main__":
    import jax
    _d = setup_inputs()
    print(jax.jit(kernel)(*tuple(_d.values())))

</pallas_src>

<mosaic_0001>
#map = affine_map<(d0, d1) -> (0)>
#map1 = affine_map<(d0, d1) -> (0, 0)>
module attributes {stable_mosaic.version = 14 : i64} {
  func.func @_sc_body(%arg0: i32, %arg1: i32, %arg2: memref<16384xi32, #tpu.memory_space<hbm>>, %arg3: memref<16384xi32, #tpu.memory_space<hbm>>, %arg4: memref<1000000x64xf32, #tpu.memory_space<hbm>>, %arg5: memref<1000000x64xf32, #tpu.memory_space<hbm>>, %arg6: memref<16384xf32, #tpu.memory_space<hbm>>, %arg7: memref<512xi32, #tpu.memory_space<vmem>>, %arg8: memref<512xi32, #tpu.memory_space<vmem>>, %arg9: memref<256x64xf32, #tpu.memory_space<vmem>>, %arg10: memref<256x64xf32, #tpu.memory_space<vmem>>, %arg11: memref<512xf32, #tpu.memory_space<vmem>>, %arg12: memref<256xf32, #tpu.memory_space<vmem>>, %arg13: memref<!tpu.dma_semaphore, #tpu.memory_space<semaphore_mem>>, %arg14: memref<!tpu.dma_semaphore, #tpu.memory_space<semaphore_mem>>) attributes {dimension_semantics = [#tpu.dimension_semantics<core_parallel>, #tpu.dimension_semantics<subcore_parallel>], iteration_bounds = array<i64: 2, 16>, scalar_prefetch = 0 : i64, scratch_operands = 8 : i64, tpu.core_type = #tpu.core_type<sc_vector_subcore>, window_params = [{transform_indices = #map}, {transform_indices = #map}, {transform_indices = #map1}, {transform_indices = #map1}, {transform_indices = #map}]} {
    %mul3A = arith.constant 2 : i32
    %mul3A_0 = arith.muli %arg1, %mul3A : i32
    %add3A = arith.addi %mul3A_0, %arg0 : i32
    %mul3A_1 = arith.constant 512 : i32
    %mul3A_2 = arith.muli %add3A, %mul3A_1 : i32
    "tpu.region"() ({
      %run_scoped3A = tpu.sem_alloc : memref<!tpu.dma_semaphore, #tpu.memory_space<semaphore_mem>>
      %dma_start3A = tpu.memref_slice %arg2[%mul3A_2] : memref<16384xi32, #tpu.memory_space<hbm>> -> memref<512xi32, #tpu.memory_space<hbm>>
      %dma_start3A_16 = tpu.memref_slice %arg2[%mul3A_2] : memref<16384xi32, #tpu.memory_space<hbm>> -> memref<512xi32, #tpu.memory_space<hbm>>
      tpu.enqueue_dma source(%dma_start3A_16 : memref<512xi32, #tpu.memory_space<hbm>>) target(%arg7 : memref<512xi32, #tpu.memory_space<vmem>>) target_semaphore(%run_scoped3A : memref<!tpu.dma_semaphore, #tpu.memory_space<semaphore_mem>>)
      %dma_wait3A = tpu.memref_slice %arg2[%mul3A_2] : memref<16384xi32, #tpu.memory_space<hbm>> -> memref<512xi32, #tpu.memory_space<hbm>>
      %dma_wait3A_17 = tpu.memref_slice %arg2[%mul3A_2] : memref<16384xi32, #tpu.memory_space<hbm>> -> memref<512xi32, #tpu.memory_space<hbm>>
      tpu.wait_dma2 semaphore(%run_scoped3A : memref<!tpu.dma_semaphore, #tpu.memory_space<semaphore_mem>>) src(%dma_wait3A_17 : memref<512xi32, #tpu.memory_space<hbm>>) dst(%arg7 : memref<512xi32, #tpu.memory_space<vmem>>)
      tpu.yield
    }) : () -> ()
    "tpu.region"() ({
      %run_scoped3A = tpu.sem_alloc : memref<!tpu.dma_semaphore, #tpu.memory_space<semaphore_mem>>
      %dma_start3A = tpu.memref_slice %arg3[%mul3A_2] : memref<16384xi32, #tpu.memory_space<hbm>> -> memref<512xi32, #tpu.memory_space<hbm>>
      %dma_start3A_16 = tpu.memref_slice %arg3[%mul3A_2] : memref<16384xi32, #tpu.memory_space<hbm>> -> memref<512xi32, #tpu.memory_space<hbm>>
      tpu.enqueue_dma source(%dma_start3A_16 : memref<512xi32, #tpu.memory_space<hbm>>) target(%arg8 : memref<512xi32, #tpu.memory_space<vmem>>) target_semaphore(%run_scoped3A : memref<!tpu.dma_semaphore, #tpu.memory_space<semaphore_mem>>)
      %dma_wait3A = tpu.memref_slice %arg3[%mul3A_2] : memref<16384xi32, #tpu.memory_space<hbm>> -> memref<512xi32, #tpu.memory_space<hbm>>
      %dma_wait3A_17 = tpu.memref_slice %arg3[%mul3A_2] : memref<16384xi32, #tpu.memory_space<hbm>> -> memref<512xi32, #tpu.memory_space<hbm>>
      tpu.wait_dma2 semaphore(%run_scoped3A : memref<!tpu.dma_semaphore, #tpu.memory_space<semaphore_mem>>) src(%dma_wait3A_17 : memref<512xi32, #tpu.memory_space<hbm>>) dst(%arg8 : memref<512xi32, #tpu.memory_space<vmem>>)
      tpu.yield
    }) : () -> ()
    %iota3A = tpu.iota {dimensions = array<i32: 0>} : vector<16xi32>
    %scan3A = arith.constant 0 : i32
    %scan3A_3 = arith.constant 0 : i32
    %scan3A_4 = arith.constant 16 : i32
    %scan3A_5 = arith.addi %scan3A_3, %scan3A_4 : i32
    %scan3A_6 = arith.constant 1 : i32
    %scan3A_7 = scf.for %scan3A_16 = %scan3A_3 to %scan3A_5 step %scan3A_6 iter_args(%scan3A_17 = %scan3A) -> (i32)  : i32 {
      %mul3A_18 = arith.constant 16 : i32
      %mul3A_19 = arith.muli %scan3A_16, %mul3A_18 : i32
      %add3A_20 = arith.constant 0 : i32
      %add3A_21 = arith.addi %add3A_20, %mul3A_19 : i32
      %mul3A_22 = arith.constant 16 : i32
      %mul3A_23 = arith.muli %scan3A_16, %mul3A_22 : i32
      %get3A = arith.index_cast %add3A_21 : i32 to index
      %get3A_24 = tpu.vector_load %arg7[%get3A] {strides = array<i32>} : memref<512xi32, #tpu.memory_space<vmem>>, vector<16xi32>,
      %get3A_25 = arith.index_cast %add3A_21 : i32 to index
      %get3A_26 = tpu.vector_load %arg8[%get3A_25] {strides = array<i32>} : memref<512xi32, #tpu.memory_space<vmem>>, vector<16xi32>,
      %slice3A = vector.extract_strided_slice %get3A_24 {offsets = [0], sizes = [1], strides = [1]} : vector<16xi32> to vector<1xi32>
      %squeeze3A = vector.extract %slice3A[0] : i32 from vector<1xi32>
      %add3A_27 = arith.constant 0 : i32
      %add3A_28 = arith.addi %mul3A_23, %add3A_27 : i32
      %dma_start3A = arith.constant 0 : i32
      %dma_start3A_29 = tpu.memref_slice %arg9[%add3A_28, %dma_start3A] : memref<256x64xf32, #tpu.memory_space<vmem>> -> memref<1x64xf32, #tpu.memory_space<vmem>>
      %dma_start3A_30 = tpu.memref_squeeze %dma_start3A_29 : memref<1x64xf32, #tpu.memory_space<vmem>> -> memref<64xf32, #tpu.memory_space<vmem>>
      %dma_start3A_31 = arith.constant 0 : i32
      %dma_start3A_32 = tpu.memref_slice %arg4[%squeeze3A, %dma_start3A_31] : memref<1000000x64xf32, #tpu.memory_space<hbm>> -> memref<1x64xf32, #tpu.memory_space<hbm>>
      %dma_start3A_33 = tpu.memref_squeeze %dma_start3A_32 : memref<1x64xf32, #tpu.memory_space<hbm>> -> memref<64xf32, #tpu.memory_space<hbm>>
      %dma_start3A_34 = arith.constant 0 : i32
      %dma_start3A_35 = tpu.memref_slice %arg9[%add3A_28, %dma_start3A_34] : memref<256x64xf32, #tpu.memory_space<vmem>> -> memref<1x64xf32, #tpu.memory_space<vmem>>
      %dma_start3A_36 = tpu.memref_squeeze %dma_start3A_35 : memref<1x64xf32, #tpu.memory_space<vmem>> -> memref<64xf32, #tpu.memory_space<vmem>>
      %dma_start3A_37 = arith.constant 0 : i32
      %dma_start3A_38 = tpu.memref_slice %arg4[%squeeze3A, %dma_start3A_37] : memref<1000000x64xf32, #tpu.memory_space<hbm>> -> memref<1x64xf32, #tpu.memory_space<hbm>>
      %dma_start3A_39 = tpu.memref_squeeze %dma_start3A_38 : memref<1x64xf32, #tpu.memory_space<hbm>> -> memref<64xf32, #tpu.memory_space<hbm>>
      tpu.enqueue_dma source(%dma_start3A_39 : memref<64xf32, #tpu.memory_space<hbm>>) target(%dma_start3A_36 : memref<64xf32, #tpu.memory_space<vmem>>) target_semaphore(%arg13 : memref<!tpu.dma_semaphore, #tpu.memory_space<semaphore_mem>>)
      %slice3A_40 = vector.extract_strided_slice %get3A_26 {offsets = [0], sizes = [1], strides = [1]} : vector<16xi32> to vector<1xi32>
      %squeeze3A_41 = vector.extract %slice3A_40[0] : i32 from vector<1xi32>
      %add3A_42 = arith.constant 0 : i32
      %add3A_43 = arith.addi %mul3A_23, %add3A_42 : i32
      %dma_start3A_44 = arith.constant 0 : i32
      %dma_start3A_45 = tpu.memref_slice %arg10[%add3A_43, %dma_start3A_44] : memref<256x64xf32, #tpu.memory_space<vmem>> -> memref<1x64xf32, #tpu.memory_space<vmem>>
      %dma_start3A_46 = tpu.memref_squeeze %dma_start3A_45 : memref<1x64xf32, #tpu.memory_space<vmem>> -> memref<64xf32, #tpu.memory_space<vmem>>
      %dma_start3A_47 = arith.constant 0 : i32
      %dma_start3A_48 = tpu.memref_slice %arg5[%squeeze3A_41, %dma_start3A_47] : memref<1000000x64xf32, #tpu.memory_space<hbm>> -> memref<1x64xf32, #tpu.memory_space<hbm>>
      %dma_start3A_49 = tpu.memref_squeeze %dma_start3A_48 : memref<1x64xf32, #tpu.memory_space<hbm>> -> memref<64xf32, #tpu.memory_space<hbm>>
      %dma_start3A_50 = arith.constant 0 : i32
      %dma_start3A_51 = tpu.memref_slice %arg10[%add3A_43, %dma_start3A_50] : memref<256x64xf32, #tpu.memory_space<vmem>> -> memref<1x64xf32, #tpu.memory_space<vmem>>
      %dma_start3A_52 = tpu.memref_squeeze %dma_start3A_51 : memref<1x64xf32, #tpu.memory_space<vmem>> -> memref<64xf32, #tpu.memory_space<vmem>>
      %dma_start3A_53 = arith.constant 0 : i32
      %dma_start3A_54 = tpu.memref_slice %arg5[%squeeze3A_41, %dma_start3A_53] : memref<1000000x64xf32, #tpu.memory_space<hbm>> -> memref<1x64xf32, #tpu.memory_space<hbm>>
      %dma_start3A_55 = tpu.memref_squeeze %dma_start3A_54 : memref<1x64xf32, #tpu.memory_space<hbm>> -> memref<64xf32, #tpu.memory_space<hbm>>
      tpu.enqueue_dma source(%dma_start3A_55 : memref<64xf32, #tpu.memory_space<hbm>>) target(%dma_start3A_52 : memref<64xf32, #tpu.memory_space<vmem>>) target_semaphore(%arg14 : memref<!tpu.dma_semaphore, #tpu.memory_space<semaphore_mem>>)
      %slice3A_56 = vector.extract_strided_slice %get3A_24 {offsets = [1], sizes = [1], strides = [1]} : vector<16xi32> to vector<1xi32>
      %squeeze3A_57 = vector.extract %slice3A_56[0] : i32 from vector<1xi32>
      %add3A_58 = arith.constant 1 : i32
      %add3A_59 = arith.addi %mul3A_23, %add3A_58 : i32
      %dma_start3A_60 = arith.constant 0 : i32
      %dma_start3A_61 = tpu.memref_slice %arg9[%add3A_59, %dma_start3A_60] : memref<256x64xf32, #tpu.memory_space<vmem>> -> memref<1x64xf32, #tpu.memory_space<vmem>>
      %dma_start3A_62 = tpu.memref_squeeze %dma_start3A_61 : memref<1x64xf32, #tpu.memory_space<vmem>> -> memref<64xf32, #tpu.memory_space<vmem>>
      %dma_start3A_63 = arith.constant 0 : i32
      %dma_start3A_64 = tpu.memref_slice %arg4[%squeeze3A_57, %dma_start3A_63] : memref<1000000x64xf32, #tpu.memory_space<hbm>> -> memref<1x64xf32, #tpu.memory_space<hbm>>
      %dma_start3A_65 = tpu.memref_squeeze %dma_start3A_64 : memref<1x64xf32, #tpu.memory_space<hbm>> -> memref<64xf32, #tpu.memory_space<hbm>>
      %dma_start3A_66 = arith.constant 0 : i32
      %dma_start3A_67 = tpu.memref_slice %arg9[%add3A_59, %dma_start3A_66] : memref<256x64xf32, #tpu.memory_space<vmem>> -> memref<1x64xf32, #tpu.memory_space<vmem>>
      %dma_start3A_68 = tpu.memref_squeeze %dma_start3A_67 : memref<1x64xf32, #tpu.memory_space<vmem>> -> memref<64xf32, #tpu.memory_space<vmem>>
      %dma_start3A_69 = arith.constant 0 : i32
      %dma_start3A_70 = tpu.memref_slice %arg4[%squeeze3A_57, %dma_start3A_69] : memref<1000000x64xf32, #tpu.memory_space<hbm>> -> memref<1x64xf32, #tpu.memory_space<hbm>>
      %dma_start3A_71 = tpu.memref_squeeze %dma_start3A_70 : memref<1x64xf32, #tpu.memory_space<hbm>> -> memref<64xf32, #tpu.memory_space<hbm>>
      tpu.enqueue_dma source(%dma_start3A_71 : memref<64xf32, #tpu.memory_space<hbm>>) target(%dma_start3A_68 : memref<64xf32, #tpu.memory_space<vmem>>) target_semaphore(%arg13 : memref<!tpu.dma_semaphore, #tpu.memory_space<semaphore_mem>>)
      %slice3A_72 = vector.extract_strided_slice %get3A_26 {offsets = [1], sizes = [1], strides = [1]} : vector<16xi32> to vector<1xi32>
      %squeeze3A_73 = vector.extract %slice3A_72[0] : i32 from vector<1xi32>
      %add3A_74 = arith.constant 1 : i32
      %add3A_75 = arith.addi %mul3A_23, %add3A_74 : i32
      %dma_start3A_76 = arith.constant 0 : i32
      %dma_start3A_77 = tpu.memref_slice %arg10[%add3A_75, %dma_start3A_76] : memref<256x64xf32, #tpu.memory_space<vmem>> -> memref<1x64xf32, #tpu.memory_space<vmem>>
      %dma_start3A_78 = tpu.memref_squeeze %dma_start3A_77 : memref<1x64xf32, #tpu.memory_space<vmem>> -> memref<64xf32, #tpu.memory_space<vmem>>
      %dma_start3A_79 = arith.constant 0 : i32
      %dma_start3A_80 = tpu.memref_slice %arg5[%squeeze3A_73, %dma_start3A_79] : memref<1000000x64xf32, #tpu.memory_space<hbm>> -> memref<1x64xf32, #tpu.memory_space<hbm>>
      %dma_start3A_81 = tpu.memref_squeeze %dma_start3A_80 : memref<1x64xf32, #tpu.memory_space<hbm>> -> memref<64xf32, #tpu.memory_space<hbm>>
      %dma_start3A_82 = arith.constant 0 : i32
      %dma_start3A_83 = tpu.memref_slice %arg10[%add3A_75, %dma_start3A_82] : memref<256x64xf32, #tpu.memory_space<vmem>> -> memref<1x64xf32, #tpu.memory_space<vmem>>
      %dma_start3A_84 = tpu.memref_squeeze %dma_start3A_83 : memref<1x64xf32, #tpu.memory_space<vmem>> -> memref<64xf32, #tpu.memory_space<vmem>>
      %dma_start3A_85 = arith.constant 0 : i32
      %dma_start3A_86 = tpu.memref_slice %arg5[%squeeze3A_73, %dma_start3A_85] : memref<1000000x64xf32, #tpu.memory_space<hbm>> -> memref<1x64xf32, #tpu.memory_space<hbm>>
      %dma_start3A_87 = tpu.memref_squeeze %dma_start3A_86 : memref<1x64xf32, #tpu.memory_space<hbm>> -> memref<64xf32, #tpu.memory_space<hbm>>
      tpu.enqueue_dma source(%dma_start3A_87 : memref<64xf32, #tpu.memory_space<hbm>>) target(%dma_start3A_84 : memref<64xf32, #tpu.memory_space<vmem>>) target_semaphore(%arg14 : memref<!tpu.dma_semaphore, #tpu.memory_space<semaphore_mem>>)
      %slice3A_88 = vector.extract_strided_slice %get3A_24 {offsets = [2], sizes = [1], strides = [1]} : vector<16xi32> to vector<1xi32>
      %squeeze3A_89 = vector.extract %slice3A_88[0] : i32 from vector<1xi32>
      %add3A_90 = arith.constant 2 : i32
      %add3A_91 = arith.addi %mul3A_23, %add3A_90 : i32
      %dma_start3A_92 = arith.constant 0 : i32
      %dma_start3A_93 = tpu.memref_slice %arg9[%add3A_91, %dma_start3A_92] : memref<256x64xf32, #tpu.memory_space<vmem>> -> memref<1x64xf32, #tpu.memory_space<vmem>>
      %dma_start3A_94 = tpu.memref_squeeze %dma_start3A_93 : memref<1x64xf32, #tpu.memory_space<vmem>> -> memref<64xf32, #tpu.memory_space<vmem>>
      %dma_start3A_95 = arith.constant 0 : i32
      %dma_start3A_96 = tpu.memref_slice %arg4[%squeeze3A_89, %dma_start3A_95] : memref<1000000x64xf32, #tpu.memory_space<hbm>> -> memref<1x64xf32, #tpu.memory_space<hbm>>
      %dma_start3A_97 = tpu.memref_squeeze %dma_start3A_96 : memref<1x64xf32, #tpu.memory_space<hbm>> -> memref<64xf32, #tpu.memory_space<hbm>>
      %dma_start3A_98 = arith.constant 0 : i32
      %dma_start3A_99 = tpu.memref_slice %arg9[%add3A_91, %dma_start3A_98] : memref<256x64xf32, #tpu.memory_space<vmem>> -> memref<1x64xf32, #tpu.memory_space<vmem>>
      %dma_start3A_100 = tpu.memref_squeeze %dma_start3A_99 : memref<1x64xf32, #tpu.memory_space<vmem>> -> memref<64xf32, #tpu.memory_space<vmem>>
      %dma_start3A_101 = arith.constant 0 : i32
      %dma_start3A_102 = tpu.memref_slice %arg4[%squeeze3A_89, %dma_start3A_101] : memref<1000000x64xf32, #tpu.memory_space<hbm>> -> memref<1x64xf32, #tpu.memory_space<hbm>>
      %dma_start3A_103 = tpu.memref_squeeze %dma_start3A_102 : memref<1x64xf32, #tpu.memory_space<hbm>> -> memref<64xf32, #tpu.memory_space<hbm>>
      tpu.enqueue_dma source(%dma_start3A_103 : memref<64xf32, #tpu.memory_space<hbm>>) target(%dma_start3A_100 : memref<64xf32, #tpu.memory_space<vmem>>) target_semaphore(%arg13 : memref<!tpu.dma_semaphore, #tpu.memory_space<semaphore_mem>>)
      %slice3A_104 = vector.extract_strided_slice %get3A_26 {offsets = [2], sizes = [1], strides = [1]} : vector<16xi32> to vector<1xi32>
      %squeeze3A_105 = vector.extract %slice3A_104[0] : i32 from vector<1xi32>
      %add3A_106 = arith.constant 2 : i32
      %add3A_107 = arith.addi %mul3A_23, %add3A_106 : i32
      %dma_start3A_108 = arith.constant 0 : i32
      %dma_start3A_109 = tpu.memref_slice %arg10[%add3A_107, %dma_start3A_108] : memref<256x64xf32, #tpu.memory_space<vmem>> -> memref<1x64xf32, #tpu.memory_space<vmem>>
      %dma_start3A_110 = tpu.memref_squeeze %dma_start3A_109 : memref<1x64xf32, #tpu.memory_space<vmem>> -> memref<64xf32, #tpu.memory_space<vmem>>
      %dma_start3A_111 = arith.constant 0 : i32
      %dma_start3A_112 = tpu.memref_slice %arg5[%squeeze3A_105, %dma_start3A_111] : memref<1000000x64xf32, #tpu.memory_space<hbm>> -> memref<1x64xf32, #tpu.memory_space<hbm>>
      %dma_start3A_113 = tpu.memref_squeeze %dma_start3A_112 : memref<1x64xf32, #tpu.memory_space<hbm>> -> memref<64xf32, #tpu.memory_space<hbm>>
      %dma_start3A_114 = arith.constant 0 : i32
      %dma_start3A_115 = tpu.memref_slice %arg10[%add3A_107, %dma_start3A_114] : memref<256x64xf32, #tpu.memory_space<vmem>> -> memref<1x64xf32, #tpu.memory_space<vmem>>
      %dma_start3A_116 = tpu.memref_squeeze %dma_start3A_115 : memref<1x64xf32, #tpu.memory_space<vmem>> -> memref<64xf32, #tpu.memory_space<vmem>>
      %dma_start3A_117 = arith.constant 0 : i32
      %dma_start3A_118 = tpu.memref_slice %arg5[%squeeze3A_105, %dma_start3A_117] : memref<1000000x64xf32, #tpu.memory_space<hbm>> -> memref<1x64xf32, #tpu.memory_space<hbm>>
      %dma_start3A_119 = tpu.memref_squeeze %dma_start3A_118 : memref<1x64xf32, #tpu.memory_space<hbm>> -> memref<64xf32, #tpu.memory_space<hbm>>
      tpu.enqueue_dma source(%dma_start3A_119 : memref<64xf32, #tpu.memory_space<hbm>>) target(%dma_start3A_116 : memref<64xf32, #tpu.memory_space<vmem>>) target_semaphore(%arg14 : memref<!tpu.dma_semaphore, #tpu.memory_space<semaphore_mem>>)
      %slice3A_120 = vector.extract_strided_slice %get3A_24 {offsets = [3], sizes = [1], strides = [1]} : vector<16xi32> to vector<1xi32>
      %squeeze3A_121 = vector.extract %slice3A_120[0] : i32 from vector<1xi32>
      %add3A_122 = arith.constant 3 : i32
      %add3A_123 = arith.addi %mul3A_23, %add3A_122 : i32
      %dma_start3A_124 = arith.constant 0 : i32
      %dma_start3A_125 = tpu.memref_slice %arg9[%add3A_123, %dma_start3A_124] : memref<256x64xf32, #tpu.memory_space<vmem>> -> memref<1x64xf32, #tpu.memory_space<vmem>>
      %dma_start3A_126 = tpu.memref_squeeze %dma_start3A_125 : memref<1x64xf32, #tpu.memory_space<vmem>> -> memref<64xf32, #tpu.memory_space<vmem>>
      %dma_start3A_127 = arith.constant 0 : i32
      %dma_start3A_128 = tpu.memref_slice %arg4[%squeeze3A_121, %dma_start3A_127] : memref<1000000x64xf32, #tpu.memory_space<hbm>> -> memref<1x64xf32, #tpu.memory_space<hbm>>
      %dma_start3A_129 = tpu.memref_squeeze %dma_start3A_128 : memref<1x64xf32, #tpu.memory_space<hbm>> -> memref<64xf32, #tpu.memory_space<hbm>>
      %dma_start3A_130 = arith.constant 0 : i32
      %dma_start3A_131 = tpu.memref_slice %arg9[%add3A_123, %dma_start3A_130] : memref<256x64xf32, #tpu.memory_space<vmem>> -> memref<1x64xf32, #tpu.memory_space<vmem>>
      %dma_start3A_132 = tpu.memref_squeeze %dma_start3A_131 : memref<1x64xf32, #tpu.memory_space<vmem>> -> memref<64xf32, #tpu.memory_space<vmem>>
      %dma_start3A_133 = arith.constant 0 : i32
      %dma_start3A_134 = tpu.memref_slice %arg4[%squeeze3A_121, %dma_start3A_133] : memref<1000000x64xf32, #tpu.memory_space<hbm>> -> memref<1x64xf32, #tpu.memory_space<hbm>>
      %dma_start3A_135 = tpu.memref_squeeze %dma_start3A_134 : memref<1x64xf32, #tpu.memory_space<hbm>> -> memref<64xf32, #tpu.memory_space<hbm>>
      tpu.enqueue_dma source(%dma_start3A_135 : memref<64xf32, #tpu.memory_space<hbm>>) target(%dma_start3A_132 : memref<64xf32, #tpu.memory_space<vmem>>) target_semaphore(%arg13 : memref<!tpu.dma_semaphore, #tpu.memory_space<semaphore_mem>>)
      %slice3A_136 = vector.extract_strided_slice %get3A_26 {offsets = [3], sizes = [1], strides = [1]} : vector<16xi32> to vector<1xi32>
      %squeeze3A_137 = vector.extract %slice3A_136[0] : i32 from vector<1xi32>
      %add3A_138 = arith.constant 3 : i32
      %add3A_139 = arith.addi %mul3A_23, %add3A_138 : i32
      %dma_start3A_140 = arith.constant 0 : i32
      %dma_start3A_141 = tpu.memref_slice %arg10[%add3A_139, %dma_start3A_140] : memref<256x64xf32, #tpu.memory_space<vmem>> -> memref<1x64xf32, #tpu.memory_space<vmem>>
      %dma_start3A_142 = tpu.memref_squeeze %dma_start3A_141 : memref<1x64xf32, #tpu.memory_space<vmem>> -> memref<64xf32, #tpu.memory_space<vmem>>
      %dma_start3A_143 = arith.constant 0 : i32
      %dma_start3A_144 = tpu.memref_slice %arg5[%squeeze3A_137, %dma_start3A_143] : memref<1000000x64xf32, #tpu.memory_space<hbm>> -> memref<1x64xf32, #tpu.memory_space<hbm>>
      %dma_start3A_145 = tpu.memref_squeeze %dma_start3A_144 : memref<1x64xf32, #tpu.memory_space<hbm>> -> memref<64xf32, #tpu.memory_space<hbm>>
      %dma_start3A_146 = arith.constant 0 : i32
      %dma_start3A_147 = tpu.memref_slice %arg10[%add3A_139, %dma_start3A_146] : memref<256x64xf32, #tpu.memory_space<vmem>> -> memref<1x64xf32, #tpu.memory_space<vmem>>
      %dma_start3A_148 = tpu.memref_squeeze %dma_start3A_147 : memref<1x64xf32, #tpu.memory_space<vmem>> -> memref<64xf32, #tpu.memory_space<vmem>>
      %dma_start3A_149 = arith.constant 0 : i32
      %dma_start3A_150 = tpu.memref_slice %arg5[%squeeze3A_137, %dma_start3A_149] : memref<1000000x64xf32, #tpu.memory_space<hbm>> -> memref<1x64xf32, #tpu.memory_space<hbm>>
      %dma_start3A_151 = tpu.memref_squeeze %dma_start3A_150 : memref<1x64xf32, #tpu.memory_space<hbm>> -> memref<64xf32, #tpu.memory_space<hbm>>
      tpu.enqueue_dma source(%dma_start3A_151 : memref<64xf32, #tpu.memory_space<hbm>>) target(%dma_start3A_148 : memref<64xf32, #tpu.memory_space<vmem>>) target_semaphore(%arg14 : memref<!tpu.dma_semaphore, #tpu.memory_space<semaphore_mem>>)
      %slice3A_152 = vector.extract_strided_slice %get3A_24 {offsets = [4], sizes = [1], strides = [1]} : vector<16xi32> to vector<1xi32>
      %squeeze3A_153 = vector.extract %slice3A_152[0] : i32 from vector<1xi32>
      %add3A_154 = arith.constant 4 : i32
      %add3A_155 = arith.addi %mul3A_23, %add3A_154 : i32
      %dma_start3A_156 = arith.constant 0 : i32
      %dma_start3A_157 = tpu.memref_slice %arg9[%add3A_155, %dma_start3A_156] : memref<256x64xf32, #tpu.memory_space<vmem>> -> memref<1x64xf32, #tpu.memory_space<vmem>>
      %dma_start3A_158 = tpu.memref_squeeze %dma_start3A_157 : memref<1x64xf32, #tpu.memory_space<vmem>> -> memref<64xf32, #tpu.memory_space<vmem>>
      %dma_start3A_159 = arith.constant 0 : i32
      %dma_start3A_160 = tpu.memref_slice %arg4[%squeeze3A_153, %dma_start3A_159] : memref<1000000x64xf32, #tpu.memory_space<hbm>> -> memref<1x64xf32, #tpu.memory_space<hbm>>
      %dma_start3A_161 = tpu.memref_squeeze %dma_start3A_160 : memref<1x64xf32, #tpu.memory_space<hbm>> -> memref<64xf32, #tpu.memory_space<hbm>>
      %dma_start3A_162 = arith.constant 0 : i32
      %dma_start3A_163 = tpu.memref_slice %arg9[%add3A_155, %dma_start3A_162] : memref<256x64xf32, #tpu.memory_space<vmem>> -> memref<1x64xf32, #tpu.memory_space<vmem>>
      %dma_start3A_164 = tpu.memref_squeeze %dma_start3A_163 : memref<1x64xf32, #tpu.memory_space<vmem>> -> memref<64xf32, #tpu.memory_space<vmem>>
      %dma_start3A_165 = arith.constant 0 : i32
      %dma_start3A_166 = tpu.memref_slice %arg4[%squeeze3A_153, %dma_start3A_165] : memref<1000000x64xf32, #tpu.memory_space<hbm>> -> memref<1x64xf32, #tpu.memory_space<hbm>>
      %dma_start3A_167 = tpu.memref_squeeze %dma_start3A_166 : memref<1x64xf32, #tpu.memory_space<hbm>> -> memref<64xf32, #tpu.memory_space<hbm>>
      tpu.enqueue_dma source(%dma_start3A_167 : memref<64xf32, #tpu.memory_space<hbm>>) target(%dma_start3A_164 : memref<64xf32, #tpu.memory_space<vmem>>) target_semaphore(%arg13 : memref<!tpu.dma_semaphore, #tpu.memory_space<semaphore_mem>>)
      %slice3A_168 = vector.extract_strided_slice %get3A_26 {offsets = [4], sizes = [1], strides = [1]} : vector<16xi32> to vector<1xi32>
      %squeeze3A_169 = vector.extract %slice3A_168[0] : i32 from vector<1xi32>
      %add3A_170 = arith.constant 4 : i32
      %add3A_171 = arith.addi %mul3A_23, %add3A_170 : i32
      %dma_start3A_172 = arith.constant 0 : i32
      %dma_start3A_173 = tpu.memref_slice %arg10[%add3A_171, %dma_start3A_172] : memref<256x64xf32, #tpu.memory_space<vmem>> -> memref<1x64xf32, #tpu.memory_space<vmem>>
      %dma_start3A_174 = tpu.memref_squeeze %dma_start3A_173 : memref<1x64xf32, #tpu.memory_space<vmem>> -> memref<64xf32, #tpu.memory_space<vmem>>
      %dma_start3A_175 = arith.constant 0 : i32
      %dma_start3A_176 = tpu.memref_slice %arg5[%squeeze3A_169, %dma_start3A_175] : memref<1000000x64xf32, #tpu.memory_space<hbm>> -> memref<1x64xf32, #tpu.memory_space<hbm>>
      %dma_start3A_177 = tpu.memref_squeeze %dma_start3A_176 : memref<1x64xf32, #tpu.memory_space<hbm>> -> memref<64xf32, #tpu.memory_space<hbm>>
      %dma_start3A_178 = arith.constant 0 : i32
      %dma_start3A_179 = tpu.memref_slice %arg10[%add3A_171, %dma_start3A_178] : memref<256x64xf32, #tpu.memory_space<vmem>> -> memref<1x64xf32, #tpu.memory_space<vmem>>
      %dma_start3A_180 = tpu.memref_squeeze %dma_start3A_179 : memref<1x64xf32, #tpu.memory_space<vmem>> -> memref<64xf32, #tpu.memory_space<vmem>>
      %dma_start3A_181 = arith.constant 0 : i32
      %dma_start3A_182 = tpu.memref_slice %arg5[%squeeze3A_169, %dma_start3A_181] : memref<1000000x64xf32, #tpu.memory_space<hbm>> -> memref<1x64xf32, #tpu.memory_space<hbm>>
      %dma_start3A_183 = tpu.memref_squeeze %dma_start3A_182 : memref<1x64xf32, #tpu.memory_space<hbm>> -> memref<64xf32, #tpu.memory_space<hbm>>
      tpu.enqueue_dma source(%dma_start3A_183 : memref<64xf32, #tpu.memory_space<hbm>>) target(%dma_start3A_180 : memref<64xf32, #tpu.memory_space<vmem>>) target_semaphore(%arg14 : memref<!tpu.dma_semaphore, #tpu.memory_space<semaphore_mem>>)
      %slice3A_184 = vector.extract_strided_slice %get3A_24 {offsets = [5], sizes = [1], strides = [1]} : vector<16xi32> to vector<1xi32>
      %squeeze3A_185 = vector.extract %slice3A_184[0] : i32 from vector<1xi32>
      %add3A_186 = arith.constant 5 : i32
      %add3A_187 = arith.addi %mul3A_23, %add3A_186 : i32
      %dma_start3A_188 = arith.constant 0 : i32
      %dma_start3A_189 = tpu.memref_slice %arg9[%add3A_187, %dma_start3A_188] : memref<256x64xf32, #tpu.memory_space<vmem>> -> memref<1x64xf32, #tpu.memory_space<vmem>>
      %dma_start3A_190 = tpu.memref_squeeze %dma_start3A_189 : memref<1x64xf32, #tpu.memory_space<vmem>> -> memref<64xf32, #tpu.memory_space<vmem>>
      %dma_start3A_191 = arith.constant 0 : i32
      %dma_start3A_192 = tpu.memref_slice %arg4[%squeeze3A_185, %dma_start3A_191] : memref<1000000x64xf32, #tpu.memory_space<hbm>> -> memref<1x64xf32, #tpu.memory_space<hbm>>
      %dma_start3A_193 = tpu.memref_squeeze %dma_start3A_192 : memref<1x64xf32, #tpu.memory_space<hbm>> -> memref<64xf32, #tpu.memory_space<hbm>>
      %dma_start3A_194 = arith.constant 0 : i32
      %dma_start3A_195 = tpu.memref_slice %arg9[%add3A_187, %dma_start3A_194] : memref<256x64xf32, #tpu.memory_space<vmem>> -> memref<1x64xf32, #tpu.memory_space<vmem>>
      %dma_start3A_196 = tpu.memref_squeeze %dma_start3A_195 : memref<1x64xf32, #tpu.memory_space<vmem>> -> memref<64xf32, #tpu.memory_space<vmem>>
      %dma_start3A_197 = arith.constant 0 : i32
      %dma_start3A_198 = tpu.memref_slice %arg4[%squeeze3A_185, %dma_start3A_197] : memref<1000000x64xf32, #tpu.memory_space<hbm>> -> memref<1x64xf32, #tpu.memory_space<hbm>>
      %dma_start3A_199 = tpu.memref_squeeze %dma_start3A_198 : memref<1x64xf32, #tpu.memory_space<hbm>> -> memref<64xf32, #tpu.memory_space<hbm>>
      tpu.enqueue_dma source(%dma_start3A_199 : memref<64xf32, #tpu.memory_space<hbm>>) target(%dma_start3A_196 : memref<64xf32, #tpu.memory_space<vmem>>) target_semaphore(%arg13 : memref<!tpu.dma_semaphore, #tpu.memory_space<semaphore_mem>>)
      %slice3A_200 = vector.extract_strided_slice %get3A_26 {offsets = [5], sizes = [1], strides = [1]} : vector<16xi32> to vector<1xi32>
      %squeeze3A_201 = vector.extract %slice3A_200[0] : i32 from vector<1xi32>
      %add3A_202 = arith.constant 5 : i32
      %add3A_203 = arith.addi %mul3A_23, %add3A_202 : i32
      %dma_start3A_204 = arith.constant 0 : i32
      %dma_start3A_205 = tpu.memref_slice %arg10[%add3A_203, %dma_start3A_204] : memref<256x64xf32, #tpu.memory_space<vmem>> -> memref<1x64xf32, #tpu.memory_space<vmem>>
      %dma_start3A_206 = tpu.memref_squeeze %dma_start3A_205 : memref<1x64xf32, #tpu.memory_space<vmem>> -> memref<64xf32, #tpu.memory_space<vmem>>
      %dma_start3A_207 = arith.constant 0 : i32
      %dma_start3A_208 = tpu.memref_slice %arg5[%squeeze3A_201, %dma_start3A_207] : memref<1000000x64xf32, #tpu.memory_space<hbm>> -> memref<1x64xf32, #tpu.memory_space<hbm>>
      %dma_start3A_209 = tpu.memref_squeeze %dma_start3A_208 : memref<1x64xf32, #tpu.memory_space<hbm>> -> memref<64xf32, #tpu.memory_space<hbm>>
      %dma_start3A_210 = arith.constant 0 : i32
      %dma_start3A_211 = tpu.memref_slice %arg10[%add3A_203, %dma_start3A_210] : memref<256x64xf32, #tpu.memory_space<vmem>> -> memref<1x64xf32, #tpu.memory_space<vmem>>
      %dma_start3A_212 = tpu.memref_squeeze %dma_start3A_211 : memref<1x64xf32, #tpu.memory_space<vmem>> -> memref<64xf32, #tpu.memory_space<vmem>>
      %dma_start3A_213 = arith.constant 0 : i32
      %dma_start3A_214 = tpu.memref_slice %arg5[%squeeze3A_201, %dma_start3A_213] : memref<1000000x64xf32, #tpu.memory_space<hbm>> -> memref<1x64xf32, #tpu.memory_space<hbm>>
      %dma_start3A_215 = tpu.memref_squeeze %dma_start3A_214 : memref<1x64xf32, #tpu.memory_space<hbm>> -> memref<64xf32, #tpu.memory_space<hbm>>
      tpu.enqueue_dma source(%dma_start3A_215 : memref<64xf32, #tpu.memory_space<hbm>>) target(%dma_start3A_212 : memref<64xf32, #tpu.memory_space<vmem>>) target_semaphore(%arg14 : memref<!tpu.dma_semaphore, #tpu.memory_space<semaphore_mem>>)
      %slice3A_216 = vector.extract_strided_slice %get3A_24 {offsets = [6], sizes = [1], strides = [1]} : vector<16xi32> to vector<1xi32>
      %squeeze3A_217 = vector.extract %slice3A_216[0] : i32 from vector<1xi32>
      %add3A_218 = arith.constant 6 : i32
      %add3A_219 = arith.addi %mul3A_23, %add3A_218 : i32
      %dma_start3A_220 = arith.constant 0 : i32
      %dma_start3A_221 = tpu.memref_slice %arg9[%add3A_219, %dma_start3A_220] : memref<256x64xf32, #tpu.memory_space<vmem>> -> memref<1x64xf32, #tpu.memory_space<vmem>>
      %dma_start3A_222 = tpu.memref_squeeze %dma_start3A_221 : memref<1x64xf32, #tpu.memory_space<vmem>> -> memref<64xf32, #tpu.memory_space<vmem>>
      %dma_start3A_223 = arith.constant 0 : i32
      %dma_start3A_224 = tpu.memref_slice %arg4[%squeeze3A_217, %dma_start3A_223] : memref<1000000x64xf32, #tpu.memory_space<hbm>> -> memref<1x64xf32, #tpu.memory_space<hbm>>
      %dma_start3A_225 = tpu.memref_squeeze %dma_start3A_224 : memref<1x64xf32, #tpu.memory_space<hbm>> -> memref<64xf32, #tpu.memory_space<hbm>>
      %dma_start3A_226 = arith.constant 0 : i32
      %dma_start3A_227 = tpu.memref_slice %arg9[%add3A_219, %dma_start3A_226] : memref<256x64xf32, #tpu.memory_space<vmem>> -> memref<1x64xf32, #tpu.memory_space<vmem>>
      %dma_start3A_228 = tpu.memref_squeeze %dma_start3A_227 : memref<1x64xf32, #tpu.memory_space<vmem>> -> memref<64xf32, #tpu.memory_space<vmem>>
      %dma_start3A_229 = arith.constant 0 : i32
      %dma_start3A_230 = tpu.memref_slice %arg4[%squeeze3A_217, %dma_start3A_229] : memref<1000000x64xf32, #tpu.memory_space<hbm>> -> memref<1x64xf32, #tpu.memory_space<hbm>>
      %dma_start3A_231 = tpu.memref_squeeze %dma_start3A_230 : memref<1x64xf32, #tpu.memory_space<hbm>> -> memref<64xf32, #tpu.memory_space<hbm>>
      tpu.enqueue_dma source(%dma_start3A_231 : memref<64xf32, #tpu.memory_space<hbm>>) target(%dma_start3A_228 : memref<64xf32, #tpu.memory_space<vmem>>) target_semaphore(%arg13 : memref<!tpu.dma_semaphore, #tpu.memory_space<semaphore_mem>>)
      %slice3A_232 = vector.extract_strided_slice %get3A_26 {offsets = [6], sizes = [1], strides = [1]} : vector<16xi32> to vector<1xi32>
      %squeeze3A_233 = vector.extract %slice3A_232[0] : i32 from vector<1xi32>
      %add3A_234 = arith.constant 6 : i32
      %add3A_235 = arith.addi %mul3A_23, %add3A_234 : i32
      %dma_start3A_236 = arith.constant 0 : i32
      %dma_start3A_237 = tpu.memref_slice %arg10[%add3A_235, %dma_start3A_236] : memref<256x64xf32, #tpu.memory_space<vmem>> -> memref<1x64xf32, #tpu.memory_space<vmem>>
      %dma_start3A_238 = tpu.memref_squeeze %dma_start3A_237 : memref<1x64xf32, #tpu.memory_space<vmem>> -> memref<64xf32, #tpu.memory_space<vmem>>
      %dma_start3A_239 = arith.constant 0 : i32
      %dma_start3A_240 = tpu.memref_slice %arg5[%squeeze3A_233, %dma_start3A_239] : memref<1000000x64xf32, #tpu.memory_space<hbm>> -> memref<1x64xf32, #tpu.memory_space<hbm>>
      %dma_start3A_241 = tpu.memref_squeeze %dma_start3A_240 : memref<1x64xf32, #tpu.memory_space<hbm>> -> memref<64xf32, #tpu.memory_space<hbm>>
      %dma_start3A_242 = arith.constant 0 : i32
      %dma_start3A_243 = tpu.memref_slice %arg10[%add3A_235, %dma_start3A_242] : memref<256x64xf32, #tpu.memory_space<vmem>> -> memref<1x64xf32, #tpu.memory_space<vmem>>
      %dma_start3A_244 = tpu.memref_squeeze %dma_start3A_243 : memref<1x64xf32, #tpu.memory_space<vmem>> -> memref<64xf32, #tpu.memory_space<vmem>>
      %dma_start3A_245 = arith.constant 0 : i32
      %dma_start3A_246 = tpu.memref_slice %arg5[%squeeze3A_233, %dma_start3A_245] : memref<1000000x64xf32, #tpu.memory_space<hbm>> -> memref<1x64xf32, #tpu.memory_space<hbm>>
      %dma_start3A_247 = tpu.memref_squeeze %dma_start3A_246 : memref<1x64xf32, #tpu.memory_space<hbm>> -> memref<64xf32, #tpu.memory_space<hbm>>
      tpu.enqueue_dma source(%dma_start3A_247 : memref<64xf32, #tpu.memory_space<hbm>>) target(%dma_start3A_244 : memref<64xf32, #tpu.memory_space<vmem>>) target_semaphore(%arg14 : memref<!tpu.dma_semaphore, #tpu.memory_space<semaphore_mem>>)
      %slice3A_248 = vector.extract_strided_slice %get3A_24 {offsets = [7], sizes = [1], strides = [1]} : vector<16xi32> to vector<1xi32>
      %squeeze3A_249 = vector.extract %slice3A_248[0] : i32 from vector<1xi32>
      %add3A_250 = arith.constant 7 : i32
      %add3A_251 = arith.addi %mul3A_23, %add3A_250 : i32
      %dma_start3A_252 = arith.constant 0 : i32
      %dma_start3A_253 = tpu.memref_slice %arg9[%add3A_251, %dma_start3A_252] : memref<256x64xf32, #tpu.memory_space<vmem>> -> memref<1x64xf32, #tpu.memory_space<vmem>>
      %dma_start3A_254 = tpu.memref_squeeze %dma_start3A_253 : memref<1x64xf32, #tpu.memory_space<vmem>> -> memref<64xf32, #tpu.memory_space<vmem>>
      %dma_start3A_255 = arith.constant 0 : i32
      %dma_start3A_256 = tpu.memref_slice %arg4[%squeeze3A_249, %dma_start3A_255] : memref<1000000x64xf32, #tpu.memory_space<hbm>> -> memref<1x64xf32, #tpu.memory_space<hbm>>
      %dma_start3A_257 = tpu.memref_squeeze %dma_start3A_256 : memref<1x64xf32, #tpu.memory_space<hbm>> -> memref<64xf32, #tpu.memory_space<hbm>>
      %dma_start3A_258 = arith.constant 0 : i32
      %dma_start3A_259 = tpu.memref_slice %arg9[%add3A_251, %dma_start3A_258] : memref<256x64xf32, #tpu.memory_space<vmem>> -> memref<1x64xf32, #tpu.memory_space<vmem>>
      %dma_start3A_260 = tpu.memref_squeeze %dma_start3A_259 : memref<1x64xf32, #tpu.memory_space<vmem>> -> memref<64xf32, #tpu.memory_space<vmem>>
      %dma_start3A_261 = arith.constant 0 : i32
      %dma_start3A_262 = tpu.memref_slice %arg4[%squeeze3A_249, %dma_start3A_261] : memref<1000000x64xf32, #tpu.memory_space<hbm>> -> memref<1x64xf32, #tpu.memory_space<hbm>>
      %dma_start3A_263 = tpu.memref_squeeze %dma_start3A_262 : memref<1x64xf32, #tpu.memory_space<hbm>> -> memref<64xf32, #tpu.memory_space<hbm>>
      tpu.enqueue_dma source(%dma_start3A_263 : memref<64xf32, #tpu.memory_space<hbm>>) target(%dma_start3A_260 : memref<64xf32, #tpu.memory_space<vmem>>) target_semaphore(%arg13 : memref<!tpu.dma_semaphore, #tpu.memory_space<semaphore_mem>>)
      %slice3A_264 = vector.extract_strided_slice %get3A_26 {offsets = [7], sizes = [1], strides = [1]} : vector<16xi32> to vector<1xi32>
      %squeeze3A_265 = vector.extract %slice3A_264[0] : i32 from vector<1xi32>
      %add3A_266 = arith.constant 7 : i32
      %add3A_267 = arith.addi %mul3A_23, %add3A_266 : i32
      %dma_start3A_268 = arith.constant 0 : i32
      %dma_start3A_269 = tpu.memref_slice %arg10[%add3A_267, %dma_start3A_268] : memref<256x64xf32, #tpu.memory_space<vmem>> -> memref<1x64xf32, #tpu.memory_space<vmem>>
      %dma_start3A_270 = tpu.memref_squeeze %dma_start3A_269 : memref<1x64xf32, #tpu.memory_space<vmem>> -> memref<64xf32, #tpu.memory_space<vmem>>
      %dma_start3A_271 = arith.constant 0 : i32
      %dma_start3A_272 = tpu.memref_slice %arg5[%squeeze3A_265, %dma_start3A_271] : memref<1000000x64xf32, #tpu.memory_space<hbm>> -> memref<1x64xf32, #tpu.memory_space<hbm>>
      %dma_start3A_273 = tpu.memref_squeeze %dma_start3A_272 : memref<1x64xf32, #tpu.memory_space<hbm>> -> memref<64xf32, #tpu.memory_space<hbm>>
      %dma_start3A_274 = arith.constant 0 : i32
      %dma_start3A_275 = tpu.memref_slice %arg10[%add3A_267, %dma_start3A_274] : memref<256x64xf32, #tpu.memory_space<vmem>> -> memref<1x64xf32, #tpu.memory_space<vmem>>
      %dma_start3A_276 = tpu.memref_squeeze %dma_start3A_275 : memref<1x64xf32, #tpu.memory_space<vmem>> -> memref<64xf32, #tpu.memory_space<vmem>>
      %dma_start3A_277 = arith.constant 0 : i32
      %dma_start3A_278 = tpu.memref_slice %arg5[%squeeze3A_265, %dma_start3A_277] : memref<1000000x64xf32, #tpu.memory_space<hbm>> -> memref<1x64xf32, #tpu.memory_space<hbm>>
      %dma_start3A_279 = tpu.memref_squeeze %dma_start3A_278 : memref<1x64xf32, #tpu.memory_space<hbm>> -> memref<64xf32, #tpu.memory_space<hbm>>
      tpu.enqueue_dma source(%dma_start3A_279 : memref<64xf32, #tpu.memory_space<hbm>>) target(%dma_start3A_276 : memref<64xf32, #tpu.memory_space<vmem>>) target_semaphore(%arg14 : memref<!tpu.dma_semaphore, #tpu.memory_space<semaphore_mem>>)
      %slice3A_280 = vector.extract_strided_slice %get3A_24 {offsets = [8], sizes = [1], strides = [1]} : vector<16xi32> to vector<1xi32>
      %squeeze3A_281 = vector.extract %slice3A_280[0] : i32 from vector<1xi32>
      %add3A_282 = arith.constant 8 : i32
      %add3A_283 = arith.addi %mul3A_23, %add3A_282 : i32
      %dma_start3A_284 = arith.constant 0 : i32
      %dma_start3A_285 = tpu.memref_slice %arg9[%add3A_283, %dma_start3A_284] : memref<256x64xf32, #tpu.memory_space<vmem>> -> memref<1x64xf32, #tpu.memory_space<vmem>>
      %dma_start3A_286 = tpu.memref_squeeze %dma_start3A_285 : memref<1x64xf32, #tpu.memory_space<vmem>> -> memref<64xf32, #tpu.memory_space<vmem>>
      %dma_start3A_287 = arith.constant 0 : i32
      %dma_start3A_288 = tpu.memref_slice %arg4[%squeeze3A_281, %dma_start3A_287] : memref<1000000x64xf32, #tpu.memory_space<hbm>> -> memref<1x64xf32, #tpu.memory_space<hbm>>
      %dma_start3A_289 = tpu.memref_squeeze %dma_start3A_288 : memref<1x64xf32, #tpu.memory_space<hbm>> -> memref<64xf32, #tpu.memory_space<hbm>>
      %dma_start3A_290 = arith.constant 0 : i32
      %dma_start3A_291 = tpu.memref_slice %arg9[%add3A_283, %dma_start3A_290] : memref<256x64xf32, #tpu.memory_space<vmem>> -> memref<1x64xf32, #tpu.memory_space<vmem>>
      %dma_start3A_292 = tpu.memref_squeeze %dma_start3A_291 : memref<1x64xf32, #tpu.memory_space<vmem>> -> memref<64xf32, #tpu.memory_space<vmem>>
      %dma_start3A_293 = arith.constant 0 : i32
      %dma_start3A_294 = tpu.memref_slice %arg4[%squeeze3A_281, %dma_start3A_293] : memref<1000000x64xf32, #tpu.memory_space<hbm>> -> memref<1x64xf32, #tpu.memory_space<hbm>>
      %dma_start3A_295 = tpu.memref_squeeze %dma_start3A_294 : memref<1x64xf32, #tpu.memory_space<hbm>> -> memref<64xf32, #tpu.memory_space<hbm>>
      tpu.enqueue_dma source(%dma_start3A_295 : memref<64xf32, #tpu.memory_space<hbm>>) target(%dma_start3A_292 : memref<64xf32, #tpu.memory_space<vmem>>) target_semaphore(%arg13 : memref<!tpu.dma_semaphore, #tpu.memory_space<semaphore_mem>>)
      %slice3A_296 = vector.extract_strided_slice %get3A_26 {offsets = [8], sizes = [1], strides = [1]} : vector<16xi32> to vector<1xi32>
      %squeeze3A_297 = vector.extract %slice3A_296[0] : i32 from vector<1xi32>
      %add3A_298 = arith.constant 8 : i32
      %add3A_299 = arith.addi %mul3A_23, %add3A_298 : i32
      %dma_start3A_300 = arith.constant 0 : i32
      %dma_start3A_301 = tpu.memref_slice %arg10[%add3A_299, %dma_start3A_300] : memref<256x64xf32, #tpu.memory_space<vmem>> -> memref<1x64xf32, #tpu.memory_space<vmem>>
      %dma_start3A_302 = tpu.memref_squeeze %dma_start3A_301 : memref<1x64xf32, #tpu.memory_space<vmem>> -> memref<64xf32, #tpu.memory_space<vmem>>
      %dma_start3A_303 = arith.constant 0 : i32
      %dma_start3A_304 = tpu.memref_slice %arg5[%squeeze3A_297, %dma_start3A_303] : memref<1000000x64xf32, #tpu.memory_space<hbm>> -> memref<1x64xf32, #tpu.memory_space<hbm>>
      %dma_start3A_305 = tpu.memref_squeeze %dma_start3A_304 : memref<1x64xf32, #tpu.memory_space<hbm>> -> memref<64xf32, #tpu.memory_space<hbm>>
      %dma_start3A_306 = arith.constant 0 : i32
      %dma_start3A_307 = tpu.memref_slice %arg10[%add3A_299, %dma_start3A_306] : memref<256x64xf32, #tpu.memory_space<vmem>> -> memref<1x64xf32, #tpu.memory_space<vmem>>
      %dma_start3A_308 = tpu.memref_squeeze %dma_start3A_307 : memref<1x64xf32, #tpu.memory_space<vmem>> -> memref<64xf32, #tpu.memory_space<vmem>>
      %dma_start3A_309 = arith.constant 0 : i32
      %dma_start3A_310 = tpu.memref_slice %arg5[%squeeze3A_297, %dma_start3A_309] : memref<1000000x64xf32, #tpu.memory_space<hbm>> -> memref<1x64xf32, #tpu.memory_space<hbm>>
      %dma_start3A_311 = tpu.memref_squeeze %dma_start3A_310 : memref<1x64xf32, #tpu.memory_space<hbm>> -> memref<64xf32, #tpu.memory_space<hbm>>
      tpu.enqueue_dma source(%dma_start3A_311 : memref<64xf32, #tpu.memory_space<hbm>>) target(%dma_start3A_308 : memref<64xf32, #tpu.memory_space<vmem>>) target_semaphore(%arg14 : memref<!tpu.dma_semaphore, #tpu.memory_space<semaphore_mem>>)
      %slice3A_312 = vector.extract_strided_slice %get3A_24 {offsets = [9], sizes = [1], strides = [1]} : vector<16xi32> to vector<1xi32>
      %squeeze3A_313 = vector.extract %slice3A_312[0] : i32 from vector<1xi32>
      %add3A_314 = arith.constant 9 : i32
      %add3A_315 = arith.addi %mul3A_23, %add3A_314 : i32
      %dma_start3A_316 = arith.constant 0 : i32
      %dma_start3A_317 = tpu.memref_slice %arg9[%add3A_315, %dma_start3A_316] : memref<256x64xf32, #tpu.memory_space<vmem>> -> memref<1x64xf32, #tpu.memory_space<vmem>>
      %dma_start3A_318 = tpu.memref_squeeze %dma_start3A_317 : memref<1x64xf32, #tpu.memory_space<vmem>> -> memref<64xf32, #tpu.memory_space<vmem>>
      %dma_start3A_319 = arith.constant 0 : i32
      %dma_start3A_320 = tpu.memref_slice %arg4[%squeeze3A_313, %dma_start3A_319] : memref<1000000x64xf32, #tpu.memory_space<hbm>> -> memref<1x64xf32, #tpu.memory_space<hbm>>
      %dma_start3A_321 = tpu.memref_squeeze %dma_start3A_320 : memref<1x64xf32, #tpu.memory_space<hbm>> -> memref<64xf32, #tpu.memory_space<hbm>>
      %dma_start3A_322 = arith.constant 0 : i32
      %dma_start3A_323 = tpu.memref_slice %arg9[%add3A_315, %dma_start3A_322] : memref<256x64xf32, #tpu.memory_space<vmem>> -> memref<1x64xf32, #tpu.memory_space<vmem>>
      %dma_start3A_324 = tpu.memref_squeeze %dma_start3A_323 : memref<1x64xf32, #tpu.memory_space<vmem>> -> memref<64xf32, #tpu.memory_space<vmem>>
      %dma_start3A_325 = arith.constant 0 : i32
      %dma_start3A_326 = tpu.memref_slice %arg4[%squeeze3A_313, %dma_start3A_325] : memref<1000000x64xf32, #tpu.memory_space<hbm>> -> memref<1x64xf32, #tpu.memory_space<hbm>>
      %dma_start3A_327 = tpu.memref_squeeze %dma_start3A_326 : memref<1x64xf32, #tpu.memory_space<hbm>> -> memref<64xf32, #tpu.memory_space<hbm>>
      tpu.enqueue_dma source(%dma_start3A_327 : memref<64xf32, #tpu.memory_space<hbm>>) target(%dma_start3A_324 : memref<64xf32, #tpu.memory_space<vmem>>) target_semaphore(%arg13 : memref<!tpu.dma_semaphore, #tpu.memory_space<semaphore_mem>>)
      %slice3A_328 = vector.extract_strided_slice %get3A_26 {offsets = [9], sizes = [1], strides = [1]} : vector<16xi32> to vector<1xi32>
      %squeeze3A_329 = vector.extract %slice3A_328[0] : i32 from vector<1xi32>
      %add3A_330 = arith.constant 9 : i32
      %add3A_331 = arith.addi %mul3A_23, %add3A_330 : i32
      %dma_start3A_332 = arith.constant 0 : i32
      %dma_start3A_333 = tpu.memref_slice %arg10[%add3A_331, %dma_start3A_332] : memref<256x64xf32, #tpu.memory_space<vmem>> -> memref<1x64xf32, #tpu.memory_space<vmem>>
      %dma_start3A_334 = tpu.memref_squeeze %dma_start3A_333 : memref<1x64xf32, #tpu.memory_space<vmem>> -> memref<64xf32, #tpu.memory_space<vmem>>
      %dma_start3A_335 = arith.constant 0 : i32
      %dma_start3A_336 = tpu.memref_slice %arg5[%squeeze3A_329, %dma_start3A_335] : memref<1000000x64xf32, #tpu.memory_space<hbm>> -> memref<1x64xf32, #tpu.memory_space<hbm>>
      %dma_start3A_337 = tpu.memref_squeeze %dma_start3A_336 : memref<1x64xf32, #tpu.memory_space<hbm>> -> memref<64xf32, #tpu.memory_space<hbm>>
      %dma_start3A_338 = arith.constant 0 : i32
      %dma_start3A_339 = tpu.memref_slice %arg10[%add3A_331, %dma_start3A_338] : memref<256x64xf32, #tpu.memory_space<vmem>> -> memref<1x64xf32, #tpu.memory_space<vmem>>
      %dma_start3A_340 = tpu.memref_squeeze %dma_start3A_339 : memref<1x64xf32, #tpu.memory_space<vmem>> -> memref<64xf32, #tpu.memory_space<vmem>>
      %dma_start3A_341 = arith.constant 0 : i32
      %dma_start3A_342 = tpu.memref_slice %arg5[%squeeze3A_329, %dma_start3A_341] : memref<1000000x64xf32, #tpu.memory_space<hbm>> -> memref<1x64xf32, #tpu.memory_space<hbm>>
      %dma_start3A_343 = tpu.memref_squeeze %dma_start3A_342 : memref<1x64xf32, #tpu.memory_space<hbm>> -> memref<64xf32, #tpu.memory_space<hbm>>
      tpu.enqueue_dma source(%dma_start3A_343 : memref<64xf32, #tpu.memory_space<hbm>>) target(%dma_start3A_340 : memref<64xf32, #tpu.memory_space<vmem>>) target_semaphore(%arg14 : memref<!tpu.dma_semaphore, #tpu.memory_space<semaphore_mem>>)
      %slice3A_344 = vector.extract_strided_slice %get3A_24 {offsets = [10], sizes = [1], strides = [1]} : vector<16xi32> to vector<1xi32>
      %squeeze3A_345 = vector.extract %slice3A_344[0] : i32 from vector<1xi32>
      %add3A_346 = arith.constant 10 : i32
      %add3A_347 = arith.addi %mul3A_23, %add3A_346 : i32
      %dma_start3A_348 = arith.constant 0 : i32
      %dma_start3A_349 = tpu.memref_slice %arg9[%add3A_347, %dma_start3A_348] : memref<256x64xf32, #tpu.memory_space<vmem>> -> memref<1x64xf32, #tpu.memory_space<vmem>>
      %dma_start3A_350 = tpu.memref_squeeze %dma_start3A_349 : memref<1x64xf32, #tpu.memory_space<vmem>> -> memref<64xf32, #tpu.memory_space<vmem>>
      %dma_start3A_351 = arith.constant 0 : i32
      %dma_start3A_352 = tpu.memref_slice %arg4[%squeeze3A_345, %dma_start3A_351] : memref<1000000x64xf32, #tpu.memory_space<hbm>> -> memref<1x64xf32, #tpu.memory_space<hbm>>
      %dma_start3A_353 = tpu.memref_squeeze %dma_start3A_352 : memref<1x64xf32, #tpu.memory_space<hbm>> -> memref<64xf32, #tpu.memory_space<hbm>>
      %dma_start3A_354 = arith.constant 0 : i32
      %dma_start3A_355 = tpu.memref_slice %arg9[%add3A_347, %dma_start3A_354] : memref<256x64xf32, #tpu.memory_space<vmem>> -> memref<1x64xf32, #tpu.memory_space<vmem>>
      %dma_start3A_356 = tpu.memref_squeeze %dma_start3A_355 : memref<1x64xf32, #tpu.memory_space<vmem>> -> memref<64xf32, #tpu.memory_space<vmem>>
      %dma_start3A_357 = arith.constant 0 : i32
      %dma_start3A_358 = tpu.memref_slice %arg4[%squeeze3A_345, %dma_start3A_357] : memref<1000000x64xf32, #tpu.memory_space<hbm>> -> memref<1x64xf32, #tpu.memory_space<hbm>>
      %dma_start3A_359 = tpu.memref_squeeze %dma_start3A_358 : memref<1x64xf32, #tpu.memory_space<hbm>> -> memref<64xf32, #tpu.memory_space<hbm>>
      tpu.enqueue_dma source(%dma_start3A_359 : memref<64xf32, #tpu.memory_space<hbm>>) target(%dma_start3A_356 : memref<64xf32, #tpu.memory_space<vmem>>) target_semaphore(%arg13 : memref<!tpu.dma_semaphore, #tpu.memory_space<semaphore_mem>>)
      %slice3A_360 = vector.extract_strided_slice %get3A_26 {offsets = [10], sizes = [1], strides = [1]} : vector<16xi32> to vector<1xi32>
      %squeeze3A_361 = vector.extract %slice3A_360[0] : i32 from vector<1xi32>
      %add3A_362 = arith.constant 10 : i32
      %add3A_363 = arith.addi %mul3A_23, %add3A_362 : i32
      %dma_start3A_364 = arith.constant 0 : i32
      %dma_start3A_365 = tpu.memref_slice %arg10[%add3A_363, %dma_start3A_364] : memref<256x64xf32, #tpu.memory_space<vmem>> -> memref<1x64xf32, #tpu.memory_space<vmem>>
      %dma_start3A_366 = tpu.memref_squeeze %dma_start3A_365 : memref<1x64xf32, #tpu.memory_space<vmem>> -> memref<64xf32, #tpu.memory_space<vmem>>
      %dma_start3A_367 = arith.constant 0 : i32
      %dma_start3A_368 = tpu.memref_slice %arg5[%squeeze3A_361, %dma_start3A_367] : memref<1000000x64xf32, #tpu.memory_space<hbm>> -> memref<1x64xf32, #tpu.memory_space<hbm>>
      %dma_start3A_369 = tpu.memref_squeeze %dma_start3A_368 : memref<1x64xf32, #tpu.memory_space<hbm>> -> memref<64xf32, #tpu.memory_space<hbm>>
      %dma_start3A_370 = arith.constant 0 : i32
      %dma_start3A_371 = tpu.memref_slice %arg10[%add3A_363, %dma_start3A_370] : memref<256x64xf32, #tpu.memory_space<vmem>> -> memref<1x64xf32, #tpu.memory_space<vmem>>
      %dma_start3A_372 = tpu.memref_squeeze %dma_start3A_371 : memref<1x64xf32, #tpu.memory_space<vmem>> -> memref<64xf32, #tpu.memory_space<vmem>>
      %dma_start3A_373 = arith.constant 0 : i32
      %dma_start3A_374 = tpu.memref_slice %arg5[%squeeze3A_361, %dma_start3A_373] : memref<1000000x64xf32, #tpu.memory_space<hbm>> -> memref<1x64xf32, #tpu.memory_space<hbm>>
      %dma_start3A_375 = tpu.memref_squeeze %dma_start3A_374 : memref<1x64xf32, #tpu.memory_space<hbm>> -> memref<64xf32, #tpu.memory_space<hbm>>
      tpu.enqueue_dma source(%dma_start3A_375 : memref<64xf32, #tpu.memory_space<hbm>>) target(%dma_start3A_372 : memref<64xf32, #tpu.memory_space<vmem>>) target_semaphore(%arg14 : memref<!tpu.dma_semaphore, #tpu.memory_space<semaphore_mem>>)
      %slice3A_376 = vector.extract_strided_slice %get3A_24 {offsets = [11], sizes = [1], strides = [1]} : vector<16xi32> to vector<1xi32>
      %squeeze3A_377 = vector.extract %slice3A_376[0] : i32 from vector<1xi32>
      %add3A_378 = arith.constant 11 : i32
      %add3A_379 = arith.addi %mul3A_23, %add3A_378 : i32
      %dma_start3A_380 = arith.constant 0 : i32
      %dma_start3A_381 = tpu.memref_slice %arg9[%add3A_379, %dma_start3A_380] : memref<256x64xf32, #tpu.memory_space<vmem>> -> memref<1x64xf32, #tpu.memory_space<vmem>>
      %dma_start3A_382 = tpu.memref_squeeze %dma_start3A_381 : memref<1x64xf32, #tpu.memory_space<vmem>> -> memref<64xf32, #tpu.memory_space<vmem>>
      %dma_start3A_383 = arith.constant 0 : i32
      %dma_start3A_384 = tpu.memref_slice %arg4[%squeeze3A_377, %dma_start3A_383] : memref<1000000x64xf32, #tpu.memory_space<hbm>> -> memref<1x64xf32, #tpu.memory_space<hbm>>
      %dma_start3A_385 = tpu.memref_squeeze %dma_start3A_384 : memref<1x64xf32, #tpu.memory_space<hbm>> -> memref<64xf32, #tpu.memory_space<hbm>>
      %dma_start3A_386 = arith.constant 0 : i32
      %dma_start3A_387 = tpu.memref_slice %arg9[%add3A_379, %dma_start3A_386] : memref<256x64xf32, #tpu.memory_space<vmem>> -> memref<1x64xf32, #tpu.memory_space<vmem>>
      %dma_start3A_388 = tpu.memref_squeeze %dma_start3A_387 : memref<1x64xf32, #tpu.memory_space<vmem>> -> memref<64xf32, #tpu.memory_space<vmem>>
      %dma_start3A_389 = arith.constant 0 : i32
      %dma_start3A_390 = tpu.memref_slice %arg4[%squeeze3A_377, %dma_start3A_389] : memref<1000000x64xf32, #tpu.memory_space<hbm>> -> memref<1x64xf32, #tpu.memory_space<hbm>>
      %dma_start3A_391 = tpu.memref_squeeze %dma_start3A_390 : memref<1x64xf32, #tpu.memory_space<hbm>> -> memref<64xf32, #tpu.memory_space<hbm>>
      tpu.enqueue_dma source(%dma_start3A_391 : memref<64xf32, #tpu.memory_space<hbm>>) target(%dma_start3A_388 : memref<64xf32, #tpu.memory_space<vmem>>) target_semaphore(%arg13 : memref<!tpu.dma_semaphore, #tpu.memory_space<semaphore_mem>>)
      %slice3A_392 = vector.extract_strided_slice %get3A_26 {offsets = [11], sizes = [1], strides = [1]} : vector<16xi32> to vector<1xi32>
      %squeeze3A_393 = vector.extract %slice3A_392[0] : i32 from vector<1xi32>
      %add3A_394 = arith.constant 11 : i32
      %add3A_395 = arith.addi %mul3A_23, %add3A_394 : i32
      %dma_start3A_396 = arith.constant 0 : i32
      %dma_start3A_397 = tpu.memref_slice %arg10[%add3A_395, %dma_start3A_396] : memref<256x64xf32, #tpu.memory_space<vmem>> -> memref<1x64xf32, #tpu.memory_space<vmem>>
      %dma_start3A_398 = tpu.memref_squeeze %dma_start3A_397 : memref<1x64xf32, #tpu.memory_space<vmem>> -> memref<64xf32, #tpu.memory_space<vmem>>
      %dma_start3A_399 = arith.constant 0 : i32
      %dma_start3A_400 = tpu.memref_slice %arg5[%squeeze3A_393, %dma_start3A_399] : memref<1000000x64xf32, #tpu.memory_space<hbm>> -> memref<1x64xf32, #tpu.memory_space<hbm>>
      %dma_start3A_401 = tpu.memref_squeeze %dma_start3A_400 : memref<1x64xf32, #tpu.memory_space<hbm>> -> memref<64xf32, #tpu.memory_space<hbm>>
      %dma_start3A_402 = arith.constant 0 : i32
      %dma_start3A_403 = tpu.memref_slice %arg10[%add3A_395, %dma_start3A_402] : memref<256x64xf32, #tpu.memory_space<vmem>> -> memref<1x64xf32, #tpu.memory_space<vmem>>
      %dma_start3A_404 = tpu.memref_squeeze %dma_start3A_403 : memref<1x64xf32, #tpu.memory_space<vmem>> -> memref<64xf32, #tpu.memory_space<vmem>>
      %dma_start3A_405 = arith.constant 0 : i32
      %dma_start3A_406 = tpu.memref_slice %arg5[%squeeze3A_393, %dma_start3A_405] : memref<1000000x64xf32, #tpu.memory_space<hbm>> -> memref<1x64xf32, #tpu.memory_space<hbm>>
      %dma_start3A_407 = tpu.memref_squeeze %dma_start3A_406 : memref<1x64xf32, #tpu.memory_space<hbm>> -> memref<64xf32, #tpu.memory_space<hbm>>
      tpu.enqueue_dma source(%dma_start3A_407 : memref<64xf32, #tpu.memory_space<hbm>>) target(%dma_start3A_404 : memref<64xf32, #tpu.memory_space<vmem>>) target_semaphore(%arg14 : memref<!tpu.dma_semaphore, #tpu.memory_space<semaphore_mem>>)
      %slice3A_408 = vector.extract_strided_slice %get3A_24 {offsets = [12], sizes = [1], strides = [1]} : vector<16xi32> to vector<1xi32>
      %squeeze3A_409 = vector.extract %slice3A_408[0] : i32 from vector<1xi32>
      %add3A_410 = arith.constant 12 : i32
      %add3A_411 = arith.addi %mul3A_23, %add3A_410 : i32
      %dma_start3A_412 = arith.constant 0 : i32
      %dma_start3A_413 = tpu.memref_slice %arg9[%add3A_411, %dma_start3A_412] : memref<256x64xf32, #tpu.memory_space<vmem>> -> memref<1x64xf32, #tpu.memory_space<vmem>>
      %dma_start3A_414 = tpu.memref_squeeze %dma_start3A_413 : memref<1x64xf32, #tpu.memory_space<vmem>> -> memref<64xf32, #tpu.memory_space<vmem>>
      %dma_start3A_415 = arith.constant 0 : i32
      %dma_start3A_416 = tpu.memref_slice %arg4[%squeeze3A_409, %dma_start3A_415] : memref<1000000x64xf32, #tpu.memory_space<hbm>> -> memref<1x64xf32, #tpu.memory_space<hbm>>
      %dma_start3A_417 = tpu.memref_squeeze %dma_start3A_416 : memref<1x64xf32, #tpu.memory_space<hbm>> -> memref<64xf32, #tpu.memory_space<hbm>>
      %dma_start3A_418 = arith.constant 0 : i32
      %dma_start3A_419 = tpu.memref_slice %arg9[%add3A_411, %dma_start3A_418] : memref<256x64xf32, #tpu.memory_space<vmem>> -> memref<1x64xf32, #tpu.memory_space<vmem>>
      %dma_start3A_420 = tpu.memref_squeeze %dma_start3A_419 : memref<1x64xf32, #tpu.memory_space<vmem>> -> memref<64xf32, #tpu.memory_space<vmem>>
      %dma_start3A_421 = arith.constant 0 : i32
      %dma_start3A_422 = tpu.memref_slice %arg4[%squeeze3A_409, %dma_start3A_421] : memref<1000000x64xf32, #tpu.memory_space<hbm>> -> memref<1x64xf32, #tpu.memory_space<hbm>>
      %dma_start3A_423 = tpu.memref_squeeze %dma_start3A_422 : memref<1x64xf32, #tpu.memory_space<hbm>> -> memref<64xf32, #tpu.memory_space<hbm>>
      tpu.enqueue_dma source(%dma_start3A_423 : memref<64xf32, #tpu.memory_space<hbm>>) target(%dma_start3A_420 : memref<64xf32, #tpu.memory_space<vmem>>) target_semaphore(%arg13 : memref<!tpu.dma_semaphore, #tpu.memory_space<semaphore_mem>>)
      %slice3A_424 = vector.extract_strided_slice %get3A_26 {offsets = [12], sizes = [1], strides = [1]} : vector<16xi32> to vector<1xi32>
      %squeeze3A_425 = vector.extract %slice3A_424[0] : i32 from vector<1xi32>
      %add3A_426 = arith.constant 12 : i32
      %add3A_427 = arith.addi %mul3A_23, %add3A_426 : i32
      %dma_start3A_428 = arith.constant 0 : i32
      %dma_start3A_429 = tpu.memref_slice %arg10[%add3A_427, %dma_start3A_428] : memref<256x64xf32, #tpu.memory_space<vmem>> -> memref<1x64xf32, #tpu.memory_space<vmem>>
      %dma_start3A_430 = tpu.memref_squeeze %dma_start3A_429 : memref<1x64xf32, #tpu.memory_space<vmem>> -> memref<64xf32, #tpu.memory_space<vmem>>
      %dma_start3A_431 = arith.constant 0 : i32
      %dma_start3A_432 = tpu.memref_slice %arg5[%squeeze3A_425, %dma_start3A_431] : memref<1000000x64xf32, #tpu.memory_space<hbm>> -> memref<1x64xf32, #tpu.memory_space<hbm>>
      %dma_start3A_433 = tpu.memref_squeeze %dma_start3A_432 : memref<1x64xf32, #tpu.memory_space<hbm>> -> memref<64xf32, #tpu.memory_space<hbm>>
      %dma_start3A_434 = arith.constant 0 : i32
      %dma_start3A_435 = tpu.memref_slice %arg10[%add3A_427, %dma_start3A_434] : memref<256x64xf32, #tpu.memory_space<vmem>> -> memref<1x64xf32, #tpu.memory_space<vmem>>
      %dma_start3A_436 = tpu.memref_squeeze %dma_start3A_435 : memref<1x64xf32, #tpu.memory_space<vmem>> -> memref<64xf32, #tpu.memory_space<vmem>>
      %dma_start3A_437 = arith.constant 0 : i32
      %dma_start3A_438 = tpu.memref_slice %arg5[%squeeze3A_425, %dma_start3A_437] : memref<1000000x64xf32, #tpu.memory_space<hbm>> -> memref<1x64xf32, #tpu.memory_space<hbm>>
      %dma_start3A_439 = tpu.memref_squeeze %dma_start3A_438 : memref<1x64xf32, #tpu.memory_space<hbm>> -> memref<64xf32, #tpu.memory_space<hbm>>
      tpu.enqueue_dma source(%dma_start3A_439 : memref<64xf32, #tpu.memory_space<hbm>>) target(%dma_start3A_436 : memref<64xf32, #tpu.memory_space<vmem>>) target_semaphore(%arg14 : memref<!tpu.dma_semaphore, #tpu.memory_space<semaphore_mem>>)
      %slice3A_440 = vector.extract_strided_slice %get3A_24 {offsets = [13], sizes = [1], strides = [1]} : vector<16xi32> to vector<1xi32>
      %squeeze3A_441 = vector.extract %slice3A_440[0] : i32 from vector<1xi32>
      %add3A_442 = arith.constant 13 : i32
      %add3A_443 = arith.addi %mul3A_23, %add3A_442 : i32
      %dma_start3A_444 = arith.constant 0 : i32
      %dma_start3A_445 = tpu.memref_slice %arg9[%add3A_443, %dma_start3A_444] : memref<256x64xf32, #tpu.memory_space<vmem>> -> memref<1x64xf32, #tpu.memory_space<vmem>>
      %dma_start3A_446 = tpu.memref_squeeze %dma_start3A_445 : memref<1x64xf32, #tpu.memory_space<vmem>> -> memref<64xf32, #tpu.memory_space<vmem>>
      %dma_start3A_447 = arith.constant 0 : i32
      %dma_start3A_448 = tpu.memref_slice %arg4[%squeeze3A_441, %dma_start3A_447] : memref<1000000x64xf32, #tpu.memory_space<hbm>> -> memref<1x64xf32, #tpu.memory_space<hbm>>
      %dma_start3A_449 = tpu.memref_squeeze %dma_start3A_448 : memref<1x64xf32, #tpu.memory_space<hbm>> -> memref<64xf32, #tpu.memory_space<hbm>>
      %dma_start3A_450 = arith.constant 0 : i32
      %dma_start3A_451 = tpu.memref_slice %arg9[%add3A_443, %dma_start3A_450] : memref<256x64xf32, #tpu.memory_space<vmem>> -> memref<1x64xf32, #tpu.memory_space<vmem>>
      %dma_start3A_452 = tpu.memref_squeeze %dma_start3A_451 : memref<1x64xf32, #tpu.memory_space<vmem>> -> memref<64xf32, #tpu.memory_space<vmem>>
      %dma_start3A_453 = arith.constant 0 : i32
      %dma_start3A_454 = tpu.memref_slice %arg4[%squeeze3A_441, %dma_start3A_453] : memref<1000000x64xf32, #tpu.memory_space<hbm>> -> memref<1x64xf32, #tpu.memory_space<hbm>>
      %dma_start3A_455 = tpu.memref_squeeze %dma_start3A_454 : memref<1x64xf32, #tpu.memory_space<hbm>> -> memref<64xf32, #tpu.memory_space<hbm>>
      tpu.enqueue_dma source(%dma_start3A_455 : memref<64xf32, #tpu.memory_space<hbm>>) target(%dma_start3A_452 : memref<64xf32, #tpu.memory_space<vmem>>) target_semaphore(%arg13 : memref<!tpu.dma_semaphore, #tpu.memory_space<semaphore_mem>>)
      %slice3A_456 = vector.extract_strided_slice %get3A_26 {offsets = [13], sizes = [1], strides = [1]} : vector<16xi32> to vector<1xi32>
      %squeeze3A_457 = vector.extract %slice3A_456[0] : i32 from vector<1xi32>
      %add3A_458 = arith.constant 13 : i32
      %add3A_459 = arith.addi %mul3A_23, %add3A_458 : i32
      %dma_start3A_460 = arith.constant 0 : i32
      %dma_start3A_461 = tpu.memref_slice %arg10[%add3A_459, %dma_start3A_460] : memref<256x64xf32, #tpu.memory_space<vmem>> -> memref<1x64xf32, #tpu.memory_space<vmem>>
      %dma_start3A_462 = tpu.memref_squeeze %dma_start3A_461 : memref<1x64xf32, #tpu.memory_space<vmem>> -> memref<64xf32, #tpu.memory_space<vmem>>
      %dma_start3A_463 = arith.constant 0 : i32
      %dma_start3A_464 = tpu.memref_slice %arg5[%squeeze3A_457, %dma_start3A_463] : memref<1000000x64xf32, #tpu.memory_space<hbm>> -> memref<1x64xf32, #tpu.memory_space<hbm>>
      %dma_start3A_465 = tpu.memref_squeeze %dma_start3A_464 : memref<1x64xf32, #tpu.memory_space<hbm>> -> memref<64xf32, #tpu.memory_space<hbm>>
      %dma_start3A_466 = arith.constant 0 : i32
      %dma_start3A_467 = tpu.memref_slice %arg10[%add3A_459, %dma_start3A_466] : memref<256x64xf32, #tpu.memory_space<vmem>> -> memref<1x64xf32, #tpu.memory_space<vmem>>
      %dma_start3A_468 = tpu.memref_squeeze %dma_start3A_467 : memref<1x64xf32, #tpu.memory_space<vmem>> -> memref<64xf32, #tpu.memory_space<vmem>>
      %dma_start3A_469 = arith.constant 0 : i32
      %dma_start3A_470 = tpu.memref_slice %arg5[%squeeze3A_457, %dma_start3A_469] : memref<1000000x64xf32, #tpu.memory_space<hbm>> -> memref<1x64xf32, #tpu.memory_space<hbm>>
      %dma_start3A_471 = tpu.memref_squeeze %dma_start3A_470 : memref<1x64xf32, #tpu.memory_space<hbm>> -> memref<64xf32, #tpu.memory_space<hbm>>
      tpu.enqueue_dma source(%dma_start3A_471 : memref<64xf32, #tpu.memory_space<hbm>>) target(%dma_start3A_468 : memref<64xf32, #tpu.memory_space<vmem>>) target_semaphore(%arg14 : memref<!tpu.dma_semaphore, #tpu.memory_space<semaphore_mem>>)
      %slice3A_472 = vector.extract_strided_slice %get3A_24 {offsets = [14], sizes = [1], strides = [1]} : vector<16xi32> to vector<1xi32>
      %squeeze3A_473 = vector.extract %slice3A_472[0] : i32 from vector<1xi32>
      %add3A_474 = arith.constant 14 : i32
      %add3A_475 = arith.addi %mul3A_23, %add3A_474 : i32
      %dma_start3A_476 = arith.constant 0 : i32
      %dma_start3A_477 = tpu.memref_slice %arg9[%add3A_475, %dma_start3A_476] : memref<256x64xf32, #tpu.memory_space<vmem>> -> memref<1x64xf32, #tpu.memory_space<vmem>>
      %dma_start3A_478 = tpu.memref_squeeze %dma_start3A_477 : memref<1x64xf32, #tpu.memory_space<vmem>> -> memref<64xf32, #tpu.memory_space<vmem>>
      %dma_start3A_479 = arith.constant 0 : i32
      %dma_start3A_480 = tpu.memref_slice %arg4[%squeeze3A_473, %dma_start3A_479] : memref<1000000x64xf32, #tpu.memory_space<hbm>> -> memref<1x64xf32, #tpu.memory_space<hbm>>
      %dma_start3A_481 = tpu.memref_squeeze %dma_start3A_480 : memref<1x64xf32, #tpu.memory_space<hbm>> -> memref<64xf32, #tpu.memory_space<hbm>>
      %dma_start3A_482 = arith.constant 0 : i32
      %dma_start3A_483 = tpu.memref_slice %arg9[%add3A_475, %dma_start3A_482] : memref<256x64xf32, #tpu.memory_space<vmem>> -> memref<1x64xf32, #tpu.memory_space<vmem>>
      %dma_start3A_484 = tpu.memref_squeeze %dma_start3A_483 : memref<1x64xf32, #tpu.memory_space<vmem>> -> memref<64xf32, #tpu.memory_space<vmem>>
      %dma_start3A_485 = arith.constant 0 : i32
      %dma_start3A_486 = tpu.memref_slice %arg4[%squeeze3A_473, %dma_start3A_485] : memref<1000000x64xf32, #tpu.memory_space<hbm>> -> memref<1x64xf32, #tpu.memory_space<hbm>>
      %dma_start3A_487 = tpu.memref_squeeze %dma_start3A_486 : memref<1x64xf32, #tpu.memory_space<hbm>> -> memref<64xf32, #tpu.memory_space<hbm>>
      tpu.enqueue_dma source(%dma_start3A_487 : memref<64xf32, #tpu.memory_space<hbm>>) target(%dma_start3A_484 : memref<64xf32, #tpu.memory_space<vmem>>) target_semaphore(%arg13 : memref<!tpu.dma_semaphore, #tpu.memory_space<semaphore_mem>>)
      %slice3A_488 = vector.extract_strided_slice %get3A_26 {offsets = [14], sizes = [1], strides = [1]} : vector<16xi32> to vector<1xi32>
      %squeeze3A_489 = vector.extract %slice3A_488[0] : i32 from vector<1xi32>
      %add3A_490 = arith.constant 14 : i32
      %add3A_491 = arith.addi %mul3A_23, %add3A_490 : i32
      %dma_start3A_492 = arith.constant 0 : i32
      %dma_start3A_493 = tpu.memref_slice %arg10[%add3A_491, %dma_start3A_492] : memref<256x64xf32, #tpu.memory_space<vmem>> -> memref<1x64xf32, #tpu.memory_space<vmem>>
      %dma_start3A_494 = tpu.memref_squeeze %dma_start3A_493 : memref<1x64xf32, #tpu.memory_space<vmem>> -> memref<64xf32, #tpu.memory_space<vmem>>
      %dma_start3A_495 = arith.constant 0 : i32
      %dma_start3A_496 = tpu.memref_slice %arg5[%squeeze3A_489, %dma_start3A_495] : memref<1000000x64xf32, #tpu.memory_space<hbm>> -> memref<1x64xf32, #tpu.memory_space<hbm>>
      %dma_start3A_497 = tpu.memref_squeeze %dma_start3A_496 : memref<1x64xf32, #tpu.memory_space<hbm>> -> memref<64xf32, #tpu.memory_space<hbm>>
      %dma_start3A_498 = arith.constant 0 : i32
      %dma_start3A_499 = tpu.memref_slice %arg10[%add3A_491, %dma_start3A_498] : memref<256x64xf32, #tpu.memory_space<vmem>> -> memref<1x64xf32, #tpu.memory_space<vmem>>
      %dma_start3A_500 = tpu.memref_squeeze %dma_start3A_499 : memref<1x64xf32, #tpu.memory_space<vmem>> -> memref<64xf32, #tpu.memory_space<vmem>>
      %dma_start3A_501 = arith.constant 0 : i32
      %dma_start3A_502 = tpu.memref_slice %arg5[%squeeze3A_489, %dma_start3A_501] : memref<1000000x64xf32, #tpu.memory_space<hbm>> -> memref<1x64xf32, #tpu.memory_space<hbm>>
      %dma_start3A_503 = tpu.memref_squeeze %dma_start3A_502 : memref<1x64xf32, #tpu.memory_space<hbm>> -> memref<64xf32, #tpu.memory_space<hbm>>
      tpu.enqueue_dma source(%dma_start3A_503 : memref<64xf32, #tpu.memory_space<hbm>>) target(%dma_start3A_500 : memref<64xf32, #tpu.memory_space<vmem>>) target_semaphore(%arg14 : memref<!tpu.dma_semaphore, #tpu.memory_space<semaphore_mem>>)
      %slice3A_504 = vector.extract_strided_slice %get3A_24 {offsets = [15], sizes = [1], strides = [1]} : vector<16xi32> to vector<1xi32>
      %squeeze3A_505 = vector.extract %slice3A_504[0] : i32 from vector<1xi32>
      %add3A_506 = arith.constant 15 : i32
      %add3A_507 = arith.addi %mul3A_23, %add3A_506 : i32
      %dma_start3A_508 = arith.constant 0 : i32
      %dma_start3A_509 = tpu.memref_slice %arg9[%add3A_507, %dma_start3A_508] : memref<256x64xf32, #tpu.memory_space<vmem>> -> memref<1x64xf32, #tpu.memory_space<vmem>>
      %dma_start3A_510 = tpu.memref_squeeze %dma_start3A_509 : memref<1x64xf32, #tpu.memory_space<vmem>> -> memref<64xf32, #tpu.memory_space<vmem>>
      %dma_start3A_511 = arith.constant 0 : i32
      %dma_start3A_512 = tpu.memref_slice %arg4[%squeeze3A_505, %dma_start3A_511] : memref<1000000x64xf32, #tpu.memory_space<hbm>> -> memref<1x64xf32, #tpu.memory_space<hbm>>
      %dma_start3A_513 = tpu.memref_squeeze %dma_start3A_512 : memref<1x64xf32, #tpu.memory_space<hbm>> -> memref<64xf32, #tpu.memory_space<hbm>>
      %dma_start3A_514 = arith.constant 0 : i32
      %dma_start3A_515 = tpu.memref_slice %arg9[%add3A_507, %dma_start3A_514] : memref<256x64xf32, #tpu.memory_space<vmem>> -> memref<1x64xf32, #tpu.memory_space<vmem>>
      %dma_start3A_516 = tpu.memref_squeeze %dma_start3A_515 : memref<1x64xf32, #tpu.memory_space<vmem>> -> memref<64xf32, #tpu.memory_space<vmem>>
      %dma_start3A_517 = arith.constant 0 : i32
      %dma_start3A_518 = tpu.memref_slice %arg4[%squeeze3A_505, %dma_start3A_517] : memref<1000000x64xf32, #tpu.memory_space<hbm>> -> memref<1x64xf32, #tpu.memory_space<hbm>>
      %dma_start3A_519 = tpu.memref_squeeze %dma_start3A_518 : memref<1x64xf32, #tpu.memory_space<hbm>> -> memref<64xf32, #tpu.memory_space<hbm>>
      tpu.enqueue_dma source(%dma_start3A_519 : memref<64xf32, #tpu.memory_space<hbm>>) target(%dma_start3A_516 : memref<64xf32, #tpu.memory_space<vmem>>) target_semaphore(%arg13 : memref<!tpu.dma_semaphore, #tpu.memory_space<semaphore_mem>>)
      %slice3A_520 = vector.extract_strided_slice %get3A_26 {offsets = [15], sizes = [1], strides = [1]} : vector<16xi32> to vector<1xi32>
      %squeeze3A_521 = vector.extract %slice3A_520[0] : i32 from vector<1xi32>
      %add3A_522 = arith.constant 15 : i32
      %add3A_523 = arith.addi %mul3A_23, %add3A_522 : i32
      %dma_start3A_524 = arith.constant 0 : i32
      %dma_start3A_525 = tpu.memref_slice %arg10[%add3A_523, %dma_start3A_524] : memref<256x64xf32, #tpu.memory_space<vmem>> -> memref<1x64xf32, #tpu.memory_space<vmem>>
      %dma_start3A_526 = tpu.memref_squeeze %dma_start3A_525 : memref<1x64xf32, #tpu.memory_space<vmem>> -> memref<64xf32, #tpu.memory_space<vmem>>
      %dma_start3A_527 = arith.constant 0 : i32
      %dma_start3A_528 = tpu.memref_slice %arg5[%squeeze3A_521, %dma_start3A_527] : memref<1000000x64xf32, #tpu.memory_space<hbm>> -> memref<1x64xf32, #tpu.memory_space<hbm>>
      %dma_start3A_529 = tpu.memref_squeeze %dma_start3A_528 : memref<1x64xf32, #tpu.memory_space<hbm>> -> memref<64xf32, #tpu.memory_space<hbm>>
      %dma_start3A_530 = arith.constant 0 : i32
      %dma_start3A_531 = tpu.memref_slice %arg10[%add3A_523, %dma_start3A_530] : memref<256x64xf32, #tpu.memory_space<vmem>> -> memref<1x64xf32, #tpu.memory_space<vmem>>
      %dma_start3A_532 = tpu.memref_squeeze %dma_start3A_531 : memref<1x64xf32, #tpu.memory_space<vmem>> -> memref<64xf32, #tpu.memory_space<vmem>>
      %dma_start3A_533 = arith.constant 0 : i32
      %dma_start3A_534 = tpu.memref_slice %arg5[%squeeze3A_521, %dma_start3A_533] : memref<1000000x64xf32, #tpu.memory_space<hbm>> -> memref<1x64xf32, #tpu.memory_space<hbm>>
      %dma_start3A_535 = tpu.memref_squeeze %dma_start3A_534 : memref<1x64xf32, #tpu.memory_space<hbm>> -> memref<64xf32, #tpu.memory_space<hbm>>
      tpu.enqueue_dma source(%dma_start3A_535 : memref<64xf32, #tpu.memory_space<hbm>>) target(%dma_start3A_532 : memref<64xf32, #tpu.memory_space<vmem>>) target_semaphore(%arg14 : memref<!tpu.dma_semaphore, #tpu.memory_space<semaphore_mem>>)
      %dma_wait3A = arith.constant 0 : i32
      %dma_wait3A_536 = tpu.memref_slice %arg9[%add3A_28, %dma_wait3A] : memref<256x64xf32, #tpu.memory_space<vmem>> -> memref<1x64xf32, #tpu.memory_space<vmem>>
      %dma_wait3A_537 = tpu.memref_squeeze %dma_wait3A_536 : memref<1x64xf32, #tpu.memory_space<vmem>> -> memref<64xf32, #tpu.memory_space<vmem>>
      %dma_wait3A_538 = arith.constant 0 : i32
      %dma_wait3A_539 = tpu.memref_slice %arg4[%squeeze3A, %dma_wait3A_538] : memref<1000000x64xf32, #tpu.memory_space<hbm>> -> memref<1x64xf32, #tpu.memory_space<hbm>>
      %dma_wait3A_540 = tpu.memref_squeeze %dma_wait3A_539 : memref<1x64xf32, #tpu.memory_space<hbm>> -> memref<64xf32, #tpu.memory_space<hbm>>
      %dma_wait3A_541 = arith.constant 0 : i32
      %dma_wait3A_542 = tpu.memref_slice %arg9[%add3A_28, %dma_wait3A_541] : memref<256x64xf32, #tpu.memory_space<vmem>> -> memref<1x64xf32, #tpu.memory_space<vmem>>
      %dma_wait3A_543 = tpu.memref_squeeze %dma_wait3A_542 : memref<1x64xf32, #tpu.memory_space<vmem>> -> memref<64xf32, #tpu.memory_space<vmem>>
      %dma_wait3A_544 = arith.constant 0 : i32
      %dma_wait3A_545 = tpu.memref_slice %arg4[%squeeze3A, %dma_wait3A_544] : memref<1000000x64xf32, #tpu.memory_space<hbm>> -> memref<1x64xf32, #tpu.memory_space<hbm>>
      %dma_wait3A_546 = tpu.memref_squeeze %dma_wait3A_545 : memref<1x64xf32, #tpu.memory_space<hbm>> -> memref<64xf32, #tpu.memory_space<hbm>>
      tpu.wait_dma2 semaphore(%arg13 : memref<!tpu.dma_semaphore, #tpu.memory_space<semaphore_mem>>) src(%dma_wait3A_546 : memref<64xf32, #tpu.memory_space<hbm>>) dst(%dma_wait3A_543 : memref<64xf32, #tpu.memory_space<vmem>>)
      %dma_wait3A_547 = arith.constant 0 : i32
      %dma_wait3A_548 = tpu.memref_slice %arg10[%add3A_43, %dma_wait3A_547] : memref<256x64xf32, #tpu.memory_space<vmem>> -> memref<1x64xf32, #tpu.memory_space<vmem>>
      %dma_wait3A_549 = tpu.memref_squeeze %dma_wait3A_548 : memref<1x64xf32, #tpu.memory_space<vmem>> -> memref<64xf32, #tpu.memory_space<vmem>>
      %dma_wait3A_550 = arith.constant 0 : i32
      %dma_wait3A_551 = tpu.memref_slice %arg5[%squeeze3A_41, %dma_wait3A_550] : memref<1000000x64xf32, #tpu.memory_space<hbm>> -> memref<1x64xf32, #tpu.memory_space<hbm>>
      %dma_wait3A_552 = tpu.memref_squeeze %dma_wait3A_551 : memref<1x64xf32, #tpu.memory_space<hbm>> -> memref<64xf32, #tpu.memory_space<hbm>>
      %dma_wait3A_553 = arith.constant 0 : i32
      %dma_wait3A_554 = tpu.memref_slice %arg10[%add3A_43, %dma_wait3A_553] : memref<256x64xf32, #tpu.memory_space<vmem>> -> memref<1x64xf32, #tpu.memory_space<vmem>>
      %dma_wait3A_555 = tpu.memref_squeeze %dma_wait3A_554 : memref<1x64xf32, #tpu.memory_space<vmem>> -> memref<64xf32, #tpu.memory_space<vmem>>
      %dma_wait3A_556 = arith.constant 0 : i32
      %dma_wait3A_557 = tpu.memref_slice %arg5[%squeeze3A_41, %dma_wait3A_556] : memref<1000000x64xf32, #tpu.memory_space<hbm>> -> memref<1x64xf32, #tpu.memory_space<hbm>>
      %dma_wait3A_558 = tpu.memref_squeeze %dma_wait3A_557 : memref<1x64xf32, #tpu.memory_space<hbm>> -> memref<64xf32, #tpu.memory_space<hbm>>
      tpu.wait_dma2 semaphore(%arg14 : memref<!tpu.dma_semaphore, #tpu.memory_space<semaphore_mem>>) src(%dma_wait3A_558 : memref<64xf32, #tpu.memory_space<hbm>>) dst(%dma_wait3A_555 : memref<64xf32, #tpu.memory_space<vmem>>)
      %dma_wait3A_559 = arith.constant 0 : i32
      %dma_wait3A_560 = tpu.memref_slice %arg9[%add3A_59, %dma_wait3A_559] : memref<256x64xf32, #tpu.memory_space<vmem>> -> memref<1x64xf32, #tpu.memory_space<vmem>>
      %dma_wait3A_561 = tpu.memref_squeeze %dma_wait3A_560 : memref<1x64xf32, #tpu.memory_space<vmem>> -> memref<64xf32, #tpu.memory_space<vmem>>
      %dma_wait3A_562 = arith.constant 0 : i32
      %dma_wait3A_563 = tpu.memref_slice %arg4[%squeeze3A_57, %dma_wait3A_562] : memref<1000000x64xf32, #tpu.memory_space<hbm>> -> memref<1x64xf32, #tpu.memory_space<hbm>>
      %dma_wait3A_564 = tpu.memref_squeeze %dma_wait3A_563 : memref<1x64xf32, #tpu.memory_space<hbm>> -> memref<64xf32, #tpu.memory_space<hbm>>
      %dma_wait3A_565 = arith.constant 0 : i32
      %dma_wait3A_566 = tpu.memref_slice %arg9[%add3A_59, %dma_wait3A_565] : memref<256x64xf32, #tpu.memory_space<vmem>> -> memref<1x64xf32, #tpu.memory_space<vmem>>
      %dma_wait3A_567 = tpu.memref_squeeze %dma_wait3A_566 : memref<1x64xf32, #tpu.memory_space<vmem>> -> memref<64xf32, #tpu.memory_space<vmem>>
      %dma_wait3A_568 = arith.constant 0 : i32
      %dma_wait3A_569 = tpu.memref_slice %arg4[%squeeze3A_57, %dma_wait3A_568] : memref<1000000x64xf32, #tpu.memory_space<hbm>> -> memref<1x64xf32, #tpu.memory_space<hbm>>
      %dma_wait3A_570 = tpu.memref_squeeze %dma_wait3A_569 : memref<1x64xf32, #tpu.memory_space<hbm>> -> memref<64xf32, #tpu.memory_space<hbm>>
      tpu.wait_dma2 semaphore(%arg13 : memref<!tpu.dma_semaphore, #tpu.memory_space<semaphore_mem>>) src(%dma_wait3A_570 : memref<64xf32, #tpu.memory_space<hbm>>) dst(%dma_wait3A_567 : memref<64xf32, #tpu.memory_space<vmem>>)
      %dma_wait3A_571 = arith.constant 0 : i32
      %dma_wait3A_572 = tpu.memref_slice %arg10[%add3A_75, %dma_wait3A_571] : memref<256x64xf32, #tpu.memory_space<vmem>> -> memref<1x64xf32, #tpu.memory_space<vmem>>
      %dma_wait3A_573 = tpu.memref_squeeze %dma_wait3A_572 : memref<1x64xf32, #tpu.memory_space<vmem>> -> memref<64xf32, #tpu.memory_space<vmem>>
      %dma_wait3A_574 = arith.constant 0 : i32
      %dma_wait3A_575 = tpu.memref_slice %arg5[%squeeze3A_73, %dma_wait3A_574] : memref<1000000x64xf32, #tpu.memory_space<hbm>> -> memref<1x64xf32, #tpu.memory_space<hbm>>
      %dma_wait3A_576 = tpu.memref_squeeze %dma_wait3A_575 : memref<1x64xf32, #tpu.memory_space<hbm>> -> memref<64xf32, #tpu.memory_space<hbm>>
      %dma_wait3A_577 = arith.constant 0 : i32
      %dma_wait3A_578 = tpu.memref_slice %arg10[%add3A_75, %dma_wait3A_577] : memref<256x64xf32, #tpu.memory_space<vmem>> -> memref<1x64xf32, #tpu.memory_space<vmem>>
      %dma_wait3A_579 = tpu.memref_squeeze %dma_wait3A_578 : memref<1x64xf32, #tpu.memory_space<vmem>> -> memref<64xf32, #tpu.memory_space<vmem>>
      %dma_wait3A_580 = arith.constant 0 : i32
      %dma_wait3A_581 = tpu.memref_slice %arg5[%squeeze3A_73, %dma_wait3A_580] : memref<1000000x64xf32, #tpu.memory_space<hbm>> -> memref<1x64xf32, #tpu.memory_space<hbm>>
      %dma_wait3A_582 = tpu.memref_squeeze %dma_wait3A_581 : memref<1x64xf32, #tpu.memory_space<hbm>> -> memref<64xf32, #tpu.memory_space<hbm>>
      tpu.wait_dma2 semaphore(%arg14 : memref<!tpu.dma_semaphore, #tpu.memory_space<semaphore_mem>>) src(%dma_wait3A_582 : memref<64xf32, #tpu.memory_space<hbm>>) dst(%dma_wait3A_579 : memref<64xf32, #tpu.memory_space<vmem>>)
      %dma_wait3A_583 = arith.constant 0 : i32
      %dma_wait3A_584 = tpu.memref_slice %arg9[%add3A_91, %dma_wait3A_583] : memref<256x64xf32, #tpu.memory_space<vmem>> -> memref<1x64xf32, #tpu.memory_space<vmem>>
      %dma_wait3A_585 = tpu.memref_squeeze %dma_wait3A_584 : memref<1x64xf32, #tpu.memory_space<vmem>> -> memref<64xf32, #tpu.memory_space<vmem>>
      %dma_wait3A_586 = arith.constant 0 : i32
      %dma_wait3A_587 = tpu.memref_slice %arg4[%squeeze3A_89, %dma_wait3A_586] : memref<1000000x64xf32, #tpu.memory_space<hbm>> -> memref<1x64xf32, #tpu.memory_space<hbm>>
      %dma_wait3A_588 = tpu.memref_squeeze %dma_wait3A_587 : memref<1x64xf32, #tpu.memory_space<hbm>> -> memref<64xf32, #tpu.memory_space<hbm>>
      %dma_wait3A_589 = arith.constant 0 : i32
      %dma_wait3A_590 = tpu.memref_slice %arg9[%add3A_91, %dma_wait3A_589] : memref<256x64xf32, #tpu.memory_space<vmem>> -> memref<1x64xf32, #tpu.memory_space<vmem>>
      %dma_wait3A_591 = tpu.memref_squeeze %dma_wait3A_590 : memref<1x64xf32, #tpu.memory_space<vmem>> -> memref<64xf32, #tpu.memory_space<vmem>>
      %dma_wait3A_592 = arith.constant 0 : i32
      %dma_wait3A_593 = tpu.memref_slice %arg4[%squeeze3A_89, %dma_wait3A_592] : memref<1000000x64xf32, #tpu.memory_space<hbm>> -> memref<1x64xf32, #tpu.memory_space<hbm>>
      %dma_wait3A_594 = tpu.memref_squeeze %dma_wait3A_593 : memref<1x64xf32, #tpu.memory_space<hbm>> -> memref<64xf32, #tpu.memory_space<hbm>>
      tpu.wait_dma2 semaphore(%arg13 : memref<!tpu.dma_semaphore, #tpu.memory_space<semaphore_mem>>) src(%dma_wait3A_594 : memref<64xf32, #tpu.memory_space<hbm>>) dst(%dma_wait3A_591 : memref<64xf32, #tpu.memory_space<vmem>>)
      %dma_wait3A_595 = arith.constant 0 : i32
      %dma_wait3A_596 = tpu.memref_slice %arg10[%add3A_107, %dma_wait3A_595] : memref<256x64xf32, #tpu.memory_space<vmem>> -> memref<1x64xf32, #tpu.memory_space<vmem>>
      %dma_wait3A_597 = tpu.memref_squeeze %dma_wait3A_596 : memref<1x64xf32, #tpu.memory_space<vmem>> -> memref<64xf32, #tpu.memory_space<vmem>>
      %dma_wait3A_598 = arith.constant 0 : i32
      %dma_wait3A_599 = tpu.memref_slice %arg5[%squeeze3A_105, %dma_wait3A_598] : memref<1000000x64xf32, #tpu.memory_space<hbm>> -> memref<1x64xf32, #tpu.memory_space<hbm>>
      %dma_wait3A_600 = tpu.memref_squeeze %dma_wait3A_599 : memref<1x64xf32, #tpu.memory_space<hbm>> -> memref<64xf32, #tpu.memory_space<hbm>>
      %dma_wait3A_601 = arith.constant 0 : i32
      %dma_wait3A_602 = tpu.memref_slice %arg10[%add3A_107, %dma_wait3A_601] : memref<256x64xf32, #tpu.memory_space<vmem>> -> memref<1x64xf32, #tpu.memory_space<vmem>>
      %dma_wait3A_603 = tpu.memref_squeeze %dma_wait3A_602 : memref<1x64xf32, #tpu.memory_space<vmem>> -> memref<64xf32, #tpu.memory_space<vmem>>
      %dma_wait3A_604 = arith.constant 0 : i32
      %dma_wait3A_605 = tpu.memref_slice %arg5[%squeeze3A_105, %dma_wait3A_604] : memref<1000000x64xf32, #tpu.memory_space<hbm>> -> memref<1x64xf32, #tpu.memory_space<hbm>>
      %dma_wait3A_606 = tpu.memref_squeeze %dma_wait3A_605 : memref<1x64xf32, #tpu.memory_space<hbm>> -> memref<64xf32, #tpu.memory_space<hbm>>
      tpu.wait_dma2 semaphore(%arg14 : memref<!tpu.dma_semaphore, #tpu.memory_space<semaphore_mem>>) src(%dma_wait3A_606 : memref<64xf32, #tpu.memory_space<hbm>>) dst(%dma_wait3A_603 : memref<64xf32, #tpu.memory_space<vmem>>)
      %dma_wait3A_607 = arith.constant 0 : i32
      %dma_wait3A_608 = tpu.memref_slice %arg9[%add3A_123, %dma_wait3A_607] : memref<256x64xf32, #tpu.memory_space<vmem>> -> memref<1x64xf32, #tpu.memory_space<vmem>>
      %dma_wait3A_609 = tpu.memref_squeeze %dma_wait3A_608 : memref<1x64xf32, #tpu.memory_space<vmem>> -> memref<64xf32, #tpu.memory_space<vmem>>
      %dma_wait3A_610 = arith.constant 0 : i32
      %dma_wait3A_611 = tpu.memref_slice %arg4[%squeeze3A_121, %dma_wait3A_610] : memref<1000000x64xf32, #tpu.memory_space<hbm>> -> memref<1x64xf32, #tpu.memory_space<hbm>>
      %dma_wait3A_612 = tpu.memref_squeeze %dma_wait3A_611 : memref<1x64xf32, #tpu.memory_space<hbm>> -> memref<64xf32, #tpu.memory_space<hbm>>
      %dma_wait3A_613 = arith.constant 0 : i32
      %dma_wait3A_614 = tpu.memref_slice %arg9[%add3A_123, %dma_wait3A_613] : memref<256x64xf32, #tpu.memory_space<vmem>> -> memref<1x64xf32, #tpu.memory_space<vmem>>
      %dma_wait3A_615 = tpu.memref_squeeze %dma_wait3A_614 : memref<1x64xf32, #tpu.memory_space<vmem>> -> memref<64xf32, #tpu.memory_space<vmem>>
      %dma_wait3A_616 = arith.constant 0 : i32
      %dma_wait3A_617 = tpu.memref_slice %arg4[%squeeze3A_121, %dma_wait3A_616] : memref<1000000x64xf32, #tpu.memory_space<hbm>> -> memref<1x64xf32, #tpu.memory_space<hbm>>
      %dma_wait3A_618 = tpu.memref_squeeze %dma_wait3A_617 : memref<1x64xf32, #tpu.memory_space<hbm>> -> memref<64xf32, #tpu.memory_space<hbm>>
      tpu.wait_dma2 semaphore(%arg13 : memref<!tpu.dma_semaphore, #tpu.memory_space<semaphore_mem>>) src(%dma_wait3A_618 : memref<64xf32, #tpu.memory_space<hbm>>) dst(%dma_wait3A_615 : memref<64xf32, #tpu.memory_space<vmem>>)
      %dma_wait3A_619 = arith.constant 0 : i32
      %dma_wait3A_620 = tpu.memref_slice %arg10[%add3A_139, %dma_wait3A_619] : memref<256x64xf32, #tpu.memory_space<vmem>> -> memref<1x64xf32, #tpu.memory_space<vmem>>
      %dma_wait3A_621 = tpu.memref_squeeze %dma_wait3A_620 : memref<1x64xf32, #tpu.memory_space<vmem>> -> memref<64xf32, #tpu.memory_space<vmem>>
      %dma_wait3A_622 = arith.constant 0 : i32
      %dma_wait3A_623 = tpu.memref_slice %arg5[%squeeze3A_137, %dma_wait3A_622] : memref<1000000x64xf32, #tpu.memory_space<hbm>> -> memref<1x64xf32, #tpu.memory_space<hbm>>
      %dma_wait3A_624 = tpu.memref_squeeze %dma_wait3A_623 : memref<1x64xf32, #tpu.memory_space<hbm>> -> memref<64xf32, #tpu.memory_space<hbm>>
      %dma_wait3A_625 = arith.constant 0 : i32
      %dma_wait3A_626 = tpu.memref_slice %arg10[%add3A_139, %dma_wait3A_625] : memref<256x64xf32, #tpu.memory_space<vmem>> -> memref<1x64xf32, #tpu.memory_space<vmem>>
      %dma_wait3A_627 = tpu.memref_squeeze %dma_wait3A_626 : memref<1x64xf32, #tpu.memory_space<vmem>> -> memref<64xf32, #tpu.memory_space<vmem>>
      %dma_wait3A_628 = arith.constant 0 : i32
      %dma_wait3A_629 = tpu.memref_slice %arg5[%squeeze3A_137, %dma_wait3A_628] : memref<1000000x64xf32, #tpu.memory_space<hbm>> -> memref<1x64xf32, #tpu.memory_space<hbm>>
      %dma_wait3A_630 = tpu.memref_squeeze %dma_wait3A_629 : memref<1x64xf32, #tpu.memory_space<hbm>> -> memref<64xf32, #tpu.memory_space<hbm>>
      tpu.wait_dma2 semaphore(%arg14 : memref<!tpu.dma_semaphore, #tpu.memory_space<semaphore_mem>>) src(%dma_wait3A_630 : memref<64xf32, #tpu.memory_space<hbm>>) dst(%dma_wait3A_627 : memref<64xf32, #tpu.memory_space<vmem>>)
      %dma_wait3A_631 = arith.constant 0 : i32
      %dma_wait3A_632 = tpu.memref_slice %arg9[%add3A_155, %dma_wait3A_631] : memref<256x64xf32, #tpu.memory_space<vmem>> -> memref<1x64xf32, #tpu.memory_space<vmem>>
      %dma_wait3A_633 = tpu.memref_squeeze %dma_wait3A_632 : memref<1x64xf32, #tpu.memory_space<vmem>> -> memref<64xf32, #tpu.memory_space<vmem>>
      %dma_wait3A_634 = arith.constant 0 : i32
      %dma_wait3A_635 = tpu.memref_slice %arg4[%squeeze3A_153, %dma_wait3A_634] : memref<1000000x64xf32, #tpu.memory_space<hbm>> -> memref<1x64xf32, #tpu.memory_space<hbm>>
      %dma_wait3A_636 = tpu.memref_squeeze %dma_wait3A_635 : memref<1x64xf32, #tpu.memory_space<hbm>> -> memref<64xf32, #tpu.memory_space<hbm>>
      %dma_wait3A_637 = arith.constant 0 : i32
      %dma_wait3A_638 = tpu.memref_slice %arg9[%add3A_155, %dma_wait3A_637] : memref<256x64xf32, #tpu.memory_space<vmem>> -> memref<1x64xf32, #tpu.memory_space<vmem>>
      %dma_wait3A_639 = tpu.memref_squeeze %dma_wait3A_638 : memref<1x64xf32, #tpu.memory_space<vmem>> -> memref<64xf32, #tpu.memory_space<vmem>>
      %dma_wait3A_640 = arith.constant 0 : i32
      %dma_wait3A_641 = tpu.memref_slice %arg4[%squeeze3A_153, %dma_wait3A_640] : memref<1000000x64xf32, #tpu.memory_space<hbm>> -> memref<1x64xf32, #tpu.memory_space<hbm>>
      %dma_wait3A_642 = tpu.memref_squeeze %dma_wait3A_641 : memref<1x64xf32, #tpu.memory_space<hbm>> -> memref<64xf32, #tpu.memory_space<hbm>>
      tpu.wait_dma2 semaphore(%arg13 : memref<!tpu.dma_semaphore, #tpu.memory_space<semaphore_mem>>) src(%dma_wait3A_642 : memref<64xf32, #tpu.memory_space<hbm>>) dst(%dma_wait3A_639 : memref<64xf32, #tpu.memory_space<vmem>>)
      %dma_wait3A_643 = arith.constant 0 : i32
      %dma_wait3A_644 = tpu.memref_slice %arg10[%add3A_171, %dma_wait3A_643] : memref<256x64xf32, #tpu.memory_space<vmem>> -> memref<1x64xf32, #tpu.memory_space<vmem>>
      %dma_wait3A_645 = tpu.memref_squeeze %dma_wait3A_644 : memref<1x64xf32, #tpu.memory_space<vmem>> -> memref<64xf32, #tpu.memory_space<vmem>>
      %dma_wait3A_646 = arith.constant 0 : i32
      %dma_wait3A_647 = tpu.memref_slice %arg5[%squeeze3A_169, %dma_wait3A_646] : memref<1000000x64xf32, #tpu.memory_space<hbm>> -> memref<1x64xf32, #tpu.memory_space<hbm>>
      %dma_wait3A_648 = tpu.memref_squeeze %dma_wait3A_647 : memref<1x64xf32, #tpu.memory_space<hbm>> -> memref<64xf32, #tpu.memory_space<hbm>>
      %dma_wait3A_649 = arith.constant 0 : i32
      %dma_wait3A_650 = tpu.memref_slice %arg10[%add3A_171, %dma_wait3A_649] : memref<256x64xf32, #tpu.memory_space<vmem>> -> memref<1x64xf32, #tpu.memory_space<vmem>>
      %dma_wait3A_651 = tpu.memref_squeeze %dma_wait3A_650 : memref<1x64xf32, #tpu.memory_space<vmem>> -> memref<64xf32, #tpu.memory_space<vmem>>
      %dma_wait3A_652 = arith.constant 0 : i32
      %dma_wait3A_653 = tpu.memref_slice %arg5[%squeeze3A_169, %dma_wait3A_652] : memref<1000000x64xf32, #tpu.memory_space<hbm>> -> memref<1x64xf32, #tpu.memory_space<hbm>>
      %dma_wait3A_654 = tpu.memref_squeeze %dma_wait3A_653 : memref<1x64xf32, #tpu.memory_space<hbm>> -> memref<64xf32, #tpu.memory_space<hbm>>
      tpu.wait_dma2 semaphore(%arg14 : memref<!tpu.dma_semaphore, #tpu.memory_space<semaphore_mem>>) src(%dma_wait3A_654 : memref<64xf32, #tpu.memory_space<hbm>>) dst(%dma_wait3A_651 : memref<64xf32, #tpu.memory_space<vmem>>)
      %dma_wait3A_655 = arith.constant 0 : i32
      %dma_wait3A_656 = tpu.memref_slice %arg9[%add3A_187, %dma_wait3A_655] : memref<256x64xf32, #tpu.memory_space<vmem>> -> memref<1x64xf32, #tpu.memory_space<vmem>>
      %dma_wait3A_657 = tpu.memref_squeeze %dma_wait3A_656 : memref<1x64xf32, #tpu.memory_space<vmem>> -> memref<64xf32, #tpu.memory_space<vmem>>
      %dma_wait3A_658 = arith.constant 0 : i32
      %dma_wait3A_659 = tpu.memref_slice %arg4[%squeeze3A_185, %dma_wait3A_658] : memref<1000000x64xf32, #tpu.memory_space<hbm>> -> memref<1x64xf32, #tpu.memory_space<hbm>>
      %dma_wait3A_660 = tpu.memref_squeeze %dma_wait3A_659 : memref<1x64xf32, #tpu.memory_space<hbm>> -> memref<64xf32, #tpu.memory_space<hbm>>
      %dma_wait3A_661 = arith.constant 0 : i32
      %dma_wait3A_662 = tpu.memref_slice %arg9[%add3A_187, %dma_wait3A_661] : memref<256x64xf32, #tpu.memory_space<vmem>> -> memref<1x64xf32, #tpu.memory_space<vmem>>
      %dma_wait3A_663 = tpu.memref_squeeze %dma_wait3A_662 : memref<1x64xf32, #tpu.memory_space<vmem>> -> memref<64xf32, #tpu.memory_space<vmem>>
      %dma_wait3A_664 = arith.constant 0 : i32
      %dma_wait3A_665 = tpu.memref_slice %arg4[%squeeze3A_185, %dma_wait3A_664] : memref<1000000x64xf32, #tpu.memory_space<hbm>> -> memref<1x64xf32, #tpu.memory_space<hbm>>
      %dma_wait3A_666 = tpu.memref_squeeze %dma_wait3A_665 : memref<1x64xf32, #tpu.memory_space<hbm>> -> memref<64xf32, #tpu.memory_space<hbm>>
      tpu.wait_dma2 semaphore(%arg13 : memref<!tpu.dma_semaphore, #tpu.memory_space<semaphore_mem>>) src(%dma_wait3A_666 : memref<64xf32, #tpu.memory_space<hbm>>) dst(%dma_wait3A_663 : memref<64xf32, #tpu.memory_space<vmem>>)
      %dma_wait3A_667 = arith.constant 0 : i32
      %dma_wait3A_668 = tpu.memref_slice %arg10[%add3A_203, %dma_wait3A_667] : memref<256x64xf32, #tpu.memory_space<vmem>> -> memref<1x64xf32, #tpu.memory_space<vmem>>
      %dma_wait3A_669 = tpu.memref_squeeze %dma_wait3A_668 : memref<1x64xf32, #tpu.memory_space<vmem>> -> memref<64xf32, #tpu.memory_space<vmem>>
      %dma_wait3A_670 = arith.constant 0 : i32
      %dma_wait3A_671 = tpu.memref_slice %arg5[%squeeze3A_201, %dma_wait3A_670] : memref<1000000x64xf32, #tpu.memory_space<hbm>> -> memref<1x64xf32, #tpu.memory_space<hbm>>
      %dma_wait3A_672 = tpu.memref_squeeze %dma_wait3A_671 : memref<1x64xf32, #tpu.memory_space<hbm>> -> memref<64xf32, #tpu.memory_space<hbm>>
      %dma_wait3A_673 = arith.constant 0 : i32
      %dma_wait3A_674 = tpu.memref_slice %arg10[%add3A_203, %dma_wait3A_673] : memref<256x64xf32, #tpu.memory_space<vmem>> -> memref<1x64xf32, #tpu.memory_space<vmem>>
      %dma_wait3A_675 = tpu.memref_squeeze %dma_wait3A_674 : memref<1x64xf32, #tpu.memory_space<vmem>> -> memref<64xf32, #tpu.memory_space<vmem>>
      %dma_wait3A_676 = arith.constant 0 : i32
      %dma_wait3A_677 = tpu.memref_slice %arg5[%squeeze3A_201, %dma_wait3A_676] : memref<1000000x64xf32, #tpu.memory_space<hbm>> -> memref<1x64xf32, #tpu.memory_space<hbm>>
      %dma_wait3A_678 = tpu.memref_squeeze %dma_wait3A_677 : memref<1x64xf32, #tpu.memory_space<hbm>> -> memref<64xf32, #tpu.memory_space<hbm>>
      tpu.wait_dma2 semaphore(%arg14 : memref<!tpu.dma_semaphore, #tpu.memory_space<semaphore_mem>>) src(%dma_wait3A_678 : memref<64xf32, #tpu.memory_space<hbm>>) dst(%dma_wait3A_675 : memref<64xf32, #tpu.memory_space<vmem>>)
      %dma_wait3A_679 = arith.constant 0 : i32
      %dma_wait3A_680 = tpu.memref_slice %arg9[%add3A_219, %dma_wait3A_679] : memref<256x64xf32, #tpu.memory_space<vmem>> -> memref<1x64xf32, #tpu.memory_space<vmem>>
      %dma_wait3A_681 = tpu.memref_squeeze %dma_wait3A_680 : memref<1x64xf32, #tpu.memory_space<vmem>> -> memref<64xf32, #tpu.memory_space<vmem>>
      %dma_wait3A_682 = arith.constant 0 : i32
      %dma_wait3A_683 = tpu.memref_slice %arg4[%squeeze3A_217, %dma_wait3A_682] : memref<1000000x64xf32, #tpu.memory_space<hbm>> -> memref<1x64xf32, #tpu.memory_space<hbm>>
      %dma_wait3A_684 = tpu.memref_squeeze %dma_wait3A_683 : memref<1x64xf32, #tpu.memory_space<hbm>> -> memref<64xf32, #tpu.memory_space<hbm>>
      %dma_wait3A_685 = arith.constant 0 : i32
      %dma_wait3A_686 = tpu.memref_slice %arg9[%add3A_219, %dma_wait3A_685] : memref<256x64xf32, #tpu.memory_space<vmem>> -> memref<1x64xf32, #tpu.memory_space<vmem>>
      %dma_wait3A_687 = tpu.memref_squeeze %dma_wait3A_686 : memref<1x64xf32, #tpu.memory_space<vmem>> -> memref<64xf32, #tpu.memory_space<vmem>>
      %dma_wait3A_688 = arith.constant 0 : i32
      %dma_wait3A_689 = tpu.memref_slice %arg4[%squeeze3A_217, %dma_wait3A_688] : memref<1000000x64xf32, #tpu.memory_space<hbm>> -> memref<1x64xf32, #tpu.memory_space<hbm>>
      %dma_wait3A_690 = tpu.memref_squeeze %dma_wait3A_689 : memref<1x64xf32, #tpu.memory_space<hbm>> -> memref<64xf32, #tpu.memory_space<hbm>>
      tpu.wait_dma2 semaphore(%arg13 : memref<!tpu.dma_semaphore, #tpu.memory_space<semaphore_mem>>) src(%dma_wait3A_690 : memref<64xf32, #tpu.memory_space<hbm>>) dst(%dma_wait3A_687 : memref<64xf32, #tpu.memory_space<vmem>>)
      %dma_wait3A_691 = arith.constant 0 : i32
      %dma_wait3A_692 = tpu.memref_slice %arg10[%add3A_235, %dma_wait3A_691] : memref<256x64xf32, #tpu.memory_space<vmem>> -> memref<1x64xf32, #tpu.memory_space<vmem>>
      %dma_wait3A_693 = tpu.memref_squeeze %dma_wait3A_692 : memref<1x64xf32, #tpu.memory_space<vmem>> -> memref<64xf32, #tpu.memory_space<vmem>>
      %dma_wait3A_694 = arith.constant 0 : i32
      %dma_wait3A_695 = tpu.memref_slice %arg5[%squeeze3A_233, %dma_wait3A_694] : memref<1000000x64xf32, #tpu.memory_space<hbm>> -> memref<1x64xf32, #tpu.memory_space<hbm>>
      %dma_wait3A_696 = tpu.memref_squeeze %dma_wait3A_695 : memref<1x64xf32, #tpu.memory_space<hbm>> -> memref<64xf32, #tpu.memory_space<hbm>>
      %dma_wait3A_697 = arith.constant 0 : i32
      %dma_wait3A_698 = tpu.memref_slice %arg10[%add3A_235, %dma_wait3A_697] : memref<256x64xf32, #tpu.memory_space<vmem>> -> memref<1x64xf32, #tpu.memory_space<vmem>>
      %dma_wait3A_699 = tpu.memref_squeeze %dma_wait3A_698 : memref<1x64xf32, #tpu.memory_space<vmem>> -> memref<64xf32, #tpu.memory_space<vmem>>
      %dma_wait3A_700 = arith.constant 0 : i32
      %dma_wait3A_701 = tpu.memref_slice %arg5[%squeeze3A_233, %dma_wait3A_700] : memref<1000000x64xf32, #tpu.memory_space<hbm>> -> memref<1x64xf32, #tpu.memory_space<hbm>>
      %dma_wait3A_702 = tpu.memref_squeeze %dma_wait3A_701 : memref<1x64xf32, #tpu.memory_space<hbm>> -> memref<64xf32, #tpu.memory_space<hbm>>
      tpu.wait_dma2 semaphore(%arg14 : memref<!tpu.dma_semaphore, #tpu.memory_space<semaphore_mem>>) src(%dma_wait3A_702 : memref<64xf32, #tpu.memory_space<hbm>>) dst(%dma_wait3A_699 : memref<64xf32, #tpu.memory_space<vmem>>)
      %dma_wait3A_703 = arith.constant 0 : i32
      %dma_wait3A_704 = tpu.memref_slice %arg9[%add3A_251, %dma_wait3A_703] : memref<256x64xf32, #tpu.memory_space<vmem>> -> memref<1x64xf32, #tpu.memory_space<vmem>>
      %dma_wait3A_705 = tpu.memref_squeeze %dma_wait3A_704 : memref<1x64xf32, #tpu.memory_space<vmem>> -> memref<64xf32, #tpu.memory_space<vmem>>
      %dma_wait3A_706 = arith.constant 0 : i32
      %dma_wait3A_707 = tpu.memref_slice %arg4[%squeeze3A_249, %dma_wait3A_706] : memref<1000000x64xf32, #tpu.memory_space<hbm>> -> memref<1x64xf32, #tpu.memory_space<hbm>>
      %dma_wait3A_708 = tpu.memref_squeeze %dma_wait3A_707 : memref<1x64xf32, #tpu.memory_space<hbm>> -> memref<64xf32, #tpu.memory_space<hbm>>
      %dma_wait3A_709 = arith.constant 0 : i32
      %dma_wait3A_710 = tpu.memref_slice %arg9[%add3A_251, %dma_wait3A_709] : memref<256x64xf32, #tpu.memory_space<vmem>> -> memref<1x64xf32, #tpu.memory_space<vmem>>
      %dma_wait3A_711 = tpu.memref_squeeze %dma_wait3A_710 : memref<1x64xf32, #tpu.memory_space<vmem>> -> memref<64xf32, #tpu.memory_space<vmem>>
      %dma_wait3A_712 = arith.constant 0 : i32
      %dma_wait3A_713 = tpu.memref_slice %arg4[%squeeze3A_249, %dma_wait3A_712] : memref<1000000x64xf32, #tpu.memory_space<hbm>> -> memref<1x64xf32, #tpu.memory_space<hbm>>
      %dma_wait3A_714 = tpu.memref_squeeze %dma_wait3A_713 : memref<1x64xf32, #tpu.memory_space<hbm>> -> memref<64xf32, #tpu.memory_space<hbm>>
      tpu.wait_dma2 semaphore(%arg13 : memref<!tpu.dma_semaphore, #tpu.memory_space<semaphore_mem>>) src(%dma_wait3A_714 : memref<64xf32, #tpu.memory_space<hbm>>) dst(%dma_wait3A_711 : memref<64xf32, #tpu.memory_space<vmem>>)
      %dma_wait3A_715 = arith.constant 0 : i32
      %dma_wait3A_716 = tpu.memref_slice %arg10[%add3A_267, %dma_wait3A_715] : memref<256x64xf32, #tpu.memory_space<vmem>> -> memref<1x64xf32, #tpu.memory_space<vmem>>
      %dma_wait3A_717 = tpu.memref_squeeze %dma_wait3A_716 : memref<1x64xf32, #tpu.memory_space<vmem>> -> memref<64xf32, #tpu.memory_space<vmem>>
      %dma_wait3A_718 = arith.constant 0 : i32
      %dma_wait3A_719 = tpu.memref_slice %arg5[%squeeze3A_265, %dma_wait3A_718] : memref<1000000x64xf32, #tpu.memory_space<hbm>> -> memref<1x64xf32, #tpu.memory_space<hbm>>
      %dma_wait3A_720 = tpu.memref_squeeze %dma_wait3A_719 : memref<1x64xf32, #tpu.memory_space<hbm>> -> memref<64xf32, #tpu.memory_space<hbm>>
      %dma_wait3A_721 = arith.constant 0 : i32
      %dma_wait3A_722 = tpu.memref_slice %arg10[%add3A_267, %dma_wait3A_721] : memref<256x64xf32, #tpu.memory_space<vmem>> -> memref<1x64xf32, #tpu.memory_space<vmem>>
      %dma_wait3A_723 = tpu.memref_squeeze %dma_wait3A_722 : memref<1x64xf32, #tpu.memory_space<vmem>> -> memref<64xf32, #tpu.memory_space<vmem>>
      %dma_wait3A_724 = arith.constant 0 : i32
      %dma_wait3A_725 = tpu.memref_slice %arg5[%squeeze3A_265, %dma_wait3A_724] : memref<1000000x64xf32, #tpu.memory_space<hbm>> -> memref<1x64xf32, #tpu.memory_space<hbm>>
      %dma_wait3A_726 = tpu.memref_squeeze %dma_wait3A_725 : memref<1x64xf32, #tpu.memory_space<hbm>> -> memref<64xf32, #tpu.memory_space<hbm>>
      tpu.wait_dma2 semaphore(%arg14 : memref<!tpu.dma_semaphore, #tpu.memory_space<semaphore_mem>>) src(%dma_wait3A_726 : memref<64xf32, #tpu.memory_space<hbm>>) dst(%dma_wait3A_723 : memref<64xf32, #tpu.memory_space<vmem>>)
      %dma_wait3A_727 = arith.constant 0 : i32
      %dma_wait3A_728 = tpu.memref_slice %arg9[%add3A_283, %dma_wait3A_727] : memref<256x64xf32, #tpu.memory_space<vmem>> -> memref<1x64xf32, #tpu.memory_space<vmem>>
      %dma_wait3A_729 = tpu.memref_squeeze %dma_wait3A_728 : memref<1x64xf32, #tpu.memory_space<vmem>> -> memref<64xf32, #tpu.memory_space<vmem>>
      %dma_wait3A_730 = arith.constant 0 : i32
      %dma_wait3A_731 = tpu.memref_slice %arg4[%squeeze3A_281, %dma_wait3A_730] : memref<1000000x64xf32, #tpu.memory_space<hbm>> -> memref<1x64xf32, #tpu.memory_space<hbm>>
      %dma_wait3A_732 = tpu.memref_squeeze %dma_wait3A_731 : memref<1x64xf32, #tpu.memory_space<hbm>> -> memref<64xf32, #tpu.memory_space<hbm>>
      %dma_wait3A_733 = arith.constant 0 : i32
      %dma_wait3A_734 = tpu.memref_slice %arg9[%add3A_283, %dma_wait3A_733] : memref<256x64xf32, #tpu.memory_space<vmem>> -> memref<1x64xf32, #tpu.memory_space<vmem>>
      %dma_wait3A_735 = tpu.memref_squeeze %dma_wait3A_734 : memref<1x64xf32, #tpu.memory_space<vmem>> -> memref<64xf32, #tpu.memory_space<vmem>>
      %dma_wait3A_736 = arith.constant 0 : i32
      %dma_wait3A_737 = tpu.memref_slice %arg4[%squeeze3A_281, %dma_wait3A_736] : memref<1000000x64xf32, #tpu.memory_space<hbm>> -> memref<1x64xf32, #tpu.memory_space<hbm>>
      %dma_wait3A_738 = tpu.memref_squeeze %dma_wait3A_737 : memref<1x64xf32, #tpu.memory_space<hbm>> -> memref<64xf32, #tpu.memory_space<hbm>>
      tpu.wait_dma2 semaphore(%arg13 : memref<!tpu.dma_semaphore, #tpu.memory_space<semaphore_mem>>) src(%dma_wait3A_738 : memref<64xf32, #tpu.memory_space<hbm>>) dst(%dma_wait3A_735 : memref<64xf32, #tpu.memory_space<vmem>>)
      %dma_wait3A_739 = arith.constant 0 : i32
      %dma_wait3A_740 = tpu.memref_slice %arg10[%add3A_299, %dma_wait3A_739] : memref<256x64xf32, #tpu.memory_space<vmem>> -> memref<1x64xf32, #tpu.memory_space<vmem>>
      %dma_wait3A_741 = tpu.memref_squeeze %dma_wait3A_740 : memref<1x64xf32, #tpu.memory_space<vmem>> -> memref<64xf32, #tpu.memory_space<vmem>>
      %dma_wait3A_742 = arith.constant 0 : i32
      %dma_wait3A_743 = tpu.memref_slice %arg5[%squeeze3A_297, %dma_wait3A_742] : memref<1000000x64xf32, #tpu.memory_space<hbm>> -> memref<1x64xf32, #tpu.memory_space<hbm>>
      %dma_wait3A_744 = tpu.memref_squeeze %dma_wait3A_743 : memref<1x64xf32, #tpu.memory_space<hbm>> -> memref<64xf32, #tpu.memory_space<hbm>>
      %dma_wait3A_745 = arith.constant 0 : i32
      %dma_wait3A_746 = tpu.memref_slice %arg10[%add3A_299, %dma_wait3A_745] : memref<256x64xf32, #tpu.memory_space<vmem>> -> memref<1x64xf32, #tpu.memory_space<vmem>>
      %dma_wait3A_747 = tpu.memref_squeeze %dma_wait3A_746 : memref<1x64xf32, #tpu.memory_space<vmem>> -> memref<64xf32, #tpu.memory_space<vmem>>
      %dma_wait3A_748 = arith.constant 0 : i32
      %dma_wait3A_749 = tpu.memref_slice %arg5[%squeeze3A_297, %dma_wait3A_748] : memref<1000000x64xf32, #tpu.memory_space<hbm>> -> memref<1x64xf32, #tpu.memory_space<hbm>>
      %dma_wait3A_750 = tpu.memref_squeeze %dma_wait3A_749 : memref<1x64xf32, #tpu.memory_space<hbm>> -> memref<64xf32, #tpu.memory_space<hbm>>
      tpu.wait_dma2 semaphore(%arg14 : memref<!tpu.dma_semaphore, #tpu.memory_space<semaphore_mem>>) src(%dma_wait3A_750 : memref<64xf32, #tpu.memory_space<hbm>>) dst(%dma_wait3A_747 : memref<64xf32, #tpu.memory_space<vmem>>)
      %dma_wait3A_751 = arith.constant 0 : i32
      %dma_wait3A_752 = tpu.memref_slice %arg9[%add3A_315, %dma_wait3A_751] : memref<256x64xf32, #tpu.memory_space<vmem>> -> memref<1x64xf32, #tpu.memory_space<vmem>>
      %dma_wait3A_753 = tpu.memref_squeeze %dma_wait3A_752 : memref<1x64xf32, #tpu.memory_space<vmem>> -> memref<64xf32, #tpu.memory_space<vmem>>
      %dma_wait3A_754 = arith.constant 0 : i32
      %dma_wait3A_755 = tpu.memref_slice %arg4[%squeeze3A_313, %dma_wait3A_754] : memref<1000000x64xf32, #tpu.memory_space<hbm>> -> memref<1x64xf32, #tpu.memory_space<hbm>>
      %dma_wait3A_756 = tpu.memref_squeeze %dma_wait3A_755 : memref<1x64xf32, #tpu.memory_space<hbm>> -> memref<64xf32, #tpu.memory_space<hbm>>
      %dma_wait3A_757 = arith.constant 0 : i32
      %dma_wait3A_758 = tpu.memref_slice %arg9[%add3A_315, %dma_wait3A_757] : memref<256x64xf32, #tpu.memory_space<vmem>> -> memref<1x64xf32, #tpu.memory_space<vmem>>
      %dma_wait3A_759 = tpu.memref_squeeze %dma_wait3A_758 : memref<1x64xf32, #tpu.memory_space<vmem>> -> memref<64xf32, #tpu.memory_space<vmem>>
      %dma_wait3A_760 = arith.constant 0 : i32
      %dma_wait3A_761 = tpu.memref_slice %arg4[%squeeze3A_313, %dma_wait3A_760] : memref<1000000x64xf32, #tpu.memory_space<hbm>> -> memref<1x64xf32, #tpu.memory_space<hbm>>
      %dma_wait3A_762 = tpu.memref_squeeze %dma_wait3A_761 : memref<1x64xf32, #tpu.memory_space<hbm>> -> memref<64xf32, #tpu.memory_space<hbm>>
      tpu.wait_dma2 semaphore(%arg13 : memref<!tpu.dma_semaphore, #tpu.memory_space<semaphore_mem>>) src(%dma_wait3A_762 : memref<64xf32, #tpu.memory_space<hbm>>) dst(%dma_wait3A_759 : memref<64xf32, #tpu.memory_space<vmem>>)
      %dma_wait3A_763 = arith.constant 0 : i32
      %dma_wait3A_764 = tpu.memref_slice %arg10[%add3A_331, %dma_wait3A_763] : memref<256x64xf32, #tpu.memory_space<vmem>> -> memref<1x64xf32, #tpu.memory_space<vmem>>
      %dma_wait3A_765 = tpu.memref_squeeze %dma_wait3A_764 : memref<1x64xf32, #tpu.memory_space<vmem>> -> memref<64xf32, #tpu.memory_space<vmem>>
      %dma_wait3A_766 = arith.constant 0 : i32
      %dma_wait3A_767 = tpu.memref_slice %arg5[%squeeze3A_329, %dma_wait3A_766] : memref<1000000x64xf32, #tpu.memory_space<hbm>> -> memref<1x64xf32, #tpu.memory_space<hbm>>
      %dma_wait3A_768 = tpu.memref_squeeze %dma_wait3A_767 : memref<1x64xf32, #tpu.memory_space<hbm>> -> memref<64xf32, #tpu.memory_space<hbm>>
      %dma_wait3A_769 = arith.constant 0 : i32
      %dma_wait3A_770 = tpu.memref_slice %arg10[%add3A_331, %dma_wait3A_769] : memref<256x64xf32, #tpu.memory_space<vmem>> -> memref<1x64xf32, #tpu.memory_space<vmem>>
      %dma_wait3A_771 = tpu.memref_squeeze %dma_wait3A_770 : memref<1x64xf32, #tpu.memory_space<vmem>> -> memref<64xf32, #tpu.memory_space<vmem>>
      %dma_wait3A_772 = arith.constant 0 : i32
      %dma_wait3A_773 = tpu.memref_slice %arg5[%squeeze3A_329, %dma_wait3A_772] : memref<1000000x64xf32, #tpu.memory_space<hbm>> -> memref<1x64xf32, #tpu.memory_space<hbm>>
      %dma_wait3A_774 = tpu.memref_squeeze %dma_wait3A_773 : memref<1x64xf32, #tpu.memory_space<hbm>> -> memref<64xf32, #tpu.memory_space<hbm>>
      tpu.wait_dma2 semaphore(%arg14 : memref<!tpu.dma_semaphore, #tpu.memory_space<semaphore_mem>>) src(%dma_wait3A_774 : memref<64xf32, #tpu.memory_space<hbm>>) dst(%dma_wait3A_771 : memref<64xf32, #tpu.memory_space<vmem>>)
      %dma_wait3A_775 = arith.constant 0 : i32
      %dma_wait3A_776 = tpu.memref_slice %arg9[%add3A_347, %dma_wait3A_775] : memref<256x64xf32, #tpu.memory_space<vmem>> -> memref<1x64xf32, #tpu.memory_space<vmem>>
      %dma_wait3A_777 = tpu.memref_squeeze %dma_wait3A_776 : memref<1x64xf32, #tpu.memory_space<vmem>> -> memref<64xf32, #tpu.memory_space<vmem>>
      %dma_wait3A_778 = arith.constant 0 : i32
      %dma_wait3A_779 = tpu.memref_slice %arg4[%squeeze3A_345, %dma_wait3A_778] : memref<1000000x64xf32, #tpu.memory_space<hbm>> -> memref<1x64xf32, #tpu.memory_space<hbm>>
      %dma_wait3A_780 = tpu.memref_squeeze %dma_wait3A_779 : memref<1x64xf32, #tpu.memory_space<hbm>> -> memref<64xf32, #tpu.memory_space<hbm>>
      %dma_wait3A_781 = arith.constant 0 : i32
      %dma_wait3A_782 = tpu.memref_slice %arg9[%add3A_347, %dma_wait3A_781] : memref<256x64xf32, #tpu.memory_space<vmem>> -> memref<1x64xf32, #tpu.memory_space<vmem>>
      %dma_wait3A_783 = tpu.memref_squeeze %dma_wait3A_782 : memref<1x64xf32, #tpu.memory_space<vmem>> -> memref<64xf32, #tpu.memory_space<vmem>>
      %dma_wait3A_784 = arith.constant 0 : i32
      %dma_wait3A_785 = tpu.memref_slice %arg4[%squeeze3A_345, %dma_wait3A_784] : memref<1000000x64xf32, #tpu.memory_space<hbm>> -> memref<1x64xf32, #tpu.memory_space<hbm>>
      %dma_wait3A_786 = tpu.memref_squeeze %dma_wait3A_785 : memref<1x64xf32, #tpu.memory_space<hbm>> -> memref<64xf32, #tpu.memory_space<hbm>>
      tpu.wait_dma2 semaphore(%arg13 : memref<!tpu.dma_semaphore, #tpu.memory_space<semaphore_mem>>) src(%dma_wait3A_786 : memref<64xf32, #tpu.memory_space<hbm>>) dst(%dma_wait3A_783 : memref<64xf32, #tpu.memory_space<vmem>>)
      %dma_wait3A_787 = arith.constant 0 : i32
      %dma_wait3A_788 = tpu.memref_slice %arg10[%add3A_363, %dma_wait3A_787] : memref<256x64xf32, #tpu.memory_space<vmem>> -> memref<1x64xf32, #tpu.memory_space<vmem>>
      %dma_wait3A_789 = tpu.memref_squeeze %dma_wait3A_788 : memref<1x64xf32, #tpu.memory_space<vmem>> -> memref<64xf32, #tpu.memory_space<vmem>>
      %dma_wait3A_790 = arith.constant 0 : i32
      %dma_wait3A_791 = tpu.memref_slice %arg5[%squeeze3A_361, %dma_wait3A_790] : memref<1000000x64xf32, #tpu.memory_space<hbm>> -> memref<1x64xf32, #tpu.memory_space<hbm>>
      %dma_wait3A_792 = tpu.memref_squeeze %dma_wait3A_791 : memref<1x64xf32, #tpu.memory_space<hbm>> -> memref<64xf32, #tpu.memory_space<hbm>>
      %dma_wait3A_793 = arith.constant 0 : i32
      %dma_wait3A_794 = tpu.memref_slice %arg10[%add3A_363, %dma_wait3A_793] : memref<256x64xf32, #tpu.memory_space<vmem>> -> memref<1x64xf32, #tpu.memory_space<vmem>>
      %dma_wait3A_795 = tpu.memref_squeeze %dma_wait3A_794 : memref<1x64xf32, #tpu.memory_space<vmem>> -> memref<64xf32, #tpu.memory_space<vmem>>
      %dma_wait3A_796 = arith.constant 0 : i32
      %dma_wait3A_797 = tpu.memref_slice %arg5[%squeeze3A_361, %dma_wait3A_796] : memref<1000000x64xf32, #tpu.memory_space<hbm>> -> memref<1x64xf32, #tpu.memory_space<hbm>>
      %dma_wait3A_798 = tpu.memref_squeeze %dma_wait3A_797 : memref<1x64xf32, #tpu.memory_space<hbm>> -> memref<64xf32, #tpu.memory_space<hbm>>
      tpu.wait_dma2 semaphore(%arg14 : memref<!tpu.dma_semaphore, #tpu.memory_space<semaphore_mem>>) src(%dma_wait3A_798 : memref<64xf32, #tpu.memory_space<hbm>>) dst(%dma_wait3A_795 : memref<64xf32, #tpu.memory_space<vmem>>)
      %dma_wait3A_799 = arith.constant 0 : i32
      %dma_wait3A_800 = tpu.memref_slice %arg9[%add3A_379, %dma_wait3A_799] : memref<256x64xf32, #tpu.memory_space<vmem>> -> memref<1x64xf32, #tpu.memory_space<vmem>>
      %dma_wait3A_801 = tpu.memref_squeeze %dma_wait3A_800 : memref<1x64xf32, #tpu.memory_space<vmem>> -> memref<64xf32, #tpu.memory_space<vmem>>
      %dma_wait3A_802 = arith.constant 0 : i32
      %dma_wait3A_803 = tpu.memref_slice %arg4[%squeeze3A_377, %dma_wait3A_802] : memref<1000000x64xf32, #tpu.memory_space<hbm>> -> memref<1x64xf32, #tpu.memory_space<hbm>>
      %dma_wait3A_804 = tpu.memref_squeeze %dma_wait3A_803 : memref<1x64xf32, #tpu.memory_space<hbm>> -> memref<64xf32, #tpu.memory_space<hbm>>
      %dma_wait3A_805 = arith.constant 0 : i32
      %dma_wait3A_806 = tpu.memref_slice %arg9[%add3A_379, %dma_wait3A_805] : memref<256x64xf32, #tpu.memory_space<vmem>> -> memref<1x64xf32, #tpu.memory_space<vmem>>
      %dma_wait3A_807 = tpu.memref_squeeze %dma_wait3A_806 : memref<1x64xf32, #tpu.memory_space<vmem>> -> memref<64xf32, #tpu.memory_space<vmem>>
      %dma_wait3A_808 = arith.constant 0 : i32
      %dma_wait3A_809 = tpu.memref_slice %arg4[%squeeze3A_377, %dma_wait3A_808] : memref<1000000x64xf32, #tpu.memory_space<hbm>> -> memref<1x64xf32, #tpu.memory_space<hbm>>
      %dma_wait3A_810 = tpu.memref_squeeze %dma_wait3A_809 : memref<1x64xf32, #tpu.memory_space<hbm>> -> memref<64xf32, #tpu.memory_space<hbm>>
      tpu.wait_dma2 semaphore(%arg13 : memref<!tpu.dma_semaphore, #tpu.memory_space<semaphore_mem>>) src(%dma_wait3A_810 : memref<64xf32, #tpu.memory_space<hbm>>) dst(%dma_wait3A_807 : memref<64xf32, #tpu.memory_space<vmem>>)
      %dma_wait3A_811 = arith.constant 0 : i32
      %dma_wait3A_812 = tpu.memref_slice %arg10[%add3A_395, %dma_wait3A_811] : memref<256x64xf32, #tpu.memory_space<vmem>> -> memref<1x64xf32, #tpu.memory_space<vmem>>
      %dma_wait3A_813 = tpu.memref_squeeze %dma_wait3A_812 : memref<1x64xf32, #tpu.memory_space<vmem>> -> memref<64xf32, #tpu.memory_space<vmem>>
      %dma_wait3A_814 = arith.constant 0 : i32
      %dma_wait3A_815 = tpu.memref_slice %arg5[%squeeze3A_393, %dma_wait3A_814] : memref<1000000x64xf32, #tpu.memory_space<hbm>> -> memref<1x64xf32, #tpu.memory_space<hbm>>
      %dma_wait3A_816 = tpu.memref_squeeze %dma_wait3A_815 : memref<1x64xf32, #tpu.memory_space<hbm>> -> memref<64xf32, #tpu.memory_space<hbm>>
      %dma_wait3A_817 = arith.constant 0 : i32
      %dma_wait3A_818 = tpu.memref_slice %arg10[%add3A_395, %dma_wait3A_817] : memref<256x64xf32, #tpu.memory_space<vmem>> -> memref<1x64xf32, #tpu.memory_space<vmem>>
      %dma_wait3A_819 = tpu.memref_squeeze %dma_wait3A_818 : memref<1x64xf32, #tpu.memory_space<vmem>> -> memref<64xf32, #tpu.memory_space<vmem>>
      %dma_wait3A_820 = arith.constant 0 : i32
      %dma_wait3A_821 = tpu.memref_slice %arg5[%squeeze3A_393, %dma_wait3A_820] : memref<1000000x64xf32, #tpu.memory_space<hbm>> -> memref<1x64xf32, #tpu.memory_space<hbm>>
      %dma_wait3A_822 = tpu.memref_squeeze %dma_wait3A_821 : memref<1x64xf32, #tpu.memory_space<hbm>> -> memref<64xf32, #tpu.memory_space<hbm>>
      tpu.wait_dma2 semaphore(%arg14 : memref<!tpu.dma_semaphore, #tpu.memory_space<semaphore_mem>>) src(%dma_wait3A_822 : memref<64xf32, #tpu.memory_space<hbm>>) dst(%dma_wait3A_819 : memref<64xf32, #tpu.memory_space<vmem>>)
      %dma_wait3A_823 = arith.constant 0 : i32
      %dma_wait3A_824 = tpu.memref_slice %arg9[%add3A_411, %dma_wait3A_823] : memref<256x64xf32, #tpu.memory_space<vmem>> -> memref<1x64xf32, #tpu.memory_space<vmem>>
      %dma_wait3A_825 = tpu.memref_squeeze %dma_wait3A_824 : memref<1x64xf32, #tpu.memory_space<vmem>> -> memref<64xf32, #tpu.memory_space<vmem>>
      %dma_wait3A_826 = arith.constant 0 : i32
      %dma_wait3A_827 = tpu.memref_slice %arg4[%squeeze3A_409, %dma_wait3A_826] : memref<1000000x64xf32, #tpu.memory_space<hbm>> -> memref<1x64xf32, #tpu.memory_space<hbm>>
      %dma_wait3A_828 = tpu.memref_squeeze %dma_wait3A_827 : memref<1x64xf32, #tpu.memory_space<hbm>> -> memref<64xf32, #tpu.memory_space<hbm>>
      %dma_wait3A_829 = arith.constant 0 : i32
      %dma_wait3A_830 = tpu.memref_slice %arg9[%add3A_411, %dma_wait3A_829] : memref<256x64xf32, #tpu.memory_space<vmem>> -> memref<1x64xf32, #tpu.memory_space<vmem>>
      %dma_wait3A_831 = tpu.memref_squeeze %dma_wait3A_830 : memref<1x64xf32, #tpu.memory_space<vmem>> -> memref<64xf32, #tpu.memory_space<vmem>>
      %dma_wait3A_832 = arith.constant 0 : i32
      %dma_wait3A_833 = tpu.memref_slice %arg4[%squeeze3A_409, %dma_wait3A_832] : memref<1000000x64xf32, #tpu.memory_space<hbm>> -> memref<1x64xf32, #tpu.memory_space<hbm>>
      %dma_wait3A_834 = tpu.memref_squeeze %dma_wait3A_833 : memref<1x64xf32, #tpu.memory_space<hbm>> -> memref<64xf32, #tpu.memory_space<hbm>>
      tpu.wait_dma2 semaphore(%arg13 : memref<!tpu.dma_semaphore, #tpu.memory_space<semaphore_mem>>) src(%dma_wait3A_834 : memref<64xf32, #tpu.memory_space<hbm>>) dst(%dma_wait3A_831 : memref<64xf32, #tpu.memory_space<vmem>>)
      %dma_wait3A_835 = arith.constant 0 : i32
      %dma_wait3A_836 = tpu.memref_slice %arg10[%add3A_427, %dma_wait3A_835] : memref<256x64xf32, #tpu.memory_space<vmem>> -> memref<1x64xf32, #tpu.memory_space<vmem>>
      %dma_wait3A_837 = tpu.memref_squeeze %dma_wait3A_836 : memref<1x64xf32, #tpu.memory_space<vmem>> -> memref<64xf32, #tpu.memory_space<vmem>>
      %dma_wait3A_838 = arith.constant 0 : i32
      %dma_wait3A_839 = tpu.memref_slice %arg5[%squeeze3A_425, %dma_wait3A_838] : memref<1000000x64xf32, #tpu.memory_space<hbm>> -> memref<1x64xf32, #tpu.memory_space<hbm>>
      %dma_wait3A_840 = tpu.memref_squeeze %dma_wait3A_839 : memref<1x64xf32, #tpu.memory_space<hbm>> -> memref<64xf32, #tpu.memory_space<hbm>>
      %dma_wait3A_841 = arith.constant 0 : i32
      %dma_wait3A_842 = tpu.memref_slice %arg10[%add3A_427, %dma_wait3A_841] : memref<256x64xf32, #tpu.memory_space<vmem>> -> memref<1x64xf32, #tpu.memory_space<vmem>>
      %dma_wait3A_843 = tpu.memref_squeeze %dma_wait3A_842 : memref<1x64xf32, #tpu.memory_space<vmem>> -> memref<64xf32, #tpu.memory_space<vmem>>
      %dma_wait3A_844 = arith.constant 0 : i32
      %dma_wait3A_845 = tpu.memref_slice %arg5[%squeeze3A_425, %dma_wait3A_844] : memref<1000000x64xf32, #tpu.memory_space<hbm>> -> memref<1x64xf32, #tpu.memory_space<hbm>>
      %dma_wait3A_846 = tpu.memref_squeeze %dma_wait3A_845 : memref<1x64xf32, #tpu.memory_space<hbm>> -> memref<64xf32, #tpu.memory_space<hbm>>
      tpu.wait_dma2 semaphore(%arg14 : memref<!tpu.dma_semaphore, #tpu.memory_space<semaphore_mem>>) src(%dma_wait3A_846 : memref<64xf32, #tpu.memory_space<hbm>>) dst(%dma_wait3A_843 : memref<64xf32, #tpu.memory_space<vmem>>)
      %dma_wait3A_847 = arith.constant 0 : i32
      %dma_wait3A_848 = tpu.memref_slice %arg9[%add3A_443, %dma_wait3A_847] : memref<256x64xf32, #tpu.memory_space<vmem>> -> memref<1x64xf32, #tpu.memory_space<vmem>>
      %dma_wait3A_849 = tpu.memref_squeeze %dma_wait3A_848 : memref<1x64xf32, #tpu.memory_space<vmem>> -> memref<64xf32, #tpu.memory_space<vmem>>
      %dma_wait3A_850 = arith.constant 0 : i32
      %dma_wait3A_851 = tpu.memref_slice %arg4[%squeeze3A_441, %dma_wait3A_850] : memref<1000000x64xf32, #tpu.memory_space<hbm>> -> memref<1x64xf32, #tpu.memory_space<hbm>>
      %dma_wait3A_852 = tpu.memref_squeeze %dma_wait3A_851 : memref<1x64xf32, #tpu.memory_space<hbm>> -> memref<64xf32, #tpu.memory_space<hbm>>
      %dma_wait3A_853 = arith.constant 0 : i32
      %dma_wait3A_854 = tpu.memref_slice %arg9[%add3A_443, %dma_wait3A_853] : memref<256x64xf32, #tpu.memory_space<vmem>> -> memref<1x64xf32, #tpu.memory_space<vmem>>
      %dma_wait3A_855 = tpu.memref_squeeze %dma_wait3A_854 : memref<1x64xf32, #tpu.memory_space<vmem>> -> memref<64xf32, #tpu.memory_space<vmem>>
      %dma_wait3A_856 = arith.constant 0 : i32
      %dma_wait3A_857 = tpu.memref_slice %arg4[%squeeze3A_441, %dma_wait3A_856] : memref<1000000x64xf32, #tpu.memory_space<hbm>> -> memref<1x64xf32, #tpu.memory_space<hbm>>
      %dma_wait3A_858 = tpu.memref_squeeze %dma_wait3A_857 : memref<1x64xf32, #tpu.memory_space<hbm>> -> memref<64xf32, #tpu.memory_space<hbm>>
      tpu.wait_dma2 semaphore(%arg13 : memref<!tpu.dma_semaphore, #tpu.memory_space<semaphore_mem>>) src(%dma_wait3A_858 : memref<64xf32, #tpu.memory_space<hbm>>) dst(%dma_wait3A_855 : memref<64xf32, #tpu.memory_space<vmem>>)
      %dma_wait3A_859 = arith.constant 0 : i32
      %dma_wait3A_860 = tpu.memref_slice %arg10[%add3A_459, %dma_wait3A_859] : memref<256x64xf32, #tpu.memory_space<vmem>> -> memref<1x64xf32, #tpu.memory_space<vmem>>
      %dma_wait3A_861 = tpu.memref_squeeze %dma_wait3A_860 : memref<1x64xf32, #tpu.memory_space<vmem>> -> memref<64xf32, #tpu.memory_space<vmem>>
      %dma_wait3A_862 = arith.constant 0 : i32
      %dma_wait3A_863 = tpu.memref_slice %arg5[%squeeze3A_457, %dma_wait3A_862] : memref<1000000x64xf32, #tpu.memory_space<hbm>> -> memref<1x64xf32, #tpu.memory_space<hbm>>
      %dma_wait3A_864 = tpu.memref_squeeze %dma_wait3A_863 : memref<1x64xf32, #tpu.memory_space<hbm>> -> memref<64xf32, #tpu.memory_space<hbm>>
      %dma_wait3A_865 = arith.constant 0 : i32
      %dma_wait3A_866 = tpu.memref_slice %arg10[%add3A_459, %dma_wait3A_865] : memref<256x64xf32, #tpu.memory_space<vmem>> -> memref<1x64xf32, #tpu.memory_space<vmem>>
      %dma_wait3A_867 = tpu.memref_squeeze %dma_wait3A_866 : memref<1x64xf32, #tpu.memory_space<vmem>> -> memref<64xf32, #tpu.memory_space<vmem>>
      %dma_wait3A_868 = arith.constant 0 : i32
      %dma_wait3A_869 = tpu.memref_slice %arg5[%squeeze3A_457, %dma_wait3A_868] : memref<1000000x64xf32, #tpu.memory_space<hbm>> -> memref<1x64xf32, #tpu.memory_space<hbm>>
      %dma_wait3A_870 = tpu.memref_squeeze %dma_wait3A_869 : memref<1x64xf32, #tpu.memory_space<hbm>> -> memref<64xf32, #tpu.memory_space<hbm>>
      tpu.wait_dma2 semaphore(%arg14 : memref<!tpu.dma_semaphore, #tpu.memory_space<semaphore_mem>>) src(%dma_wait3A_870 : memref<64xf32, #tpu.memory_space<hbm>>) dst(%dma_wait3A_867 : memref<64xf32, #tpu.memory_space<vmem>>)
      %dma_wait3A_871 = arith.constant 0 : i32
      %dma_wait3A_872 = tpu.memref_slice %arg9[%add3A_475, %dma_wait3A_871] : memref<256x64xf32, #tpu.memory_space<vmem>> -> memref<1x64xf32, #tpu.memory_space<vmem>>
      %dma_wait3A_873 = tpu.memref_squeeze %dma_wait3A_872 : memref<1x64xf32, #tpu.memory_space<vmem>> -> memref<64xf32, #tpu.memory_space<vmem>>
      %dma_wait3A_874 = arith.constant 0 : i32
      %dma_wait3A_875 = tpu.memref_slice %arg4[%squeeze3A_473, %dma_wait3A_874] : memref<1000000x64xf32, #tpu.memory_space<hbm>> -> memref<1x64xf32, #tpu.memory_space<hbm>>
      %dma_wait3A_876 = tpu.memref_squeeze %dma_wait3A_875 : memref<1x64xf32, #tpu.memory_space<hbm>> -> memref<64xf32, #tpu.memory_space<hbm>>
      %dma_wait3A_877 = arith.constant 0 : i32
      %dma_wait3A_878 = tpu.memref_slice %arg9[%add3A_475, %dma_wait3A_877] : memref<256x64xf32, #tpu.memory_space<vmem>> -> memref<1x64xf32, #tpu.memory_space<vmem>>
      %dma_wait3A_879 = tpu.memref_squeeze %dma_wait3A_878 : memref<1x64xf32, #tpu.memory_space<vmem>> -> memref<64xf32, #tpu.memory_space<vmem>>
      %dma_wait3A_880 = arith.constant 0 : i32
      %dma_wait3A_881 = tpu.memref_slice %arg4[%squeeze3A_473, %dma_wait3A_880] : memref<1000000x64xf32, #tpu.memory_space<hbm>> -> memref<1x64xf32, #tpu.memory_space<hbm>>
      %dma_wait3A_882 = tpu.memref_squeeze %dma_wait3A_881 : memref<1x64xf32, #tpu.memory_space<hbm>> -> memref<64xf32, #tpu.memory_space<hbm>>
      tpu.wait_dma2 semaphore(%arg13 : memref<!tpu.dma_semaphore, #tpu.memory_space<semaphore_mem>>) src(%dma_wait3A_882 : memref<64xf32, #tpu.memory_space<hbm>>) dst(%dma_wait3A_879 : memref<64xf32, #tpu.memory_space<vmem>>)
      %dma_wait3A_883 = arith.constant 0 : i32
      %dma_wait3A_884 = tpu.memref_slice %arg10[%add3A_491, %dma_wait3A_883] : memref<256x64xf32, #tpu.memory_space<vmem>> -> memref<1x64xf32, #tpu.memory_space<vmem>>
      %dma_wait3A_885 = tpu.memref_squeeze %dma_wait3A_884 : memref<1x64xf32, #tpu.memory_space<vmem>> -> memref<64xf32, #tpu.memory_space<vmem>>
      %dma_wait3A_886 = arith.constant 0 : i32
      %dma_wait3A_887 = tpu.memref_slice %arg5[%squeeze3A_489, %dma_wait3A_886] : memref<1000000x64xf32, #tpu.memory_space<hbm>> -> memref<1x64xf32, #tpu.memory_space<hbm>>
      %dma_wait3A_888 = tpu.memref_squeeze %dma_wait3A_887 : memref<1x64xf32, #tpu.memory_space<hbm>> -> memref<64xf32, #tpu.memory_space<hbm>>
      %dma_wait3A_889 = arith.constant 0 : i32
      %dma_wait3A_890 = tpu.memref_slice %arg10[%add3A_491, %dma_wait3A_889] : memref<256x64xf32, #tpu.memory_space<vmem>> -> memref<1x64xf32, #tpu.memory_space<vmem>>
      %dma_wait3A_891 = tpu.memref_squeeze %dma_wait3A_890 : memref<1x64xf32, #tpu.memory_space<vmem>> -> memref<64xf32, #tpu.memory_space<vmem>>
      %dma_wait3A_892 = arith.constant 0 : i32
      %dma_wait3A_893 = tpu.memref_slice %arg5[%squeeze3A_489, %dma_wait3A_892] : memref<1000000x64xf32, #tpu.memory_space<hbm>> -> memref<1x64xf32, #tpu.memory_space<hbm>>
      %dma_wait3A_894 = tpu.memref_squeeze %dma_wait3A_893 : memref<1x64xf32, #tpu.memory_space<hbm>> -> memref<64xf32, #tpu.memory_space<hbm>>
      tpu.wait_dma2 semaphore(%arg14 : memref<!tpu.dma_semaphore, #tpu.memory_space<semaphore_mem>>) src(%dma_wait3A_894 : memref<64xf32, #tpu.memory_space<hbm>>) dst(%dma_wait3A_891 : memref<64xf32, #tpu.memory_space<vmem>>)
      %dma_wait3A_895 = arith.constant 0 : i32
      %dma_wait3A_896 = tpu.memref_slice %arg9[%add3A_507, %dma_wait3A_895] : memref<256x64xf32, #tpu.memory_space<vmem>> -> memref<1x64xf32, #tpu.memory_space<vmem>>
      %dma_wait3A_897 = tpu.memref_squeeze %dma_wait3A_896 : memref<1x64xf32, #tpu.memory_space<vmem>> -> memref<64xf32, #tpu.memory_space<vmem>>
      %dma_wait3A_898 = arith.constant 0 : i32
      %dma_wait3A_899 = tpu.memref_slice %arg4[%squeeze3A_505, %dma_wait3A_898] : memref<1000000x64xf32, #tpu.memory_space<hbm>> -> memref<1x64xf32, #tpu.memory_space<hbm>>
      %dma_wait3A_900 = tpu.memref_squeeze %dma_wait3A_899 : memref<1x64xf32, #tpu.memory_space<hbm>> -> memref<64xf32, #tpu.memory_space<hbm>>
      %dma_wait3A_901 = arith.constant 0 : i32
      %dma_wait3A_902 = tpu.memref_slice %arg9[%add3A_507, %dma_wait3A_901] : memref<256x64xf32, #tpu.memory_space<vmem>> -> memref<1x64xf32, #tpu.memory_space<vmem>>
      %dma_wait3A_903 = tpu.memref_squeeze %dma_wait3A_902 : memref<1x64xf32, #tpu.memory_space<vmem>> -> memref<64xf32, #tpu.memory_space<vmem>>
      %dma_wait3A_904 = arith.constant 0 : i32
      %dma_wait3A_905 = tpu.memref_slice %arg4[%squeeze3A_505, %dma_wait3A_904] : memref<1000000x64xf32, #tpu.memory_space<hbm>> -> memref<1x64xf32, #tpu.memory_space<hbm>>
      %dma_wait3A_906 = tpu.memref_squeeze %dma_wait3A_905 : memref<1x64xf32, #tpu.memory_space<hbm>> -> memref<64xf32, #tpu.memory_space<hbm>>
      tpu.wait_dma2 semaphore(%arg13 : memref<!tpu.dma_semaphore, #tpu.memory_space<semaphore_mem>>) src(%dma_wait3A_906 : memref<64xf32, #tpu.memory_space<hbm>>) dst(%dma_wait3A_903 : memref<64xf32, #tpu.memory_space<vmem>>)
      %dma_wait3A_907 = arith.constant 0 : i32
      %dma_wait3A_908 = tpu.memref_slice %arg10[%add3A_523, %dma_wait3A_907] : memref<256x64xf32, #tpu.memory_space<vmem>> -> memref<1x64xf32, #tpu.memory_space<vmem>>
      %dma_wait3A_909 = tpu.memref_squeeze %dma_wait3A_908 : memref<1x64xf32, #tpu.memory_space<vmem>> -> memref<64xf32, #tpu.memory_space<vmem>>
      %dma_wait3A_910 = arith.constant 0 : i32
      %dma_wait3A_911 = tpu.memref_slice %arg5[%squeeze3A_521, %dma_wait3A_910] : memref<1000000x64xf32, #tpu.memory_space<hbm>> -> memref<1x64xf32, #tpu.memory_space<hbm>>
      %dma_wait3A_912 = tpu.memref_squeeze %dma_wait3A_911 : memref<1x64xf32, #tpu.memory_space<hbm>> -> memref<64xf32, #tpu.memory_space<hbm>>
      %dma_wait3A_913 = arith.constant 0 : i32
      %dma_wait3A_914 = tpu.memref_slice %arg10[%add3A_523, %dma_wait3A_913] : memref<256x64xf32, #tpu.memory_space<vmem>> -> memref<1x64xf32, #tpu.memory_space<vmem>>
      %dma_wait3A_915 = tpu.memref_squeeze %dma_wait3A_914 : memref<1x64xf32, #tpu.memory_space<vmem>> -> memref<64xf32, #tpu.memory_space<vmem>>
      %dma_wait3A_916 = arith.constant 0 : i32
      %dma_wait3A_917 = tpu.memref_slice %arg5[%squeeze3A_521, %dma_wait3A_916] : memref<1000000x64xf32, #tpu.memory_space<hbm>> -> memref<1x64xf32, #tpu.memory_space<hbm>>
      %dma_wait3A_918 = tpu.memref_squeeze %dma_wait3A_917 : memref<1x64xf32, #tpu.memory_space<hbm>> -> memref<64xf32, #tpu.memory_space<hbm>>
      tpu.wait_dma2 semaphore(%arg14 : memref<!tpu.dma_semaphore, #tpu.memory_space<semaphore_mem>>) src(%dma_wait3A_918 : memref<64xf32, #tpu.memory_space<hbm>>) dst(%dma_wait3A_915 : memref<64xf32, #tpu.memory_space<vmem>>)
      %add3A_919 = arith.constant 0 : i32
      %add3A_920 = arith.addi %mul3A_23, %add3A_919 : i32
      %get3A_921 = arith.index_cast %add3A_920 : i32 to index
      %get3A_922 = arith.constant 0 : index
      %get3A_923 = tpu.vector_load %arg9[%get3A_921, %get3A_922] {strides = array<i32>} : memref<256x64xf32, #tpu.memory_space<vmem>>, vector<16xf32>,
      %get3A_924 = arith.index_cast %add3A_920 : i32 to index
      %get3A_925 = arith.constant 0 : index
      %get3A_926 = tpu.vector_load %arg10[%get3A_924, %get3A_925] {strides = array<i32>} : memref<256x64xf32, #tpu.memory_space<vmem>>, vector<16xf32>,
      %mul3A_927 = arith.mulf %get3A_923, %get3A_926 : vector<16xf32>
      %get3A_928 = arith.index_cast %add3A_920 : i32 to index
      %get3A_929 = arith.constant 16 : index
      %get3A_930 = tpu.vector_load %arg9[%get3A_928, %get3A_929] {strides = array<i32>} : memref<256x64xf32, #tpu.memory_space<vmem>>, vector<16xf32>,
      %get3A_931 = arith.index_cast %add3A_920 : i32 to index
      %get3A_932 = arith.constant 16 : index
      %get3A_933 = tpu.vector_load %arg10[%get3A_931, %get3A_932] {strides = array<i32>} : memref<256x64xf32, #tpu.memory_space<vmem>>, vector<16xf32>,
      %mul3A_934 = arith.mulf %get3A_930, %get3A_933 : vector<16xf32>
      %add3A_935 = arith.addf %mul3A_927, %mul3A_934 : vector<16xf32>
      %get3A_936 = arith.index_cast %add3A_920 : i32 to index
      %get3A_937 = arith.constant 32 : index
      %get3A_938 = tpu.vector_load %arg9[%get3A_936, %get3A_937] {strides = array<i32>} : memref<256x64xf32, #tpu.memory_space<vmem>>, vector<16xf32>,
      %get3A_939 = arith.index_cast %add3A_920 : i32 to index
      %get3A_940 = arith.constant 32 : index
      %get3A_941 = tpu.vector_load %arg10[%get3A_939, %get3A_940] {strides = array<i32>} : memref<256x64xf32, #tpu.memory_space<vmem>>, vector<16xf32>,
      %mul3A_942 = arith.mulf %get3A_938, %get3A_941 : vector<16xf32>
      %add3A_943 = arith.addf %add3A_935, %mul3A_942 : vector<16xf32>
      %get3A_944 = arith.index_cast %add3A_920 : i32 to index
      %get3A_945 = arith.constant 48 : index
      %get3A_946 = tpu.vector_load %arg9[%get3A_944, %get3A_945] {strides = array<i32>} : memref<256x64xf32, #tpu.memory_space<vmem>>, vector<16xf32>,
      %get3A_947 = arith.index_cast %add3A_920 : i32 to index
      %get3A_948 = arith.constant 48 : index
      %get3A_949 = tpu.vector_load %arg10[%get3A_947, %get3A_948] {strides = array<i32>} : memref<256x64xf32, #tpu.memory_space<vmem>>, vector<16xf32>,
      %mul3A_950 = arith.mulf %get3A_946, %get3A_949 : vector<16xf32>
      %add3A_951 = arith.addf %add3A_943, %mul3A_950 : vector<16xf32>
      %swap3A = arith.constant 0 : index
      %swap3A_952 = tpu.vector_load %arg12[%swap3A] {strides = array<i32>} : memref<256xf32, #tpu.memory_space<vmem>>, vector<16xf32>,
      tpu.vector_store %arg12[%swap3A], %add3A_951 {strides = array<i32>} : memref<256xf32, #tpu.memory_space<vmem>>, vector<16xf32>,
      %add3A_953 = arith.constant 1 : i32
      %add3A_954 = arith.addi %mul3A_23, %add3A_953 : i32
      %get3A_955 = arith.index_cast %add3A_954 : i32 to index
      %get3A_956 = arith.constant 0 : index
      %get3A_957 = tpu.vector_load %arg9[%get3A_955, %get3A_956] {strides = array<i32>} : memref<256x64xf32, #tpu.memory_space<vmem>>, vector<16xf32>,
      %get3A_958 = arith.index_cast %add3A_954 : i32 to index
      %get3A_959 = arith.constant 0 : index
      %get3A_960 = tpu.vector_load %arg10[%get3A_958, %get3A_959] {strides = array<i32>} : memref<256x64xf32, #tpu.memory_space<vmem>>, vector<16xf32>,
      %mul3A_961 = arith.mulf %get3A_957, %get3A_960 : vector<16xf32>
      %get3A_962 = arith.index_cast %add3A_954 : i32 to index
      %get3A_963 = arith.constant 16 : index
      %get3A_964 = tpu.vector_load %arg9[%get3A_962, %get3A_963] {strides = array<i32>} : memref<256x64xf32, #tpu.memory_space<vmem>>, vector<16xf32>,
      %get3A_965 = arith.index_cast %add3A_954 : i32 to index
      %get3A_966 = arith.constant 16 : index
      %get3A_967 = tpu.vector_load %arg10[%get3A_965, %get3A_966] {strides = array<i32>} : memref<256x64xf32, #tpu.memory_space<vmem>>, vector<16xf32>,
      %mul3A_968 = arith.mulf %get3A_964, %get3A_967 : vector<16xf32>
      %add3A_969 = arith.addf %mul3A_961, %mul3A_968 : vector<16xf32>
      %get3A_970 = arith.index_cast %add3A_954 : i32 to index
      %get3A_971 = arith.constant 32 : index
      %get3A_972 = tpu.vector_load %arg9[%get3A_970, %get3A_971] {strides = array<i32>} : memref<256x64xf32, #tpu.memory_space<vmem>>, vector<16xf32>,
      %get3A_973 = arith.index_cast %add3A_954 : i32 to index
      %get3A_974 = arith.constant 32 : index
      %get3A_975 = tpu.vector_load %arg10[%get3A_973, %get3A_974] {strides = array<i32>} : memref<256x64xf32, #tpu.memory_space<vmem>>, vector<16xf32>,
      %mul3A_976 = arith.mulf %get3A_972, %get3A_975 : vector<16xf32>
      %add3A_977 = arith.addf %add3A_969, %mul3A_976 : vector<16xf32>
      %get3A_978 = arith.index_cast %add3A_954 : i32 to index
      %get3A_979 = arith.constant 48 : index
      %get3A_980 = tpu.vector_load %arg9[%get3A_978, %get3A_979] {strides = array<i32>} : memref<256x64xf32, #tpu.memory_space<vmem>>, vector<16xf32>,
      %get3A_981 = arith.index_cast %add3A_954 : i32 to index
      %get3A_982 = arith.constant 48 : index
      %get3A_983 = tpu.vector_load %arg10[%get3A_981, %get3A_982] {strides = array<i32>} : memref<256x64xf32, #tpu.memory_space<vmem>>, vector<16xf32>,
      %mul3A_984 = arith.mulf %get3A_980, %get3A_983 : vector<16xf32>
      %add3A_985 = arith.addf %add3A_977, %mul3A_984 : vector<16xf32>
      %swap3A_986 = arith.constant 16 : index
      %swap3A_987 = tpu.vector_load %arg12[%swap3A_986] {strides = array<i32>} : memref<256xf32, #tpu.memory_space<vmem>>, vector<16xf32>,
      tpu.vector_store %arg12[%swap3A_986], %add3A_985 {strides = array<i32>} : memref<256xf32, #tpu.memory_space<vmem>>, vector<16xf32>,
      %add3A_988 = arith.constant 2 : i32
      %add3A_989 = arith.addi %mul3A_23, %add3A_988 : i32
      %get3A_990 = arith.index_cast %add3A_989 : i32 to index
      %get3A_991 = arith.constant 0 : index
      %get3A_992 = tpu.vector_load %arg9[%get3A_990, %get3A_991] {strides = array<i32>} : memref<256x64xf32, #tpu.memory_space<vmem>>, vector<16xf32>,
      %get3A_993 = arith.index_cast %add3A_989 : i32 to index
      %get3A_994 = arith.constant 0 : index
      %get3A_995 = tpu.vector_load %arg10[%get3A_993, %get3A_994] {strides = array<i32>} : memref<256x64xf32, #tpu.memory_space<vmem>>, vector<16xf32>,
      %mul3A_996 = arith.mulf %get3A_992, %get3A_995 : vector<16xf32>
      %get3A_997 = arith.index_cast %add3A_989 : i32 to index
      %get3A_998 = arith.constant 16 : index
      %get3A_999 = tpu.vector_load %arg9[%get3A_997, %get3A_998] {strides = array<i32>} : memref<256x64xf32, #tpu.memory_space<vmem>>, vector<16xf32>,
      %get3A_1000 = arith.index_cast %add3A_989 : i32 to index
      %get3A_1001 = arith.constant 16 : index
      %get3A_1002 = tpu.vector_load %arg10[%get3A_1000, %get3A_1001] {strides = array<i32>} : memref<256x64xf32, #tpu.memory_space<vmem>>, vector<16xf32>,
      %mul3A_1003 = arith.mulf %get3A_999, %get3A_1002 : vector<16xf32>
      %add3A_1004 = arith.addf %mul3A_996, %mul3A_1003 : vector<16xf32>
      %get3A_1005 = arith.index_cast %add3A_989 : i32 to index
      %get3A_1006 = arith.constant 32 : index
      %get3A_1007 = tpu.vector_load %arg9[%get3A_1005, %get3A_1006] {strides = array<i32>} : memref<256x64xf32, #tpu.memory_space<vmem>>, vector<16xf32>,
      %get3A_1008 = arith.index_cast %add3A_989 : i32 to index
      %get3A_1009 = arith.constant 32 : index
      %get3A_1010 = tpu.vector_load %arg10[%get3A_1008, %get3A_1009] {strides = array<i32>} : memref<256x64xf32, #tpu.memory_space<vmem>>, vector<16xf32>,
      %mul3A_1011 = arith.mulf %get3A_1007, %get3A_1010 : vector<16xf32>
      %add3A_1012 = arith.addf %add3A_1004, %mul3A_1011 : vector<16xf32>
      %get3A_1013 = arith.index_cast %add3A_989 : i32 to index
      %get3A_1014 = arith.constant 48 : index
      %get3A_1015 = tpu.vector_load %arg9[%get3A_1013, %get3A_1014] {strides = array<i32>} : memref<256x64xf32, #tpu.memory_space<vmem>>, vector<16xf32>,
      %get3A_1016 = arith.index_cast %add3A_989 : i32 to index
      %get3A_1017 = arith.constant 48 : index
      %get3A_1018 = tpu.vector_load %arg10[%get3A_1016, %get3A_1017] {strides = array<i32>} : memref<256x64xf32, #tpu.memory_space<vmem>>, vector<16xf32>,
      %mul3A_1019 = arith.mulf %get3A_1015, %get3A_1018 : vector<16xf32>
      %add3A_1020 = arith.addf %add3A_1012, %mul3A_1019 : vector<16xf32>
      %swap3A_1021 = arith.constant 32 : index
      %swap3A_1022 = tpu.vector_load %arg12[%swap3A_1021] {strides = array<i32>} : memref<256xf32, #tpu.memory_space<vmem>>, vector<16xf32>,
      tpu.vector_store %arg12[%swap3A_1021], %add3A_1020 {strides = array<i32>} : memref<256xf32, #tpu.memory_space<vmem>>, vector<16xf32>,
      %add3A_1023 = arith.constant 3 : i32
      %add3A_1024 = arith.addi %mul3A_23, %add3A_1023 : i32
      %get3A_1025 = arith.index_cast %add3A_1024 : i32 to index
      %get3A_1026 = arith.constant 0 : index
      %get3A_1027 = tpu.vector_load %arg9[%get3A_1025, %get3A_1026] {strides = array<i32>} : memref<256x64xf32, #tpu.memory_space<vmem>>, vector<16xf32>,
      %get3A_1028 = arith.index_cast %add3A_1024 : i32 to index
      %get3A_1029 = arith.constant 0 : index
      %get3A_1030 = tpu.vector_load %arg10[%get3A_1028, %get3A_1029] {strides = array<i32>} : memref<256x64xf32, #tpu.memory_space<vmem>>, vector<16xf32>,
      %mul3A_1031 = arith.mulf %get3A_1027, %get3A_1030 : vector<16xf32>
      %get3A_1032 = arith.index_cast %add3A_1024 : i32 to index
      %get3A_1033 = arith.constant 16 : index
      %get3A_1034 = tpu.vector_load %arg9[%get3A_1032, %get3A_1033] {strides = array<i32>} : memref<256x64xf32, #tpu.memory_space<vmem>>, vector<16xf32>,
      %get3A_1035 = arith.index_cast %add3A_1024 : i32 to index
      %get3A_1036 = arith.constant 16 : index
      %get3A_1037 = tpu.vector_load %arg10[%get3A_1035, %get3A_1036] {strides = array<i32>} : memref<256x64xf32, #tpu.memory_space<vmem>>, vector<16xf32>,
      %mul3A_1038 = arith.mulf %get3A_1034, %get3A_1037 : vector<16xf32>
      %add3A_1039 = arith.addf %mul3A_1031, %mul3A_1038 : vector<16xf32>
      %get3A_1040 = arith.index_cast %add3A_1024 : i32 to index
      %get3A_1041 = arith.constant 32 : index
      %get3A_1042 = tpu.vector_load %arg9[%get3A_1040, %get3A_1041] {strides = array<i32>} : memref<256x64xf32, #tpu.memory_space<vmem>>, vector<16xf32>,
      %get3A_1043 = arith.index_cast %add3A_1024 : i32 to index
      %get3A_1044 = arith.constant 32 : index
      %get3A_1045 = tpu.vector_load %arg10[%get3A_1043, %get3A_1044] {strides = array<i32>} : memref<256x64xf32, #tpu.memory_space<vmem>>, vector<16xf32>,
      %mul3A_1046 = arith.mulf %get3A_1042, %get3A_1045 : vector<16xf32>
      %add3A_1047 = arith.addf %add3A_1039, %mul3A_1046 : vector<16xf32>
      %get3A_1048 = arith.index_cast %add3A_1024 : i32 to index
      %get3A_1049 = arith.constant 48 : index
      %get3A_1050 = tpu.vector_load %arg9[%get3A_1048, %get3A_1049] {strides = array<i32>} : memref<256x64xf32, #tpu.memory_space<vmem>>, vector<16xf32>,
      %get3A_1051 = arith.index_cast %add3A_1024 : i32 to index
      %get3A_1052 = arith.constant 48 : index
      %get3A_1053 = tpu.vector_load %arg10[%get3A_1051, %get3A_1052] {strides = array<i32>} : memref<256x64xf32, #tpu.memory_space<vmem>>, vector<16xf32>,
      %mul3A_1054 = arith.mulf %get3A_1050, %get3A_1053 : vector<16xf32>
      %add3A_1055 = arith.addf %add3A_1047, %mul3A_1054 : vector<16xf32>
      %swap3A_1056 = arith.constant 48 : index
      %swap3A_1057 = tpu.vector_load %arg12[%swap3A_1056] {strides = array<i32>} : memref<256xf32, #tpu.memory_space<vmem>>, vector<16xf32>,
      tpu.vector_store %arg12[%swap3A_1056], %add3A_1055 {strides = array<i32>} : memref<256xf32, #tpu.memory_space<vmem>>, vector<16xf32>,
      %add3A_1058 = arith.constant 4 : i32
      %add3A_1059 = arith.addi %mul3A_23, %add3A_1058 : i32
      %get3A_1060 = arith.index_cast %add3A_1059 : i32 to index
      %get3A_1061 = arith.constant 0 : index
      %get3A_1062 = tpu.vector_load %arg9[%get3A_1060, %get3A_1061] {strides = array<i32>} : memref<256x64xf32, #tpu.memory_space<vmem>>, vector<16xf32>,
      %get3A_1063 = arith.index_cast %add3A_1059 : i32 to index
      %get3A_1064 = arith.constant 0 : index
      %get3A_1065 = tpu.vector_load %arg10[%get3A_1063, %get3A_1064] {strides = array<i32>} : memref<256x64xf32, #tpu.memory_space<vmem>>, vector<16xf32>,
      %mul3A_1066 = arith.mulf %get3A_1062, %get3A_1065 : vector<16xf32>
      %get3A_1067 = arith.index_cast %add3A_1059 : i32 to index
      %get3A_1068 = arith.constant 16 : index
      %get3A_1069 = tpu.vector_load %arg9[%get3A_1067, %get3A_1068] {strides = array<i32>} : memref<256x64xf32, #tpu.memory_space<vmem>>, vector<16xf32>,
      %get3A_1070 = arith.index_cast %add3A_1059 : i32 to index
      %get3A_1071 = arith.constant 16 : index
      %get3A_1072 = tpu.vector_load %arg10[%get3A_1070, %get3A_1071] {strides = array<i32>} : memref<256x64xf32, #tpu.memory_space<vmem>>, vector<16xf32>,
      %mul3A_1073 = arith.mulf %get3A_1069, %get3A_1072 : vector<16xf32>
      %add3A_1074 = arith.addf %mul3A_1066, %mul3A_1073 : vector<16xf32>
      %get3A_1075 = arith.index_cast %add3A_1059 : i32 to index
      %get3A_1076 = arith.constant 32 : index
      %get3A_1077 = tpu.vector_load %arg9[%get3A_1075, %get3A_1076] {strides = array<i32>} : memref<256x64xf32, #tpu.memory_space<vmem>>, vector<16xf32>,
      %get3A_1078 = arith.index_cast %add3A_1059 : i32 to index
      %get3A_1079 = arith.constant 32 : index
      %get3A_1080 = tpu.vector_load %arg10[%get3A_1078, %get3A_1079] {strides = array<i32>} : memref<256x64xf32, #tpu.memory_space<vmem>>, vector<16xf32>,
      %mul3A_1081 = arith.mulf %get3A_1077, %get3A_1080 : vector<16xf32>
      %add3A_1082 = arith.addf %add3A_1074, %mul3A_1081 : vector<16xf32>
      %get3A_1083 = arith.index_cast %add3A_1059 : i32 to index
      %get3A_1084 = arith.constant 48 : index
      %get3A_1085 = tpu.vector_load %arg9[%get3A_1083, %get3A_1084] {strides = array<i32>} : memref<256x64xf32, #tpu.memory_space<vmem>>, vector<16xf32>,
      %get3A_1086 = arith.index_cast %add3A_1059 : i32 to index
      %get3A_1087 = arith.constant 48 : index
      %get3A_1088 = tpu.vector_load %arg10[%get3A_1086, %get3A_1087] {strides = array<i32>} : memref<256x64xf32, #tpu.memory_space<vmem>>, vector<16xf32>,
      %mul3A_1089 = arith.mulf %get3A_1085, %get3A_1088 : vector<16xf32>
      %add3A_1090 = arith.addf %add3A_1082, %mul3A_1089 : vector<16xf32>
      %swap3A_1091 = arith.constant 64 : index
      %swap3A_1092 = tpu.vector_load %arg12[%swap3A_1091] {strides = array<i32>} : memref<256xf32, #tpu.memory_space<vmem>>, vector<16xf32>,
      tpu.vector_store %arg12[%swap3A_1091], %add3A_1090 {strides = array<i32>} : memref<256xf32, #tpu.memory_space<vmem>>, vector<16xf32>,
      %add3A_1093 = arith.constant 5 : i32
      %add3A_1094 = arith.addi %mul3A_23, %add3A_1093 : i32
      %get3A_1095 = arith.index_cast %add3A_1094 : i32 to index
      %get3A_1096 = arith.constant 0 : index
      %get3A_1097 = tpu.vector_load %arg9[%get3A_1095, %get3A_1096] {strides = array<i32>} : memref<256x64xf32, #tpu.memory_space<vmem>>, vector<16xf32>,
      %get3A_1098 = arith.index_cast %add3A_1094 : i32 to index
      %get3A_1099 = arith.constant 0 : index
      %get3A_1100 = tpu.vector_load %arg10[%get3A_1098, %get3A_1099] {strides = array<i32>} : memref<256x64xf32, #tpu.memory_space<vmem>>, vector<16xf32>,
      %mul3A_1101 = arith.mulf %get3A_1097, %get3A_1100 : vector<16xf32>
      %get3A_1102 = arith.index_cast %add3A_1094 : i32 to index
      %get3A_1103 = arith.constant 16 : index
      %get3A_1104 = tpu.vector_load %arg9[%get3A_1102, %get3A_1103] {strides = array<i32>} : memref<256x64xf32, #tpu.memory_space<vmem>>, vector<16xf32>,
      %get3A_1105 = arith.index_cast %add3A_1094 : i32 to index
      %get3A_1106 = arith.constant 16 : index
      %get3A_1107 = tpu.vector_load %arg10[%get3A_1105, %get3A_1106] {strides = array<i32>} : memref<256x64xf32, #tpu.memory_space<vmem>>, vector<16xf32>,
      %mul3A_1108 = arith.mulf %get3A_1104, %get3A_1107 : vector<16xf32>
      %add3A_1109 = arith.addf %mul3A_1101, %mul3A_1108 : vector<16xf32>
      %get3A_1110 = arith.index_cast %add3A_1094 : i32 to index
      %get3A_1111 = arith.constant 32 : index
      %get3A_1112 = tpu.vector_load %arg9[%get3A_1110, %get3A_1111] {strides = array<i32>} : memref<256x64xf32, #tpu.memory_space<vmem>>, vector<16xf32>,
      %get3A_1113 = arith.index_cast %add3A_1094 : i32 to index
      %get3A_1114 = arith.constant 32 : index
      %get3A_1115 = tpu.vector_load %arg10[%get3A_1113, %get3A_1114] {strides = array<i32>} : memref<256x64xf32, #tpu.memory_space<vmem>>, vector<16xf32>,
      %mul3A_1116 = arith.mulf %get3A_1112, %get3A_1115 : vector<16xf32>
      %add3A_1117 = arith.addf %add3A_1109, %mul3A_1116 : vector<16xf32>
      %get3A_1118 = arith.index_cast %add3A_1094 : i32 to index
      %get3A_1119 = arith.constant 48 : index
      %get3A_1120 = tpu.vector_load %arg9[%get3A_1118, %get3A_1119] {strides = array<i32>} : memref<256x64xf32, #tpu.memory_space<vmem>>, vector<16xf32>,
      %get3A_1121 = arith.index_cast %add3A_1094 : i32 to index
      %get3A_1122 = arith.constant 48 : index
      %get3A_1123 = tpu.vector_load %arg10[%get3A_1121, %get3A_1122] {strides = array<i32>} : memref<256x64xf32, #tpu.memory_space<vmem>>, vector<16xf32>,
      %mul3A_1124 = arith.mulf %get3A_1120, %get3A_1123 : vector<16xf32>
      %add3A_1125 = arith.addf %add3A_1117, %mul3A_1124 : vector<16xf32>
      %swap3A_1126 = arith.constant 80 : index
      %swap3A_1127 = tpu.vector_load %arg12[%swap3A_1126] {strides = array<i32>} : memref<256xf32, #tpu.memory_space<vmem>>, vector<16xf32>,
      tpu.vector_store %arg12[%swap3A_1126], %add3A_1125 {strides = array<i32>} : memref<256xf32, #tpu.memory_space<vmem>>, vector<16xf32>,
      %add3A_1128 = arith.constant 6 : i32
      %add3A_1129 = arith.addi %mul3A_23, %add3A_1128 : i32
      %get3A_1130 = arith.index_cast %add3A_1129 : i32 to index
      %get3A_1131 = arith.constant 0 : index
      %get3A_1132 = tpu.vector_load %arg9[%get3A_1130, %get3A_1131] {strides = array<i32>} : memref<256x64xf32, #tpu.memory_space<vmem>>, vector<16xf32>,
      %get3A_1133 = arith.index_cast %add3A_1129 : i32 to index
      %get3A_1134 = arith.constant 0 : index
      %get3A_1135 = tpu.vector_load %arg10[%get3A_1133, %get3A_1134] {strides = array<i32>} : memref<256x64xf32, #tpu.memory_space<vmem>>, vector<16xf32>,
      %mul3A_1136 = arith.mulf %get3A_1132, %get3A_1135 : vector<16xf32>
      %get3A_1137 = arith.index_cast %add3A_1129 : i32 to index
      %get3A_1138 = arith.constant 16 : index
      %get3A_1139 = tpu.vector_load %arg9[%get3A_1137, %get3A_1138] {strides = array<i32>} : memref<256x64xf32, #tpu.memory_space<vmem>>, vector<16xf32>,
      %get3A_1140 = arith.index_cast %add3A_1129 : i32 to index
      %get3A_1141 = arith.constant 16 : index
      %get3A_1142 = tpu.vector_load %arg10[%get3A_1140, %get3A_1141] {strides = array<i32>} : memref<256x64xf32, #tpu.memory_space<vmem>>, vector<16xf32>,
      %mul3A_1143 = arith.mulf %get3A_1139, %get3A_1142 : vector<16xf32>
      %add3A_1144 = arith.addf %mul3A_1136, %mul3A_1143 : vector<16xf32>
      %get3A_1145 = arith.index_cast %add3A_1129 : i32 to index
      %get3A_1146 = arith.constant 32 : index
      %get3A_1147 = tpu.vector_load %arg9[%get3A_1145, %get3A_1146] {strides = array<i32>} : memref<256x64xf32, #tpu.memory_space<vmem>>, vector<16xf32>,
      %get3A_1148 = arith.index_cast %add3A_1129 : i32 to index
      %get3A_1149 = arith.constant 32 : index
      %get3A_1150 = tpu.vector_load %arg10[%get3A_1148, %get3A_1149] {strides = array<i32>} : memref<256x64xf32, #tpu.memory_space<vmem>>, vector<16xf32>,
      %mul3A_1151 = arith.mulf %get3A_1147, %get3A_1150 : vector<16xf32>
      %add3A_1152 = arith.addf %add3A_1144, %mul3A_1151 : vector<16xf32>
      %get3A_1153 = arith.index_cast %add3A_1129 : i32 to index
      %get3A_1154 = arith.constant 48 : index
      %get3A_1155 = tpu.vector_load %arg9[%get3A_1153, %get3A_1154] {strides = array<i32>} : memref<256x64xf32, #tpu.memory_space<vmem>>, vector<16xf32>,
      %get3A_1156 = arith.index_cast %add3A_1129 : i32 to index
      %get3A_1157 = arith.constant 48 : index
      %get3A_1158 = tpu.vector_load %arg10[%get3A_1156, %get3A_1157] {strides = array<i32>} : memref<256x64xf32, #tpu.memory_space<vmem>>, vector<16xf32>,
      %mul3A_1159 = arith.mulf %get3A_1155, %get3A_1158 : vector<16xf32>
      %add3A_1160 = arith.addf %add3A_1152, %mul3A_1159 : vector<16xf32>
      %swap3A_1161 = arith.constant 96 : index
      %swap3A_1162 = tpu.vector_load %arg12[%swap3A_1161] {strides = array<i32>} : memref<256xf32, #tpu.memory_space<vmem>>, vector<16xf32>,
      tpu.vector_store %arg12[%swap3A_1161], %add3A_1160 {strides = array<i32>} : memref<256xf32, #tpu.memory_space<vmem>>, vector<16xf32>,
      %add3A_1163 = arith.constant 7 : i32
      %add3A_1164 = arith.addi %mul3A_23, %add3A_1163 : i32
      %get3A_1165 = arith.index_cast %add3A_1164 : i32 to index
      %get3A_1166 = arith.constant 0 : index
      %get3A_1167 = tpu.vector_load %arg9[%get3A_1165, %get3A_1166] {strides = array<i32>} : memref<256x64xf32, #tpu.memory_space<vmem>>, vector<16xf32>,
      %get3A_1168 = arith.index_cast %add3A_1164 : i32 to index
      %get3A_1169 = arith.constant 0 : index
      %get3A_1170 = tpu.vector_load %arg10[%get3A_1168, %get3A_1169] {strides = array<i32>} : memref<256x64xf32, #tpu.memory_space<vmem>>, vector<16xf32>,
      %mul3A_1171 = arith.mulf %get3A_1167, %get3A_1170 : vector<16xf32>
      %get3A_1172 = arith.index_cast %add3A_1164 : i32 to index
      %get3A_1173 = arith.constant 16 : index
      %get3A_1174 = tpu.vector_load %arg9[%get3A_1172, %get3A_1173] {strides = array<i32>} : memref<256x64xf32, #tpu.memory_space<vmem>>, vector<16xf32>,
      %get3A_1175 = arith.index_cast %add3A_1164 : i32 to index
      %get3A_1176 = arith.constant 16 : index
      %get3A_1177 = tpu.vector_load %arg10[%get3A_1175, %get3A_1176] {strides = array<i32>} : memref<256x64xf32, #tpu.memory_space<vmem>>, vector<16xf32>,
      %mul3A_1178 = arith.mulf %get3A_1174, %get3A_1177 : vector<16xf32>
      %add3A_1179 = arith.addf %mul3A_1171, %mul3A_1178 : vector<16xf32>
      %get3A_1180 = arith.index_cast %add3A_1164 : i32 to index
      %get3A_1181 = arith.constant 32 : index
      %get3A_1182 = tpu.vector_load %arg9[%get3A_1180, %get3A_1181] {strides = array<i32>} : memref<256x64xf32, #tpu.memory_space<vmem>>, vector<16xf32>,
      %get3A_1183 = arith.index_cast %add3A_1164 : i32 to index
      %get3A_1184 = arith.constant 32 : index
      %get3A_1185 = tpu.vector_load %arg10[%get3A_1183, %get3A_1184] {strides = array<i32>} : memref<256x64xf32, #tpu.memory_space<vmem>>, vector<16xf32>,
      %mul3A_1186 = arith.mulf %get3A_1182, %get3A_1185 : vector<16xf32>
      %add3A_1187 = arith.addf %add3A_1179, %mul3A_1186 : vector<16xf32>
      %get3A_1188 = arith.index_cast %add3A_1164 : i32 to index
      %get3A_1189 = arith.constant 48 : index
      %get3A_1190 = tpu.vector_load %arg9[%get3A_1188, %get3A_1189] {strides = array<i32>} : memref<256x64xf32, #tpu.memory_space<vmem>>, vector<16xf32>,
      %get3A_1191 = arith.index_cast %add3A_1164 : i32 to index
      %get3A_1192 = arith.constant 48 : index
      %get3A_1193 = tpu.vector_load %arg10[%get3A_1191, %get3A_1192] {strides = array<i32>} : memref<256x64xf32, #tpu.memory_space<vmem>>, vector<16xf32>,
      %mul3A_1194 = arith.mulf %get3A_1190, %get3A_1193 : vector<16xf32>
      %add3A_1195 = arith.addf %add3A_1187, %mul3A_1194 : vector<16xf32>
      %swap3A_1196 = arith.constant 112 : index
      %swap3A_1197 = tpu.vector_load %arg12[%swap3A_1196] {strides = array<i32>} : memref<256xf32, #tpu.memory_space<vmem>>, vector<16xf32>,
      tpu.vector_store %arg12[%swap3A_1196], %add3A_1195 {strides = array<i32>} : memref<256xf32, #tpu.memory_space<vmem>>, vector<16xf32>,
      %add3A_1198 = arith.constant 8 : i32
      %add3A_1199 = arith.addi %mul3A_23, %add3A_1198 : i32
      %get3A_1200 = arith.index_cast %add3A_1199 : i32 to index
      %get3A_1201 = arith.constant 0 : index
      %get3A_1202 = tpu.vector_load %arg9[%get3A_1200, %get3A_1201] {strides = array<i32>} : memref<256x64xf32, #tpu.memory_space<vmem>>, vector<16xf32>,
      %get3A_1203 = arith.index_cast %add3A_1199 : i32 to index
      %get3A_1204 = arith.constant 0 : index
      %get3A_1205 = tpu.vector_load %arg10[%get3A_1203, %get3A_1204] {strides = array<i32>} : memref<256x64xf32, #tpu.memory_space<vmem>>, vector<16xf32>,
      %mul3A_1206 = arith.mulf %get3A_1202, %get3A_1205 : vector<16xf32>
      %get3A_1207 = arith.index_cast %add3A_1199 : i32 to index
      %get3A_1208 = arith.constant 16 : index
      %get3A_1209 = tpu.vector_load %arg9[%get3A_1207, %get3A_1208] {strides = array<i32>} : memref<256x64xf32, #tpu.memory_space<vmem>>, vector<16xf32>,
      %get3A_1210 = arith.index_cast %add3A_1199 : i32 to index
      %get3A_1211 = arith.constant 16 : index
      %get3A_1212 = tpu.vector_load %arg10[%get3A_1210, %get3A_1211] {strides = array<i32>} : memref<256x64xf32, #tpu.memory_space<vmem>>, vector<16xf32>,
      %mul3A_1213 = arith.mulf %get3A_1209, %get3A_1212 : vector<16xf32>
      %add3A_1214 = arith.addf %mul3A_1206, %mul3A_1213 : vector<16xf32>
      %get3A_1215 = arith.index_cast %add3A_1199 : i32 to index
      %get3A_1216 = arith.constant 32 : index
      %get3A_1217 = tpu.vector_load %arg9[%get3A_1215, %get3A_1216] {strides = array<i32>} : memref<256x64xf32, #tpu.memory_space<vmem>>, vector<16xf32>,
      %get3A_1218 = arith.index_cast %add3A_1199 : i32 to index
      %get3A_1219 = arith.constant 32 : index
      %get3A_1220 = tpu.vector_load %arg10[%get3A_1218, %get3A_1219] {strides = array<i32>} : memref<256x64xf32, #tpu.memory_space<vmem>>, vector<16xf32>,
      %mul3A_1221 = arith.mulf %get3A_1217, %get3A_1220 : vector<16xf32>
      %add3A_1222 = arith.addf %add3A_1214, %mul3A_1221 : vector<16xf32>
      %get3A_1223 = arith.index_cast %add3A_1199 : i32 to index
      %get3A_1224 = arith.constant 48 : index
      %get3A_1225 = tpu.vector_load %arg9[%get3A_1223, %get3A_1224] {strides = array<i32>} : memref<256x64xf32, #tpu.memory_space<vmem>>, vector<16xf32>,
      %get3A_1226 = arith.index_cast %add3A_1199 : i32 to index
      %get3A_1227 = arith.constant 48 : index
      %get3A_1228 = tpu.vector_load %arg10[%get3A_1226, %get3A_1227] {strides = array<i32>} : memref<256x64xf32, #tpu.memory_space<vmem>>, vector<16xf32>,
      %mul3A_1229 = arith.mulf %get3A_1225, %get3A_1228 : vector<16xf32>
      %add3A_1230 = arith.addf %add3A_1222, %mul3A_1229 : vector<16xf32>
      %swap3A_1231 = arith.constant 128 : index
      %swap3A_1232 = tpu.vector_load %arg12[%swap3A_1231] {strides = array<i32>} : memref<256xf32, #tpu.memory_space<vmem>>, vector<16xf32>,
      tpu.vector_store %arg12[%swap3A_1231], %add3A_1230 {strides = array<i32>} : memref<256xf32, #tpu.memory_space<vmem>>, vector<16xf32>,
      %add3A_1233 = arith.constant 9 : i32
      %add3A_1234 = arith.addi %mul3A_23, %add3A_1233 : i32
      %get3A_1235 = arith.index_cast %add3A_1234 : i32 to index
      %get3A_1236 = arith.constant 0 : index
      %get3A_1237 = tpu.vector_load %arg9[%get3A_1235, %get3A_1236] {strides = array<i32>} : memref<256x64xf32, #tpu.memory_space<vmem>>, vector<16xf32>,
      %get3A_1238 = arith.index_cast %add3A_1234 : i32 to index
      %get3A_1239 = arith.constant 0 : index
      %get3A_1240 = tpu.vector_load %arg10[%get3A_1238, %get3A_1239] {strides = array<i32>} : memref<256x64xf32, #tpu.memory_space<vmem>>, vector<16xf32>,
      %mul3A_1241 = arith.mulf %get3A_1237, %get3A_1240 : vector<16xf32>
      %get3A_1242 = arith.index_cast %add3A_1234 : i32 to index
      %get3A_1243 = arith.constant 16 : index
      %get3A_1244 = tpu.vector_load %arg9[%get3A_1242, %get3A_1243] {strides = array<i32>} : memref<256x64xf32, #tpu.memory_space<vmem>>, vector<16xf32>,
      %get3A_1245 = arith.index_cast %add3A_1234 : i32 to index
      %get3A_1246 = arith.constant 16 : index
      %get3A_1247 = tpu.vector_load %arg10[%get3A_1245, %get3A_1246] {strides = array<i32>} : memref<256x64xf32, #tpu.memory_space<vmem>>, vector<16xf32>,
      %mul3A_1248 = arith.mulf %get3A_1244, %get3A_1247 : vector<16xf32>
      %add3A_1249 = arith.addf %mul3A_1241, %mul3A_1248 : vector<16xf32>
      %get3A_1250 = arith.index_cast %add3A_1234 : i32 to index
      %get3A_1251 = arith.constant 32 : index
      %get3A_1252 = tpu.vector_load %arg9[%get3A_1250, %get3A_1251] {strides = array<i32>} : memref<256x64xf32, #tpu.memory_space<vmem>>, vector<16xf32>,
      %get3A_1253 = arith.index_cast %add3A_1234 : i32 to index
      %get3A_1254 = arith.constant 32 : index
      %get3A_1255 = tpu.vector_load %arg10[%get3A_1253, %get3A_1254] {strides = array<i32>} : memref<256x64xf32, #tpu.memory_space<vmem>>, vector<16xf32>,
      %mul3A_1256 = arith.mulf %get3A_1252, %get3A_1255 : vector<16xf32>
      %add3A_1257 = arith.addf %add3A_1249, %mul3A_1256 : vector<16xf32>
      %get3A_1258 = arith.index_cast %add3A_1234 : i32 to index
      %get3A_1259 = arith.constant 48 : index
      %get3A_1260 = tpu.vector_load %arg9[%get3A_1258, %get3A_1259] {strides = array<i32>} : memref<256x64xf32, #tpu.memory_space<vmem>>, vector<16xf32>,
      %get3A_1261 = arith.index_cast %add3A_1234 : i32 to index
      %get3A_1262 = arith.constant 48 : index
      %get3A_1263 = tpu.vector_load %arg10[%get3A_1261, %get3A_1262] {strides = array<i32>} : memref<256x64xf32, #tpu.memory_space<vmem>>, vector<16xf32>,
      %mul3A_1264 = arith.mulf %get3A_1260, %get3A_1263 : vector<16xf32>
      %add3A_1265 = arith.addf %add3A_1257, %mul3A_1264 : vector<16xf32>
      %swap3A_1266 = arith.constant 144 : index
      %swap3A_1267 = tpu.vector_load %arg12[%swap3A_1266] {strides = array<i32>} : memref<256xf32, #tpu.memory_space<vmem>>, vector<16xf32>,
      tpu.vector_store %arg12[%swap3A_1266], %add3A_1265 {strides = array<i32>} : memref<256xf32, #tpu.memory_space<vmem>>, vector<16xf32>,
      %add3A_1268 = arith.constant 10 : i32
      %add3A_1269 = arith.addi %mul3A_23, %add3A_1268 : i32
      %get3A_1270 = arith.index_cast %add3A_1269 : i32 to index
      %get3A_1271 = arith.constant 0 : index
      %get3A_1272 = tpu.vector_load %arg9[%get3A_1270, %get3A_1271] {strides = array<i32>} : memref<256x64xf32, #tpu.memory_space<vmem>>, vector<16xf32>,
      %get3A_1273 = arith.index_cast %add3A_1269 : i32 to index
      %get3A_1274 = arith.constant 0 : index
      %get3A_1275 = tpu.vector_load %arg10[%get3A_1273, %get3A_1274] {strides = array<i32>} : memref<256x64xf32, #tpu.memory_space<vmem>>, vector<16xf32>,
      %mul3A_1276 = arith.mulf %get3A_1272, %get3A_1275 : vector<16xf32>
      %get3A_1277 = arith.index_cast %add3A_1269 : i32 to index
      %get3A_1278 = arith.constant 16 : index
      %get3A_1279 = tpu.vector_load %arg9[%get3A_1277, %get3A_1278] {strides = array<i32>} : memref<256x64xf32, #tpu.memory_space<vmem>>, vector<16xf32>,
      %get3A_1280 = arith.index_cast %add3A_1269 : i32 to index
      %get3A_1281 = arith.constant 16 : index
      %get3A_1282 = tpu.vector_load %arg10[%get3A_1280, %get3A_1281] {strides = array<i32>} : memref<256x64xf32, #tpu.memory_space<vmem>>, vector<16xf32>,
      %mul3A_1283 = arith.mulf %get3A_1279, %get3A_1282 : vector<16xf32>
      %add3A_1284 = arith.addf %mul3A_1276, %mul3A_1283 : vector<16xf32>
      %get3A_1285 = arith.index_cast %add3A_1269 : i32 to index
      %get3A_1286 = arith.constant 32 : index
      %get3A_1287 = tpu.vector_load %arg9[%get3A_1285, %get3A_1286] {strides = array<i32>} : memref<256x64xf32, #tpu.memory_space<vmem>>, vector<16xf32>,
      %get3A_1288 = arith.index_cast %add3A_1269 : i32 to index
      %get3A_1289 = arith.constant 32 : index
      %get3A_1290 = tpu.vector_load %arg10[%get3A_1288, %get3A_1289] {strides = array<i32>} : memref<256x64xf32, #tpu.memory_space<vmem>>, vector<16xf32>,
      %mul3A_1291 = arith.mulf %get3A_1287, %get3A_1290 : vector<16xf32>
      %add3A_1292 = arith.addf %add3A_1284, %mul3A_1291 : vector<16xf32>
      %get3A_1293 = arith.index_cast %add3A_1269 : i32 to index
      %get3A_1294 = arith.constant 48 : index
      %get3A_1295 = tpu.vector_load %arg9[%get3A_1293, %get3A_1294] {strides = array<i32>} : memref<256x64xf32, #tpu.memory_space<vmem>>, vector<16xf32>,
      %get3A_1296 = arith.index_cast %add3A_1269 : i32 to index
      %get3A_1297 = arith.constant 48 : index
      %get3A_1298 = tpu.vector_load %arg10[%get3A_1296, %get3A_1297] {strides = array<i32>} : memref<256x64xf32, #tpu.memory_space<vmem>>, vector<16xf32>,
      %mul3A_1299 = arith.mulf %get3A_1295, %get3A_1298 : vector<16xf32>
      %add3A_1300 = arith.addf %add3A_1292, %mul3A_1299 : vector<16xf32>
      %swap3A_1301 = arith.constant 160 : index
      %swap3A_1302 = tpu.vector_load %arg12[%swap3A_1301] {strides = array<i32>} : memref<256xf32, #tpu.memory_space<vmem>>, vector<16xf32>,
      tpu.vector_store %arg12[%swap3A_1301], %add3A_1300 {strides = array<i32>} : memref<256xf32, #tpu.memory_space<vmem>>, vector<16xf32>,
      %add3A_1303 = arith.constant 11 : i32
      %add3A_1304 = arith.addi %mul3A_23, %add3A_1303 : i32
      %get3A_1305 = arith.index_cast %add3A_1304 : i32 to index
      %get3A_1306 = arith.constant 0 : index
      %get3A_1307 = tpu.vector_load %arg9[%get3A_1305, %get3A_1306] {strides = array<i32>} : memref<256x64xf32, #tpu.memory_space<vmem>>, vector<16xf32>,
      %get3A_1308 = arith.index_cast %add3A_1304 : i32 to index
      %get3A_1309 = arith.constant 0 : index
      %get3A_1310 = tpu.vector_load %arg10[%get3A_1308, %get3A_1309] {strides = array<i32>} : memref<256x64xf32, #tpu.memory_space<vmem>>, vector<16xf32>,
      %mul3A_1311 = arith.mulf %get3A_1307, %get3A_1310 : vector<16xf32>
      %get3A_1312 = arith.index_cast %add3A_1304 : i32 to index
      %get3A_1313 = arith.constant 16 : index
      %get3A_1314 = tpu.vector_load %arg9[%get3A_1312, %get3A_1313] {strides = array<i32>} : memref<256x64xf32, #tpu.memory_space<vmem>>, vector<16xf32>,
      %get3A_1315 = arith.index_cast %add3A_1304 : i32 to index
      %get3A_1316 = arith.constant 16 : index
      %get3A_1317 = tpu.vector_load %arg10[%get3A_1315, %get3A_1316] {strides = array<i32>} : memref<256x64xf32, #tpu.memory_space<vmem>>, vector<16xf32>,
      %mul3A_1318 = arith.mulf %get3A_1314, %get3A_1317 : vector<16xf32>
      %add3A_1319 = arith.addf %mul3A_1311, %mul3A_1318 : vector<16xf32>
      %get3A_1320 = arith.index_cast %add3A_1304 : i32 to index
      %get3A_1321 = arith.constant 32 : index
      %get3A_1322 = tpu.vector_load %arg9[%get3A_1320, %get3A_1321] {strides = array<i32>} : memref<256x64xf32, #tpu.memory_space<vmem>>, vector<16xf32>,
      %get3A_1323 = arith.index_cast %add3A_1304 : i32 to index
      %get3A_1324 = arith.constant 32 : index
      %get3A_1325 = tpu.vector_load %arg10[%get3A_1323, %get3A_1324] {strides = array<i32>} : memref<256x64xf32, #tpu.memory_space<vmem>>, vector<16xf32>,
      %mul3A_1326 = arith.mulf %get3A_1322, %get3A_1325 : vector<16xf32>
      %add3A_1327 = arith.addf %add3A_1319, %mul3A_1326 : vector<16xf32>
      %get3A_1328 = arith.index_cast %add3A_1304 : i32 to index
      %get3A_1329 = arith.constant 48 : index
      %get3A_1330 = tpu.vector_load %arg9[%get3A_1328, %get3A_1329] {strides = array<i32>} : memref<256x64xf32, #tpu.memory_space<vmem>>, vector<16xf32>,
      %get3A_1331 = arith.index_cast %add3A_1304 : i32 to index
      %get3A_1332 = arith.constant 48 : index
      %get3A_1333 = tpu.vector_load %arg10[%get3A_1331, %get3A_1332] {strides = array<i32>} : memref<256x64xf32, #tpu.memory_space<vmem>>, vector<16xf32>,
      %mul3A_1334 = arith.mulf %get3A_1330, %get3A_1333 : vector<16xf32>
      %add3A_1335 = arith.addf %add3A_1327, %mul3A_1334 : vector<16xf32>
      %swap3A_1336 = arith.constant 176 : index
      %swap3A_1337 = tpu.vector_load %arg12[%swap3A_1336] {strides = array<i32>} : memref<256xf32, #tpu.memory_space<vmem>>, vector<16xf32>,
      tpu.vector_store %arg12[%swap3A_1336], %add3A_1335 {strides = array<i32>} : memref<256xf32, #tpu.memory_space<vmem>>, vector<16xf32>,
      %add3A_1338 = arith.constant 12 : i32
      %add3A_1339 = arith.addi %mul3A_23, %add3A_1338 : i32
      %get3A_1340 = arith.index_cast %add3A_1339 : i32 to index
      %get3A_1341 = arith.constant 0 : index
      %get3A_1342 = tpu.vector_load %arg9[%get3A_1340, %get3A_1341] {strides = array<i32>} : memref<256x64xf32, #tpu.memory_space<vmem>>, vector<16xf32>,
      %get3A_1343 = arith.index_cast %add3A_1339 : i32 to index
      %get3A_1344 = arith.constant 0 : index
      %get3A_1345 = tpu.vector_load %arg10[%get3A_1343, %get3A_1344] {strides = array<i32>} : memref<256x64xf32, #tpu.memory_space<vmem>>, vector<16xf32>,
      %mul3A_1346 = arith.mulf %get3A_1342, %get3A_1345 : vector<16xf32>
      %get3A_1347 = arith.index_cast %add3A_1339 : i32 to index
      %get3A_1348 = arith.constant 16 : index
      %get3A_1349 = tpu.vector_load %arg9[%get3A_1347, %get3A_1348] {strides = array<i32>} : memref<256x64xf32, #tpu.memory_space<vmem>>, vector<16xf32>,
      %get3A_1350 = arith.index_cast %add3A_1339 : i32 to index
      %get3A_1351 = arith.constant 16 : index
      %get3A_1352 = tpu.vector_load %arg10[%get3A_1350, %get3A_1351] {strides = array<i32>} : memref<256x64xf32, #tpu.memory_space<vmem>>, vector<16xf32>,
      %mul3A_1353 = arith.mulf %get3A_1349, %get3A_1352 : vector<16xf32>
      %add3A_1354 = arith.addf %mul3A_1346, %mul3A_1353 : vector<16xf32>
      %get3A_1355 = arith.index_cast %add3A_1339 : i32 to index
      %get3A_1356 = arith.constant 32 : index
      %get3A_1357 = tpu.vector_load %arg9[%get3A_1355, %get3A_1356] {strides = array<i32>} : memref<256x64xf32, #tpu.memory_space<vmem>>, vector<16xf32>,
      %get3A_1358 = arith.index_cast %add3A_1339 : i32 to index
      %get3A_1359 = arith.constant 32 : index
      %get3A_1360 = tpu.vector_load %arg10[%get3A_1358, %get3A_1359] {strides = array<i32>} : memref<256x64xf32, #tpu.memory_space<vmem>>, vector<16xf32>,
      %mul3A_1361 = arith.mulf %get3A_1357, %get3A_1360 : vector<16xf32>
      %add3A_1362 = arith.addf %add3A_1354, %mul3A_1361 : vector<16xf32>
      %get3A_1363 = arith.index_cast %add3A_1339 : i32 to index
      %get3A_1364 = arith.constant 48 : index
      %get3A_1365 = tpu.vector_load %arg9[%get3A_1363, %get3A_1364] {strides = array<i32>} : memref<256x64xf32, #tpu.memory_space<vmem>>, vector<16xf32>,
      %get3A_1366 = arith.index_cast %add3A_1339 : i32 to index
      %get3A_1367 = arith.constant 48 : index
      %get3A_1368 = tpu.vector_load %arg10[%get3A_1366, %get3A_1367] {strides = array<i32>} : memref<256x64xf32, #tpu.memory_space<vmem>>, vector<16xf32>,
      %mul3A_1369 = arith.mulf %get3A_1365, %get3A_1368 : vector<16xf32>
      %add3A_1370 = arith.addf %add3A_1362, %mul3A_1369 : vector<16xf32>
      %swap3A_1371 = arith.constant 192 : index
      %swap3A_1372 = tpu.vector_load %arg12[%swap3A_1371] {strides = array<i32>} : memref<256xf32, #tpu.memory_space<vmem>>, vector<16xf32>,
      tpu.vector_store %arg12[%swap3A_1371], %add3A_1370 {strides = array<i32>} : memref<256xf32, #tpu.memory_space<vmem>>, vector<16xf32>,
      %add3A_1373 = arith.constant 13 : i32
      %add3A_1374 = arith.addi %mul3A_23, %add3A_1373 : i32
      %get3A_1375 = arith.index_cast %add3A_1374 : i32 to index
      %get3A_1376 = arith.constant 0 : index
      %get3A_1377 = tpu.vector_load %arg9[%get3A_1375, %get3A_1376] {strides = array<i32>} : memref<256x64xf32, #tpu.memory_space<vmem>>, vector<16xf32>,
      %get3A_1378 = arith.index_cast %add3A_1374 : i32 to index
      %get3A_1379 = arith.constant 0 : index
      %get3A_1380 = tpu.vector_load %arg10[%get3A_1378, %get3A_1379] {strides = array<i32>} : memref<256x64xf32, #tpu.memory_space<vmem>>, vector<16xf32>,
      %mul3A_1381 = arith.mulf %get3A_1377, %get3A_1380 : vector<16xf32>
      %get3A_1382 = arith.index_cast %add3A_1374 : i32 to index
      %get3A_1383 = arith.constant 16 : index
      %get3A_1384 = tpu.vector_load %arg9[%get3A_1382, %get3A_1383] {strides = array<i32>} : memref<256x64xf32, #tpu.memory_space<vmem>>, vector<16xf32>,
      %get3A_1385 = arith.index_cast %add3A_1374 : i32 to index
      %get3A_1386 = arith.constant 16 : index
      %get3A_1387 = tpu.vector_load %arg10[%get3A_1385, %get3A_1386] {strides = array<i32>} : memref<256x64xf32, #tpu.memory_space<vmem>>, vector<16xf32>,
      %mul3A_1388 = arith.mulf %get3A_1384, %get3A_1387 : vector<16xf32>
      %add3A_1389 = arith.addf %mul3A_1381, %mul3A_1388 : vector<16xf32>
      %get3A_1390 = arith.index_cast %add3A_1374 : i32 to index
      %get3A_1391 = arith.constant 32 : index
      %get3A_1392 = tpu.vector_load %arg9[%get3A_1390, %get3A_1391] {strides = array<i32>} : memref<256x64xf32, #tpu.memory_space<vmem>>, vector<16xf32>,
      %get3A_1393 = arith.index_cast %add3A_1374 : i32 to index
      %get3A_1394 = arith.constant 32 : index
      %get3A_1395 = tpu.vector_load %arg10[%get3A_1393, %get3A_1394] {strides = array<i32>} : memref<256x64xf32, #tpu.memory_space<vmem>>, vector<16xf32>,
      %mul3A_1396 = arith.mulf %get3A_1392, %get3A_1395 : vector<16xf32>
      %add3A_1397 = arith.addf %add3A_1389, %mul3A_1396 : vector<16xf32>
      %get3A_1398 = arith.index_cast %add3A_1374 : i32 to index
      %get3A_1399 = arith.constant 48 : index
      %get3A_1400 = tpu.vector_load %arg9[%get3A_1398, %get3A_1399] {strides = array<i32>} : memref<256x64xf32, #tpu.memory_space<vmem>>, vector<16xf32>,
      %get3A_1401 = arith.index_cast %add3A_1374 : i32 to index
      %get3A_1402 = arith.constant 48 : index
      %get3A_1403 = tpu.vector_load %arg10[%get3A_1401, %get3A_1402] {strides = array<i32>} : memref<256x64xf32, #tpu.memory_space<vmem>>, vector<16xf32>,
      %mul3A_1404 = arith.mulf %get3A_1400, %get3A_1403 : vector<16xf32>
      %add3A_1405 = arith.addf %add3A_1397, %mul3A_1404 : vector<16xf32>
      %swap3A_1406 = arith.constant 208 : index
      %swap3A_1407 = tpu.vector_load %arg12[%swap3A_1406] {strides = array<i32>} : memref<256xf32, #tpu.memory_space<vmem>>, vector<16xf32>,
      tpu.vector_store %arg12[%swap3A_1406], %add3A_1405 {strides = array<i32>} : memref<256xf32, #tpu.memory_space<vmem>>, vector<16xf32>,
      %add3A_1408 = arith.constant 14 : i32
      %add3A_1409 = arith.addi %mul3A_23, %add3A_1408 : i32
      %get3A_1410 = arith.index_cast %add3A_1409 : i32 to index
      %get3A_1411 = arith.constant 0 : index
      %get3A_1412 = tpu.vector_load %arg9[%get3A_1410, %get3A_1411] {strides = array<i32>} : memref<256x64xf32, #tpu.memory_space<vmem>>, vector<16xf32>,
      %get3A_1413 = arith.index_cast %add3A_1409 : i32 to index
      %get3A_1414 = arith.constant 0 : index
      %get3A_1415 = tpu.vector_load %arg10[%get3A_1413, %get3A_1414] {strides = array<i32>} : memref<256x64xf32, #tpu.memory_space<vmem>>, vector<16xf32>,
      %mul3A_1416 = arith.mulf %get3A_1412, %get3A_1415 : vector<16xf32>
      %get3A_1417 = arith.index_cast %add3A_1409 : i32 to index
      %get3A_1418 = arith.constant 16 : index
      %get3A_1419 = tpu.vector_load %arg9[%get3A_1417, %get3A_1418] {strides = array<i32>} : memref<256x64xf32, #tpu.memory_space<vmem>>, vector<16xf32>,
      %get3A_1420 = arith.index_cast %add3A_1409 : i32 to index
      %get3A_1421 = arith.constant 16 : index
      %get3A_1422 = tpu.vector_load %arg10[%get3A_1420, %get3A_1421] {strides = array<i32>} : memref<256x64xf32, #tpu.memory_space<vmem>>, vector<16xf32>,
      %mul3A_1423 = arith.mulf %get3A_1419, %get3A_1422 : vector<16xf32>
      %add3A_1424 = arith.addf %mul3A_1416, %mul3A_1423 : vector<16xf32>
      %get3A_1425 = arith.index_cast %add3A_1409 : i32 to index
      %get3A_1426 = arith.constant 32 : index
      %get3A_1427 = tpu.vector_load %arg9[%get3A_1425, %get3A_1426] {strides = array<i32>} : memref<256x64xf32, #tpu.memory_space<vmem>>, vector<16xf32>,
      %get3A_1428 = arith.index_cast %add3A_1409 : i32 to index
      %get3A_1429 = arith.constant 32 : index
      %get3A_1430 = tpu.vector_load %arg10[%get3A_1428, %get3A_1429] {strides = array<i32>} : memref<256x64xf32, #tpu.memory_space<vmem>>, vector<16xf32>,
      %mul3A_1431 = arith.mulf %get3A_1427, %get3A_1430 : vector<16xf32>
      %add3A_1432 = arith.addf %add3A_1424, %mul3A_1431 : vector<16xf32>
      %get3A_1433 = arith.index_cast %add3A_1409 : i32 to index
      %get3A_1434 = arith.constant 48 : index
      %get3A_1435 = tpu.vector_load %arg9[%get3A_1433, %get3A_1434] {strides = array<i32>} : memref<256x64xf32, #tpu.memory_space<vmem>>, vector<16xf32>,
      %get3A_1436 = arith.index_cast %add3A_1409 : i32 to index
      %get3A_1437 = arith.constant 48 : index
      %get3A_1438 = tpu.vector_load %arg10[%get3A_1436, %get3A_1437] {strides = array<i32>} : memref<256x64xf32, #tpu.memory_space<vmem>>, vector<16xf32>,
      %mul3A_1439 = arith.mulf %get3A_1435, %get3A_1438 : vector<16xf32>
      %add3A_1440 = arith.addf %add3A_1432, %mul3A_1439 : vector<16xf32>
      %swap3A_1441 = arith.constant 224 : index
      %swap3A_1442 = tpu.vector_load %arg12[%swap3A_1441] {strides = array<i32>} : memref<256xf32, #tpu.memory_space<vmem>>, vector<16xf32>,
      tpu.vector_store %arg12[%swap3A_1441], %add3A_1440 {strides = array<i32>} : memref<256xf32, #tpu.memory_space<vmem>>, vector<16xf32>,
      %add3A_1443 = arith.constant 15 : i32
      %add3A_1444 = arith.addi %mul3A_23, %add3A_1443 : i32
      %get3A_1445 = arith.index_cast %add3A_1444 : i32 to index
      %get3A_1446 = arith.constant 0 : index
      %get3A_1447 = tpu.vector_load %arg9[%get3A_1445, %get3A_1446] {strides = array<i32>} : memref<256x64xf32, #tpu.memory_space<vmem>>, vector<16xf32>,
      %get3A_1448 = arith.index_cast %add3A_1444 : i32 to index
      %get3A_1449 = arith.constant 0 : index
      %get3A_1450 = tpu.vector_load %arg10[%get3A_1448, %get3A_1449] {strides = array<i32>} : memref<256x64xf32, #tpu.memory_space<vmem>>, vector<16xf32>,
      %mul3A_1451 = arith.mulf %get3A_1447, %get3A_1450 : vector<16xf32>
      %get3A_1452 = arith.index_cast %add3A_1444 : i32 to index
      %get3A_1453 = arith.constant 16 : index
      %get3A_1454 = tpu.vector_load %arg9[%get3A_1452, %get3A_1453] {strides = array<i32>} : memref<256x64xf32, #tpu.memory_space<vmem>>, vector<16xf32>,
      %get3A_1455 = arith.index_cast %add3A_1444 : i32 to index
      %get3A_1456 = arith.constant 16 : index
      %get3A_1457 = tpu.vector_load %arg10[%get3A_1455, %get3A_1456] {strides = array<i32>} : memref<256x64xf32, #tpu.memory_space<vmem>>, vector<16xf32>,
      %mul3A_1458 = arith.mulf %get3A_1454, %get3A_1457 : vector<16xf32>
      %add3A_1459 = arith.addf %mul3A_1451, %mul3A_1458 : vector<16xf32>
      %get3A_1460 = arith.index_cast %add3A_1444 : i32 to index
      %get3A_1461 = arith.constant 32 : index
      %get3A_1462 = tpu.vector_load %arg9[%get3A_1460, %get3A_1461] {strides = array<i32>} : memref<256x64xf32, #tpu.memory_space<vmem>>, vector<16xf32>,
      %get3A_1463 = arith.index_cast %add3A_1444 : i32 to index
      %get3A_1464 = arith.constant 32 : index
      %get3A_1465 = tpu.vector_load %arg10[%get3A_1463, %get3A_1464] {strides = array<i32>} : memref<256x64xf32, #tpu.memory_space<vmem>>, vector<16xf32>,
      %mul3A_1466 = arith.mulf %get3A_1462, %get3A_1465 : vector<16xf32>
      %add3A_1467 = arith.addf %add3A_1459, %mul3A_1466 : vector<16xf32>
      %get3A_1468 = arith.index_cast %add3A_1444 : i32 to index
      %get3A_1469 = arith.constant 48 : index
      %get3A_1470 = tpu.vector_load %arg9[%get3A_1468, %get3A_1469] {strides = array<i32>} : memref<256x64xf32, #tpu.memory_space<vmem>>, vector<16xf32>,
      %get3A_1471 = arith.index_cast %add3A_1444 : i32 to index
      %get3A_1472 = arith.constant 48 : index
      %get3A_1473 = tpu.vector_load %arg10[%get3A_1471, %get3A_1472] {strides = array<i32>} : memref<256x64xf32, #tpu.memory_space<vmem>>, vector<16xf32>,
      %mul3A_1474 = arith.mulf %get3A_1470, %get3A_1473 : vector<16xf32>
      %add3A_1475 = arith.addf %add3A_1467, %mul3A_1474 : vector<16xf32>
      %swap3A_1476 = arith.constant 240 : index
      %swap3A_1477 = tpu.vector_load %arg12[%swap3A_1476] {strides = array<i32>} : memref<256xf32, #tpu.memory_space<vmem>>, vector<16xf32>,
      tpu.vector_store %arg12[%swap3A_1476], %add3A_1475 {strides = array<i32>} : memref<256xf32, #tpu.memory_space<vmem>>, vector<16xf32>,
      %mul3A_1478 = arith.constant 16 : i32
      %mul3A_1479 = vector.broadcast %mul3A_1478 : i32 to vector<16xi32>
      %mul3A_1480 = arith.muli %iota3A, %mul3A_1479 : vector<16xi32>
      %gather3A = tpu.vector_load_idx %arg12[%mul3A_1480] : memref<256xf32, #tpu.memory_space<vmem>>[vector<16xi32>], vector<16xf32>,
      %mul3A_1481 = arith.constant 16 : i32
      %mul3A_1482 = vector.broadcast %mul3A_1481 : i32 to vector<16xi32>
      %mul3A_1483 = arith.muli %iota3A, %mul3A_1482 : vector<16xi32>
      %add3A_1484 = arith.constant 1 : i32
      %add3A_1485 = vector.broadcast %add3A_1484 : i32 to vector<16xi32>
      %add3A_1486 = arith.addi %mul3A_1483, %add3A_1485 : vector<16xi32>
      %gather3A_1487 = tpu.vector_load_idx %arg12[%add3A_1486] : memref<256xf32, #tpu.memory_space<vmem>>[vector<16xi32>], vector<16xf32>,
      %add3A_1488 = arith.addf %gather3A, %gather3A_1487 : vector<16xf32>
      %mul3A_1489 = arith.constant 16 : i32
      %mul3A_1490 = vector.broadcast %mul3A_1489 : i32 to vector<16xi32>
      %mul3A_1491 = arith.muli %iota3A, %mul3A_1490 : vector<16xi32>
      %add3A_1492 = arith.constant 2 : i32
      %add3A_1493 = vector.broadcast %add3A_1492 : i32 to vector<16xi32>
      %add3A_1494 = arith.addi %mul3A_1491, %add3A_1493 : vector<16xi32>
      %gather3A_1495 = tpu.vector_load_idx %arg12[%add3A_1494] : memref<256xf32, #tpu.memory_space<vmem>>[vector<16xi32>], vector<16xf32>,
      %add3A_1496 = arith.addf %add3A_1488, %gather3A_1495 : vector<16xf32>
      %mul3A_1497 = arith.constant 16 : i32
      %mul3A_1498 = vector.broadcast %mul3A_1497 : i32 to vector<16xi32>
      %mul3A_1499 = arith.muli %iota3A, %mul3A_1498 : vector<16xi32>
      %add3A_1500 = arith.constant 3 : i32
      %add3A_1501 = vector.broadcast %add3A_1500 : i32 to vector<16xi32>
      %add3A_1502 = arith.addi %mul3A_1499, %add3A_1501 : vector<16xi32>
      %gather3A_1503 = tpu.vector_load_idx %arg12[%add3A_1502] : memref<256xf32, #tpu.memory_space<vmem>>[vector<16xi32>], vector<16xf32>,
      %add3A_1504 = arith.addf %add3A_1496, %gather3A_1503 : vector<16xf32>
      %mul3A_1505 = arith.constant 16 : i32
      %mul3A_1506 = vector.broadcast %mul3A_1505 : i32 to vector<16xi32>
      %mul3A_1507 = arith.muli %iota3A, %mul3A_1506 : vector<16xi32>
      %add3A_1508 = arith.constant 4 : i32
      %add3A_1509 = vector.broadcast %add3A_1508 : i32 to vector<16xi32>
      %add3A_1510 = arith.addi %mul3A_1507, %add3A_1509 : vector<16xi32>
      %gather3A_1511 = tpu.vector_load_idx %arg12[%add3A_1510] : memref<256xf32, #tpu.memory_space<vmem>>[vector<16xi32>], vector<16xf32>,
      %add3A_1512 = arith.addf %add3A_1504, %gather3A_1511 : vector<16xf32>
      %mul3A_1513 = arith.constant 16 : i32
      %mul3A_1514 = vector.broadcast %mul3A_1513 : i32 to vector<16xi32>
      %mul3A_1515 = arith.muli %iota3A, %mul3A_1514 : vector<16xi32>
      %add3A_1516 = arith.constant 5 : i32
      %add3A_1517 = vector.broadcast %add3A_1516 : i32 to vector<16xi32>
      %add3A_1518 = arith.addi %mul3A_1515, %add3A_1517 : vector<16xi32>
      %gather3A_1519 = tpu.vector_load_idx %arg12[%add3A_1518] : memref<256xf32, #tpu.memory_space<vmem>>[vector<16xi32>], vector<16xf32>,
      %add3A_1520 = arith.addf %add3A_1512, %gather3A_1519 : vector<16xf32>
      %mul3A_1521 = arith.constant 16 : i32
      %mul3A_1522 = vector.broadcast %mul3A_1521 : i32 to vector<16xi32>
      %mul3A_1523 = arith.muli %iota3A, %mul3A_1522 : vector<16xi32>
      %add3A_1524 = arith.constant 6 : i32
      %add3A_1525 = vector.broadcast %add3A_1524 : i32 to vector<16xi32>
      %add3A_1526 = arith.addi %mul3A_1523, %add3A_1525 : vector<16xi32>
      %gather3A_1527 = tpu.vector_load_idx %arg12[%add3A_1526] : memref<256xf32, #tpu.memory_space<vmem>>[vector<16xi32>], vector<16xf32>,
      %add3A_1528 = arith.addf %add3A_1520, %gather3A_1527 : vector<16xf32>
      %mul3A_1529 = arith.constant 16 : i32
      %mul3A_1530 = vector.broadcast %mul3A_1529 : i32 to vector<16xi32>
      %mul3A_1531 = arith.muli %iota3A, %mul3A_1530 : vector<16xi32>
      %add3A_1532 = arith.constant 7 : i32
      %add3A_1533 = vector.broadcast %add3A_1532 : i32 to vector<16xi32>
      %add3A_1534 = arith.addi %mul3A_1531, %add3A_1533 : vector<16xi32>
      %gather3A_1535 = tpu.vector_load_idx %arg12[%add3A_1534] : memref<256xf32, #tpu.memory_space<vmem>>[vector<16xi32>], vector<16xf32>,
      %add3A_1536 = arith.addf %add3A_1528, %gather3A_1535 : vector<16xf32>
      %mul3A_1537 = arith.constant 16 : i32
      %mul3A_1538 = vector.broadcast %mul3A_1537 : i32 to vector<16xi32>
      %mul3A_1539 = arith.muli %iota3A, %mul3A_1538 : vector<16xi32>
      %add3A_1540 = arith.constant 8 : i32
      %add3A_1541 = vector.broadcast %add3A_1540 : i32 to vector<16xi32>
      %add3A_1542 = arith.addi %mul3A_1539, %add3A_1541 : vector<16xi32>
      %gather3A_1543 = tpu.vector_load_idx %arg12[%add3A_1542] : memref<256xf32, #tpu.memory_space<vmem>>[vector<16xi32>], vector<16xf32>,
      %add3A_1544 = arith.addf %add3A_1536, %gather3A_1543 : vector<16xf32>
      %mul3A_1545 = arith.constant 16 : i32
      %mul3A_1546 = vector.broadcast %mul3A_1545 : i32 to vector<16xi32>
      %mul3A_1547 = arith.muli %iota3A, %mul3A_1546 : vector<16xi32>
      %add3A_1548 = arith.constant 9 : i32
      %add3A_1549 = vector.broadcast %add3A_1548 : i32 to vector<16xi32>
      %add3A_1550 = arith.addi %mul3A_1547, %add3A_1549 : vector<16xi32>
      %gather3A_1551 = tpu.vector_load_idx %arg12[%add3A_1550] : memref<256xf32, #tpu.memory_space<vmem>>[vector<16xi32>], vector<16xf32>,
      %add3A_1552 = arith.addf %add3A_1544, %gather3A_1551 : vector<16xf32>
      %mul3A_1553 = arith.constant 16 : i32
      %mul3A_1554 = vector.broadcast %mul3A_1553 : i32 to vector<16xi32>
      %mul3A_1555 = arith.muli %iota3A, %mul3A_1554 : vector<16xi32>
      %add3A_1556 = arith.constant 10 : i32
      %add3A_1557 = vector.broadcast %add3A_1556 : i32 to vector<16xi32>
      %add3A_1558 = arith.addi %mul3A_1555, %add3A_1557 : vector<16xi32>
      %gather3A_1559 = tpu.vector_load_idx %arg12[%add3A_1558] : memref<256xf32, #tpu.memory_space<vmem>>[vector<16xi32>], vector<16xf32>,
      %add3A_1560 = arith.addf %add3A_1552, %gather3A_1559 : vector<16xf32>
      %mul3A_1561 = arith.constant 16 : i32
      %mul3A_1562 = vector.broadcast %mul3A_1561 : i32 to vector<16xi32>
      %mul3A_1563 = arith.muli %iota3A, %mul3A_1562 : vector<16xi32>
      %add3A_1564 = arith.constant 11 : i32
      %add3A_1565 = vector.broadcast %add3A_1564 : i32 to vector<16xi32>
      %add3A_1566 = arith.addi %mul3A_1563, %add3A_1565 : vector<16xi32>
      %gather3A_1567 = tpu.vector_load_idx %arg12[%add3A_1566] : memref<256xf32, #tpu.memory_space<vmem>>[vector<16xi32>], vector<16xf32>,
      %add3A_1568 = arith.addf %add3A_1560, %gather3A_1567 : vector<16xf32>
      %mul3A_1569 = arith.constant 16 : i32
      %mul3A_1570 = vector.broadcast %mul3A_1569 : i32 to vector<16xi32>
      %mul3A_1571 = arith.muli %iota3A, %mul3A_1570 : vector<16xi32>
      %add3A_1572 = arith.constant 12 : i32
      %add3A_1573 = vector.broadcast %add3A_1572 : i32 to vector<16xi32>
      %add3A_1574 = arith.addi %mul3A_1571, %add3A_1573 : vector<16xi32>
      %gather3A_1575 = tpu.vector_load_idx %arg12[%add3A_1574] : memref<256xf32, #tpu.memory_space<vmem>>[vector<16xi32>], vector<16xf32>,
      %add3A_1576 = arith.addf %add3A_1568, %gather3A_1575 : vector<16xf32>
      %mul3A_1577 = arith.constant 16 : i32
      %mul3A_1578 = vector.broadcast %mul3A_1577 : i32 to vector<16xi32>
      %mul3A_1579 = arith.muli %iota3A, %mul3A_1578 : vector<16xi32>
      %add3A_1580 = arith.constant 13 : i32
      %add3A_1581 = vector.broadcast %add3A_1580 : i32 to vector<16xi32>
      %add3A_1582 = arith.addi %mul3A_1579, %add3A_1581 : vector<16xi32>
      %gather3A_1583 = tpu.vector_load_idx %arg12[%add3A_1582] : memref<256xf32, #tpu.memory_space<vmem>>[vector<16xi32>], vector<16xf32>,
      %add3A_1584 = arith.addf %add3A_1576, %gather3A_1583 : vector<16xf32>
      %mul3A_1585 = arith.constant 16 : i32
      %mul3A_1586 = vector.broadcast %mul3A_1585 : i32 to vector<16xi32>
      %mul3A_1587 = arith.muli %iota3A, %mul3A_1586 : vector<16xi32>
      %add3A_1588 = arith.constant 14 : i32
      %add3A_1589 = vector.broadcast %add3A_1588 : i32 to vector<16xi32>
      %add3A_1590 = arith.addi %mul3A_1587, %add3A_1589 : vector<16xi32>
      %gather3A_1591 = tpu.vector_load_idx %arg12[%add3A_1590] : memref<256xf32, #tpu.memory_space<vmem>>[vector<16xi32>], vector<16xf32>,
      %add3A_1592 = arith.addf %add3A_1584, %gather3A_1591 : vector<16xf32>
      %mul3A_1593 = arith.constant 16 : i32
      %mul3A_1594 = vector.broadcast %mul3A_1593 : i32 to vector<16xi32>
      %mul3A_1595 = arith.muli %iota3A, %mul3A_1594 : vector<16xi32>
      %add3A_1596 = arith.constant 15 : i32
      %add3A_1597 = vector.broadcast %add3A_1596 : i32 to vector<16xi32>
      %add3A_1598 = arith.addi %mul3A_1595, %add3A_1597 : vector<16xi32>
      %gather3A_1599 = tpu.vector_load_idx %arg12[%add3A_1598] : memref<256xf32, #tpu.memory_space<vmem>>[vector<16xi32>], vector<16xf32>,
      %add3A_1600 = arith.addf %add3A_1592, %gather3A_1599 : vector<16xf32>
      %abs3A = math.absf %add3A_1600 : vector<16xf32>
      %neg3A = arith.constant 0.000000e+00 : f32
      %neg3A_1601 = vector.broadcast %neg3A : f32 to vector<16xf32>
      %neg3A_1602 = arith.subf %neg3A_1601, %abs3A : vector<16xf32>
      %exp3A = math.exp %neg3A_1602 : vector<16xf32>
      %ge3A = arith.constant 0.000000e+00 : f32
      %ge3A_1603 = vector.broadcast %ge3A : f32 to vector<16xf32>
      %ge3A_1604 = arith.cmpf oge, %add3A_1600, %ge3A_1603 : vector<16xf32>
      %add3A_1605 = arith.constant 1.000000e+00 : f32
      %add3A_1606 = vector.broadcast %add3A_1605 : f32 to vector<16xf32>
      %add3A_1607 = arith.addf %add3A_1606, %exp3A : vector<16xf32>
      %div3A = arith.constant 1.000000e+00 : f32
      %div3A_1608 = vector.broadcast %div3A : f32 to vector<16xf32>
      %div3A_1609 = arith.divf %div3A_1608, %add3A_1607 : vector<16xf32>
      %add3A_1610 = arith.constant 1.000000e+00 : f32
      %add3A_1611 = vector.broadcast %add3A_1610 : f32 to vector<16xf32>
      %add3A_1612 = arith.addf %add3A_1611, %exp3A : vector<16xf32>
      %div3A_1613 = arith.divf %exp3A, %add3A_1612 : vector<16xf32>
      %select_n3A = arith.select %ge3A_1604, %div3A_1609, %div3A_1613 : vector<16xi1>, vector<16xf32>
      %swap3A_1614 = arith.index_cast %add3A_21 : i32 to index
      %swap3A_1615 = tpu.vector_load %arg11[%swap3A_1614] {strides = array<i32>} : memref<512xf32, #tpu.memory_space<vmem>>, vector<16xf32>,
      tpu.vector_store %arg11[%swap3A_1614], %select_n3A {strides = array<i32>} : memref<512xf32, #tpu.memory_space<vmem>>, vector<16xf32>,
      %scan3A_1616 = arith.constant 0 : i32
      scf.yield %scan3A_1616 : i32
    }
    %scan3A_8 = arith.constant 16 : i32
    %scan3A_9 = arith.constant 0 : i32
    %scan3A_10 = arith.constant 0 : i32
    %scan3A_11 = arith.constant 16 : i32
    %scan3A_12 = arith.addi %scan3A_10, %scan3A_11 : i32
    %scan3A_13 = arith.constant 1 : i32
    %scan3A_14 = scf.for %scan3A_16 = %scan3A_10 to %scan3A_12 step %scan3A_13 iter_args(%scan3A_17 = %scan3A_9) -> (i32)  : i32 {
      %mul3A_18 = arith.constant 16 : i32
      %mul3A_19 = arith.muli %scan3A_16, %mul3A_18 : i32
      %add3A_20 = arith.constant 256 : i32
      %add3A_21 = arith.addi %add3A_20, %mul3A_19 : i32
      %mul3A_22 = arith.constant 16 : i32
      %mul3A_23 = arith.muli %scan3A_16, %mul3A_22 : i32
      %get3A = arith.index_cast %add3A_21 : i32 to index
      %get3A_24 = tpu.vector_load %arg7[%get3A] {strides = array<i32>} : memref<512xi32, #tpu.memory_space<vmem>>, vector<16xi32>,
      %get3A_25 = arith.index_cast %add3A_21 : i32 to index
      %get3A_26 = tpu.vector_load %arg8[%get3A_25] {strides = array<i32>} : memref<512xi32, #tpu.memory_space<vmem>>, vector<16xi32>,
      %slice3A = vector.extract_strided_slice %get3A_24 {offsets = [0], sizes = [1], strides = [1]} : vector<16xi32> to vector<1xi32>
      %squeeze3A = vector.extract %slice3A[0] : i32 from vector<1xi32>
      %add3A_27 = arith.constant 0 : i32
      %add3A_28 = arith.addi %mul3A_23, %add3A_27 : i32
      %dma_start3A = arith.constant 0 : i32
      %dma_start3A_29 = tpu.memref_slice %arg9[%add3A_28, %dma_start3A] : memref<256x64xf32, #tpu.memory_space<vmem>> -> memref<1x64xf32, #tpu.memory_space<vmem>>
      %dma_start3A_30 = tpu.memref_squeeze %dma_start3A_29 : memref<1x64xf32, #tpu.memory_space<vmem>> -> memref<64xf32, #tpu.memory_space<vmem>>
      %dma_start3A_31 = arith.constant 0 : i32
      %dma_start3A_32 = tpu.memref_slice %arg4[%squeeze3A, %dma_start3A_31] : memref<1000000x64xf32, #tpu.memory_space<hbm>> -> memref<1x64xf32, #tpu.memory_space<hbm>>
      %dma_start3A_33 = tpu.memref_squeeze %dma_start3A_32 : memref<1x64xf32, #tpu.memory_space<hbm>> -> memref<64xf32, #tpu.memory_space<hbm>>
      %dma_start3A_34 = arith.constant 0 : i32
      %dma_start3A_35 = tpu.memref_slice %arg9[%add3A_28, %dma_start3A_34] : memref<256x64xf32, #tpu.memory_space<vmem>> -> memref<1x64xf32, #tpu.memory_space<vmem>>
      %dma_start3A_36 = tpu.memref_squeeze %dma_start3A_35 : memref<1x64xf32, #tpu.memory_space<vmem>> -> memref<64xf32, #tpu.memory_space<vmem>>
      %dma_start3A_37 = arith.constant 0 : i32
      %dma_start3A_38 = tpu.memref_slice %arg4[%squeeze3A, %dma_start3A_37] : memref<1000000x64xf32, #tpu.memory_space<hbm>> -> memref<1x64xf32, #tpu.memory_space<hbm>>
      %dma_start3A_39 = tpu.memref_squeeze %dma_start3A_38 : memref<1x64xf32, #tpu.memory_space<hbm>> -> memref<64xf32, #tpu.memory_space<hbm>>
      tpu.enqueue_dma source(%dma_start3A_39 : memref<64xf32, #tpu.memory_space<hbm>>) target(%dma_start3A_36 : memref<64xf32, #tpu.memory_space<vmem>>) target_semaphore(%arg13 : memref<!tpu.dma_semaphore, #tpu.memory_space<semaphore_mem>>)
      %slice3A_40 = vector.extract_strided_slice %get3A_26 {offsets = [0], sizes = [1], strides = [1]} : vector<16xi32> to vector<1xi32>
      %squeeze3A_41 = vector.extract %slice3A_40[0] : i32 from vector<1xi32>
      %add3A_42 = arith.constant 0 : i32
      %add3A_43 = arith.addi %mul3A_23, %add3A_42 : i32
      %dma_start3A_44 = arith.constant 0 : i32
      %dma_start3A_45 = tpu.memref_slice %arg10[%add3A_43, %dma_start3A_44] : memref<256x64xf32, #tpu.memory_space<vmem>> -> memref<1x64xf32, #tpu.memory_space<vmem>>
      %dma_start3A_46 = tpu.memref_squeeze %dma_start3A_45 : memref<1x64xf32, #tpu.memory_space<vmem>> -> memref<64xf32, #tpu.memory_space<vmem>>
      %dma_start3A_47 = arith.constant 0 : i32
      %dma_start3A_48 = tpu.memref_slice %arg5[%squeeze3A_41, %dma_start3A_47] : memref<1000000x64xf32, #tpu.memory_space<hbm>> -> memref<1x64xf32, #tpu.memory_space<hbm>>
      %dma_start3A_49 = tpu.memref_squeeze %dma_start3A_48 : memref<1x64xf32, #tpu.memory_space<hbm>> -> memref<64xf32, #tpu.memory_space<hbm>>
      %dma_start3A_50 = arith.constant 0 : i32
      %dma_start3A_51 = tpu.memref_slice %arg10[%add3A_43, %dma_start3A_50] : memref<256x64xf32, #tpu.memory_space<vmem>> -> memref<1x64xf32, #tpu.memory_space<vmem>>
      %dma_start3A_52 = tpu.memref_squeeze %dma_start3A_51 : memref<1x64xf32, #tpu.memory_space<vmem>> -> memref<64xf32, #tpu.memory_space<vmem>>
      %dma_start3A_53 = arith.constant 0 : i32
      %dma_start3A_54 = tpu.memref_slice %arg5[%squeeze3A_41, %dma_start3A_53] : memref<1000000x64xf32, #tpu.memory_space<hbm>> -> memref<1x64xf32, #tpu.memory_space<hbm>>
      %dma_start3A_55 = tpu.memref_squeeze %dma_start3A_54 : memref<1x64xf32, #tpu.memory_space<hbm>> -> memref<64xf32, #tpu.memory_space<hbm>>
      tpu.enqueue_dma source(%dma_start3A_55 : memref<64xf32, #tpu.memory_space<hbm>>) target(%dma_start3A_52 : memref<64xf32, #tpu.memory_space<vmem>>) target_semaphore(%arg14 : memref<!tpu.dma_semaphore, #tpu.memory_space<semaphore_mem>>)
      %slice3A_56 = vector.extract_strided_slice %get3A_24 {offsets = [1], sizes = [1], strides = [1]} : vector<16xi32> to vector<1xi32>
      %squeeze3A_57 = vector.extract %slice3A_56[0] : i32 from vector<1xi32>
      %add3A_58 = arith.constant 1 : i32
      %add3A_59 = arith.addi %mul3A_23, %add3A_58 : i32
      %dma_start3A_60 = arith.constant 0 : i32
      %dma_start3A_61 = tpu.memref_slice %arg9[%add3A_59, %dma_start3A_60] : memref<256x64xf32, #tpu.memory_space<vmem>> -> memref<1x64xf32, #tpu.memory_space<vmem>>
      %dma_start3A_62 = tpu.memref_squeeze %dma_start3A_61 : memref<1x64xf32, #tpu.memory_space<vmem>> -> memref<64xf32, #tpu.memory_space<vmem>>
      %dma_start3A_63 = arith.constant 0 : i32
      %dma_start3A_64 = tpu.memref_slice %arg4[%squeeze3A_57, %dma_start3A_63] : memref<1000000x64xf32, #tpu.memory_space<hbm>> -> memref<1x64xf32, #tpu.memory_space<hbm>>
      %dma_start3A_65 = tpu.memref_squeeze %dma_start3A_64 : memref<1x64xf32, #tpu.memory_space<hbm>> -> memref<64xf32, #tpu.memory_space<hbm>>
      %dma_start3A_66 = arith.constant 0 : i32
      %dma_start3A_67 = tpu.memref_slice %arg9[%add3A_59, %dma_start3A_66] : memref<256x64xf32, #tpu.memory_space<vmem>> -> memref<1x64xf32, #tpu.memory_space<vmem>>
      %dma_start3A_68 = tpu.memref_squeeze %dma_start3A_67 : memref<1x64xf32, #tpu.memory_space<vmem>> -> memref<64xf32, #tpu.memory_space<vmem>>
      %dma_start3A_69 = arith.constant 0 : i32
      %dma_start3A_70 = tpu.memref_slice %arg4[%squeeze3A_57, %dma_start3A_69] : memref<1000000x64xf32, #tpu.memory_space<hbm>> -> memref<1x64xf32, #tpu.memory_space<hbm>>
      %dma_start3A_71 = tpu.memref_squeeze %dma_start3A_70 : memref<1x64xf32, #tpu.memory_space<hbm>> -> memref<64xf32, #tpu.memory_space<hbm>>
      tpu.enqueue_dma source(%dma_start3A_71 : memref<64xf32, #tpu.memory_space<hbm>>) target(%dma_start3A_68 : memref<64xf32, #tpu.memory_space<vmem>>) target_semaphore(%arg13 : memref<!tpu.dma_semaphore, #tpu.memory_space<semaphore_mem>>)
      %slice3A_72 = vector.extract_strided_slice %get3A_26 {offsets = [1], sizes = [1], strides = [1]} : vector<16xi32> to vector<1xi32>
      %squeeze3A_73 = vector.extract %slice3A_72[0] : i32 from vector<1xi32>
      %add3A_74 = arith.constant 1 : i32
      %add3A_75 = arith.addi %mul3A_23, %add3A_74 : i32
      %dma_start3A_76 = arith.constant 0 : i32
      %dma_start3A_77 = tpu.memref_slice %arg10[%add3A_75, %dma_start3A_76] : memref<256x64xf32, #tpu.memory_space<vmem>> -> memref<1x64xf32, #tpu.memory_space<vmem>>
      %dma_start3A_78 = tpu.memref_squeeze %dma_start3A_77 : memref<1x64xf32, #tpu.memory_space<vmem>> -> memref<64xf32, #tpu.memory_space<vmem>>
      %dma_start3A_79 = arith.constant 0 : i32
      %dma_start3A_80 = tpu.memref_slice %arg5[%squeeze3A_73, %dma_start3A_79] : memref<1000000x64xf32, #tpu.memory_space<hbm>> -> memref<1x64xf32, #tpu.memory_space<hbm>>
      %dma_start3A_81 = tpu.memref_squeeze %dma_start3A_80 : memref<1x64xf32, #tpu.memory_space<hbm>> -> memref<64xf32, #tpu.memory_space<hbm>>
      %dma_start3A_82 = arith.constant 0 : i32
      %dma_start3A_83 = tpu.memref_slice %arg10[%add3A_75, %dma_start3A_82] : memref<256x64xf32, #tpu.memory_space<vmem>> -> memref<1x64xf32, #tpu.memory_space<vmem>>
      %dma_start3A_84 = tpu.memref_squeeze %dma_start3A_83 : memref<1x64xf32, #tpu.memory_space<vmem>> -> memref<64xf32, #tpu.memory_space<vmem>>
      %dma_start3A_85 = arith.constant 0 : i32
      %dma_start3A_86 = tpu.memref_slice %arg5[%squeeze3A_73, %dma_start3A_85] : memref<1000000x64xf32, #tpu.memory_space<hbm>> -> memref<1x64xf32, #tpu.memory_space<hbm>>
      %dma_start3A_87 = tpu.memref_squeeze %dma_start3A_86 : memref<1x64xf32, #tpu.memory_space<hbm>> -> memref<64xf32, #tpu.memory_space<hbm>>
      tpu.enqueue_dma source(%dma_start3A_87 : memref<64xf32, #tpu.memory_space<hbm>>) target(%dma_start3A_84 : memref<64xf32, #tpu.memory_space<vmem>>) target_semaphore(%arg14 : memref<!tpu.dma_semaphore, #tpu.memory_space<semaphore_mem>>)
      %slice3A_88 = vector.extract_strided_slice %get3A_24 {offsets = [2], sizes = [1], strides = [1]} : vector<16xi32> to vector<1xi32>
      %squeeze3A_89 = vector.extract %slice3A_88[0] : i32 from vector<1xi32>
      %add3A_90 = arith.constant 2 : i32
      %add3A_91 = arith.addi %mul3A_23, %add3A_90 : i32
      %dma_start3A_92 = arith.constant 0 : i32
      %dma_start3A_93 = tpu.memref_slice %arg9[%add3A_91, %dma_start3A_92] : memref<256x64xf32, #tpu.memory_space<vmem>> -> memref<1x64xf32, #tpu.memory_space<vmem>>
      %dma_start3A_94 = tpu.memref_squeeze %dma_start3A_93 : memref<1x64xf32, #tpu.memory_space<vmem>> -> memref<64xf32, #tpu.memory_space<vmem>>
      %dma_start3A_95 = arith.constant 0 : i32
      %dma_start3A_96 = tpu.memref_slice %arg4[%squeeze3A_89, %dma_start3A_95] : memref<1000000x64xf32, #tpu.memory_space<hbm>> -> memref<1x64xf32, #tpu.memory_space<hbm>>
      %dma_start3A_97 = tpu.memref_squeeze %dma_start3A_96 : memref<1x64xf32, #tpu.memory_space<hbm>> -> memref<64xf32, #tpu.memory_space<hbm>>
      %dma_start3A_98 = arith.constant 0 : i32
      %dma_start3A_99 = tpu.memref_slice %arg9[%add3A_91, %dma_start3A_98] : memref<256x64xf32, #tpu.memory_space<vmem>> -> memref<1x64xf32, #tpu.memory_space<vmem>>
      %dma_start3A_100 = tpu.memref_squeeze %dma_start3A_99 : memref<1x64xf32, #tpu.memory_space<vmem>> -> memref<64xf32, #tpu.memory_space<vmem>>
      %dma_start3A_101 = arith.constant 0 : i32
      %dma_start3A_102 = tpu.memref_slice %arg4[%squeeze3A_89, %dma_start3A_101] : memref<1000000x64xf32, #tpu.memory_space<hbm>> -> memref<1x64xf32, #tpu.memory_space<hbm>>
      %dma_start3A_103 = tpu.memref_squeeze %dma_start3A_102 : memref<1x64xf32, #tpu.memory_space<hbm>> -> memref<64xf32, #tpu.memory_space<hbm>>
      tpu.enqueue_dma source(%dma_start3A_103 : memref<64xf32, #tpu.memory_space<hbm>>) target(%dma_start3A_100 : memref<64xf32, #tpu.memory_space<vmem>>) target_semaphore(%arg13 : memref<!tpu.dma_semaphore, #tpu.memory_space<semaphore_mem>>)
      %slice3A_104 = vector.extract_strided_slice %get3A_26 {offsets = [2], sizes = [1], strides = [1]} : vector<16xi32> to vector<1xi32>
      %squeeze3A_105 = vector.extract %slice3A_104[0] : i32 from vector<1xi32>
      %add3A_106 = arith.constant 2 : i32
      %add3A_107 = arith.addi %mul3A_23, %add3A_106 : i32
      %dma_start3A_108 = arith.constant 0 : i32
      %dma_start3A_109 = tpu.memref_slice %arg10[%add3A_107, %dma_start3A_108] : memref<256x64xf32, #tpu.memory_space<vmem>> -> memref<1x64xf32, #tpu.memory_space<vmem>>
      %dma_start3A_110 = tpu.memref_squeeze %dma_start3A_109 : memref<1x64xf32, #tpu.memory_space<vmem>> -> memref<64xf32, #tpu.memory_space<vmem>>
      %dma_start3A_111 = arith.constant 0 : i32
      %dma_start3A_112 = tpu.memref_slice %arg5[%squeeze3A_105, %dma_start3A_111] : memref<1000000x64xf32, #tpu.memory_space<hbm>> -> memref<1x64xf32, #tpu.memory_space<hbm>>
      %dma_start3A_113 = tpu.memref_squeeze %dma_start3A_112 : memref<1x64xf32, #tpu.memory_space<hbm>> -> memref<64xf32, #tpu.memory_space<hbm>>
      %dma_start3A_114 = arith.constant 0 : i32
      %dma_start3A_115 = tpu.memref_slice %arg10[%add3A_107, %dma_start3A_114] : memref<256x64xf32, #tpu.memory_space<vmem>> -> memref<1x64xf32, #tpu.memory_space<vmem>>
      %dma_start3A_116 = tpu.memref_squeeze %dma_start3A_115 : memref<1x64xf32, #tpu.memory_space<vmem>> -> memref<64xf32, #tpu.memory_space<vmem>>
      %dma_start3A_117 = arith.constant 0 : i32
      %dma_start3A_118 = tpu.memref_slice %arg5[%squeeze3A_105, %dma_start3A_117] : memref<1000000x64xf32, #tpu.memory_space<hbm>> -> memref<1x64xf32, #tpu.memory_space<hbm>>
      %dma_start3A_119 = tpu.memref_squeeze %dma_start3A_118 : memref<1x64xf32, #tpu.memory_space<hbm>> -> memref<64xf32, #tpu.memory_space<hbm>>
      tpu.enqueue_dma source(%dma_start3A_119 : memref<64xf32, #tpu.memory_space<hbm>>) target(%dma_start3A_116 : memref<64xf32, #tpu.memory_space<vmem>>) target_semaphore(%arg14 : memref<!tpu.dma_semaphore, #tpu.memory_space<semaphore_mem>>)
      %slice3A_120 = vector.extract_strided_slice %get3A_24 {offsets = [3], sizes = [1], strides = [1]} : vector<16xi32> to vector<1xi32>
      %squeeze3A_121 = vector.extract %slice3A_120[0] : i32 from vector<1xi32>
      %add3A_122 = arith.constant 3 : i32
      %add3A_123 = arith.addi %mul3A_23, %add3A_122 : i32
      %dma_start3A_124 = arith.constant 0 : i32
      %dma_start3A_125 = tpu.memref_slice %arg9[%add3A_123, %dma_start3A_124] : memref<256x64xf32, #tpu.memory_space<vmem>> -> memref<1x64xf32, #tpu.memory_space<vmem>>
      %dma_start3A_126 = tpu.memref_squeeze %dma_start3A_125 : memref<1x64xf32, #tpu.memory_space<vmem>> -> memref<64xf32, #tpu.memory_space<vmem>>
      %dma_start3A_127 = arith.constant 0 : i32
      %dma_start3A_128 = tpu.memref_slice %arg4[%squeeze3A_121, %dma_start3A_127] : memref<1000000x64xf32, #tpu.memory_space<hbm>> -> memref<1x64xf32, #tpu.memory_space<hbm>>
      %dma_start3A_129 = tpu.memref_squeeze %dma_start3A_128 : memref<1x64xf32, #tpu.memory_space<hbm>> -> memref<64xf32, #tpu.memory_space<hbm>>
      %dma_start3A_130 = arith.constant 0 : i32
      %dma_start3A_131 = tpu.memref_slice %arg9[%add3A_123, %dma_start3A_130] : memref<256x64xf32, #tpu.memory_space<vmem>> -> memref<1x64xf32, #tpu.memory_space<vmem>>
      %dma_start3A_132 = tpu.memref_squeeze %dma_start3A_131 : memref<1x64xf32, #tpu.memory_space<vmem>> -> memref<64xf32, #tpu.memory_space<vmem>>
      %dma_start3A_133 = arith.constant 0 : i32
      %dma_start3A_134 = tpu.memref_slice %arg4[%squeeze3A_121, %dma_start3A_133] : memref<1000000x64xf32, #tpu.memory_space<hbm>> -> memref<1x64xf32, #tpu.memory_space<hbm>>
      %dma_start3A_135 = tpu.memref_squeeze %dma_start3A_134 : memref<1x64xf32, #tpu.memory_space<hbm>> -> memref<64xf32, #tpu.memory_space<hbm>>
      tpu.enqueue_dma source(%dma_start3A_135 : memref<64xf32, #tpu.memory_space<hbm>>) target(%dma_start3A_132 : memref<64xf32, #tpu.memory_space<vmem>>) target_semaphore(%arg13 : memref<!tpu.dma_semaphore, #tpu.memory_space<semaphore_mem>>)
      %slice3A_136 = vector.extract_strided_slice %get3A_26 {offsets = [3], sizes = [1], strides = [1]} : vector<16xi32> to vector<1xi32>
      %squeeze3A_137 = vector.extract %slice3A_136[0] : i32 from vector<1xi32>
      %add3A_138 = arith.constant 3 : i32
      %add3A_139 = arith.addi %mul3A_23, %add3A_138 : i32
      %dma_start3A_140 = arith.constant 0 : i32
      %dma_start3A_141 = tpu.memref_slice %arg10[%add3A_139, %dma_start3A_140] : memref<256x64xf32, #tpu.memory_space<vmem>> -> memref<1x64xf32, #tpu.memory_space<vmem>>
      %dma_start3A_142 = tpu.memref_squeeze %dma_start3A_141 : memref<1x64xf32, #tpu.memory_space<vmem>> -> memref<64xf32, #tpu.memory_space<vmem>>
      %dma_start3A_143 = arith.constant 0 : i32
      %dma_start3A_144 = tpu.memref_slice %arg5[%squeeze3A_137, %dma_start3A_143] : memref<1000000x64xf32, #tpu.memory_space<hbm>> -> memref<1x64xf32, #tpu.memory_space<hbm>>
      %dma_start3A_145 = tpu.memref_squeeze %dma_start3A_144 : memref<1x64xf32, #tpu.memory_space<hbm>> -> memref<64xf32, #tpu.memory_space<hbm>>
      %dma_start3A_146 = arith.constant 0 : i32
      %dma_start3A_147 = tpu.memref_slice %arg10[%add3A_139, %dma_start3A_146] : memref<256x64xf32, #tpu.memory_space<vmem>> -> memref<1x64xf32, #tpu.memory_space<vmem>>
      %dma_start3A_148 = tpu.memref_squeeze %dma_start3A_147 : memref<1x64xf32, #tpu.memory_space<vmem>> -> memref<64xf32, #tpu.memory_space<vmem>>
      %dma_start3A_149 = arith.constant 0 : i32
      %dma_start3A_150 = tpu.memref_slice %arg5[%squeeze3A_137, %dma_start3A_149] : memref<1000000x64xf32, #tpu.memory_space<hbm>> -> memref<1x64xf32, #tpu.memory_space<hbm>>
      %dma_start3A_151 = tpu.memref_squeeze %dma_start3A_150 : memref<1x64xf32, #tpu.memory_space<hbm>> -> memref<64xf32, #tpu.memory_space<hbm>>
      tpu.enqueue_dma source(%dma_start3A_151 : memref<64xf32, #tpu.memory_space<hbm>>) target(%dma_start3A_148 : memref<64xf32, #tpu.memory_space<vmem>>) target_semaphore(%arg14 : memref<!tpu.dma_semaphore, #tpu.memory_space<semaphore_mem>>)
      %slice3A_152 = vector.extract_strided_slice %get3A_24 {offsets = [4], sizes = [1], strides = [1]} : vector<16xi32> to vector<1xi32>
      %squeeze3A_153 = vector.extract %slice3A_152[0] : i32 from vector<1xi32>
      %add3A_154 = arith.constant 4 : i32
      %add3A_155 = arith.addi %mul3A_23, %add3A_154 : i32
      %dma_start3A_156 = arith.constant 0 : i32
      %dma_start3A_157 = tpu.memref_slice %arg9[%add3A_155, %dma_start3A_156] : memref<256x64xf32, #tpu.memory_space<vmem>> -> memref<1x64xf32, #tpu.memory_space<vmem>>
      %dma_start3A_158 = tpu.memref_squeeze %dma_start3A_157 : memref<1x64xf32, #tpu.memory_space<vmem>> -> memref<64xf32, #tpu.memory_space<vmem>>
      %dma_start3A_159 = arith.constant 0 : i32
      %dma_start3A_160 = tpu.memref_slice %arg4[%squeeze3A_153, %dma_start3A_159] : memref<1000000x64xf32, #tpu.memory_space<hbm>> -> memref<1x64xf32, #tpu.memory_space<hbm>>
      %dma_start3A_161 = tpu.memref_squeeze %dma_start3A_160 : memref<1x64xf32, #tpu.memory_space<hbm>> -> memref<64xf32, #tpu.memory_space<hbm>>
      %dma_start3A_162 = arith.constant 0 : i32
      %dma_start3A_163 = tpu.memref_slice %arg9[%add3A_155, %dma_start3A_162] : memref<256x64xf32, #tpu.memory_space<vmem>> -> memref<1x64xf32, #tpu.memory_space<vmem>>
      %dma_start3A_164 = tpu.memref_squeeze %dma_start3A_163 : memref<1x64xf32, #tpu.memory_space<vmem>> -> memref<64xf32, #tpu.memory_space<vmem>>
      %dma_start3A_165 = arith.constant 0 : i32
      %dma_start3A_166 = tpu.memref_slice %arg4[%squeeze3A_153, %dma_start3A_165] : memref<1000000x64xf32, #tpu.memory_space<hbm>> -> memref<1x64xf32, #tpu.memory_space<hbm>>
      %dma_start3A_167 = tpu.memref_squeeze %dma_start3A_166 : memref<1x64xf32, #tpu.memory_space<hbm>> -> memref<64xf32, #tpu.memory_space<hbm>>
      tpu.enqueue_dma source(%dma_start3A_167 : memref<64xf32, #tpu.memory_space<hbm>>) target(%dma_start3A_164 : memref<64xf32, #tpu.memory_space<vmem>>) target_semaphore(%arg13 : memref<!tpu.dma_semaphore, #tpu.memory_space<semaphore_mem>>)
      %slice3A_168 = vector.extract_strided_slice %get3A_26 {offsets = [4], sizes = [1], strides = [1]} : vector<16xi32> to vector<1xi32>
      %squeeze3A_169 = vector.extract %slice3A_168[0] : i32 from vector<1xi32>
      %add3A_170 = arith.constant 4 : i32
      %add3A_171 = arith.addi %mul3A_23, %add3A_170 : i32
      %dma_start3A_172 = arith.constant 0 : i32
      %dma_start3A_173 = tpu.memref_slice %arg10[%add3A_171, %dma_start3A_172] : memref<256x64xf32, #tpu.memory_space<vmem>> -> memref<1x64xf32, #tpu.memory_space<vmem>>
      %dma_start3A_174 = tpu.memref_squeeze %dma_start3A_173 : memref<1x64xf32, #tpu.memory_space<vmem>> -> memref<64xf32, #tpu.memory_space<vmem>>
      %dma_start3A_175 = arith.constant 0 : i32
      %dma_start3A_176 = tpu.memref_slice %arg5[%squeeze3A_169, %dma_start3A_175] : memref<1000000x64xf32, #tpu.memory_space<hbm>> -> memref<1x64xf32, #tpu.memory_space<hbm>>
      %dma_start3A_177 = tpu.memref_squeeze %dma_start3A_176 : memref<1x64xf32, #tpu.memory_space<hbm>> -> memref<64xf32, #tpu.memory_space<hbm>>
      %dma_start3A_178 = arith.constant 0 : i32
      %dma_start3A_179 = tpu.memref_slice %arg10[%add3A_171, %dma_start3A_178] : memref<256x64xf32, #tpu.memory_space<vmem>> -> memref<1x64xf32, #tpu.memory_space<vmem>>
      %dma_start3A_180 = tpu.memref_squeeze %dma_start3A_179 : memref<1x64xf32, #tpu.memory_space<vmem>> -> memref<64xf32, #tpu.memory_space<vmem>>
      %dma_start3A_181 = arith.constant 0 : i32
      %dma_start3A_182 = tpu.memref_slice %arg5[%squeeze3A_169, %dma_start3A_181] : memref<1000000x64xf32, #tpu.memory_space<hbm>> -> memref<1x64xf32, #tpu.memory_space<hbm>>
      %dma_start3A_183 = tpu.memref_squeeze %dma_start3A_182 : memref<1x64xf32, #tpu.memory_space<hbm>> -> memref<64xf32, #tpu.memory_space<hbm>>
      tpu.enqueue_dma source(%dma_start3A_183 : memref<64xf32, #tpu.memory_space<hbm>>) target(%dma_start3A_180 : memref<64xf32, #tpu.memory_space<vmem>>) target_semaphore(%arg14 : memref<!tpu.dma_semaphore, #tpu.memory_space<semaphore_mem>>)
      %slice3A_184 = vector.extract_strided_slice %get3A_24 {offsets = [5], sizes = [1], strides = [1]} : vector<16xi32> to vector<1xi32>
      %squeeze3A_185 = vector.extract %slice3A_184[0] : i32 from vector<1xi32>
      %add3A_186 = arith.constant 5 : i32
      %add3A_187 = arith.addi %mul3A_23, %add3A_186 : i32
      %dma_start3A_188 = arith.constant 0 : i32
      %dma_start3A_189 = tpu.memref_slice %arg9[%add3A_187, %dma_start3A_188] : memref<256x64xf32, #tpu.memory_space<vmem>> -> memref<1x64xf32, #tpu.memory_space<vmem>>
      %dma_start3A_190 = tpu.memref_squeeze %dma_start3A_189 : memref<1x64xf32, #tpu.memory_space<vmem>> -> memref<64xf32, #tpu.memory_space<vmem>>
      %dma_start3A_191 = arith.constant 0 : i32
      %dma_start3A_192 = tpu.memref_slice %arg4[%squeeze3A_185, %dma_start3A_191] : memref<1000000x64xf32, #tpu.memory_space<hbm>> -> memref<1x64xf32, #tpu.memory_space<hbm>>
      %dma_start3A_193 = tpu.memref_squeeze %dma_start3A_192 : memref<1x64xf32, #tpu.memory_space<hbm>> -> memref<64xf32, #tpu.memory_space<hbm>>
      %dma_start3A_194 = arith.constant 0 : i32
      %dma_start3A_195 = tpu.memref_slice %arg9[%add3A_187, %dma_start3A_194] : memref<256x64xf32, #tpu.memory_space<vmem>> -> memref<1x64xf32, #tpu.memory_space<vmem>>
      %dma_start3A_196 = tpu.memref_squeeze %dma_start3A_195 : memref<1x64xf32, #tpu.memory_space<vmem>> -> memref<64xf32, #tpu.memory_space<vmem>>
      %dma_start3A_197 = arith.constant 0 : i32
      %dma_start3A_198 = tpu.memref_slice %arg4[%squeeze3A_185, %dma_start3A_197] : memref<1000000x64xf32, #tpu.memory_space<hbm>> -> memref<1x64xf32, #tpu.memory_space<hbm>>
      %dma_start3A_199 = tpu.memref_squeeze %dma_start3A_198 : memref<1x64xf32, #tpu.memory_space<hbm>> -> memref<64xf32, #tpu.memory_space<hbm>>
      tpu.enqueue_dma source(%dma_start3A_199 : memref<64xf32, #tpu.memory_space<hbm>>) target(%dma_start3A_196 : memref<64xf32, #tpu.memory_space<vmem>>) target_semaphore(%arg13 : memref<!tpu.dma_semaphore, #tpu.memory_space<semaphore_mem>>)
      %slice3A_200 = vector.extract_strided_slice %get3A_26 {offsets = [5], sizes = [1], strides = [1]} : vector<16xi32> to vector<1xi32>
      %squeeze3A_201 = vector.extract %slice3A_200[0] : i32 from vector<1xi32>
      %add3A_202 = arith.constant 5 : i32
      %add3A_203 = arith.addi %mul3A_23, %add3A_202 : i32
      %dma_start3A_204 = arith.constant 0 : i32
      %dma_start3A_205 = tpu.memref_slice %arg10[%add3A_203, %dma_start3A_204] : memref<256x64xf32, #tpu.memory_space<vmem>> -> memref<1x64xf32, #tpu.memory_space<vmem>>
      %dma_start3A_206 = tpu.memref_squeeze %dma_start3A_205 : memref<1x64xf32, #tpu.memory_space<vmem>> -> memref<64xf32, #tpu.memory_space<vmem>>
      %dma_start3A_207 = arith.constant 0 : i32
      %dma_start3A_208 = tpu.memref_slice %arg5[%squeeze3A_201, %dma_start3A_207] : memref<1000000x64xf32, #tpu.memory_space<hbm>> -> memref<1x64xf32, #tpu.memory_space<hbm>>
      %dma_start3A_209 = tpu.memref_squeeze %dma_start3A_208 : memref<1x64xf32, #tpu.memory_space<hbm>> -> memref<64xf32, #tpu.memory_space<hbm>>
      %dma_start3A_210 = arith.constant 0 : i32
      %dma_start3A_211 = tpu.memref_slice %arg10[%add3A_203, %dma_start3A_210] : memref<256x64xf32, #tpu.memory_space<vmem>> -> memref<1x64xf32, #tpu.memory_space<vmem>>
      %dma_start3A_212 = tpu.memref_squeeze %dma_start3A_211 : memref<1x64xf32, #tpu.memory_space<vmem>> -> memref<64xf32, #tpu.memory_space<vmem>>
      %dma_start3A_213 = arith.constant 0 : i32
      %dma_start3A_214 = tpu.memref_slice %arg5[%squeeze3A_201, %dma_start3A_213] : memref<1000000x64xf32, #tpu.memory_space<hbm>> -> memref<1x64xf32, #tpu.memory_space<hbm>>
      %dma_start3A_215 = tpu.memref_squeeze %dma_start3A_214 : memref<1x64xf32, #tpu.memory_space<hbm>> -> memref<64xf32, #tpu.memory_space<hbm>>
      tpu.enqueue_dma source(%dma_start3A_215 : memref<64xf32, #tpu.memory_space<hbm>>) target(%dma_start3A_212 : memref<64xf32, #tpu.memory_space<vmem>>) target_semaphore(%arg14 : memref<!tpu.dma_semaphore, #tpu.memory_space<semaphore_mem>>)
      %slice3A_216 = vector.extract_strided_slice %get3A_24 {offsets = [6], sizes = [1], strides = [1]} : vector<16xi32> to vector<1xi32>
      %squeeze3A_217 = vector.extract %slice3A_216[0] : i32 from vector<1xi32>
      %add3A_218 = arith.constant 6 : i32
      %add3A_219 = arith.addi %mul3A_23, %add3A_218 : i32
      %dma_start3A_220 = arith.constant 0 : i32
      %dma_start3A_221 = tpu.memref_slice %arg9[%add3A_219, %dma_start3A_220] : memref<256x64xf32, #tpu.memory_space<vmem>> -> memref<1x64xf32, #tpu.memory_space<vmem>>
      %dma_start3A_222 = tpu.memref_squeeze %dma_start3A_221 : memref<1x64xf32, #tpu.memory_space<vmem>> -> memref<64xf32, #tpu.memory_space<vmem>>
      %dma_start3A_223 = arith.constant 0 : i32
      %dma_start3A_224 = tpu.memref_slice %arg4[%squeeze3A_217, %dma_start3A_223] : memref<1000000x64xf32, #tpu.memory_space<hbm>> -> memref<1x64xf32, #tpu.memory_space<hbm>>
      %dma_start3A_225 = tpu.memref_squeeze %dma_start3A_224 : memref<1x64xf32, #tpu.memory_space<hbm>> -> memref<64xf32, #tpu.memory_space<hbm>>
      %dma_start3A_226 = arith.constant 0 : i32
      %dma_start3A_227 = tpu.memref_slice %arg9[%add3A_219, %dma_start3A_226] : memref<256x64xf32, #tpu.memory_space<vmem>> -> memref<1x64xf32, #tpu.memory_space<vmem>>
      %dma_start3A_228 = tpu.memref_squeeze %dma_start3A_227 : memref<1x64xf32, #tpu.memory_space<vmem>> -> memref<64xf32, #tpu.memory_space<vmem>>
      %dma_start3A_229 = arith.constant 0 : i32
      %dma_start3A_230 = tpu.memref_slice %arg4[%squeeze3A_217, %dma_start3A_229] : memref<1000000x64xf32, #tpu.memory_space<hbm>> -> memref<1x64xf32, #tpu.memory_space<hbm>>
      %dma_start3A_231 = tpu.memref_squeeze %dma_start3A_230 : memref<1x64xf32, #tpu.memory_space<hbm>> -> memref<64xf32, #tpu.memory_space<hbm>>
      tpu.enqueue_dma source(%dma_start3A_231 : memref<64xf32, #tpu.memory_space<hbm>>) target(%dma_start3A_228 : memref<64xf32, #tpu.memory_space<vmem>>) target_semaphore(%arg13 : memref<!tpu.dma_semaphore, #tpu.memory_space<semaphore_mem>>)
      %slice3A_232 = vector.extract_strided_slice %get3A_26 {offsets = [6], sizes = [1], strides = [1]} : vector<16xi32> to vector<1xi32>
      %squeeze3A_233 = vector.extract %slice3A_232[0] : i32 from vector<1xi32>
      %add3A_234 = arith.constant 6 : i32
      %add3A_235 = arith.addi %mul3A_23, %add3A_234 : i32
      %dma_start3A_236 = arith.constant 0 : i32
      %dma_start3A_237 = tpu.memref_slice %arg10[%add3A_235, %dma_start3A_236] : memref<256x64xf32, #tpu.memory_space<vmem>> -> memref<1x64xf32, #tpu.memory_space<vmem>>
      %dma_start3A_238 = tpu.memref_squeeze %dma_start3A_237 : memref<1x64xf32, #tpu.memory_space<vmem>> -> memref<64xf32, #tpu.memory_space<vmem>>
      %dma_start3A_239 = arith.constant 0 : i32
      %dma_start3A_240 = tpu.memref_slice %arg5[%squeeze3A_233, %dma_start3A_239] : memref<1000000x64xf32, #tpu.memory_space<hbm>> -> memref<1x64xf32, #tpu.memory_space<hbm>>
      %dma_start3A_241 = tpu.memref_squeeze %dma_start3A_240 : memref<1x64xf32, #tpu.memory_space<hbm>> -> memref<64xf32, #tpu.memory_space<hbm>>
      %dma_start3A_242 = arith.constant 0 : i32
      %dma_start3A_243 = tpu.memref_slice %arg10[%add3A_235, %dma_start3A_242] : memref<256x64xf32, #tpu.memory_space<vmem>> -> memref<1x64xf32, #tpu.memory_space<vmem>>
      %dma_start3A_244 = tpu.memref_squeeze %dma_start3A_243 : memref<1x64xf32, #tpu.memory_space<vmem>> -> memref<64xf32, #tpu.memory_space<vmem>>
      %dma_start3A_245 = arith.constant 0 : i32
      %dma_start3A_246 = tpu.memref_slice %arg5[%squeeze3A_233, %dma_start3A_245] : memref<1000000x64xf32, #tpu.memory_space<hbm>> -> memref<1x64xf32, #tpu.memory_space<hbm>>
      %dma_start3A_247 = tpu.memref_squeeze %dma_start3A_246 : memref<1x64xf32, #tpu.memory_space<hbm>> -> memref<64xf32, #tpu.memory_space<hbm>>
      tpu.enqueue_dma source(%dma_start3A_247 : memref<64xf32, #tpu.memory_space<hbm>>) target(%dma_start3A_244 : memref<64xf32, #tpu.memory_space<vmem>>) target_semaphore(%arg14 : memref<!tpu.dma_semaphore, #tpu.memory_space<semaphore_mem>>)
      %slice3A_248 = vector.extract_strided_slice %get3A_24 {offsets = [7], sizes = [1], strides = [1]} : vector<16xi32> to vector<1xi32>
      %squeeze3A_249 = vector.extract %slice3A_248[0] : i32 from vector<1xi32>
      %add3A_250 = arith.constant 7 : i32
      %add3A_251 = arith.addi %mul3A_23, %add3A_250 : i32
      %dma_start3A_252 = arith.constant 0 : i32
      %dma_start3A_253 = tpu.memref_slice %arg9[%add3A_251, %dma_start3A_252] : memref<256x64xf32, #tpu.memory_space<vmem>> -> memref<1x64xf32, #tpu.memory_space<vmem>>
      %dma_start3A_254 = tpu.memref_squeeze %dma_start3A_253 : memref<1x64xf32, #tpu.memory_space<vmem>> -> memref<64xf32, #tpu.memory_space<vmem>>
      %dma_start3A_255 = arith.constant 0 : i32
      %dma_start3A_256 = tpu.memref_slice %arg4[%squeeze3A_249, %dma_start3A_255] : memref<1000000x64xf32, #tpu.memory_space<hbm>> -> memref<1x64xf32, #tpu.memory_space<hbm>>
      %dma_start3A_257 = tpu.memref_squeeze %dma_start3A_256 : memref<1x64xf32, #tpu.memory_space<hbm>> -> memref<64xf32, #tpu.memory_space<hbm>>
      %dma_start3A_258 = arith.constant 0 : i32
      %dma_start3A_259 = tpu.memref_slice %arg9[%add3A_251, %dma_start3A_258] : memref<256x64xf32, #tpu.memory_space<vmem>> -> memref<1x64xf32, #tpu.memory_space<vmem>>
      %dma_start3A_260 = tpu.memref_squeeze %dma_start3A_259 : memref<1x64xf32, #tpu.memory_space<vmem>> -> memref<64xf32, #tpu.memory_space<vmem>>
      %dma_start3A_261 = arith.constant 0 : i32
      %dma_start3A_262 = tpu.memref_slice %arg4[%squeeze3A_249, %dma_start3A_261] : memref<1000000x64xf32, #tpu.memory_space<hbm>> -> memref<1x64xf32, #tpu.memory_space<hbm>>
      %dma_start3A_263 = tpu.memref_squeeze %dma_start3A_262 : memref<1x64xf32, #tpu.memory_space<hbm>> -> memref<64xf32, #tpu.memory_space<hbm>>
      tpu.enqueue_dma source(%dma_start3A_263 : memref<64xf32, #tpu.memory_space<hbm>>) target(%dma_start3A_260 : memref<64xf32, #tpu.memory_space<vmem>>) target_semaphore(%arg13 : memref<!tpu.dma_semaphore, #tpu.memory_space<semaphore_mem>>)
      %slice3A_264 = vector.extract_strided_slice %get3A_26 {offsets = [7], sizes = [1], strides = [1]} : vector<16xi32> to vector<1xi32>
      %squeeze3A_265 = vector.extract %slice3A_264[0] : i32 from vector<1xi32>
      %add3A_266 = arith.constant 7 : i32
      %add3A_267 = arith.addi %mul3A_23, %add3A_266 : i32
      %dma_start3A_268 = arith.constant 0 : i32
      %dma_start3A_269 = tpu.memref_slice %arg10[%add3A_267, %dma_start3A_268] : memref<256x64xf32, #tpu.memory_space<vmem>> -> memref<1x64xf32, #tpu.memory_space<vmem>>
      %dma_start3A_270 = tpu.memref_squeeze %dma_start3A_269 : memref<1x64xf32, #tpu.memory_space<vmem>> -> memref<64xf32, #tpu.memory_space<vmem>>
      %dma_start3A_271 = arith.constant 0 : i32
      %dma_start3A_272 = tpu.memref_slice %arg5[%squeeze3A_265, %dma_start3A_271] : memref<1000000x64xf32, #tpu.memory_space<hbm>> -> memref<1x64xf32, #tpu.memory_space<hbm>>
      %dma_start3A_273 = tpu.memref_squeeze %dma_start3A_272 : memref<1x64xf32, #tpu.memory_space<hbm>> -> memref<64xf32, #tpu.memory_space<hbm>>
      %dma_start3A_274 = arith.constant 0 : i32
      %dma_start3A_275 = tpu.memref_slice %arg10[%add3A_267, %dma_start3A_274] : memref<256x64xf32, #tpu.memory_space<vmem>> -> memref<1x64xf32, #tpu.memory_space<vmem>>
      %dma_start3A_276 = tpu.memref_squeeze %dma_start3A_275 : memref<1x64xf32, #tpu.memory_space<vmem>> -> memref<64xf32, #tpu.memory_space<vmem>>
      %dma_start3A_277 = arith.constant 0 : i32
      %dma_start3A_278 = tpu.memref_slice %arg5[%squeeze3A_265, %dma_start3A_277] : memref<1000000x64xf32, #tpu.memory_space<hbm>> -> memref<1x64xf32, #tpu.memory_space<hbm>>
      %dma_start3A_279 = tpu.memref_squeeze %dma_start3A_278 : memref<1x64xf32, #tpu.memory_space<hbm>> -> memref<64xf32, #tpu.memory_space<hbm>>
      tpu.enqueue_dma source(%dma_start3A_279 : memref<64xf32, #tpu.memory_space<hbm>>) target(%dma_start3A_276 : memref<64xf32, #tpu.memory_space<vmem>>) target_semaphore(%arg14 : memref<!tpu.dma_semaphore, #tpu.memory_space<semaphore_mem>>)
      %slice3A_280 = vector.extract_strided_slice %get3A_24 {offsets = [8], sizes = [1], strides = [1]} : vector<16xi32> to vector<1xi32>
      %squeeze3A_281 = vector.extract %slice3A_280[0] : i32 from vector<1xi32>
      %add3A_282 = arith.constant 8 : i32
      %add3A_283 = arith.addi %mul3A_23, %add3A_282 : i32
      %dma_start3A_284 = arith.constant 0 : i32
      %dma_start3A_285 = tpu.memref_slice %arg9[%add3A_283, %dma_start3A_284] : memref<256x64xf32, #tpu.memory_space<vmem>> -> memref<1x64xf32, #tpu.memory_space<vmem>>
      %dma_start3A_286 = tpu.memref_squeeze %dma_start3A_285 : memref<1x64xf32, #tpu.memory_space<vmem>> -> memref<64xf32, #tpu.memory_space<vmem>>
      %dma_start3A_287 = arith.constant 0 : i32
      %dma_start3A_288 = tpu.memref_slice %arg4[%squeeze3A_281, %dma_start3A_287] : memref<1000000x64xf32, #tpu.memory_space<hbm>> -> memref<1x64xf32, #tpu.memory_space<hbm>>
      %dma_start3A_289 = tpu.memref_squeeze %dma_start3A_288 : memref<1x64xf32, #tpu.memory_space<hbm>> -> memref<64xf32, #tpu.memory_space<hbm>>
      %dma_start3A_290 = arith.constant 0 : i32
      %dma_start3A_291 = tpu.memref_slice %arg9[%add3A_283, %dma_start3A_290] : memref<256x64xf32, #tpu.memory_space<vmem>> -> memref<1x64xf32, #tpu.memory_space<vmem>>
      %dma_start3A_292 = tpu.memref_squeeze %dma_start3A_291 : memref<1x64xf32, #tpu.memory_space<vmem>> -> memref<64xf32, #tpu.memory_space<vmem>>
      %dma_start3A_293 = arith.constant 0 : i32
      %dma_start3A_294 = tpu.memref_slice %arg4[%squeeze3A_281, %dma_start3A_293] : memref<1000000x64xf32, #tpu.memory_space<hbm>> -> memref<1x64xf32, #tpu.memory_space<hbm>>
      %dma_start3A_295 = tpu.memref_squeeze %dma_start3A_294 : memref<1x64xf32, #tpu.memory_space<hbm>> -> memref<64xf32, #tpu.memory_space<hbm>>
      tpu.enqueue_dma source(%dma_start3A_295 : memref<64xf32, #tpu.memory_space<hbm>>) target(%dma_start3A_292 : memref<64xf32, #tpu.memory_space<vmem>>) target_semaphore(%arg13 : memref<!tpu.dma_semaphore, #tpu.memory_space<semaphore_mem>>)
      %slice3A_296 = vector.extract_strided_slice %get3A_26 {offsets = [8], sizes = [1], strides = [1]} : vector<16xi32> to vector<1xi32>
      %squeeze3A_297 = vector.extract %slice3A_296[0] : i32 from vector<1xi32>
      %add3A_298 = arith.constant 8 : i32
      %add3A_299 = arith.addi %mul3A_23, %add3A_298 : i32
      %dma_start3A_300 = arith.constant 0 : i32
      %dma_start3A_301 = tpu.memref_slice %arg10[%add3A_299, %dma_start3A_300] : memref<256x64xf32, #tpu.memory_space<vmem>> -> memref<1x64xf32, #tpu.memory_space<vmem>>
      %dma_start3A_302 = tpu.memref_squeeze %dma_start3A_301 : memref<1x64xf32, #tpu.memory_space<vmem>> -> memref<64xf32, #tpu.memory_space<vmem>>
      %dma_start3A_303 = arith.constant 0 : i32
      %dma_start3A_304 = tpu.memref_slice %arg5[%squeeze3A_297, %dma_start3A_303] : memref<1000000x64xf32, #tpu.memory_space<hbm>> -> memref<1x64xf32, #tpu.memory_space<hbm>>
      %dma_start3A_305 = tpu.memref_squeeze %dma_start3A_304 : memref<1x64xf32, #tpu.memory_space<hbm>> -> memref<64xf32, #tpu.memory_space<hbm>>
      %dma_start3A_306 = arith.constant 0 : i32
      %dma_start3A_307 = tpu.memref_slice %arg10[%add3A_299, %dma_start3A_306] : memref<256x64xf32, #tpu.memory_space<vmem>> -> memref<1x64xf32, #tpu.memory_space<vmem>>
      %dma_start3A_308 = tpu.memref_squeeze %dma_start3A_307 : memref<1x64xf32, #tpu.memory_space<vmem>> -> memref<64xf32, #tpu.memory_space<vmem>>
      %dma_start3A_309 = arith.constant 0 : i32
      %dma_start3A_310 = tpu.memref_slice %arg5[%squeeze3A_297, %dma_start3A_309] : memref<1000000x64xf32, #tpu.memory_space<hbm>> -> memref<1x64xf32, #tpu.memory_space<hbm>>
      %dma_start3A_311 = tpu.memref_squeeze %dma_start3A_310 : memref<1x64xf32, #tpu.memory_space<hbm>> -> memref<64xf32, #tpu.memory_space<hbm>>
      tpu.enqueue_dma source(%dma_start3A_311 : memref<64xf32, #tpu.memory_space<hbm>>) target(%dma_start3A_308 : memref<64xf32, #tpu.memory_space<vmem>>) target_semaphore(%arg14 : memref<!tpu.dma_semaphore, #tpu.memory_space<semaphore_mem>>)
      %slice3A_312 = vector.extract_strided_slice %get3A_24 {offsets = [9], sizes = [1], strides = [1]} : vector<16xi32> to vector<1xi32>
      %squeeze3A_313 = vector.extract %slice3A_312[0] : i32 from vector<1xi32>
      %add3A_314 = arith.constant 9 : i32
      %add3A_315 = arith.addi %mul3A_23, %add3A_314 : i32
      %dma_start3A_316 = arith.constant 0 : i32
      %dma_start3A_317 = tpu.memref_slice %arg9[%add3A_315, %dma_start3A_316] : memref<256x64xf32, #tpu.memory_space<vmem>> -> memref<1x64xf32, #tpu.memory_space<vmem>>
      %dma_start3A_318 = tpu.memref_squeeze %dma_start3A_317 : memref<1x64xf32, #tpu.memory_space<vmem>> -> memref<64xf32, #tpu.memory_space<vmem>>
      %dma_start3A_319 = arith.constant 0 : i32
      %dma_start3A_320 = tpu.memref_slice %arg4[%squeeze3A_313, %dma_start3A_319] : memref<1000000x64xf32, #tpu.memory_space<hbm>> -> memref<1x64xf32, #tpu.memory_space<hbm>>
      %dma_start3A_321 = tpu.memref_squeeze %dma_start3A_320 : memref<1x64xf32, #tpu.memory_space<hbm>> -> memref<64xf32, #tpu.memory_space<hbm>>
      %dma_start3A_322 = arith.constant 0 : i32
      %dma_start3A_323 = tpu.memref_slice %arg9[%add3A_315, %dma_start3A_322] : memref<256x64xf32, #tpu.memory_space<vmem>> -> memref<1x64xf32, #tpu.memory_space<vmem>>
      %dma_start3A_324 = tpu.memref_squeeze %dma_start3A_323 : memref<1x64xf32, #tpu.memory_space<vmem>> -> memref<64xf32, #tpu.memory_space<vmem>>
      %dma_start3A_325 = arith.constant 0 : i32
      %dma_start3A_326 = tpu.memref_slice %arg4[%squeeze3A_313, %dma_start3A_325] : memref<1000000x64xf32, #tpu.memory_space<hbm>> -> memref<1x64xf32, #tpu.memory_space<hbm>>
      %dma_start3A_327 = tpu.memref_squeeze %dma_start3A_326 : memref<1x64xf32, #tpu.memory_space<hbm>> -> memref<64xf32, #tpu.memory_space<hbm>>
      tpu.enqueue_dma source(%dma_start3A_327 : memref<64xf32, #tpu.memory_space<hbm>>) target(%dma_start3A_324 : memref<64xf32, #tpu.memory_space<vmem>>) target_semaphore(%arg13 : memref<!tpu.dma_semaphore, #tpu.memory_space<semaphore_mem>>)
      %slice3A_328 = vector.extract_strided_slice %get3A_26 {offsets = [9], sizes = [1], strides = [1]} : vector<16xi32> to vector<1xi32>
      %squeeze3A_329 = vector.extract %slice3A_328[0] : i32 from vector<1xi32>
      %add3A_330 = arith.constant 9 : i32
      %add3A_331 = arith.addi %mul3A_23, %add3A_330 : i32
      %dma_start3A_332 = arith.constant 0 : i32
      %dma_start3A_333 = tpu.memref_slice %arg10[%add3A_331, %dma_start3A_332] : memref<256x64xf32, #tpu.memory_space<vmem>> -> memref<1x64xf32, #tpu.memory_space<vmem>>
      %dma_start3A_334 = tpu.memref_squeeze %dma_start3A_333 : memref<1x64xf32, #tpu.memory_space<vmem>> -> memref<64xf32, #tpu.memory_space<vmem>>
      %dma_start3A_335 = arith.constant 0 : i32
      %dma_start3A_336 = tpu.memref_slice %arg5[%squeeze3A_329, %dma_start3A_335] : memref<1000000x64xf32, #tpu.memory_space<hbm>> -> memref<1x64xf32, #tpu.memory_space<hbm>>
      %dma_start3A_337 = tpu.memref_squeeze %dma_start3A_336 : memref<1x64xf32, #tpu.memory_space<hbm>> -> memref<64xf32, #tpu.memory_space<hbm>>
      %dma_start3A_338 = arith.constant 0 : i32
      %dma_start3A_339 = tpu.memref_slice %arg10[%add3A_331, %dma_start3A_338] : memref<256x64xf32, #tpu.memory_space<vmem>> -> memref<1x64xf32, #tpu.memory_space<vmem>>
      %dma_start3A_340 = tpu.memref_squeeze %dma_start3A_339 : memref<1x64xf32, #tpu.memory_space<vmem>> -> memref<64xf32, #tpu.memory_space<vmem>>
      %dma_start3A_341 = arith.constant 0 : i32
      %dma_start3A_342 = tpu.memref_slice %arg5[%squeeze3A_329, %dma_start3A_341] : memref<1000000x64xf32, #tpu.memory_space<hbm>> -> memref<1x64xf32, #tpu.memory_space<hbm>>
      %dma_start3A_343 = tpu.memref_squeeze %dma_start3A_342 : memref<1x64xf32, #tpu.memory_space<hbm>> -> memref<64xf32, #tpu.memory_space<hbm>>
      tpu.enqueue_dma source(%dma_start3A_343 : memref<64xf32, #tpu.memory_space<hbm>>) target(%dma_start3A_340 : memref<64xf32, #tpu.memory_space<vmem>>) target_semaphore(%arg14 : memref<!tpu.dma_semaphore, #tpu.memory_space<semaphore_mem>>)
      %slice3A_344 = vector.extract_strided_slice %get3A_24 {offsets = [10], sizes = [1], strides = [1]} : vector<16xi32> to vector<1xi32>
      %squeeze3A_345 = vector.extract %slice3A_344[0] : i32 from vector<1xi32>
      %add3A_346 = arith.constant 10 : i32
      %add3A_347 = arith.addi %mul3A_23, %add3A_346 : i32
      %dma_start3A_348 = arith.constant 0 : i32
      %dma_start3A_349 = tpu.memref_slice %arg9[%add3A_347, %dma_start3A_348] : memref<256x64xf32, #tpu.memory_space<vmem>> -> memref<1x64xf32, #tpu.memory_space<vmem>>
      %dma_start3A_350 = tpu.memref_squeeze %dma_start3A_349 : memref<1x64xf32, #tpu.memory_space<vmem>> -> memref<64xf32, #tpu.memory_space<vmem>>
      %dma_start3A_351 = arith.constant 0 : i32
      %dma_start3A_352 = tpu.memref_slice %arg4[%squeeze3A_345, %dma_start3A_351] : memref<1000000x64xf32, #tpu.memory_space<hbm>> -> memref<1x64xf32, #tpu.memory_space<hbm>>
      %dma_start3A_353 = tpu.memref_squeeze %dma_start3A_352 : memref<1x64xf32, #tpu.memory_space<hbm>> -> memref<64xf32, #tpu.memory_space<hbm>>
      %dma_start3A_354 = arith.constant 0 : i32
      %dma_start3A_355 = tpu.memref_slice %arg9[%add3A_347, %dma_start3A_354] : memref<256x64xf32, #tpu.memory_space<vmem>> -> memref<1x64xf32, #tpu.memory_space<vmem>>
      %dma_start3A_356 = tpu.memref_squeeze %dma_start3A_355 : memref<1x64xf32, #tpu.memory_space<vmem>> -> memref<64xf32, #tpu.memory_space<vmem>>
      %dma_start3A_357 = arith.constant 0 : i32
      %dma_start3A_358 = tpu.memref_slice %arg4[%squeeze3A_345, %dma_start3A_357] : memref<1000000x64xf32, #tpu.memory_space<hbm>> -> memref<1x64xf32, #tpu.memory_space<hbm>>
      %dma_start3A_359 = tpu.memref_squeeze %dma_start3A_358 : memref<1x64xf32, #tpu.memory_space<hbm>> -> memref<64xf32, #tpu.memory_space<hbm>>
      tpu.enqueue_dma source(%dma_start3A_359 : memref<64xf32, #tpu.memory_space<hbm>>) target(%dma_start3A_356 : memref<64xf32, #tpu.memory_space<vmem>>) target_semaphore(%arg13 : memref<!tpu.dma_semaphore, #tpu.memory_space<semaphore_mem>>)
      %slice3A_360 = vector.extract_strided_slice %get3A_26 {offsets = [10], sizes = [1], strides = [1]} : vector<16xi32> to vector<1xi32>
      %squeeze3A_361 = vector.extract %slice3A_360[0] : i32 from vector<1xi32>
      %add3A_362 = arith.constant 10 : i32
      %add3A_363 = arith.addi %mul3A_23, %add3A_362 : i32
      %dma_start3A_364 = arith.constant 0 : i32
      %dma_start3A_365 = tpu.memref_slice %arg10[%add3A_363, %dma_start3A_364] : memref<256x64xf32, #tpu.memory_space<vmem>> -> memref<1x64xf32, #tpu.memory_space<vmem>>
      %dma_start3A_366 = tpu.memref_squeeze %dma_start3A_365 : memref<1x64xf32, #tpu.memory_space<vmem>> -> memref<64xf32, #tpu.memory_space<vmem>>
      %dma_start3A_367 = arith.constant 0 : i32
      %dma_start3A_368 = tpu.memref_slice %arg5[%squeeze3A_361, %dma_start3A_367] : memref<1000000x64xf32, #tpu.memory_space<hbm>> -> memref<1x64xf32, #tpu.memory_space<hbm>>
      %dma_start3A_369 = tpu.memref_squeeze %dma_start3A_368 : memref<1x64xf32, #tpu.memory_space<hbm>> -> memref<64xf32, #tpu.memory_space<hbm>>
      %dma_start3A_370 = arith.constant 0 : i32
      %dma_start3A_371 = tpu.memref_slice %arg10[%add3A_363, %dma_start3A_370] : memref<256x64xf32, #tpu.memory_space<vmem>> -> memref<1x64xf32, #tpu.memory_space<vmem>>
      %dma_start3A_372 = tpu.memref_squeeze %dma_start3A_371 : memref<1x64xf32, #tpu.memory_space<vmem>> -> memref<64xf32, #tpu.memory_space<vmem>>
      %dma_start3A_373 = arith.constant 0 : i32
      %dma_start3A_374 = tpu.memref_slice %arg5[%squeeze3A_361, %dma_start3A_373] : memref<1000000x64xf32, #tpu.memory_space<hbm>> -> memref<1x64xf32, #tpu.memory_space<hbm>>
      %dma_start3A_375 = tpu.memref_squeeze %dma_start3A_374 : memref<1x64xf32, #tpu.memory_space<hbm>> -> memref<64xf32, #tpu.memory_space<hbm>>
      tpu.enqueue_dma source(%dma_start3A_375 : memref<64xf32, #tpu.memory_space<hbm>>) target(%dma_start3A_372 : memref<64xf32, #tpu.memory_space<vmem>>) target_semaphore(%arg14 : memref<!tpu.dma_semaphore, #tpu.memory_space<semaphore_mem>>)
      %slice3A_376 = vector.extract_strided_slice %get3A_24 {offsets = [11], sizes = [1], strides = [1]} : vector<16xi32> to vector<1xi32>
      %squeeze3A_377 = vector.extract %slice3A_376[0] : i32 from vector<1xi32>
      %add3A_378 = arith.constant 11 : i32
      %add3A_379 = arith.addi %mul3A_23, %add3A_378 : i32
      %dma_start3A_380 = arith.constant 0 : i32
      %dma_start3A_381 = tpu.memref_slice %arg9[%add3A_379, %dma_start3A_380] : memref<256x64xf32, #tpu.memory_space<vmem>> -> memref<1x64xf32, #tpu.memory_space<vmem>>
      %dma_start3A_382 = tpu.memref_squeeze %dma_start3A_381 : memref<1x64xf32, #tpu.memory_space<vmem>> -> memref<64xf32, #tpu.memory_space<vmem>>
      %dma_start3A_383 = arith.constant 0 : i32
      %dma_start3A_384 = tpu.memref_slice %arg4[%squeeze3A_377, %dma_start3A_383] : memref<1000000x64xf32, #tpu.memory_space<hbm>> -> memref<1x64xf32, #tpu.memory_space<hbm>>
      %dma_start3A_385 = tpu.memref_squeeze %dma_start3A_384 : memref<1x64xf32, #tpu.memory_space<hbm>> -> memref<64xf32, #tpu.memory_space<hbm>>
      %dma_start3A_386 = arith.constant 0 : i32
      %dma_start3A_387 = tpu.memref_slice %arg9[%add3A_379, %dma_start3A_386] : memref<256x64xf32, #tpu.memory_space<vmem>> -> memref<1x64xf32, #tpu.memory_space<vmem>>
      %dma_start3A_388 = tpu.memref_squeeze %dma_start3A_387 : memref<1x64xf32, #tpu.memory_space<vmem>> -> memref<64xf32, #tpu.memory_space<vmem>>
      %dma_start3A_389 = arith.constant 0 : i32
      %dma_start3A_390 = tpu.memref_slice %arg4[%squeeze3A_377, %dma_start3A_389] : memref<1000000x64xf32, #tpu.memory_space<hbm>> -> memref<1x64xf32, #tpu.memory_space<hbm>>
      %dma_start3A_391 = tpu.memref_squeeze %dma_start3A_390 : memref<1x64xf32, #tpu.memory_space<hbm>> -> memref<64xf32, #tpu.memory_space<hbm>>
      tpu.enqueue_dma source(%dma_start3A_391 : memref<64xf32, #tpu.memory_space<hbm>>) target(%dma_start3A_388 : memref<64xf32, #tpu.memory_space<vmem>>) target_semaphore(%arg13 : memref<!tpu.dma_semaphore, #tpu.memory_space<semaphore_mem>>)
      %slice3A_392 = vector.extract_strided_slice %get3A_26 {offsets = [11], sizes = [1], strides = [1]} : vector<16xi32> to vector<1xi32>
      %squeeze3A_393 = vector.extract %slice3A_392[0] : i32 from vector<1xi32>
      %add3A_394 = arith.constant 11 : i32
      %add3A_395 = arith.addi %mul3A_23, %add3A_394 : i32
      %dma_start3A_396 = arith.constant 0 : i32
      %dma_start3A_397 = tpu.memref_slice %arg10[%add3A_395, %dma_start3A_396] : memref<256x64xf32, #tpu.memory_space<vmem>> -> memref<1x64xf32, #tpu.memory_space<vmem>>
      %dma_start3A_398 = tpu.memref_squeeze %dma_start3A_397 : memref<1x64xf32, #tpu.memory_space<vmem>> -> memref<64xf32, #tpu.memory_space<vmem>>
      %dma_start3A_399 = arith.constant 0 : i32
      %dma_start3A_400 = tpu.memref_slice %arg5[%squeeze3A_393, %dma_start3A_399] : memref<1000000x64xf32, #tpu.memory_space<hbm>> -> memref<1x64xf32, #tpu.memory_space<hbm>>
      %dma_start3A_401 = tpu.memref_squeeze %dma_start3A_400 : memref<1x64xf32, #tpu.memory_space<hbm>> -> memref<64xf32, #tpu.memory_space<hbm>>
      %dma_start3A_402 = arith.constant 0 : i32
      %dma_start3A_403 = tpu.memref_slice %arg10[%add3A_395, %dma_start3A_402] : memref<256x64xf32, #tpu.memory_space<vmem>> -> memref<1x64xf32, #tpu.memory_space<vmem>>
      %dma_start3A_404 = tpu.memref_squeeze %dma_start3A_403 : memref<1x64xf32, #tpu.memory_space<vmem>> -> memref<64xf32, #tpu.memory_space<vmem>>
      %dma_start3A_405 = arith.constant 0 : i32
      %dma_start3A_406 = tpu.memref_slice %arg5[%squeeze3A_393, %dma_start3A_405] : memref<1000000x64xf32, #tpu.memory_space<hbm>> -> memref<1x64xf32, #tpu.memory_space<hbm>>
      %dma_start3A_407 = tpu.memref_squeeze %dma_start3A_406 : memref<1x64xf32, #tpu.memory_space<hbm>> -> memref<64xf32, #tpu.memory_space<hbm>>
      tpu.enqueue_dma source(%dma_start3A_407 : memref<64xf32, #tpu.memory_space<hbm>>) target(%dma_start3A_404 : memref<64xf32, #tpu.memory_space<vmem>>) target_semaphore(%arg14 : memref<!tpu.dma_semaphore, #tpu.memory_space<semaphore_mem>>)
      %slice3A_408 = vector.extract_strided_slice %get3A_24 {offsets = [12], sizes = [1], strides = [1]} : vector<16xi32> to vector<1xi32>
      %squeeze3A_409 = vector.extract %slice3A_408[0] : i32 from vector<1xi32>
      %add3A_410 = arith.constant 12 : i32
      %add3A_411 = arith.addi %mul3A_23, %add3A_410 : i32
      %dma_start3A_412 = arith.constant 0 : i32
      %dma_start3A_413 = tpu.memref_slice %arg9[%add3A_411, %dma_start3A_412] : memref<256x64xf32, #tpu.memory_space<vmem>> -> memref<1x64xf32, #tpu.memory_space<vmem>>
      %dma_start3A_414 = tpu.memref_squeeze %dma_start3A_413 : memref<1x64xf32, #tpu.memory_space<vmem>> -> memref<64xf32, #tpu.memory_space<vmem>>
      %dma_start3A_415 = arith.constant 0 : i32
      %dma_start3A_416 = tpu.memref_slice %arg4[%squeeze3A_409, %dma_start3A_415] : memref<1000000x64xf32, #tpu.memory_space<hbm>> -> memref<1x64xf32, #tpu.memory_space<hbm>>
      %dma_start3A_417 = tpu.memref_squeeze %dma_start3A_416 : memref<1x64xf32, #tpu.memory_space<hbm>> -> memref<64xf32, #tpu.memory_space<hbm>>
      %dma_start3A_418 = arith.constant 0 : i32
      %dma_start3A_419 = tpu.memref_slice %arg9[%add3A_411, %dma_start3A_418] : memref<256x64xf32, #tpu.memory_space<vmem>> -> memref<1x64xf32, #tpu.memory_space<vmem>>
      %dma_start3A_420 = tpu.memref_squeeze %dma_start3A_419 : memref<1x64xf32, #tpu.memory_space<vmem>> -> memref<64xf32, #tpu.memory_space<vmem>>
      %dma_start3A_421 = arith.constant 0 : i32
      %dma_start3A_422 = tpu.memref_slice %arg4[%squeeze3A_409, %dma_start3A_421] : memref<1000000x64xf32, #tpu.memory_space<hbm>> -> memref<1x64xf32, #tpu.memory_space<hbm>>
      %dma_start3A_423 = tpu.memref_squeeze %dma_start3A_422 : memref<1x64xf32, #tpu.memory_space<hbm>> -> memref<64xf32, #tpu.memory_space<hbm>>
      tpu.enqueue_dma source(%dma_start3A_423 : memref<64xf32, #tpu.memory_space<hbm>>) target(%dma_start3A_420 : memref<64xf32, #tpu.memory_space<vmem>>) target_semaphore(%arg13 : memref<!tpu.dma_semaphore, #tpu.memory_space<semaphore_mem>>)
      %slice3A_424 = vector.extract_strided_slice %get3A_26 {offsets = [12], sizes = [1], strides = [1]} : vector<16xi32> to vector<1xi32>
      %squeeze3A_425 = vector.extract %slice3A_424[0] : i32 from vector<1xi32>
      %add3A_426 = arith.constant 12 : i32
      %add3A_427 = arith.addi %mul3A_23, %add3A_426 : i32
      %dma_start3A_428 = arith.constant 0 : i32
      %dma_start3A_429 = tpu.memref_slice %arg10[%add3A_427, %dma_start3A_428] : memref<256x64xf32, #tpu.memory_space<vmem>> -> memref<1x64xf32, #tpu.memory_space<vmem>>
      %dma_start3A_430 = tpu.memref_squeeze %dma_start3A_429 : memref<1x64xf32, #tpu.memory_space<vmem>> -> memref<64xf32, #tpu.memory_space<vmem>>
      %dma_start3A_431 = arith.constant 0 : i32
      %dma_start3A_432 = tpu.memref_slice %arg5[%squeeze3A_425, %dma_start3A_431] : memref<1000000x64xf32, #tpu.memory_space<hbm>> -> memref<1x64xf32, #tpu.memory_space<hbm>>
      %dma_start3A_433 = tpu.memref_squeeze %dma_start3A_432 : memref<1x64xf32, #tpu.memory_space<hbm>> -> memref<64xf32, #tpu.memory_space<hbm>>
      %dma_start3A_434 = arith.constant 0 : i32
      %dma_start3A_435 = tpu.memref_slice %arg10[%add3A_427, %dma_start3A_434] : memref<256x64xf32, #tpu.memory_space<vmem>> -> memref<1x64xf32, #tpu.memory_space<vmem>>
      %dma_start3A_436 = tpu.memref_squeeze %dma_start3A_435 : memref<1x64xf32, #tpu.memory_space<vmem>> -> memref<64xf32, #tpu.memory_space<vmem>>
      %dma_start3A_437 = arith.constant 0 : i32
      %dma_start3A_438 = tpu.memref_slice %arg5[%squeeze3A_425, %dma_start3A_437] : memref<1000000x64xf32, #tpu.memory_space<hbm>> -> memref<1x64xf32, #tpu.memory_space<hbm>>
      %dma_start3A_439 = tpu.memref_squeeze %dma_start3A_438 : memref<1x64xf32, #tpu.memory_space<hbm>> -> memref<64xf32, #tpu.memory_space<hbm>>
      tpu.enqueue_dma source(%dma_start3A_439 : memref<64xf32, #tpu.memory_space<hbm>>) target(%dma_start3A_436 : memref<64xf32, #tpu.memory_space<vmem>>) target_semaphore(%arg14 : memref<!tpu.dma_semaphore, #tpu.memory_space<semaphore_mem>>)
      %slice3A_440 = vector.extract_strided_slice %get3A_24 {offsets = [13], sizes = [1], strides = [1]} : vector<16xi32> to vector<1xi32>
      %squeeze3A_441 = vector.extract %slice3A_440[0] : i32 from vector<1xi32>
      %add3A_442 = arith.constant 13 : i32
      %add3A_443 = arith.addi %mul3A_23, %add3A_442 : i32
      %dma_start3A_444 = arith.constant 0 : i32
      %dma_start3A_445 = tpu.memref_slice %arg9[%add3A_443, %dma_start3A_444] : memref<256x64xf32, #tpu.memory_space<vmem>> -> memref<1x64xf32, #tpu.memory_space<vmem>>
      %dma_start3A_446 = tpu.memref_squeeze %dma_start3A_445 : memref<1x64xf32, #tpu.memory_space<vmem>> -> memref<64xf32, #tpu.memory_space<vmem>>
      %dma_start3A_447 = arith.constant 0 : i32
      %dma_start3A_448 = tpu.memref_slice %arg4[%squeeze3A_441, %dma_start3A_447] : memref<1000000x64xf32, #tpu.memory_space<hbm>> -> memref<1x64xf32, #tpu.memory_space<hbm>>
      %dma_start3A_449 = tpu.memref_squeeze %dma_start3A_448 : memref<1x64xf32, #tpu.memory_space<hbm>> -> memref<64xf32, #tpu.memory_space<hbm>>
      %dma_start3A_450 = arith.constant 0 : i32
      %dma_start3A_451 = tpu.memref_slice %arg9[%add3A_443, %dma_start3A_450] : memref<256x64xf32, #tpu.memory_space<vmem>> -> memref<1x64xf32, #tpu.memory_space<vmem>>
      %dma_start3A_452 = tpu.memref_squeeze %dma_start3A_451 : memref<1x64xf32, #tpu.memory_space<vmem>> -> memref<64xf32, #tpu.memory_space<vmem>>
      %dma_start3A_453 = arith.constant 0 : i32
      %dma_start3A_454 = tpu.memref_slice %arg4[%squeeze3A_441, %dma_start3A_453] : memref<1000000x64xf32, #tpu.memory_space<hbm>> -> memref<1x64xf32, #tpu.memory_space<hbm>>
      %dma_start3A_455 = tpu.memref_squeeze %dma_start3A_454 : memref<1x64xf32, #tpu.memory_space<hbm>> -> memref<64xf32, #tpu.memory_space<hbm>>
      tpu.enqueue_dma source(%dma_start3A_455 : memref<64xf32, #tpu.memory_space<hbm>>) target(%dma_start3A_452 : memref<64xf32, #tpu.memory_space<vmem>>) target_semaphore(%arg13 : memref<!tpu.dma_semaphore, #tpu.memory_space<semaphore_mem>>)
      %slice3A_456 = vector.extract_strided_slice %get3A_26 {offsets = [13], sizes = [1], strides = [1]} : vector<16xi32> to vector<1xi32>
      %squeeze3A_457 = vector.extract %slice3A_456[0] : i32 from vector<1xi32>
      %add3A_458 = arith.constant 13 : i32
      %add3A_459 = arith.addi %mul3A_23, %add3A_458 : i32
      %dma_start3A_460 = arith.constant 0 : i32
      %dma_start3A_461 = tpu.memref_slice %arg10[%add3A_459, %dma_start3A_460] : memref<256x64xf32, #tpu.memory_space<vmem>> -> memref<1x64xf32, #tpu.memory_space<vmem>>
      %dma_start3A_462 = tpu.memref_squeeze %dma_start3A_461 : memref<1x64xf32, #tpu.memory_space<vmem>> -> memref<64xf32, #tpu.memory_space<vmem>>
      %dma_start3A_463 = arith.constant 0 : i32
      %dma_start3A_464 = tpu.memref_slice %arg5[%squeeze3A_457, %dma_start3A_463] : memref<1000000x64xf32, #tpu.memory_space<hbm>> -> memref<1x64xf32, #tpu.memory_space<hbm>>
      %dma_start3A_465 = tpu.memref_squeeze %dma_start3A_464 : memref<1x64xf32, #tpu.memory_space<hbm>> -> memref<64xf32, #tpu.memory_space<hbm>>
      %dma_start3A_466 = arith.constant 0 : i32
      %dma_start3A_467 = tpu.memref_slice %arg10[%add3A_459, %dma_start3A_466] : memref<256x64xf32, #tpu.memory_space<vmem>> -> memref<1x64xf32, #tpu.memory_space<vmem>>
      %dma_start3A_468 = tpu.memref_squeeze %dma_start3A_467 : memref<1x64xf32, #tpu.memory_space<vmem>> -> memref<64xf32, #tpu.memory_space<vmem>>
      %dma_start3A_469 = arith.constant 0 : i32
      %dma_start3A_470 = tpu.memref_slice %arg5[%squeeze3A_457, %dma_start3A_469] : memref<1000000x64xf32, #tpu.memory_space<hbm>> -> memref<1x64xf32, #tpu.memory_space<hbm>>
      %dma_start3A_471 = tpu.memref_squeeze %dma_start3A_470 : memref<1x64xf32, #tpu.memory_space<hbm>> -> memref<64xf32, #tpu.memory_space<hbm>>
      tpu.enqueue_dma source(%dma_start3A_471 : memref<64xf32, #tpu.memory_space<hbm>>) target(%dma_start3A_468 : memref<64xf32, #tpu.memory_space<vmem>>) target_semaphore(%arg14 : memref<!tpu.dma_semaphore, #tpu.memory_space<semaphore_mem>>)
      %slice3A_472 = vector.extract_strided_slice %get3A_24 {offsets = [14], sizes = [1], strides = [1]} : vector<16xi32> to vector<1xi32>
      %squeeze3A_473 = vector.extract %slice3A_472[0] : i32 from vector<1xi32>
      %add3A_474 = arith.constant 14 : i32
      %add3A_475 = arith.addi %mul3A_23, %add3A_474 : i32
      %dma_start3A_476 = arith.constant 0 : i32
      %dma_start3A_477 = tpu.memref_slice %arg9[%add3A_475, %dma_start3A_476] : memref<256x64xf32, #tpu.memory_space<vmem>> -> memref<1x64xf32, #tpu.memory_space<vmem>>
      %dma_start3A_478 = tpu.memref_squeeze %dma_start3A_477 : memref<1x64xf32, #tpu.memory_space<vmem>> -> memref<64xf32, #tpu.memory_space<vmem>>
      %dma_start3A_479 = arith.constant 0 : i32
      %dma_start3A_480 = tpu.memref_slice %arg4[%squeeze3A_473, %dma_start3A_479] : memref<1000000x64xf32, #tpu.memory_space<hbm>> -> memref<1x64xf32, #tpu.memory_space<hbm>>
      %dma_start3A_481 = tpu.memref_squeeze %dma_start3A_480 : memref<1x64xf32, #tpu.memory_space<hbm>> -> memref<64xf32, #tpu.memory_space<hbm>>
      %dma_start3A_482 = arith.constant 0 : i32
      %dma_start3A_483 = tpu.memref_slice %arg9[%add3A_475, %dma_start3A_482] : memref<256x64xf32, #tpu.memory_space<vmem>> -> memref<1x64xf32, #tpu.memory_space<vmem>>
      %dma_start3A_484 = tpu.memref_squeeze %dma_start3A_483 : memref<1x64xf32, #tpu.memory_space<vmem>> -> memref<64xf32, #tpu.memory_space<vmem>>
      %dma_start3A_485 = arith.constant 0 : i32
      %dma_start3A_486 = tpu.memref_slice %arg4[%squeeze3A_473, %dma_start3A_485] : memref<1000000x64xf32, #tpu.memory_space<hbm>> -> memref<1x64xf32, #tpu.memory_space<hbm>>
      %dma_start3A_487 = tpu.memref_squeeze %dma_start3A_486 : memref<1x64xf32, #tpu.memory_space<hbm>> -> memref<64xf32, #tpu.memory_space<hbm>>
      tpu.enqueue_dma source(%dma_start3A_487 : memref<64xf32, #tpu.memory_space<hbm>>) target(%dma_start3A_484 : memref<64xf32, #tpu.memory_space<vmem>>) target_semaphore(%arg13 : memref<!tpu.dma_semaphore, #tpu.memory_space<semaphore_mem>>)
      %slice3A_488 = vector.extract_strided_slice %get3A_26 {offsets = [14], sizes = [1], strides = [1]} : vector<16xi32> to vector<1xi32>
      %squeeze3A_489 = vector.extract %slice3A_488[0] : i32 from vector<1xi32>
      %add3A_490 = arith.constant 14 : i32
      %add3A_491 = arith.addi %mul3A_23, %add3A_490 : i32
      %dma_start3A_492 = arith.constant 0 : i32
      %dma_start3A_493 = tpu.memref_slice %arg10[%add3A_491, %dma_start3A_492] : memref<256x64xf32, #tpu.memory_space<vmem>> -> memref<1x64xf32, #tpu.memory_space<vmem>>
      %dma_start3A_494 = tpu.memref_squeeze %dma_start3A_493 : memref<1x64xf32, #tpu.memory_space<vmem>> -> memref<64xf32, #tpu.memory_space<vmem>>
      %dma_start3A_495 = arith.constant 0 : i32
      %dma_start3A_496 = tpu.memref_slice %arg5[%squeeze3A_489, %dma_start3A_495] : memref<1000000x64xf32, #tpu.memory_space<hbm>> -> memref<1x64xf32, #tpu.memory_space<hbm>>
      %dma_start3A_497 = tpu.memref_squeeze %dma_start3A_496 : memref<1x64xf32, #tpu.memory_space<hbm>> -> memref<64xf32, #tpu.memory_space<hbm>>
      %dma_start3A_498 = arith.constant 0 : i32
      %dma_start3A_499 = tpu.memref_slice %arg10[%add3A_491, %dma_start3A_498] : memref<256x64xf32, #tpu.memory_space<vmem>> -> memref<1x64xf32, #tpu.memory_space<vmem>>
      %dma_start3A_500 = tpu.memref_squeeze %dma_start3A_499 : memref<1x64xf32, #tpu.memory_space<vmem>> -> memref<64xf32, #tpu.memory_space<vmem>>
      %dma_start3A_501 = arith.constant 0 : i32
      %dma_start3A_502 = tpu.memref_slice %arg5[%squeeze3A_489, %dma_start3A_501] : memref<1000000x64xf32, #tpu.memory_space<hbm>> -> memref<1x64xf32, #tpu.memory_space<hbm>>
      %dma_start3A_503 = tpu.memref_squeeze %dma_start3A_502 : memref<1x64xf32, #tpu.memory_space<hbm>> -> memref<64xf32, #tpu.memory_space<hbm>>
      tpu.enqueue_dma source(%dma_start3A_503 : memref<64xf32, #tpu.memory_space<hbm>>) target(%dma_start3A_500 : memref<64xf32, #tpu.memory_space<vmem>>) target_semaphore(%arg14 : memref<!tpu.dma_semaphore, #tpu.memory_space<semaphore_mem>>)
      %slice3A_504 = vector.extract_strided_slice %get3A_24 {offsets = [15], sizes = [1], strides = [1]} : vector<16xi32> to vector<1xi32>
      %squeeze3A_505 = vector.extract %slice3A_504[0] : i32 from vector<1xi32>
      %add3A_506 = arith.constant 15 : i32
      %add3A_507 = arith.addi %mul3A_23, %add3A_506 : i32
      %dma_start3A_508 = arith.constant 0 : i32
      %dma_start3A_509 = tpu.memref_slice %arg9[%add3A_507, %dma_start3A_508] : memref<256x64xf32, #tpu.memory_space<vmem>> -> memref<1x64xf32, #tpu.memory_space<vmem>>
      %dma_start3A_510 = tpu.memref_squeeze %dma_start3A_509 : memref<1x64xf32, #tpu.memory_space<vmem>> -> memref<64xf32, #tpu.memory_space<vmem>>
      %dma_start3A_511 = arith.constant 0 : i32
      %dma_start3A_512 = tpu.memref_slice %arg4[%squeeze3A_505, %dma_start3A_511] : memref<1000000x64xf32, #tpu.memory_space<hbm>> -> memref<1x64xf32, #tpu.memory_space<hbm>>
      %dma_start3A_513 = tpu.memref_squeeze %dma_start3A_512 : memref<1x64xf32, #tpu.memory_space<hbm>> -> memref<64xf32, #tpu.memory_space<hbm>>
      %dma_start3A_514 = arith.constant 0 : i32
      %dma_start3A_515 = tpu.memref_slice %arg9[%add3A_507, %dma_start3A_514] : memref<256x64xf32, #tpu.memory_space<vmem>> -> memref<1x64xf32, #tpu.memory_space<vmem>>
      %dma_start3A_516 = tpu.memref_squeeze %dma_start3A_515 : memref<1x64xf32, #tpu.memory_space<vmem>> -> memref<64xf32, #tpu.memory_space<vmem>>
      %dma_start3A_517 = arith.constant 0 : i32
      %dma_start3A_518 = tpu.memref_slice %arg4[%squeeze3A_505, %dma_start3A_517] : memref<1000000x64xf32, #tpu.memory_space<hbm>> -> memref<1x64xf32, #tpu.memory_space<hbm>>
      %dma_start3A_519 = tpu.memref_squeeze %dma_start3A_518 : memref<1x64xf32, #tpu.memory_space<hbm>> -> memref<64xf32, #tpu.memory_space<hbm>>
      tpu.enqueue_dma source(%dma_start3A_519 : memref<64xf32, #tpu.memory_space<hbm>>) target(%dma_start3A_516 : memref<64xf32, #tpu.memory_space<vmem>>) target_semaphore(%arg13 : memref<!tpu.dma_semaphore, #tpu.memory_space<semaphore_mem>>)
      %slice3A_520 = vector.extract_strided_slice %get3A_26 {offsets = [15], sizes = [1], strides = [1]} : vector<16xi32> to vector<1xi32>
      %squeeze3A_521 = vector.extract %slice3A_520[0] : i32 from vector<1xi32>
      %add3A_522 = arith.constant 15 : i32
      %add3A_523 = arith.addi %mul3A_23, %add3A_522 : i32
      %dma_start3A_524 = arith.constant 0 : i32
      %dma_start3A_525 = tpu.memref_slice %arg10[%add3A_523, %dma_start3A_524] : memref<256x64xf32, #tpu.memory_space<vmem>> -> memref<1x64xf32, #tpu.memory_space<vmem>>
      %dma_start3A_526 = tpu.memref_squeeze %dma_start3A_525 : memref<1x64xf32, #tpu.memory_space<vmem>> -> memref<64xf32, #tpu.memory_space<vmem>>
      %dma_start3A_527 = arith.constant 0 : i32
      %dma_start3A_528 = tpu.memref_slice %arg5[%squeeze3A_521, %dma_start3A_527] : memref<1000000x64xf32, #tpu.memory_space<hbm>> -> memref<1x64xf32, #tpu.memory_space<hbm>>
      %dma_start3A_529 = tpu.memref_squeeze %dma_start3A_528 : memref<1x64xf32, #tpu.memory_space<hbm>> -> memref<64xf32, #tpu.memory_space<hbm>>
      %dma_start3A_530 = arith.constant 0 : i32
      %dma_start3A_531 = tpu.memref_slice %arg10[%add3A_523, %dma_start3A_530] : memref<256x64xf32, #tpu.memory_space<vmem>> -> memref<1x64xf32, #tpu.memory_space<vmem>>
      %dma_start3A_532 = tpu.memref_squeeze %dma_start3A_531 : memref<1x64xf32, #tpu.memory_space<vmem>> -> memref<64xf32, #tpu.memory_space<vmem>>
      %dma_start3A_533 = arith.constant 0 : i32
      %dma_start3A_534 = tpu.memref_slice %arg5[%squeeze3A_521, %dma_start3A_533] : memref<1000000x64xf32, #tpu.memory_space<hbm>> -> memref<1x64xf32, #tpu.memory_space<hbm>>
      %dma_start3A_535 = tpu.memref_squeeze %dma_start3A_534 : memref<1x64xf32, #tpu.memory_space<hbm>> -> memref<64xf32, #tpu.memory_space<hbm>>
      tpu.enqueue_dma source(%dma_start3A_535 : memref<64xf32, #tpu.memory_space<hbm>>) target(%dma_start3A_532 : memref<64xf32, #tpu.memory_space<vmem>>) target_semaphore(%arg14 : memref<!tpu.dma_semaphore, #tpu.memory_space<semaphore_mem>>)
      %dma_wait3A = arith.constant 0 : i32
      %dma_wait3A_536 = tpu.memref_slice %arg9[%add3A_28, %dma_wait3A] : memref<256x64xf32, #tpu.memory_space<vmem>> -> memref<1x64xf32, #tpu.memory_space<vmem>>
      %dma_wait3A_537 = tpu.memref_squeeze %dma_wait3A_536 : memref<1x64xf32, #tpu.memory_space<vmem>> -> memref<64xf32, #tpu.memory_space<vmem>>
      %dma_wait3A_538 = arith.constant 0 : i32
      %dma_wait3A_539 = tpu.memref_slice %arg4[%squeeze3A, %dma_wait3A_538] : memref<1000000x64xf32, #tpu.memory_space<hbm>> -> memref<1x64xf32, #tpu.memory_space<hbm>>
      %dma_wait3A_540 = tpu.memref_squeeze %dma_wait3A_539 : memref<1x64xf32, #tpu.memory_space<hbm>> -> memref<64xf32, #tpu.memory_space<hbm>>
      %dma_wait3A_541 = arith.constant 0 : i32
      %dma_wait3A_542 = tpu.memref_slice %arg9[%add3A_28, %dma_wait3A_541] : memref<256x64xf32, #tpu.memory_space<vmem>> -> memref<1x64xf32, #tpu.memory_space<vmem>>
      %dma_wait3A_543 = tpu.memref_squeeze %dma_wait3A_542 : memref<1x64xf32, #tpu.memory_space<vmem>> -> memref<64xf32, #tpu.memory_space<vmem>>
      %dma_wait3A_544 = arith.constant 0 : i32
      %dma_wait3A_545 = tpu.memref_slice %arg4[%squeeze3A, %dma_wait3A_544] : memref<1000000x64xf32, #tpu.memory_space<hbm>> -> memref<1x64xf32, #tpu.memory_space<hbm>>
      %dma_wait3A_546 = tpu.memref_squeeze %dma_wait3A_545 : memref<1x64xf32, #tpu.memory_space<hbm>> -> memref<64xf32, #tpu.memory_space<hbm>>
      tpu.wait_dma2 semaphore(%arg13 : memref<!tpu.dma_semaphore, #tpu.memory_space<semaphore_mem>>) src(%dma_wait3A_546 : memref<64xf32, #tpu.memory_space<hbm>>) dst(%dma_wait3A_543 : memref<64xf32, #tpu.memory_space<vmem>>)
      %dma_wait3A_547 = arith.constant 0 : i32
      %dma_wait3A_548 = tpu.memref_slice %arg10[%add3A_43, %dma_wait3A_547] : memref<256x64xf32, #tpu.memory_space<vmem>> -> memref<1x64xf32, #tpu.memory_space<vmem>>
      %dma_wait3A_549 = tpu.memref_squeeze %dma_wait3A_548 : memref<1x64xf32, #tpu.memory_space<vmem>> -> memref<64xf32, #tpu.memory_space<vmem>>
      %dma_wait3A_550 = arith.constant 0 : i32
      %dma_wait3A_551 = tpu.memref_slice %arg5[%squeeze3A_41, %dma_wait3A_550] : memref<1000000x64xf32, #tpu.memory_space<hbm>> -> memref<1x64xf32, #tpu.memory_space<hbm>>
      %dma_wait3A_552 = tpu.memref_squeeze %dma_wait3A_551 : memref<1x64xf32, #tpu.memory_space<hbm>> -> memref<64xf32, #tpu.memory_space<hbm>>
      %dma_wait3A_553 = arith.constant 0 : i32
      %dma_wait3A_554 = tpu.memref_slice %arg10[%add3A_43, %dma_wait3A_553] : memref<256x64xf32, #tpu.memory_space<vmem>> -> memref<1x64xf32, #tpu.memory_space<vmem>>
      %dma_wait3A_555 = tpu.memref_squeeze %dma_wait3A_554 : memref<1x64xf32, #tpu.memory_space<vmem>> -> memref<64xf32, #tpu.memory_space<vmem>>
      %dma_wait3A_556 = arith.constant 0 : i32
      %dma_wait3A_557 = tpu.memref_slice %arg5[%squeeze3A_41, %dma_wait3A_556] : memref<1000000x64xf32, #tpu.memory_space<hbm>> -> memref<1x64xf32, #tpu.memory_space<hbm>>
      %dma_wait3A_558 = tpu.memref_squeeze %dma_wait3A_557 : memref<1x64xf32, #tpu.memory_space<hbm>> -> memref<64xf32, #tpu.memory_space<hbm>>
      tpu.wait_dma2 semaphore(%arg14 : memref<!tpu.dma_semaphore, #tpu.memory_space<semaphore_mem>>) src(%dma_wait3A_558 : memref<64xf32, #tpu.memory_space<hbm>>) dst(%dma_wait3A_555 : memref<64xf32, #tpu.memory_space<vmem>>)
      %dma_wait3A_559 = arith.constant 0 : i32
      %dma_wait3A_560 = tpu.memref_slice %arg9[%add3A_59, %dma_wait3A_559] : memref<256x64xf32, #tpu.memory_space<vmem>> -> memref<1x64xf32, #tpu.memory_space<vmem>>
      %dma_wait3A_561 = tpu.memref_squeeze %dma_wait3A_560 : memref<1x64xf32, #tpu.memory_space<vmem>> -> memref<64xf32, #tpu.memory_space<vmem>>
      %dma_wait3A_562 = arith.constant 0 : i32
      %dma_wait3A_563 = tpu.memref_slice %arg4[%squeeze3A_57, %dma_wait3A_562] : memref<1000000x64xf32, #tpu.memory_space<hbm>> -> memref<1x64xf32, #tpu.memory_space<hbm>>
      %dma_wait3A_564 = tpu.memref_squeeze %dma_wait3A_563 : memref<1x64xf32, #tpu.memory_space<hbm>> -> memref<64xf32, #tpu.memory_space<hbm>>
      %dma_wait3A_565 = arith.constant 0 : i32
      %dma_wait3A_566 = tpu.memref_slice %arg9[%add3A_59, %dma_wait3A_565] : memref<256x64xf32, #tpu.memory_space<vmem>> -> memref<1x64xf32, #tpu.memory_space<vmem>>
      %dma_wait3A_567 = tpu.memref_squeeze %dma_wait3A_566 : memref<1x64xf32, #tpu.memory_space<vmem>> -> memref<64xf32, #tpu.memory_space<vmem>>
      %dma_wait3A_568 = arith.constant 0 : i32
      %dma_wait3A_569 = tpu.memref_slice %arg4[%squeeze3A_57, %dma_wait3A_568] : memref<1000000x64xf32, #tpu.memory_space<hbm>> -> memref<1x64xf32, #tpu.memory_space<hbm>>
      %dma_wait3A_570 = tpu.memref_squeeze %dma_wait3A_569 : memref<1x64xf32, #tpu.memory_space<hbm>> -> memref<64xf32, #tpu.memory_space<hbm>>
      tpu.wait_dma2 semaphore(%arg13 : memref<!tpu.dma_semaphore, #tpu.memory_space<semaphore_mem>>) src(%dma_wait3A_570 : memref<64xf32, #tpu.memory_space<hbm>>) dst(%dma_wait3A_567 : memref<64xf32, #tpu.memory_space<vmem>>)
      %dma_wait3A_571 = arith.constant 0 : i32
      %dma_wait3A_572 = tpu.memref_slice %arg10[%add3A_75, %dma_wait3A_571] : memref<256x64xf32, #tpu.memory_space<vmem>> -> memref<1x64xf32, #tpu.memory_space<vmem>>
      %dma_wait3A_573 = tpu.memref_squeeze %dma_wait3A_572 : memref<1x64xf32, #tpu.memory_space<vmem>> -> memref<64xf32, #tpu.memory_space<vmem>>
      %dma_wait3A_574 = arith.constant 0 : i32
      %dma_wait3A_575 = tpu.memref_slice %arg5[%squeeze3A_73, %dma_wait3A_574] : memref<1000000x64xf32, #tpu.memory_space<hbm>> -> memref<1x64xf32, #tpu.memory_space<hbm>>
      %dma_wait3A_576 = tpu.memref_squeeze %dma_wait3A_575 : memref<1x64xf32, #tpu.memory_space<hbm>> -> memref<64xf32, #tpu.memory_space<hbm>>
      %dma_wait3A_577 = arith.constant 0 : i32
      %dma_wait3A_578 = tpu.memref_slice %arg10[%add3A_75, %dma_wait3A_577] : memref<256x64xf32, #tpu.memory_space<vmem>> -> memref<1x64xf32, #tpu.memory_space<vmem>>
      %dma_wait3A_579 = tpu.memref_squeeze %dma_wait3A_578 : memref<1x64xf32, #tpu.memory_space<vmem>> -> memref<64xf32, #tpu.memory_space<vmem>>
      %dma_wait3A_580 = arith.constant 0 : i32
      %dma_wait3A_581 = tpu.memref_slice %arg5[%squeeze3A_73, %dma_wait3A_580] : memref<1000000x64xf32, #tpu.memory_space<hbm>> -> memref<1x64xf32, #tpu.memory_space<hbm>>
      %dma_wait3A_582 = tpu.memref_squeeze %dma_wait3A_581 : memref<1x64xf32, #tpu.memory_space<hbm>> -> memref<64xf32, #tpu.memory_space<hbm>>
      tpu.wait_dma2 semaphore(%arg14 : memref<!tpu.dma_semaphore, #tpu.memory_space<semaphore_mem>>) src(%dma_wait3A_582 : memref<64xf32, #tpu.memory_space<hbm>>) dst(%dma_wait3A_579 : memref<64xf32, #tpu.memory_space<vmem>>)
      %dma_wait3A_583 = arith.constant 0 : i32
      %dma_wait3A_584 = tpu.memref_slice %arg9[%add3A_91, %dma_wait3A_583] : memref<256x64xf32, #tpu.memory_space<vmem>> -> memref<1x64xf32, #tpu.memory_space<vmem>>
      %dma_wait3A_585 = tpu.memref_squeeze %dma_wait3A_584 : memref<1x64xf32, #tpu.memory_space<vmem>> -> memref<64xf32, #tpu.memory_space<vmem>>
      %dma_wait3A_586 = arith.constant 0 : i32
      %dma_wait3A_587 = tpu.memref_slice %arg4[%squeeze3A_89, %dma_wait3A_586] : memref<1000000x64xf32, #tpu.memory_space<hbm>> -> memref<1x64xf32, #tpu.memory_space<hbm>>
      %dma_wait3A_588 = tpu.memref_squeeze %dma_wait3A_587 : memref<1x64xf32, #tpu.memory_space<hbm>> -> memref<64xf32, #tpu.memory_space<hbm>>
      %dma_wait3A_589 = arith.constant 0 : i32
      %dma_wait3A_590 = tpu.memref_slice %arg9[%add3A_91, %dma_wait3A_589] : memref<256x64xf32, #tpu.memory_space<vmem>> -> memref<1x64xf32, #tpu.memory_space<vmem>>
      %dma_wait3A_591 = tpu.memref_squeeze %dma_wait3A_590 : memref<1x64xf32, #tpu.memory_space<vmem>> -> memref<64xf32, #tpu.memory_space<vmem>>
      %dma_wait3A_592 = arith.constant 0 : i32
      %dma_wait3A_593 = tpu.memref_slice %arg4[%squeeze3A_89, %dma_wait3A_592] : memref<1000000x64xf32, #tpu.memory_space<hbm>> -> memref<1x64xf32, #tpu.memory_space<hbm>>
      %dma_wait3A_594 = tpu.memref_squeeze %dma_wait3A_593 : memref<1x64xf32, #tpu.memory_space<hbm>> -> memref<64xf32, #tpu.memory_space<hbm>>
      tpu.wait_dma2 semaphore(%arg13 : memref<!tpu.dma_semaphore, #tpu.memory_space<semaphore_mem>>) src(%dma_wait3A_594 : memref<64xf32, #tpu.memory_space<hbm>>) dst(%dma_wait3A_591 : memref<64xf32, #tpu.memory_space<vmem>>)
      %dma_wait3A_595 = arith.constant 0 : i32
      %dma_wait3A_596 = tpu.memref_slice %arg10[%add3A_107, %dma_wait3A_595] : memref<256x64xf32, #tpu.memory_space<vmem>> -> memref<1x64xf32, #tpu.memory_space<vmem>>
      %dma_wait3A_597 = tpu.memref_squeeze %dma_wait3A_596 : memref<1x64xf32, #tpu.memory_space<vmem>> -> memref<64xf32, #tpu.memory_space<vmem>>
      %dma_wait3A_598 = arith.constant 0 : i32
      %dma_wait3A_599 = tpu.memref_slice %arg5[%squeeze3A_105, %dma_wait3A_598] : memref<1000000x64xf32, #tpu.memory_space<hbm>> -> memref<1x64xf32, #tpu.memory_space<hbm>>
      %dma_wait3A_600 = tpu.memref_squeeze %dma_wait3A_599 : memref<1x64xf32, #tpu.memory_space<hbm>> -> memref<64xf32, #tpu.memory_space<hbm>>
      %dma_wait3A_601 = arith.constant 0 : i32
      %dma_wait3A_602 = tpu.memref_slice %arg10[%add3A_107, %dma_wait3A_601] : memref<256x64xf32, #tpu.memory_space<vmem>> -> memref<1x64xf32, #tpu.memory_space<vmem>>
      %dma_wait3A_603 = tpu.memref_squeeze %dma_wait3A_602 : memref<1x64xf32, #tpu.memory_space<vmem>> -> memref<64xf32, #tpu.memory_space<vmem>>
      %dma_wait3A_604 = arith.constant 0 : i32
      %dma_wait3A_605 = tpu.memref_slice %arg5[%squeeze3A_105, %dma_wait3A_604] : memref<1000000x64xf32, #tpu.memory_space<hbm>> -> memref<1x64xf32, #tpu.memory_space<hbm>>
      %dma_wait3A_606 = tpu.memref_squeeze %dma_wait3A_605 : memref<1x64xf32, #tpu.memory_space<hbm>> -> memref<64xf32, #tpu.memory_space<hbm>>
      tpu.wait_dma2 semaphore(%arg14 : memref<!tpu.dma_semaphore, #tpu.memory_space<semaphore_mem>>) src(%dma_wait3A_606 : memref<64xf32, #tpu.memory_space<hbm>>) dst(%dma_wait3A_603 : memref<64xf32, #tpu.memory_space<vmem>>)
      %dma_wait3A_607 = arith.constant 0 : i32
      %dma_wait3A_608 = tpu.memref_slice %arg9[%add3A_123, %dma_wait3A_607] : memref<256x64xf32, #tpu.memory_space<vmem>> -> memref<1x64xf32, #tpu.memory_space<vmem>>
      %dma_wait3A_609 = tpu.memref_squeeze %dma_wait3A_608 : memref<1x64xf32, #tpu.memory_space<vmem>> -> memref<64xf32, #tpu.memory_space<vmem>>
      %dma_wait3A_610 = arith.constant 0 : i32
      %dma_wait3A_611 = tpu.memref_slice %arg4[%squeeze3A_121, %dma_wait3A_610] : memref<1000000x64xf32, #tpu.memory_space<hbm>> -> memref<1x64xf32, #tpu.memory_space<hbm>>
      %dma_wait3A_612 = tpu.memref_squeeze %dma_wait3A_611 : memref<1x64xf32, #tpu.memory_space<hbm>> -> memref<64xf32, #tpu.memory_space<hbm>>
      %dma_wait3A_613 = arith.constant 0 : i32
      %dma_wait3A_614 = tpu.memref_slice %arg9[%add3A_123, %dma_wait3A_613] : memref<256x64xf32, #tpu.memory_space<vmem>> -> memref<1x64xf32, #tpu.memory_space<vmem>>
      %dma_wait3A_615 = tpu.memref_squeeze %dma_wait3A_614 : memref<1x64xf32, #tpu.memory_space<vmem>> -> memref<64xf32, #tpu.memory_space<vmem>>
      %dma_wait3A_616 = arith.constant 0 : i32
      %dma_wait3A_617 = tpu.memref_slice %arg4[%squeeze3A_121, %dma_wait3A_616] : memref<1000000x64xf32, #tpu.memory_space<hbm>> -> memref<1x64xf32, #tpu.memory_space<hbm>>
      %dma_wait3A_618 = tpu.memref_squeeze %dma_wait3A_617 : memref<1x64xf32, #tpu.memory_space<hbm>> -> memref<64xf32, #tpu.memory_space<hbm>>
      tpu.wait_dma2 semaphore(%arg13 : memref<!tpu.dma_semaphore, #tpu.memory_space<semaphore_mem>>) src(%dma_wait3A_618 : memref<64xf32, #tpu.memory_space<hbm>>) dst(%dma_wait3A_615 : memref<64xf32, #tpu.memory_space<vmem>>)
      %dma_wait3A_619 = arith.constant 0 : i32
      %dma_wait3A_620 = tpu.memref_slice %arg10[%add3A_139, %dma_wait3A_619] : memref<256x64xf32, #tpu.memory_space<vmem>> -> memref<1x64xf32, #tpu.memory_space<vmem>>
      %dma_wait3A_621 = tpu.memref_squeeze %dma_wait3A_620 : memref<1x64xf32, #tpu.memory_space<vmem>> -> memref<64xf32, #tpu.memory_space<vmem>>
      %dma_wait3A_622 = arith.constant 0 : i32
      %dma_wait3A_623 = tpu.memref_slice %arg5[%squeeze3A_137, %dma_wait3A_622] : memref<1000000x64xf32, #tpu.memory_space<hbm>> -> memref<1x64xf32, #tpu.memory_space<hbm>>
      %dma_wait3A_624 = tpu.memref_squeeze %dma_wait3A_623 : memref<1x64xf32, #tpu.memory_space<hbm>> -> memref<64xf32, #tpu.memory_space<hbm>>
      %dma_wait3A_625 = arith.constant 0 : i32
      %dma_wait3A_626 = tpu.memref_slice %arg10[%add3A_139, %dma_wait3A_625] : memref<256x64xf32, #tpu.memory_space<vmem>> -> memref<1x64xf32, #tpu.memory_space<vmem>>
      %dma_wait3A_627 = tpu.memref_squeeze %dma_wait3A_626 : memref<1x64xf32, #tpu.memory_space<vmem>> -> memref<64xf32, #tpu.memory_space<vmem>>
      %dma_wait3A_628 = arith.constant 0 : i32
      %dma_wait3A_629 = tpu.memref_slice %arg5[%squeeze3A_137, %dma_wait3A_628] : memref<1000000x64xf32, #tpu.memory_space<hbm>> -> memref<1x64xf32, #tpu.memory_space<hbm>>
      %dma_wait3A_630 = tpu.memref_squeeze %dma_wait3A_629 : memref<1x64xf32, #tpu.memory_space<hbm>> -> memref<64xf32, #tpu.memory_space<hbm>>
      tpu.wait_dma2 semaphore(%arg14 : memref<!tpu.dma_semaphore, #tpu.memory_space<semaphore_mem>>) src(%dma_wait3A_630 : memref<64xf32, #tpu.memory_space<hbm>>) dst(%dma_wait3A_627 : memref<64xf32, #tpu.memory_space<vmem>>)
      %dma_wait3A_631 = arith.constant 0 : i32
      %dma_wait3A_632 = tpu.memref_slice %arg9[%add3A_155, %dma_wait3A_631] : memref<256x64xf32, #tpu.memory_space<vmem>> -> memref<1x64xf32, #tpu.memory_space<vmem>>
      %dma_wait3A_633 = tpu.memref_squeeze %dma_wait3A_632 : memref<1x64xf32, #tpu.memory_space<vmem>> -> memref<64xf32, #tpu.memory_space<vmem>>
      %dma_wait3A_634 = arith.constant 0 : i32
      %dma_wait3A_635 = tpu.memref_slice %arg4[%squeeze3A_153, %dma_wait3A_634] : memref<1000000x64xf32, #tpu.memory_space<hbm>> -> memref<1x64xf32, #tpu.memory_space<hbm>>
      %dma_wait3A_636 = tpu.memref_squeeze %dma_wait3A_635 : memref<1x64xf32, #tpu.memory_space<hbm>> -> memref<64xf32, #tpu.memory_space<hbm>>
      %dma_wait3A_637 = arith.constant 0 : i32
      %dma_wait3A_638 = tpu.memref_slice %arg9[%add3A_155, %dma_wait3A_637] : memref<256x64xf32, #tpu.memory_space<vmem>> -> memref<1x64xf32, #tpu.memory_space<vmem>>
      %dma_wait3A_639 = tpu.memref_squeeze %dma_wait3A_638 : memref<1x64xf32, #tpu.memory_space<vmem>> -> memref<64xf32, #tpu.memory_space<vmem>>
      %dma_wait3A_640 = arith.constant 0 : i32
      %dma_wait3A_641 = tpu.memref_slice %arg4[%squeeze3A_153, %dma_wait3A_640] : memref<1000000x64xf32, #tpu.memory_space<hbm>> -> memref<1x64xf32, #tpu.memory_space<hbm>>
      %dma_wait3A_642 = tpu.memref_squeeze %dma_wait3A_641 : memref<1x64xf32, #tpu.memory_space<hbm>> -> memref<64xf32, #tpu.memory_space<hbm>>
      tpu.wait_dma2 semaphore(%arg13 : memref<!tpu.dma_semaphore, #tpu.memory_space<semaphore_mem>>) src(%dma_wait3A_642 : memref<64xf32, #tpu.memory_space<hbm>>) dst(%dma_wait3A_639 : memref<64xf32, #tpu.memory_space<vmem>>)
      %dma_wait3A_643 = arith.constant 0 : i32
      %dma_wait3A_644 = tpu.memref_slice %arg10[%add3A_171, %dma_wait3A_643] : memref<256x64xf32, #tpu.memory_space<vmem>> -> memref<1x64xf32, #tpu.memory_space<vmem>>
      %dma_wait3A_645 = tpu.memref_squeeze %dma_wait3A_644 : memref<1x64xf32, #tpu.memory_space<vmem>> -> memref<64xf32, #tpu.memory_space<vmem>>
      %dma_wait3A_646 = arith.constant 0 : i32
      %dma_wait3A_647 = tpu.memref_slice %arg5[%squeeze3A_169, %dma_wait3A_646] : memref<1000000x64xf32, #tpu.memory_space<hbm>> -> memref<1x64xf32, #tpu.memory_space<hbm>>
      %dma_wait3A_648 = tpu.memref_squeeze %dma_wait3A_647 : memref<1x64xf32, #tpu.memory_space<hbm>> -> memref<64xf32, #tpu.memory_space<hbm>>
      %dma_wait3A_649 = arith.constant 0 : i32
      %dma_wait3A_650 = tpu.memref_slice %arg10[%add3A_171, %dma_wait3A_649] : memref<256x64xf32, #tpu.memory_space<vmem>> -> memref<1x64xf32, #tpu.memory_space<vmem>>
      %dma_wait3A_651 = tpu.memref_squeeze %dma_wait3A_650 : memref<1x64xf32, #tpu.memory_space<vmem>> -> memref<64xf32, #tpu.memory_space<vmem>>
      %dma_wait3A_652 = arith.constant 0 : i32
      %dma_wait3A_653 = tpu.memref_slice %arg5[%squeeze3A_169, %dma_wait3A_652] : memref<1000000x64xf32, #tpu.memory_space<hbm>> -> memref<1x64xf32, #tpu.memory_space<hbm>>
      %dma_wait3A_654 = tpu.memref_squeeze %dma_wait3A_653 : memref<1x64xf32, #tpu.memory_space<hbm>> -> memref<64xf32, #tpu.memory_space<hbm>>
      tpu.wait_dma2 semaphore(%arg14 : memref<!tpu.dma_semaphore, #tpu.memory_space<semaphore_mem>>) src(%dma_wait3A_654 : memref<64xf32, #tpu.memory_space<hbm>>) dst(%dma_wait3A_651 : memref<64xf32, #tpu.memory_space<vmem>>)
      %dma_wait3A_655 = arith.constant 0 : i32
      %dma_wait3A_656 = tpu.memref_slice %arg9[%add3A_187, %dma_wait3A_655] : memref<256x64xf32, #tpu.memory_space<vmem>> -> memref<1x64xf32, #tpu.memory_space<vmem>>
      %dma_wait3A_657 = tpu.memref_squeeze %dma_wait3A_656 : memref<1x64xf32, #tpu.memory_space<vmem>> -> memref<64xf32, #tpu.memory_space<vmem>>
      %dma_wait3A_658 = arith.constant 0 : i32
      %dma_wait3A_659 = tpu.memref_slice %arg4[%squeeze3A_185, %dma_wait3A_658] : memref<1000000x64xf32, #tpu.memory_space<hbm>> -> memref<1x64xf32, #tpu.memory_space<hbm>>
      %dma_wait3A_660 = tpu.memref_squeeze %dma_wait3A_659 : memref<1x64xf32, #tpu.memory_space<hbm>> -> memref<64xf32, #tpu.memory_space<hbm>>
      %dma_wait3A_661 = arith.constant 0 : i32
      %dma_wait3A_662 = tpu.memref_slice %arg9[%add3A_187, %dma_wait3A_661] : memref<256x64xf32, #tpu.memory_space<vmem>> -> memref<1x64xf32, #tpu.memory_space<vmem>>
      %dma_wait3A_663 = tpu.memref_squeeze %dma_wait3A_662 : memref<1x64xf32, #tpu.memory_space<vmem>> -> memref<64xf32, #tpu.memory_space<vmem>>
      %dma_wait3A_664 = arith.constant 0 : i32
      %dma_wait3A_665 = tpu.memref_slice %arg4[%squeeze3A_185, %dma_wait3A_664] : memref<1000000x64xf32, #tpu.memory_space<hbm>> -> memref<1x64xf32, #tpu.memory_space<hbm>>
      %dma_wait3A_666 = tpu.memref_squeeze %dma_wait3A_665 : memref<1x64xf32, #tpu.memory_space<hbm>> -> memref<64xf32, #tpu.memory_space<hbm>>
      tpu.wait_dma2 semaphore(%arg13 : memref<!tpu.dma_semaphore, #tpu.memory_space<semaphore_mem>>) src(%dma_wait3A_666 : memref<64xf32, #tpu.memory_space<hbm>>) dst(%dma_wait3A_663 : memref<64xf32, #tpu.memory_space<vmem>>)
      %dma_wait3A_667 = arith.constant 0 : i32
      %dma_wait3A_668 = tpu.memref_slice %arg10[%add3A_203, %dma_wait3A_667] : memref<256x64xf32, #tpu.memory_space<vmem>> -> memref<1x64xf32, #tpu.memory_space<vmem>>
      %dma_wait3A_669 = tpu.memref_squeeze %dma_wait3A_668 : memref<1x64xf32, #tpu.memory_space<vmem>> -> memref<64xf32, #tpu.memory_space<vmem>>
      %dma_wait3A_670 = arith.constant 0 : i32
      %dma_wait3A_671 = tpu.memref_slice %arg5[%squeeze3A_201, %dma_wait3A_670] : memref<1000000x64xf32, #tpu.memory_space<hbm>> -> memref<1x64xf32, #tpu.memory_space<hbm>>
      %dma_wait3A_672 = tpu.memref_squeeze %dma_wait3A_671 : memref<1x64xf32, #tpu.memory_space<hbm>> -> memref<64xf32, #tpu.memory_space<hbm>>
      %dma_wait3A_673 = arith.constant 0 : i32
      %dma_wait3A_674 = tpu.memref_slice %arg10[%add3A_203, %dma_wait3A_673] : memref<256x64xf32, #tpu.memory_space<vmem>> -> memref<1x64xf32, #tpu.memory_space<vmem>>
      %dma_wait3A_675 = tpu.memref_squeeze %dma_wait3A_674 : memref<1x64xf32, #tpu.memory_space<vmem>> -> memref<64xf32, #tpu.memory_space<vmem>>
      %dma_wait3A_676 = arith.constant 0 : i32
      %dma_wait3A_677 = tpu.memref_slice %arg5[%squeeze3A_201, %dma_wait3A_676] : memref<1000000x64xf32, #tpu.memory_space<hbm>> -> memref<1x64xf32, #tpu.memory_space<hbm>>
      %dma_wait3A_678 = tpu.memref_squeeze %dma_wait3A_677 : memref<1x64xf32, #tpu.memory_space<hbm>> -> memref<64xf32, #tpu.memory_space<hbm>>
      tpu.wait_dma2 semaphore(%arg14 : memref<!tpu.dma_semaphore, #tpu.memory_space<semaphore_mem>>) src(%dma_wait3A_678 : memref<64xf32, #tpu.memory_space<hbm>>) dst(%dma_wait3A_675 : memref<64xf32, #tpu.memory_space<vmem>>)
      %dma_wait3A_679 = arith.constant 0 : i32
      %dma_wait3A_680 = tpu.memref_slice %arg9[%add3A_219, %dma_wait3A_679] : memref<256x64xf32, #tpu.memory_space<vmem>> -> memref<1x64xf32, #tpu.memory_space<vmem>>
      %dma_wait3A_681 = tpu.memref_squeeze %dma_wait3A_680 : memref<1x64xf32, #tpu.memory_space<vmem>> -> memref<64xf32, #tpu.memory_space<vmem>>
      %dma_wait3A_682 = arith.constant 0 : i32
      %dma_wait3A_683 = tpu.memref_slice %arg4[%squeeze3A_217, %dma_wait3A_682] : memref<1000000x64xf32, #tpu.memory_space<hbm>> -> memref<1x64xf32, #tpu.memory_space<hbm>>
      %dma_wait3A_684 = tpu.memref_squeeze %dma_wait3A_683 : memref<1x64xf32, #tpu.memory_space<hbm>> -> memref<64xf32, #tpu.memory_space<hbm>>
      %dma_wait3A_685 = arith.constant 0 : i32
      %dma_wait3A_686 = tpu.memref_slice %arg9[%add3A_219, %dma_wait3A_685] : memref<256x64xf32, #tpu.memory_space<vmem>> -> memref<1x64xf32, #tpu.memory_space<vmem>>
      %dma_wait3A_687 = tpu.memref_squeeze %dma_wait3A_686 : memref<1x64xf32, #tpu.memory_space<vmem>> -> memref<64xf32, #tpu.memory_space<vmem>>
      %dma_wait3A_688 = arith.constant 0 : i32
      %dma_wait3A_689 = tpu.memref_slice %arg4[%squeeze3A_217, %dma_wait3A_688] : memref<1000000x64xf32, #tpu.memory_space<hbm>> -> memref<1x64xf32, #tpu.memory_space<hbm>>
      %dma_wait3A_690 = tpu.memref_squeeze %dma_wait3A_689 : memref<1x64xf32, #tpu.memory_space<hbm>> -> memref<64xf32, #tpu.memory_space<hbm>>
      tpu.wait_dma2 semaphore(%arg13 : memref<!tpu.dma_semaphore, #tpu.memory_space<semaphore_mem>>) src(%dma_wait3A_690 : memref<64xf32, #tpu.memory_space<hbm>>) dst(%dma_wait3A_687 : memref<64xf32, #tpu.memory_space<vmem>>)
      %dma_wait3A_691 = arith.constant 0 : i32
      %dma_wait3A_692 = tpu.memref_slice %arg10[%add3A_235, %dma_wait3A_691] : memref<256x64xf32, #tpu.memory_space<vmem>> -> memref<1x64xf32, #tpu.memory_space<vmem>>
      %dma_wait3A_693 = tpu.memref_squeeze %dma_wait3A_692 : memref<1x64xf32, #tpu.memory_space<vmem>> -> memref<64xf32, #tpu.memory_space<vmem>>
      %dma_wait3A_694 = arith.constant 0 : i32
      %dma_wait3A_695 = tpu.memref_slice %arg5[%squeeze3A_233, %dma_wait3A_694] : memref<1000000x64xf32, #tpu.memory_space<hbm>> -> memref<1x64xf32, #tpu.memory_space<hbm>>
      %dma_wait3A_696 = tpu.memref_squeeze %dma_wait3A_695 : memref<1x64xf32, #tpu.memory_space<hbm>> -> memref<64xf32, #tpu.memory_space<hbm>>
      %dma_wait3A_697 = arith.constant 0 : i32
      %dma_wait3A_698 = tpu.memref_slice %arg10[%add3A_235, %dma_wait3A_697] : memref<256x64xf32, #tpu.memory_space<vmem>> -> memref<1x64xf32, #tpu.memory_space<vmem>>
      %dma_wait3A_699 = tpu.memref_squeeze %dma_wait3A_698 : memref<1x64xf32, #tpu.memory_space<vmem>> -> memref<64xf32, #tpu.memory_space<vmem>>
      %dma_wait3A_700 = arith.constant 0 : i32
      %dma_wait3A_701 = tpu.memref_slice %arg5[%squeeze3A_233, %dma_wait3A_700] : memref<1000000x64xf32, #tpu.memory_space<hbm>> -> memref<1x64xf32, #tpu.memory_space<hbm>>
      %dma_wait3A_702 = tpu.memref_squeeze %dma_wait3A_701 : memref<1x64xf32, #tpu.memory_space<hbm>> -> memref<64xf32, #tpu.memory_space<hbm>>
      tpu.wait_dma2 semaphore(%arg14 : memref<!tpu.dma_semaphore, #tpu.memory_space<semaphore_mem>>) src(%dma_wait3A_702 : memref<64xf32, #tpu.memory_space<hbm>>) dst(%dma_wait3A_699 : memref<64xf32, #tpu.memory_space<vmem>>)
      %dma_wait3A_703 = arith.constant 0 : i32
      %dma_wait3A_704 = tpu.memref_slice %arg9[%add3A_251, %dma_wait3A_703] : memref<256x64xf32, #tpu.memory_space<vmem>> -> memref<1x64xf32, #tpu.memory_space<vmem>>
      %dma_wait3A_705 = tpu.memref_squeeze %dma_wait3A_704 : memref<1x64xf32, #tpu.memory_space<vmem>> -> memref<64xf32, #tpu.memory_space<vmem>>
      %dma_wait3A_706 = arith.constant 0 : i32
      %dma_wait3A_707 = tpu.memref_slice %arg4[%squeeze3A_249, %dma_wait3A_706] : memref<1000000x64xf32, #tpu.memory_space<hbm>> -> memref<1x64xf32, #tpu.memory_space<hbm>>
      %dma_wait3A_708 = tpu.memref_squeeze %dma_wait3A_707 : memref<1x64xf32, #tpu.memory_space<hbm>> -> memref<64xf32, #tpu.memory_space<hbm>>
      %dma_wait3A_709 = arith.constant 0 : i32
      %dma_wait3A_710 = tpu.memref_slice %arg9[%add3A_251, %dma_wait3A_709] : memref<256x64xf32, #tpu.memory_space<vmem>> -> memref<1x64xf32, #tpu.memory_space<vmem>>
      %dma_wait3A_711 = tpu.memref_squeeze %dma_wait3A_710 : memref<1x64xf32, #tpu.memory_space<vmem>> -> memref<64xf32, #tpu.memory_space<vmem>>
      %dma_wait3A_712 = arith.constant 0 : i32
      %dma_wait3A_713 = tpu.memref_slice %arg4[%squeeze3A_249, %dma_wait3A_712] : memref<1000000x64xf32, #tpu.memory_space<hbm>> -> memref<1x64xf32, #tpu.memory_space<hbm>>
      %dma_wait3A_714 = tpu.memref_squeeze %dma_wait3A_713 : memref<1x64xf32, #tpu.memory_space<hbm>> -> memref<64xf32, #tpu.memory_space<hbm>>
      tpu.wait_dma2 semaphore(%arg13 : memref<!tpu.dma_semaphore, #tpu.memory_space<semaphore_mem>>) src(%dma_wait3A_714 : memref<64xf32, #tpu.memory_space<hbm>>) dst(%dma_wait3A_711 : memref<64xf32, #tpu.memory_space<vmem>>)
      %dma_wait3A_715 = arith.constant 0 : i32
      %dma_wait3A_716 = tpu.memref_slice %arg10[%add3A_267, %dma_wait3A_715] : memref<256x64xf32, #tpu.memory_space<vmem>> -> memref<1x64xf32, #tpu.memory_space<vmem>>
      %dma_wait3A_717 = tpu.memref_squeeze %dma_wait3A_716 : memref<1x64xf32, #tpu.memory_space<vmem>> -> memref<64xf32, #tpu.memory_space<vmem>>
      %dma_wait3A_718 = arith.constant 0 : i32
      %dma_wait3A_719 = tpu.memref_slice %arg5[%squeeze3A_265, %dma_wait3A_718] : memref<1000000x64xf32, #tpu.memory_space<hbm>> -> memref<1x64xf32, #tpu.memory_space<hbm>>
      %dma_wait3A_720 = tpu.memref_squeeze %dma_wait3A_719 : memref<1x64xf32, #tpu.memory_space<hbm>> -> memref<64xf32, #tpu.memory_space<hbm>>
      %dma_wait3A_721 = arith.constant 0 : i32
      %dma_wait3A_722 = tpu.memref_slice %arg10[%add3A_267, %dma_wait3A_721] : memref<256x64xf32, #tpu.memory_space<vmem>> -> memref<1x64xf32, #tpu.memory_space<vmem>>
      %dma_wait3A_723 = tpu.memref_squeeze %dma_wait3A_722 : memref<1x64xf32, #tpu.memory_space<vmem>> -> memref<64xf32, #tpu.memory_space<vmem>>
      %dma_wait3A_724 = arith.constant 0 : i32
      %dma_wait3A_725 = tpu.memref_slice %arg5[%squeeze3A_265, %dma_wait3A_724] : memref<1000000x64xf32, #tpu.memory_space<hbm>> -> memref<1x64xf32, #tpu.memory_space<hbm>>
      %dma_wait3A_726 = tpu.memref_squeeze %dma_wait3A_725 : memref<1x64xf32, #tpu.memory_space<hbm>> -> memref<64xf32, #tpu.memory_space<hbm>>
      tpu.wait_dma2 semaphore(%arg14 : memref<!tpu.dma_semaphore, #tpu.memory_space<semaphore_mem>>) src(%dma_wait3A_726 : memref<64xf32, #tpu.memory_space<hbm>>) dst(%dma_wait3A_723 : memref<64xf32, #tpu.memory_space<vmem>>)
      %dma_wait3A_727 = arith.constant 0 : i32
      %dma_wait3A_728 = tpu.memref_slice %arg9[%add3A_283, %dma_wait3A_727] : memref<256x64xf32, #tpu.memory_space<vmem>> -> memref<1x64xf32, #tpu.memory_space<vmem>>
      %dma_wait3A_729 = tpu.memref_squeeze %dma_wait3A_728 : memref<1x64xf32, #tpu.memory_space<vmem>> -> memref<64xf32, #tpu.memory_space<vmem>>
      %dma_wait3A_730 = arith.constant 0 : i32
      %dma_wait3A_731 = tpu.memref_slice %arg4[%squeeze3A_281, %dma_wait3A_730] : memref<1000000x64xf32, #tpu.memory_space<hbm>> -> memref<1x64xf32, #tpu.memory_space<hbm>>
      %dma_wait3A_732 = tpu.memref_squeeze %dma_wait3A_731 : memref<1x64xf32, #tpu.memory_space<hbm>> -> memref<64xf32, #tpu.memory_space<hbm>>
      %dma_wait3A_733 = arith.constant 0 : i32
      %dma_wait3A_734 = tpu.memref_slice %arg9[%add3A_283, %dma_wait3A_733] : memref<256x64xf32, #tpu.memory_space<vmem>> -> memref<1x64xf32, #tpu.memory_space<vmem>>
      %dma_wait3A_735 = tpu.memref_squeeze %dma_wait3A_734 : memref<1x64xf32, #tpu.memory_space<vmem>> -> memref<64xf32, #tpu.memory_space<vmem>>
      %dma_wait3A_736 = arith.constant 0 : i32
      %dma_wait3A_737 = tpu.memref_slice %arg4[%squeeze3A_281, %dma_wait3A_736] : memref<1000000x64xf32, #tpu.memory_space<hbm>> -> memref<1x64xf32, #tpu.memory_space<hbm>>
      %dma_wait3A_738 = tpu.memref_squeeze %dma_wait3A_737 : memref<1x64xf32, #tpu.memory_space<hbm>> -> memref<64xf32, #tpu.memory_space<hbm>>
      tpu.wait_dma2 semaphore(%arg13 : memref<!tpu.dma_semaphore, #tpu.memory_space<semaphore_mem>>) src(%dma_wait3A_738 : memref<64xf32, #tpu.memory_space<hbm>>) dst(%dma_wait3A_735 : memref<64xf32, #tpu.memory_space<vmem>>)
      %dma_wait3A_739 = arith.constant 0 : i32
      %dma_wait3A_740 = tpu.memref_slice %arg10[%add3A_299, %dma_wait3A_739] : memref<256x64xf32, #tpu.memory_space<vmem>> -> memref<1x64xf32, #tpu.memory_space<vmem>>
      %dma_wait3A_741 = tpu.memref_squeeze %dma_wait3A_740 : memref<1x64xf32, #tpu.memory_space<vmem>> -> memref<64xf32, #tpu.memory_space<vmem>>
      %dma_wait3A_742 = arith.constant 0 : i32
      %dma_wait3A_743 = tpu.memref_slice %arg5[%squeeze3A_297, %dma_wait3A_742] : memref<1000000x64xf32, #tpu.memory_space<hbm>> -> memref<1x64xf32, #tpu.memory_space<hbm>>
      %dma_wait3A_744 = tpu.memref_squeeze %dma_wait3A_743 : memref<1x64xf32, #tpu.memory_space<hbm>> -> memref<64xf32, #tpu.memory_space<hbm>>
      %dma_wait3A_745 = arith.constant 0 : i32
      %dma_wait3A_746 = tpu.memref_slice %arg10[%add3A_299, %dma_wait3A_745] : memref<256x64xf32, #tpu.memory_space<vmem>> -> memref<1x64xf32, #tpu.memory_space<vmem>>
      %dma_wait3A_747 = tpu.memref_squeeze %dma_wait3A_746 : memref<1x64xf32, #tpu.memory_space<vmem>> -> memref<64xf32, #tpu.memory_space<vmem>>
      %dma_wait3A_748 = arith.constant 0 : i32
      %dma_wait3A_749 = tpu.memref_slice %arg5[%squeeze3A_297, %dma_wait3A_748] : memref<1000000x64xf32, #tpu.memory_space<hbm>> -> memref<1x64xf32, #tpu.memory_space<hbm>>
      %dma_wait3A_750 = tpu.memref_squeeze %dma_wait3A_749 : memref<1x64xf32, #tpu.memory_space<hbm>> -> memref<64xf32, #tpu.memory_space<hbm>>
      tpu.wait_dma2 semaphore(%arg14 : memref<!tpu.dma_semaphore, #tpu.memory_space<semaphore_mem>>) src(%dma_wait3A_750 : memref<64xf32, #tpu.memory_space<hbm>>) dst(%dma_wait3A_747 : memref<64xf32, #tpu.memory_space<vmem>>)
      %dma_wait3A_751 = arith.constant 0 : i32
      %dma_wait3A_752 = tpu.memref_slice %arg9[%add3A_315, %dma_wait3A_751] : memref<256x64xf32, #tpu.memory_space<vmem>> -> memref<1x64xf32, #tpu.memory_space<vmem>>
      %dma_wait3A_753 = tpu.memref_squeeze %dma_wait3A_752 : memref<1x64xf32, #tpu.memory_space<vmem>> -> memref<64xf32, #tpu.memory_space<vmem>>
      %dma_wait3A_754 = arith.constant 0 : i32
      %dma_wait3A_755 = tpu.memref_slice %arg4[%squeeze3A_313, %dma_wait3A_754] : memref<1000000x64xf32, #tpu.memory_space<hbm>> -> memref<1x64xf32, #tpu.memory_space<hbm>>
      %dma_wait3A_756 = tpu.memref_squeeze %dma_wait3A_755 : memref<1x64xf32, #tpu.memory_space<hbm>> -> memref<64xf32, #tpu.memory_space<hbm>>
      %dma_wait3A_757 = arith.constant 0 : i32
      %dma_wait3A_758 = tpu.memref_slice %arg9[%add3A_315, %dma_wait3A_757] : memref<256x64xf32, #tpu.memory_space<vmem>> -> memref<1x64xf32, #tpu.memory_space<vmem>>
      %dma_wait3A_759 = tpu.memref_squeeze %dma_wait3A_758 : memref<1x64xf32, #tpu.memory_space<vmem>> -> memref<64xf32, #tpu.memory_space<vmem>>
      %dma_wait3A_760 = arith.constant 0 : i32
      %dma_wait3A_761 = tpu.memref_slice %arg4[%squeeze3A_313, %dma_wait3A_760] : memref<1000000x64xf32, #tpu.memory_space<hbm>> -> memref<1x64xf32, #tpu.memory_space<hbm>>
      %dma_wait3A_762 = tpu.memref_squeeze %dma_wait3A_761 : memref<1x64xf32, #tpu.memory_space<hbm>> -> memref<64xf32, #tpu.memory_space<hbm>>
      tpu.wait_dma2 semaphore(%arg13 : memref<!tpu.dma_semaphore, #tpu.memory_space<semaphore_mem>>) src(%dma_wait3A_762 : memref<64xf32, #tpu.memory_space<hbm>>) dst(%dma_wait3A_759 : memref<64xf32, #tpu.memory_space<vmem>>)
      %dma_wait3A_763 = arith.constant 0 : i32
      %dma_wait3A_764 = tpu.memref_slice %arg10[%add3A_331, %dma_wait3A_763] : memref<256x64xf32, #tpu.memory_space<vmem>> -> memref<1x64xf32, #tpu.memory_space<vmem>>
      %dma_wait3A_765 = tpu.memref_squeeze %dma_wait3A_764 : memref<1x64xf32, #tpu.memory_space<vmem>> -> memref<64xf32, #tpu.memory_space<vmem>>
      %dma_wait3A_766 = arith.constant 0 : i32
      %dma_wait3A_767 = tpu.memref_slice %arg5[%squeeze3A_329, %dma_wait3A_766] : memref<1000000x64xf32, #tpu.memory_space<hbm>> -> memref<1x64xf32, #tpu.memory_space<hbm>>
      %dma_wait3A_768 = tpu.memref_squeeze %dma_wait3A_767 : memref<1x64xf32, #tpu.memory_space<hbm>> -> memref<64xf32, #tpu.memory_space<hbm>>
      %dma_wait3A_769 = arith.constant 0 : i32
      %dma_wait3A_770 = tpu.memref_slice %arg10[%add3A_331, %dma_wait3A_769] : memref<256x64xf32, #tpu.memory_space<vmem>> -> memref<1x64xf32, #tpu.memory_space<vmem>>
      %dma_wait3A_771 = tpu.memref_squeeze %dma_wait3A_770 : memref<1x64xf32, #tpu.memory_space<vmem>> -> memref<64xf32, #tpu.memory_space<vmem>>
      %dma_wait3A_772 = arith.constant 0 : i32
      %dma_wait3A_773 = tpu.memref_slice %arg5[%squeeze3A_329, %dma_wait3A_772] : memref<1000000x64xf32, #tpu.memory_space<hbm>> -> memref<1x64xf32, #tpu.memory_space<hbm>>
      %dma_wait3A_774 = tpu.memref_squeeze %dma_wait3A_773 : memref<1x64xf32, #tpu.memory_space<hbm>> -> memref<64xf32, #tpu.memory_space<hbm>>
      tpu.wait_dma2 semaphore(%arg14 : memref<!tpu.dma_semaphore, #tpu.memory_space<semaphore_mem>>) src(%dma_wait3A_774 : memref<64xf32, #tpu.memory_space<hbm>>) dst(%dma_wait3A_771 : memref<64xf32, #tpu.memory_space<vmem>>)
      %dma_wait3A_775 = arith.constant 0 : i32
      %dma_wait3A_776 = tpu.memref_slice %arg9[%add3A_347, %dma_wait3A_775] : memref<256x64xf32, #tpu.memory_space<vmem>> -> memref<1x64xf32, #tpu.memory_space<vmem>>
      %dma_wait3A_777 = tpu.memref_squeeze %dma_wait3A_776 : memref<1x64xf32, #tpu.memory_space<vmem>> -> memref<64xf32, #tpu.memory_space<vmem>>
      %dma_wait3A_778 = arith.constant 0 : i32
      %dma_wait3A_779 = tpu.memref_slice %arg4[%squeeze3A_345, %dma_wait3A_778] : memref<1000000x64xf32, #tpu.memory_space<hbm>> -> memref<1x64xf32, #tpu.memory_space<hbm>>
      %dma_wait3A_780 = tpu.memref_squeeze %dma_wait3A_779 : memref<1x64xf32, #tpu.memory_space<hbm>> -> memref<64xf32, #tpu.memory_space<hbm>>
      %dma_wait3A_781 = arith.constant 0 : i32
      %dma_wait3A_782 = tpu.memref_slice %arg9[%add3A_347, %dma_wait3A_781] : memref<256x64xf32, #tpu.memory_space<vmem>> -> memref<1x64xf32, #tpu.memory_space<vmem>>
      %dma_wait3A_783 = tpu.memref_squeeze %dma_wait3A_782 : memref<1x64xf32, #tpu.memory_space<vmem>> -> memref<64xf32, #tpu.memory_space<vmem>>
      %dma_wait3A_784 = arith.constant 0 : i32
      %dma_wait3A_785 = tpu.memref_slice %arg4[%squeeze3A_345, %dma_wait3A_784] : memref<1000000x64xf32, #tpu.memory_space<hbm>> -> memref<1x64xf32, #tpu.memory_space<hbm>>
      %dma_wait3A_786 = tpu.memref_squeeze %dma_wait3A_785 : memref<1x64xf32, #tpu.memory_space<hbm>> -> memref<64xf32, #tpu.memory_space<hbm>>
      tpu.wait_dma2 semaphore(%arg13 : memref<!tpu.dma_semaphore, #tpu.memory_space<semaphore_mem>>) src(%dma_wait3A_786 : memref<64xf32, #tpu.memory_space<hbm>>) dst(%dma_wait3A_783 : memref<64xf32, #tpu.memory_space<vmem>>)
      %dma_wait3A_787 = arith.constant 0 : i32
      %dma_wait3A_788 = tpu.memref_slice %arg10[%add3A_363, %dma_wait3A_787] : memref<256x64xf32, #tpu.memory_space<vmem>> -> memref<1x64xf32, #tpu.memory_space<vmem>>
      %dma_wait3A_789 = tpu.memref_squeeze %dma_wait3A_788 : memref<1x64xf32, #tpu.memory_space<vmem>> -> memref<64xf32, #tpu.memory_space<vmem>>
      %dma_wait3A_790 = arith.constant 0 : i32
      %dma_wait3A_791 = tpu.memref_slice %arg5[%squeeze3A_361, %dma_wait3A_790] : memref<1000000x64xf32, #tpu.memory_space<hbm>> -> memref<1x64xf32, #tpu.memory_space<hbm>>
      %dma_wait3A_792 = tpu.memref_squeeze %dma_wait3A_791 : memref<1x64xf32, #tpu.memory_space<hbm>> -> memref<64xf32, #tpu.memory_space<hbm>>
      %dma_wait3A_793 = arith.constant 0 : i32
      %dma_wait3A_794 = tpu.memref_slice %arg10[%add3A_363, %dma_wait3A_793] : memref<256x64xf32, #tpu.memory_space<vmem>> -> memref<1x64xf32, #tpu.memory_space<vmem>>
      %dma_wait3A_795 = tpu.memref_squeeze %dma_wait3A_794 : memref<1x64xf32, #tpu.memory_space<vmem>> -> memref<64xf32, #tpu.memory_space<vmem>>
      %dma_wait3A_796 = arith.constant 0 : i32
      %dma_wait3A_797 = tpu.memref_slice %arg5[%squeeze3A_361, %dma_wait3A_796] : memref<1000000x64xf32, #tpu.memory_space<hbm>> -> memref<1x64xf32, #tpu.memory_space<hbm>>
      %dma_wait3A_798 = tpu.memref_squeeze %dma_wait3A_797 : memref<1x64xf32, #tpu.memory_space<hbm>> -> memref<64xf32, #tpu.memory_space<hbm>>
      tpu.wait_dma2 semaphore(%arg14 : memref<!tpu.dma_semaphore, #tpu.memory_space<semaphore_mem>>) src(%dma_wait3A_798 : memref<64xf32, #tpu.memory_space<hbm>>) dst(%dma_wait3A_795 : memref<64xf32, #tpu.memory_space<vmem>>)
      %dma_wait3A_799 = arith.constant 0 : i32
      %dma_wait3A_800 = tpu.memref_slice %arg9[%add3A_379, %dma_wait3A_799] : memref<256x64xf32, #tpu.memory_space<vmem>> -> memref<1x64xf32, #tpu.memory_space<vmem>>
      %dma_wait3A_801 = tpu.memref_squeeze %dma_wait3A_800 : memref<1x64xf32, #tpu.memory_space<vmem>> -> memref<64xf32, #tpu.memory_space<vmem>>
      %dma_wait3A_802 = arith.constant 0 : i32
      %dma_wait3A_803 = tpu.memref_slice %arg4[%squeeze3A_377, %dma_wait3A_802] : memref<1000000x64xf32, #tpu.memory_space<hbm>> -> memref<1x64xf32, #tpu.memory_space<hbm>>
      %dma_wait3A_804 = tpu.memref_squeeze %dma_wait3A_803 : memref<1x64xf32, #tpu.memory_space<hbm>> -> memref<64xf32, #tpu.memory_space<hbm>>
      %dma_wait3A_805 = arith.constant 0 : i32
      %dma_wait3A_806 = tpu.memref_slice %arg9[%add3A_379, %dma_wait3A_805] : memref<256x64xf32, #tpu.memory_space<vmem>> -> memref<1x64xf32, #tpu.memory_space<vmem>>
      %dma_wait3A_807 = tpu.memref_squeeze %dma_wait3A_806 : memref<1x64xf32, #tpu.memory_space<vmem>> -> memref<64xf32, #tpu.memory_space<vmem>>
      %dma_wait3A_808 = arith.constant 0 : i32
      %dma_wait3A_809 = tpu.memref_slice %arg4[%squeeze3A_377, %dma_wait3A_808] : memref<1000000x64xf32, #tpu.memory_space<hbm>> -> memref<1x64xf32, #tpu.memory_space<hbm>>
      %dma_wait3A_810 = tpu.memref_squeeze %dma_wait3A_809 : memref<1x64xf32, #tpu.memory_space<hbm>> -> memref<64xf32, #tpu.memory_space<hbm>>
      tpu.wait_dma2 semaphore(%arg13 : memref<!tpu.dma_semaphore, #tpu.memory_space<semaphore_mem>>) src(%dma_wait3A_810 : memref<64xf32, #tpu.memory_space<hbm>>) dst(%dma_wait3A_807 : memref<64xf32, #tpu.memory_space<vmem>>)
      %dma_wait3A_811 = arith.constant 0 : i32
      %dma_wait3A_812 = tpu.memref_slice %arg10[%add3A_395, %dma_wait3A_811] : memref<256x64xf32, #tpu.memory_space<vmem>> -> memref<1x64xf32, #tpu.memory_space<vmem>>
      %dma_wait3A_813 = tpu.memref_squeeze %dma_wait3A_812 : memref<1x64xf32, #tpu.memory_space<vmem>> -> memref<64xf32, #tpu.memory_space<vmem>>
      %dma_wait3A_814 = arith.constant 0 : i32
      %dma_wait3A_815 = tpu.memref_slice %arg5[%squeeze3A_393, %dma_wait3A_814] : memref<1000000x64xf32, #tpu.memory_space<hbm>> -> memref<1x64xf32, #tpu.memory_space<hbm>>
      %dma_wait3A_816 = tpu.memref_squeeze %dma_wait3A_815 : memref<1x64xf32, #tpu.memory_space<hbm>> -> memref<64xf32, #tpu.memory_space<hbm>>
      %dma_wait3A_817 = arith.constant 0 : i32
      %dma_wait3A_818 = tpu.memref_slice %arg10[%add3A_395, %dma_wait3A_817] : memref<256x64xf32, #tpu.memory_space<vmem>> -> memref<1x64xf32, #tpu.memory_space<vmem>>
      %dma_wait3A_819 = tpu.memref_squeeze %dma_wait3A_818 : memref<1x64xf32, #tpu.memory_space<vmem>> -> memref<64xf32, #tpu.memory_space<vmem>>
      %dma_wait3A_820 = arith.constant 0 : i32
      %dma_wait3A_821 = tpu.memref_slice %arg5[%squeeze3A_393, %dma_wait3A_820] : memref<1000000x64xf32, #tpu.memory_space<hbm>> -> memref<1x64xf32, #tpu.memory_space<hbm>>
      %dma_wait3A_822 = tpu.memref_squeeze %dma_wait3A_821 : memref<1x64xf32, #tpu.memory_space<hbm>> -> memref<64xf32, #tpu.memory_space<hbm>>
      tpu.wait_dma2 semaphore(%arg14 : memref<!tpu.dma_semaphore, #tpu.memory_space<semaphore_mem>>) src(%dma_wait3A_822 : memref<64xf32, #tpu.memory_space<hbm>>) dst(%dma_wait3A_819 : memref<64xf32, #tpu.memory_space<vmem>>)
      %dma_wait3A_823 = arith.constant 0 : i32
      %dma_wait3A_824 = tpu.memref_slice %arg9[%add3A_411, %dma_wait3A_823] : memref<256x64xf32, #tpu.memory_space<vmem>> -> memref<1x64xf32, #tpu.memory_space<vmem>>
      %dma_wait3A_825 = tpu.memref_squeeze %dma_wait3A_824 : memref<1x64xf32, #tpu.memory_space<vmem>> -> memref<64xf32, #tpu.memory_space<vmem>>
      %dma_wait3A_826 = arith.constant 0 : i32
      %dma_wait3A_827 = tpu.memref_slice %arg4[%squeeze3A_409, %dma_wait3A_826] : memref<1000000x64xf32, #tpu.memory_space<hbm>> -> memref<1x64xf32, #tpu.memory_space<hbm>>
      %dma_wait3A_828 = tpu.memref_squeeze %dma_wait3A_827 : memref<1x64xf32, #tpu.memory_space<hbm>> -> memref<64xf32, #tpu.memory_space<hbm>>
      %dma_wait3A_829 = arith.constant 0 : i32
      %dma_wait3A_830 = tpu.memref_slice %arg9[%add3A_411, %dma_wait3A_829] : memref<256x64xf32, #tpu.memory_space<vmem>> -> memref<1x64xf32, #tpu.memory_space<vmem>>
      %dma_wait3A_831 = tpu.memref_squeeze %dma_wait3A_830 : memref<1x64xf32, #tpu.memory_space<vmem>> -> memref<64xf32, #tpu.memory_space<vmem>>
      %dma_wait3A_832 = arith.constant 0 : i32
      %dma_wait3A_833 = tpu.memref_slice %arg4[%squeeze3A_409, %dma_wait3A_832] : memref<1000000x64xf32, #tpu.memory_space<hbm>> -> memref<1x64xf32, #tpu.memory_space<hbm>>
      %dma_wait3A_834 = tpu.memref_squeeze %dma_wait3A_833 : memref<1x64xf32, #tpu.memory_space<hbm>> -> memref<64xf32, #tpu.memory_space<hbm>>
      tpu.wait_dma2 semaphore(%arg13 : memref<!tpu.dma_semaphore, #tpu.memory_space<semaphore_mem>>) src(%dma_wait3A_834 : memref<64xf32, #tpu.memory_space<hbm>>) dst(%dma_wait3A_831 : memref<64xf32, #tpu.memory_space<vmem>>)
      %dma_wait3A_835 = arith.constant 0 : i32
      %dma_wait3A_836 = tpu.memref_slice %arg10[%add3A_427, %dma_wait3A_835] : memref<256x64xf32, #tpu.memory_space<vmem>> -> memref<1x64xf32, #tpu.memory_space<vmem>>
      %dma_wait3A_837 = tpu.memref_squeeze %dma_wait3A_836 : memref<1x64xf32, #tpu.memory_space<vmem>> -> memref<64xf32, #tpu.memory_space<vmem>>
      %dma_wait3A_838 = arith.constant 0 : i32
      %dma_wait3A_839 = tpu.memref_slice %arg5[%squeeze3A_425, %dma_wait3A_838] : memref<1000000x64xf32, #tpu.memory_space<hbm>> -> memref<1x64xf32, #tpu.memory_space<hbm>>
      %dma_wait3A_840 = tpu.memref_squeeze %dma_wait3A_839 : memref<1x64xf32, #tpu.memory_space<hbm>> -> memref<64xf32, #tpu.memory_space<hbm>>
      %dma_wait3A_841 = arith.constant 0 : i32
      %dma_wait3A_842 = tpu.memref_slice %arg10[%add3A_427, %dma_wait3A_841] : memref<256x64xf32, #tpu.memory_space<vmem>> -> memref<1x64xf32, #tpu.memory_space<vmem>>
      %dma_wait3A_843 = tpu.memref_squeeze %dma_wait3A_842 : memref<1x64xf32, #tpu.memory_space<vmem>> -> memref<64xf32, #tpu.memory_space<vmem>>
      %dma_wait3A_844 = arith.constant 0 : i32
      %dma_wait3A_845 = tpu.memref_slice %arg5[%squeeze3A_425, %dma_wait3A_844] : memref<1000000x64xf32, #tpu.memory_space<hbm>> -> memref<1x64xf32, #tpu.memory_space<hbm>>
      %dma_wait3A_846 = tpu.memref_squeeze %dma_wait3A_845 : memref<1x64xf32, #tpu.memory_space<hbm>> -> memref<64xf32, #tpu.memory_space<hbm>>
      tpu.wait_dma2 semaphore(%arg14 : memref<!tpu.dma_semaphore, #tpu.memory_space<semaphore_mem>>) src(%dma_wait3A_846 : memref<64xf32, #tpu.memory_space<hbm>>) dst(%dma_wait3A_843 : memref<64xf32, #tpu.memory_space<vmem>>)
      %dma_wait3A_847 = arith.constant 0 : i32
      %dma_wait3A_848 = tpu.memref_slice %arg9[%add3A_443, %dma_wait3A_847] : memref<256x64xf32, #tpu.memory_space<vmem>> -> memref<1x64xf32, #tpu.memory_space<vmem>>
      %dma_wait3A_849 = tpu.memref_squeeze %dma_wait3A_848 : memref<1x64xf32, #tpu.memory_space<vmem>> -> memref<64xf32, #tpu.memory_space<vmem>>
      %dma_wait3A_850 = arith.constant 0 : i32
      %dma_wait3A_851 = tpu.memref_slice %arg4[%squeeze3A_441, %dma_wait3A_850] : memref<1000000x64xf32, #tpu.memory_space<hbm>> -> memref<1x64xf32, #tpu.memory_space<hbm>>
      %dma_wait3A_852 = tpu.memref_squeeze %dma_wait3A_851 : memref<1x64xf32, #tpu.memory_space<hbm>> -> memref<64xf32, #tpu.memory_space<hbm>>
      %dma_wait3A_853 = arith.constant 0 : i32
      %dma_wait3A_854 = tpu.memref_slice %arg9[%add3A_443, %dma_wait3A_853] : memref<256x64xf32, #tpu.memory_space<vmem>> -> memref<1x64xf32, #tpu.memory_space<vmem>>
      %dma_wait3A_855 = tpu.memref_squeeze %dma_wait3A_854 : memref<1x64xf32, #tpu.memory_space<vmem>> -> memref<64xf32, #tpu.memory_space<vmem>>
      %dma_wait3A_856 = arith.constant 0 : i32
      %dma_wait3A_857 = tpu.memref_slice %arg4[%squeeze3A_441, %dma_wait3A_856] : memref<1000000x64xf32, #tpu.memory_space<hbm>> -> memref<1x64xf32, #tpu.memory_space<hbm>>
      %dma_wait3A_858 = tpu.memref_squeeze %dma_wait3A_857 : memref<1x64xf32, #tpu.memory_space<hbm>> -> memref<64xf32, #tpu.memory_space<hbm>>
      tpu.wait_dma2 semaphore(%arg13 : memref<!tpu.dma_semaphore, #tpu.memory_space<semaphore_mem>>) src(%dma_wait3A_858 : memref<64xf32, #tpu.memory_space<hbm>>) dst(%dma_wait3A_855 : memref<64xf32, #tpu.memory_space<vmem>>)
      %dma_wait3A_859 = arith.constant 0 : i32
      %dma_wait3A_860 = tpu.memref_slice %arg10[%add3A_459, %dma_wait3A_859] : memref<256x64xf32, #tpu.memory_space<vmem>> -> memref<1x64xf32, #tpu.memory_space<vmem>>
      %dma_wait3A_861 = tpu.memref_squeeze %dma_wait3A_860 : memref<1x64xf32, #tpu.memory_space<vmem>> -> memref<64xf32, #tpu.memory_space<vmem>>
      %dma_wait3A_862 = arith.constant 0 : i32
      %dma_wait3A_863 = tpu.memref_slice %arg5[%squeeze3A_457, %dma_wait3A_862] : memref<1000000x64xf32, #tpu.memory_space<hbm>> -> memref<1x64xf32, #tpu.memory_space<hbm>>
      %dma_wait3A_864 = tpu.memref_squeeze %dma_wait3A_863 : memref<1x64xf32, #tpu.memory_space<hbm>> -> memref<64xf32, #tpu.memory_space<hbm>>
      %dma_wait3A_865 = arith.constant 0 : i32
      %dma_wait3A_866 = tpu.memref_slice %arg10[%add3A_459, %dma_wait3A_865] : memref<256x64xf32, #tpu.memory_space<vmem>> -> memref<1x64xf32, #tpu.memory_space<vmem>>
      %dma_wait3A_867 = tpu.memref_squeeze %dma_wait3A_866 : memref<1x64xf32, #tpu.memory_space<vmem>> -> memref<64xf32, #tpu.memory_space<vmem>>
      %dma_wait3A_868 = arith.constant 0 : i32
      %dma_wait3A_869 = tpu.memref_slice %arg5[%squeeze3A_457, %dma_wait3A_868] : memref<1000000x64xf32, #tpu.memory_space<hbm>> -> memref<1x64xf32, #tpu.memory_space<hbm>>
      %dma_wait3A_870 = tpu.memref_squeeze %dma_wait3A_869 : memref<1x64xf32, #tpu.memory_space<hbm>> -> memref<64xf32, #tpu.memory_space<hbm>>
      tpu.wait_dma2 semaphore(%arg14 : memref<!tpu.dma_semaphore, #tpu.memory_space<semaphore_mem>>) src(%dma_wait3A_870 : memref<64xf32, #tpu.memory_space<hbm>>) dst(%dma_wait3A_867 : memref<64xf32, #tpu.memory_space<vmem>>)
      %dma_wait3A_871 = arith.constant 0 : i32
      %dma_wait3A_872 = tpu.memref_slice %arg9[%add3A_475, %dma_wait3A_871] : memref<256x64xf32, #tpu.memory_space<vmem>> -> memref<1x64xf32, #tpu.memory_space<vmem>>
      %dma_wait3A_873 = tpu.memref_squeeze %dma_wait3A_872 : memref<1x64xf32, #tpu.memory_space<vmem>> -> memref<64xf32, #tpu.memory_space<vmem>>
      %dma_wait3A_874 = arith.constant 0 : i32
      %dma_wait3A_875 = tpu.memref_slice %arg4[%squeeze3A_473, %dma_wait3A_874] : memref<1000000x64xf32, #tpu.memory_space<hbm>> -> memref<1x64xf32, #tpu.memory_space<hbm>>
      %dma_wait3A_876 = tpu.memref_squeeze %dma_wait3A_875 : memref<1x64xf32, #tpu.memory_space<hbm>> -> memref<64xf32, #tpu.memory_space<hbm>>
      %dma_wait3A_877 = arith.constant 0 : i32
      %dma_wait3A_878 = tpu.memref_slice %arg9[%add3A_475, %dma_wait3A_877] : memref<256x64xf32, #tpu.memory_space<vmem>> -> memref<1x64xf32, #tpu.memory_space<vmem>>
      %dma_wait3A_879 = tpu.memref_squeeze %dma_wait3A_878 : memref<1x64xf32, #tpu.memory_space<vmem>> -> memref<64xf32, #tpu.memory_space<vmem>>
      %dma_wait3A_880 = arith.constant 0 : i32
      %dma_wait3A_881 = tpu.memref_slice %arg4[%squeeze3A_473, %dma_wait3A_880] : memref<1000000x64xf32, #tpu.memory_space<hbm>> -> memref<1x64xf32, #tpu.memory_space<hbm>>
      %dma_wait3A_882 = tpu.memref_squeeze %dma_wait3A_881 : memref<1x64xf32, #tpu.memory_space<hbm>> -> memref<64xf32, #tpu.memory_space<hbm>>
      tpu.wait_dma2 semaphore(%arg13 : memref<!tpu.dma_semaphore, #tpu.memory_space<semaphore_mem>>) src(%dma_wait3A_882 : memref<64xf32, #tpu.memory_space<hbm>>) dst(%dma_wait3A_879 : memref<64xf32, #tpu.memory_space<vmem>>)
      %dma_wait3A_883 = arith.constant 0 : i32
      %dma_wait3A_884 = tpu.memref_slice %arg10[%add3A_491, %dma_wait3A_883] : memref<256x64xf32, #tpu.memory_space<vmem>> -> memref<1x64xf32, #tpu.memory_space<vmem>>
      %dma_wait3A_885 = tpu.memref_squeeze %dma_wait3A_884 : memref<1x64xf32, #tpu.memory_space<vmem>> -> memref<64xf32, #tpu.memory_space<vmem>>
      %dma_wait3A_886 = arith.constant 0 : i32
      %dma_wait3A_887 = tpu.memref_slice %arg5[%squeeze3A_489, %dma_wait3A_886] : memref<1000000x64xf32, #tpu.memory_space<hbm>> -> memref<1x64xf32, #tpu.memory_space<hbm>>
      %dma_wait3A_888 = tpu.memref_squeeze %dma_wait3A_887 : memref<1x64xf32, #tpu.memory_space<hbm>> -> memref<64xf32, #tpu.memory_space<hbm>>
      %dma_wait3A_889 = arith.constant 0 : i32
      %dma_wait3A_890 = tpu.memref_slice %arg10[%add3A_491, %dma_wait3A_889] : memref<256x64xf32, #tpu.memory_space<vmem>> -> memref<1x64xf32, #tpu.memory_space<vmem>>
      %dma_wait3A_891 = tpu.memref_squeeze %dma_wait3A_890 : memref<1x64xf32, #tpu.memory_space<vmem>> -> memref<64xf32, #tpu.memory_space<vmem>>
      %dma_wait3A_892 = arith.constant 0 : i32
      %dma_wait3A_893 = tpu.memref_slice %arg5[%squeeze3A_489, %dma_wait3A_892] : memref<1000000x64xf32, #tpu.memory_space<hbm>> -> memref<1x64xf32, #tpu.memory_space<hbm>>
      %dma_wait3A_894 = tpu.memref_squeeze %dma_wait3A_893 : memref<1x64xf32, #tpu.memory_space<hbm>> -> memref<64xf32, #tpu.memory_space<hbm>>
      tpu.wait_dma2 semaphore(%arg14 : memref<!tpu.dma_semaphore, #tpu.memory_space<semaphore_mem>>) src(%dma_wait3A_894 : memref<64xf32, #tpu.memory_space<hbm>>) dst(%dma_wait3A_891 : memref<64xf32, #tpu.memory_space<vmem>>)
      %dma_wait3A_895 = arith.constant 0 : i32
      %dma_wait3A_896 = tpu.memref_slice %arg9[%add3A_507, %dma_wait3A_895] : memref<256x64xf32, #tpu.memory_space<vmem>> -> memref<1x64xf32, #tpu.memory_space<vmem>>
      %dma_wait3A_897 = tpu.memref_squeeze %dma_wait3A_896 : memref<1x64xf32, #tpu.memory_space<vmem>> -> memref<64xf32, #tpu.memory_space<vmem>>
      %dma_wait3A_898 = arith.constant 0 : i32
      %dma_wait3A_899 = tpu.memref_slice %arg4[%squeeze3A_505, %dma_wait3A_898] : memref<1000000x64xf32, #tpu.memory_space<hbm>> -> memref<1x64xf32, #tpu.memory_space<hbm>>
      %dma_wait3A_900 = tpu.memref_squeeze %dma_wait3A_899 : memref<1x64xf32, #tpu.memory_space<hbm>> -> memref<64xf32, #tpu.memory_space<hbm>>
      %dma_wait3A_901 = arith.constant 0 : i32
      %dma_wait3A_902 = tpu.memref_slice %arg9[%add3A_507, %dma_wait3A_901] : memref<256x64xf32, #tpu.memory_space<vmem>> -> memref<1x64xf32, #tpu.memory_space<vmem>>
      %dma_wait3A_903 = tpu.memref_squeeze %dma_wait3A_902 : memref<1x64xf32, #tpu.memory_space<vmem>> -> memref<64xf32, #tpu.memory_space<vmem>>
      %dma_wait3A_904 = arith.constant 0 : i32
      %dma_wait3A_905 = tpu.memref_slice %arg4[%squeeze3A_505, %dma_wait3A_904] : memref<1000000x64xf32, #tpu.memory_space<hbm>> -> memref<1x64xf32, #tpu.memory_space<hbm>>
      %dma_wait3A_906 = tpu.memref_squeeze %dma_wait3A_905 : memref<1x64xf32, #tpu.memory_space<hbm>> -> memref<64xf32, #tpu.memory_space<hbm>>
      tpu.wait_dma2 semaphore(%arg13 : memref<!tpu.dma_semaphore, #tpu.memory_space<semaphore_mem>>) src(%dma_wait3A_906 : memref<64xf32, #tpu.memory_space<hbm>>) dst(%dma_wait3A_903 : memref<64xf32, #tpu.memory_space<vmem>>)
      %dma_wait3A_907 = arith.constant 0 : i32
      %dma_wait3A_908 = tpu.memref_slice %arg10[%add3A_523, %dma_wait3A_907] : memref<256x64xf32, #tpu.memory_space<vmem>> -> memref<1x64xf32, #tpu.memory_space<vmem>>
      %dma_wait3A_909 = tpu.memref_squeeze %dma_wait3A_908 : memref<1x64xf32, #tpu.memory_space<vmem>> -> memref<64xf32, #tpu.memory_space<vmem>>
      %dma_wait3A_910 = arith.constant 0 : i32
      %dma_wait3A_911 = tpu.memref_slice %arg5[%squeeze3A_521, %dma_wait3A_910] : memref<1000000x64xf32, #tpu.memory_space<hbm>> -> memref<1x64xf32, #tpu.memory_space<hbm>>
      %dma_wait3A_912 = tpu.memref_squeeze %dma_wait3A_911 : memref<1x64xf32, #tpu.memory_space<hbm>> -> memref<64xf32, #tpu.memory_space<hbm>>
      %dma_wait3A_913 = arith.constant 0 : i32
      %dma_wait3A_914 = tpu.memref_slice %arg10[%add3A_523, %dma_wait3A_913] : memref<256x64xf32, #tpu.memory_space<vmem>> -> memref<1x64xf32, #tpu.memory_space<vmem>>
      %dma_wait3A_915 = tpu.memref_squeeze %dma_wait3A_914 : memref<1x64xf32, #tpu.memory_space<vmem>> -> memref<64xf32, #tpu.memory_space<vmem>>
      %dma_wait3A_916 = arith.constant 0 : i32
      %dma_wait3A_917 = tpu.memref_slice %arg5[%squeeze3A_521, %dma_wait3A_916] : memref<1000000x64xf32, #tpu.memory_space<hbm>> -> memref<1x64xf32, #tpu.memory_space<hbm>>
      %dma_wait3A_918 = tpu.memref_squeeze %dma_wait3A_917 : memref<1x64xf32, #tpu.memory_space<hbm>> -> memref<64xf32, #tpu.memory_space<hbm>>
      tpu.wait_dma2 semaphore(%arg14 : memref<!tpu.dma_semaphore, #tpu.memory_space<semaphore_mem>>) src(%dma_wait3A_918 : memref<64xf32, #tpu.memory_space<hbm>>) dst(%dma_wait3A_915 : memref<64xf32, #tpu.memory_space<vmem>>)
      %add3A_919 = arith.constant 0 : i32
      %add3A_920 = arith.addi %mul3A_23, %add3A_919 : i32
      %get3A_921 = arith.index_cast %add3A_920 : i32 to index
      %get3A_922 = arith.constant 0 : index
      %get3A_923 = tpu.vector_load %arg9[%get3A_921, %get3A_922] {strides = array<i32>} : memref<256x64xf32, #tpu.memory_space<vmem>>, vector<16xf32>,
      %get3A_924 = arith.index_cast %add3A_920 : i32 to index
      %get3A_925 = arith.constant 0 : index
      %get3A_926 = tpu.vector_load %arg10[%get3A_924, %get3A_925] {strides = array<i32>} : memref<256x64xf32, #tpu.memory_space<vmem>>, vector<16xf32>,
      %mul3A_927 = arith.mulf %get3A_923, %get3A_926 : vector<16xf32>
      %get3A_928 = arith.index_cast %add3A_920 : i32 to index
      %get3A_929 = arith.constant 16 : index
      %get3A_930 = tpu.vector_load %arg9[%get3A_928, %get3A_929] {strides = array<i32>} : memref<256x64xf32, #tpu.memory_space<vmem>>, vector<16xf32>,
      %get3A_931 = arith.index_cast %add3A_920 : i32 to index
      %get3A_932 = arith.constant 16 : index
      %get3A_933 = tpu.vector_load %arg10[%get3A_931, %get3A_932] {strides = array<i32>} : memref<256x64xf32, #tpu.memory_space<vmem>>, vector<16xf32>,
      %mul3A_934 = arith.mulf %get3A_930, %get3A_933 : vector<16xf32>
      %add3A_935 = arith.addf %mul3A_927, %mul3A_934 : vector<16xf32>
      %get3A_936 = arith.index_cast %add3A_920 : i32 to index
      %get3A_937 = arith.constant 32 : index
      %get3A_938 = tpu.vector_load %arg9[%get3A_936, %get3A_937] {strides = array<i32>} : memref<256x64xf32, #tpu.memory_space<vmem>>, vector<16xf32>,
      %get3A_939 = arith.index_cast %add3A_920 : i32 to index
      %get3A_940 = arith.constant 32 : index
      %get3A_941 = tpu.vector_load %arg10[%get3A_939, %get3A_940] {strides = array<i32>} : memref<256x64xf32, #tpu.memory_space<vmem>>, vector<16xf32>,
      %mul3A_942 = arith.mulf %get3A_938, %get3A_941 : vector<16xf32>
      %add3A_943 = arith.addf %add3A_935, %mul3A_942 : vector<16xf32>
      %get3A_944 = arith.index_cast %add3A_920 : i32 to index
      %get3A_945 = arith.constant 48 : index
      %get3A_946 = tpu.vector_load %arg9[%get3A_944, %get3A_945] {strides = array<i32>} : memref<256x64xf32, #tpu.memory_space<vmem>>, vector<16xf32>,
      %get3A_947 = arith.index_cast %add3A_920 : i32 to index
      %get3A_948 = arith.constant 48 : index
      %get3A_949 = tpu.vector_load %arg10[%get3A_947, %get3A_948] {strides = array<i32>} : memref<256x64xf32, #tpu.memory_space<vmem>>, vector<16xf32>,
      %mul3A_950 = arith.mulf %get3A_946, %get3A_949 : vector<16xf32>
      %add3A_951 = arith.addf %add3A_943, %mul3A_950 : vector<16xf32>
      %swap3A = arith.constant 0 : index
      %swap3A_952 = tpu.vector_load %arg12[%swap3A] {strides = array<i32>} : memref<256xf32, #tpu.memory_space<vmem>>, vector<16xf32>,
      tpu.vector_store %arg12[%swap3A], %add3A_951 {strides = array<i32>} : memref<256xf32, #tpu.memory_space<vmem>>, vector<16xf32>,
      %add3A_953 = arith.constant 1 : i32
      %add3A_954 = arith.addi %mul3A_23, %add3A_953 : i32
      %get3A_955 = arith.index_cast %add3A_954 : i32 to index
      %get3A_956 = arith.constant 0 : index
      %get3A_957 = tpu.vector_load %arg9[%get3A_955, %get3A_956] {strides = array<i32>} : memref<256x64xf32, #tpu.memory_space<vmem>>, vector<16xf32>,
      %get3A_958 = arith.index_cast %add3A_954 : i32 to index
      %get3A_959 = arith.constant 0 : index
      %get3A_960 = tpu.vector_load %arg10[%get3A_958, %get3A_959] {strides = array<i32>} : memref<256x64xf32, #tpu.memory_space<vmem>>, vector<16xf32>,
      %mul3A_961 = arith.mulf %get3A_957, %get3A_960 : vector<16xf32>
      %get3A_962 = arith.index_cast %add3A_954 : i32 to index
      %get3A_963 = arith.constant 16 : index
      %get3A_964 = tpu.vector_load %arg9[%get3A_962, %get3A_963] {strides = array<i32>} : memref<256x64xf32, #tpu.memory_space<vmem>>, vector<16xf32>,
      %get3A_965 = arith.index_cast %add3A_954 : i32 to index
      %get3A_966 = arith.constant 16 : index
      %get3A_967 = tpu.vector_load %arg10[%get3A_965, %get3A_966] {strides = array<i32>} : memref<256x64xf32, #tpu.memory_space<vmem>>, vector<16xf32>,
      %mul3A_968 = arith.mulf %get3A_964, %get3A_967 : vector<16xf32>
      %add3A_969 = arith.addf %mul3A_961, %mul3A_968 : vector<16xf32>
      %get3A_970 = arith.index_cast %add3A_954 : i32 to index
      %get3A_971 = arith.constant 32 : index
      %get3A_972 = tpu.vector_load %arg9[%get3A_970, %get3A_971] {strides = array<i32>} : memref<256x64xf32, #tpu.memory_space<vmem>>, vector<16xf32>,
      %get3A_973 = arith.index_cast %add3A_954 : i32 to index
      %get3A_974 = arith.constant 32 : index
      %get3A_975 = tpu.vector_load %arg10[%get3A_973, %get3A_974] {strides = array<i32>} : memref<256x64xf32, #tpu.memory_space<vmem>>, vector<16xf32>,
      %mul3A_976 = arith.mulf %get3A_972, %get3A_975 : vector<16xf32>
      %add3A_977 = arith.addf %add3A_969, %mul3A_976 : vector<16xf32>
      %get3A_978 = arith.index_cast %add3A_954 : i32 to index
      %get3A_979 = arith.constant 48 : index
      %get3A_980 = tpu.vector_load %arg9[%get3A_978, %get3A_979] {strides = array<i32>} : memref<256x64xf32, #tpu.memory_space<vmem>>, vector<16xf32>,
      %get3A_981 = arith.index_cast %add3A_954 : i32 to index
      %get3A_982 = arith.constant 48 : index
      %get3A_983 = tpu.vector_load %arg10[%get3A_981, %get3A_982] {strides = array<i32>} : memref<256x64xf32, #tpu.memory_space<vmem>>, vector<16xf32>,
      %mul3A_984 = arith.mulf %get3A_980, %get3A_983 : vector<16xf32>
      %add3A_985 = arith.addf %add3A_977, %mul3A_984 : vector<16xf32>
      %swap3A_986 = arith.constant 16 : index
      %swap3A_987 = tpu.vector_load %arg12[%swap3A_986] {strides = array<i32>} : memref<256xf32, #tpu.memory_space<vmem>>, vector<16xf32>,
      tpu.vector_store %arg12[%swap3A_986], %add3A_985 {strides = array<i32>} : memref<256xf32, #tpu.memory_space<vmem>>, vector<16xf32>,
      %add3A_988 = arith.constant 2 : i32
      %add3A_989 = arith.addi %mul3A_23, %add3A_988 : i32
      %get3A_990 = arith.index_cast %add3A_989 : i32 to index
      %get3A_991 = arith.constant 0 : index
      %get3A_992 = tpu.vector_load %arg9[%get3A_990, %get3A_991] {strides = array<i32>} : memref<256x64xf32, #tpu.memory_space<vmem>>, vector<16xf32>,
      %get3A_993 = arith.index_cast %add3A_989 : i32 to index
      %get3A_994 = arith.constant 0 : index
      %get3A_995 = tpu.vector_load %arg10[%get3A_993, %get3A_994] {strides = array<i32>} : memref<256x64xf32, #tpu.memory_space<vmem>>, vector<16xf32>,
      %mul3A_996 = arith.mulf %get3A_992, %get3A_995 : vector<16xf32>
      %get3A_997 = arith.index_cast %add3A_989 : i32 to index
      %get3A_998 = arith.constant 16 : index
      %get3A_999 = tpu.vector_load %arg9[%get3A_997, %get3A_998] {strides = array<i32>} : memref<256x64xf32, #tpu.memory_space<vmem>>, vector<16xf32>,
      %get3A_1000 = arith.index_cast %add3A_989 : i32 to index
      %get3A_1001 = arith.constant 16 : index
      %get3A_1002 = tpu.vector_load %arg10[%get3A_1000, %get3A_1001] {strides = array<i32>} : memref<256x64xf32, #tpu.memory_space<vmem>>, vector<16xf32>,
      %mul3A_1003 = arith.mulf %get3A_999, %get3A_1002 : vector<16xf32>
      %add3A_1004 = arith.addf %mul3A_996, %mul3A_1003 : vector<16xf32>
      %get3A_1005 = arith.index_cast %add3A_989 : i32 to index
      %get3A_1006 = arith.constant 32 : index
      %get3A_1007 = tpu.vector_load %arg9[%get3A_1005, %get3A_1006] {strides = array<i32>} : memref<256x64xf32, #tpu.memory_space<vmem>>, vector<16xf32>,
      %get3A_1008 = arith.index_cast %add3A_989 : i32 to index
      %get3A_1009 = arith.constant 32 : index
      %get3A_1010 = tpu.vector_load %arg10[%get3A_1008, %get3A_1009] {strides = array<i32>} : memref<256x64xf32, #tpu.memory_space<vmem>>, vector<16xf32>,
      %mul3A_1011 = arith.mulf %get3A_1007, %get3A_1010 : vector<16xf32>
      %add3A_1012 = arith.addf %add3A_1004, %mul3A_1011 : vector<16xf32>
      %get3A_1013 = arith.index_cast %add3A_989 : i32 to index
      %get3A_1014 = arith.constant 48 : index
      %get3A_1015 = tpu.vector_load %arg9[%get3A_1013, %get3A_1014] {strides = array<i32>} : memref<256x64xf32, #tpu.memory_space<vmem>>, vector<16xf32>,
      %get3A_1016 = arith.index_cast %add3A_989 : i32 to index
      %get3A_1017 = arith.constant 48 : index
      %get3A_1018 = tpu.vector_load %arg10[%get3A_1016, %get3A_1017] {strides = array<i32>} : memref<256x64xf32, #tpu.memory_space<vmem>>, vector<16xf32>,
      %mul3A_1019 = arith.mulf %get3A_1015, %get3A_1018 : vector<16xf32>
      %add3A_1020 = arith.addf %add3A_1012, %mul3A_1019 : vector<16xf32>
      %swap3A_1021 = arith.constant 32 : index
      %swap3A_1022 = tpu.vector_load %arg12[%swap3A_1021] {strides = array<i32>} : memref<256xf32, #tpu.memory_space<vmem>>, vector<16xf32>,
      tpu.vector_store %arg12[%swap3A_1021], %add3A_1020 {strides = array<i32>} : memref<256xf32, #tpu.memory_space<vmem>>, vector<16xf32>,
      %add3A_1023 = arith.constant 3 : i32
      %add3A_1024 = arith.addi %mul3A_23, %add3A_1023 : i32
      %get3A_1025 = arith.index_cast %add3A_1024 : i32 to index
      %get3A_1026 = arith.constant 0 : index
      %get3A_1027 = tpu.vector_load %arg9[%get3A_1025, %get3A_1026] {strides = array<i32>} : memref<256x64xf32, #tpu.memory_space<vmem>>, vector<16xf32>,
      %get3A_1028 = arith.index_cast %add3A_1024 : i32 to index
      %get3A_1029 = arith.constant 0 : index
      %get3A_1030 = tpu.vector_load %arg10[%get3A_1028, %get3A_1029] {strides = array<i32>} : memref<256x64xf32, #tpu.memory_space<vmem>>, vector<16xf32>,
      %mul3A_1031 = arith.mulf %get3A_1027, %get3A_1030 : vector<16xf32>
      %get3A_1032 = arith.index_cast %add3A_1024 : i32 to index
      %get3A_1033 = arith.constant 16 : index
      %get3A_1034 = tpu.vector_load %arg9[%get3A_1032, %get3A_1033] {strides = array<i32>} : memref<256x64xf32, #tpu.memory_space<vmem>>, vector<16xf32>,
      %get3A_1035 = arith.index_cast %add3A_1024 : i32 to index
      %get3A_1036 = arith.constant 16 : index
      %get3A_1037 = tpu.vector_load %arg10[%get3A_1035, %get3A_1036] {strides = array<i32>} : memref<256x64xf32, #tpu.memory_space<vmem>>, vector<16xf32>,
      %mul3A_1038 = arith.mulf %get3A_1034, %get3A_1037 : vector<16xf32>
      %add3A_1039 = arith.addf %mul3A_1031, %mul3A_1038 : vector<16xf32>
      %get3A_1040 = arith.index_cast %add3A_1024 : i32 to index
      %get3A_1041 = arith.constant 32 : index
      %get3A_1042 = tpu.vector_load %arg9[%get3A_1040, %get3A_1041] {strides = array<i32>} : memref<256x64xf32, #tpu.memory_space<vmem>>, vector<16xf32>,
      %get3A_1043 = arith.index_cast %add3A_1024 : i32 to index
      %get3A_1044 = arith.constant 32 : index
      %get3A_1045 = tpu.vector_load %arg10[%get3A_1043, %get3A_1044] {strides = array<i32>} : memref<256x64xf32, #tpu.memory_space<vmem>>, vector<16xf32>,
      %mul3A_1046 = arith.mulf %get3A_1042, %get3A_1045 : vector<16xf32>
      %add3A_1047 = arith.addf %add3A_1039, %mul3A_1046 : vector<16xf32>
      %get3A_1048 = arith.index_cast %add3A_1024 : i32 to index
      %get3A_1049 = arith.constant 48 : index
      %get3A_1050 = tpu.vector_load %arg9[%get3A_1048, %get3A_1049] {strides = array<i32>} : memref<256x64xf32, #tpu.memory_space<vmem>>, vector<16xf32>,
      %get3A_1051 = arith.index_cast %add3A_1024 : i32 to index
      %get3A_1052 = arith.constant 48 : index
      %get3A_1053 = tpu.vector_load %arg10[%get3A_1051, %get3A_1052] {strides = array<i32>} : memref<256x64xf32, #tpu.memory_space<vmem>>, vector<16xf32>,
      %mul3A_1054 = arith.mulf %get3A_1050, %get3A_1053 : vector<16xf32>
      %add3A_1055 = arith.addf %add3A_1047, %mul3A_1054 : vector<16xf32>
      %swap3A_1056 = arith.constant 48 : index
      %swap3A_1057 = tpu.vector_load %arg12[%swap3A_1056] {strides = array<i32>} : memref<256xf32, #tpu.memory_space<vmem>>, vector<16xf32>,
      tpu.vector_store %arg12[%swap3A_1056], %add3A_1055 {strides = array<i32>} : memref<256xf32, #tpu.memory_space<vmem>>, vector<16xf32>,
      %add3A_1058 = arith.constant 4 : i32
      %add3A_1059 = arith.addi %mul3A_23, %add3A_1058 : i32
      %get3A_1060 = arith.index_cast %add3A_1059 : i32 to index
      %get3A_1061 = arith.constant 0 : index
      %get3A_1062 = tpu.vector_load %arg9[%get3A_1060, %get3A_1061] {strides = array<i32>} : memref<256x64xf32, #tpu.memory_space<vmem>>, vector<16xf32>,
      %get3A_1063 = arith.index_cast %add3A_1059 : i32 to index
      %get3A_1064 = arith.constant 0 : index
      %get3A_1065 = tpu.vector_load %arg10[%get3A_1063, %get3A_1064] {strides = array<i32>} : memref<256x64xf32, #tpu.memory_space<vmem>>, vector<16xf32>,
      %mul3A_1066 = arith.mulf %get3A_1062, %get3A_1065 : vector<16xf32>
      %get3A_1067 = arith.index_cast %add3A_1059 : i32 to index
      %get3A_1068 = arith.constant 16 : index
      %get3A_1069 = tpu.vector_load %arg9[%get3A_1067, %get3A_1068] {strides = array<i32>} : memref<256x64xf32, #tpu.memory_space<vmem>>, vector<16xf32>,
      %get3A_1070 = arith.index_cast %add3A_1059 : i32 to index
      %get3A_1071 = arith.constant 16 : index
      %get3A_1072 = tpu.vector_load %arg10[%get3A_1070, %get3A_1071] {strides = array<i32>} : memref<256x64xf32, #tpu.memory_space<vmem>>, vector<16xf32>,
      %mul3A_1073 = arith.mulf %get3A_1069, %get3A_1072 : vector<16xf32>
      %add3A_1074 = arith.addf %mul3A_1066, %mul3A_1073 : vector<16xf32>
      %get3A_1075 = arith.index_cast %add3A_1059 : i32 to index
      %get3A_1076 = arith.constant 32 : index
      %get3A_1077 = tpu.vector_load %arg9[%get3A_1075, %get3A_1076] {strides = array<i32>} : memref<256x64xf32, #tpu.memory_space<vmem>>, vector<16xf32>,
      %get3A_1078 = arith.index_cast %add3A_1059 : i32 to index
      %get3A_1079 = arith.constant 32 : index
      %get3A_1080 = tpu.vector_load %arg10[%get3A_1078, %get3A_1079] {strides = array<i32>} : memref<256x64xf32, #tpu.memory_space<vmem>>, vector<16xf32>,
      %mul3A_1081 = arith.mulf %get3A_1077, %get3A_1080 : vector<16xf32>
      %add3A_1082 = arith.addf %add3A_1074, %mul3A_1081 : vector<16xf32>
      %get3A_1083 = arith.index_cast %add3A_1059 : i32 to index
      %get3A_1084 = arith.constant 48 : index
      %get3A_1085 = tpu.vector_load %arg9[%get3A_1083, %get3A_1084] {strides = array<i32>} : memref<256x64xf32, #tpu.memory_space<vmem>>, vector<16xf32>,
      %get3A_1086 = arith.index_cast %add3A_1059 : i32 to index
      %get3A_1087 = arith.constant 48 : index
      %get3A_1088 = tpu.vector_load %arg10[%get3A_1086, %get3A_1087] {strides = array<i32>} : memref<256x64xf32, #tpu.memory_space<vmem>>, vector<16xf32>,
      %mul3A_1089 = arith.mulf %get3A_1085, %get3A_1088 : vector<16xf32>
      %add3A_1090 = arith.addf %add3A_1082, %mul3A_1089 : vector<16xf32>
      %swap3A_1091 = arith.constant 64 : index
      %swap3A_1092 = tpu.vector_load %arg12[%swap3A_1091] {strides = array<i32>} : memref<256xf32, #tpu.memory_space<vmem>>, vector<16xf32>,
      tpu.vector_store %arg12[%swap3A_1091], %add3A_1090 {strides = array<i32>} : memref<256xf32, #tpu.memory_space<vmem>>, vector<16xf32>,
      %add3A_1093 = arith.constant 5 : i32
      %add3A_1094 = arith.addi %mul3A_23, %add3A_1093 : i32
      %get3A_1095 = arith.index_cast %add3A_1094 : i32 to index
      %get3A_1096 = arith.constant 0 : index
      %get3A_1097 = tpu.vector_load %arg9[%get3A_1095, %get3A_1096] {strides = array<i32>} : memref<256x64xf32, #tpu.memory_space<vmem>>, vector<16xf32>,
      %get3A_1098 = arith.index_cast %add3A_1094 : i32 to index
      %get3A_1099 = arith.constant 0 : index
      %get3A_1100 = tpu.vector_load %arg10[%get3A_1098, %get3A_1099] {strides = array<i32>} : memref<256x64xf32, #tpu.memory_space<vmem>>, vector<16xf32>,
      %mul3A_1101 = arith.mulf %get3A_1097, %get3A_1100 : vector<16xf32>
      %get3A_1102 = arith.index_cast %add3A_1094 : i32 to index
      %get3A_1103 = arith.constant 16 : index
      %get3A_1104 = tpu.vector_load %arg9[%get3A_1102, %get3A_1103] {strides = array<i32>} : memref<256x64xf32, #tpu.memory_space<vmem>>, vector<16xf32>,
      %get3A_1105 = arith.index_cast %add3A_1094 : i32 to index
      %get3A_1106 = arith.constant 16 : index
      %get3A_1107 = tpu.vector_load %arg10[%get3A_1105, %get3A_1106] {strides = array<i32>} : memref<256x64xf32, #tpu.memory_space<vmem>>, vector<16xf32>,
      %mul3A_1108 = arith.mulf %get3A_1104, %get3A_1107 : vector<16xf32>
      %add3A_1109 = arith.addf %mul3A_1101, %mul3A_1108 : vector<16xf32>
      %get3A_1110 = arith.index_cast %add3A_1094 : i32 to index
      %get3A_1111 = arith.constant 32 : index
      %get3A_1112 = tpu.vector_load %arg9[%get3A_1110, %get3A_1111] {strides = array<i32>} : memref<256x64xf32, #tpu.memory_space<vmem>>, vector<16xf32>,
      %get3A_1113 = arith.index_cast %add3A_1094 : i32 to index
      %get3A_1114 = arith.constant 32 : index
      %get3A_1115 = tpu.vector_load %arg10[%get3A_1113, %get3A_1114] {strides = array<i32>} : memref<256x64xf32, #tpu.memory_space<vmem>>, vector<16xf32>,
      %mul3A_1116 = arith.mulf %get3A_1112, %get3A_1115 : vector<16xf32>
      %add3A_1117 = arith.addf %add3A_1109, %mul3A_1116 : vector<16xf32>
      %get3A_1118 = arith.index_cast %add3A_1094 : i32 to index
      %get3A_1119 = arith.constant 48 : index
      %get3A_1120 = tpu.vector_load %arg9[%get3A_1118, %get3A_1119] {strides = array<i32>} : memref<256x64xf32, #tpu.memory_space<vmem>>, vector<16xf32>,
      %get3A_1121 = arith.index_cast %add3A_1094 : i32 to index
      %get3A_1122 = arith.constant 48 : index
      %get3A_1123 = tpu.vector_load %arg10[%get3A_1121, %get3A_1122] {strides = array<i32>} : memref<256x64xf32, #tpu.memory_space<vmem>>, vector<16xf32>,
      %mul3A_1124 = arith.mulf %get3A_1120, %get3A_1123 : vector<16xf32>
      %add3A_1125 = arith.addf %add3A_1117, %mul3A_1124 : vector<16xf32>
      %swap3A_1126 = arith.constant 80 : index
      %swap3A_1127 = tpu.vector_load %arg12[%swap3A_1126] {strides = array<i32>} : memref<256xf32, #tpu.memory_space<vmem>>, vector<16xf32>,
      tpu.vector_store %arg12[%swap3A_1126], %add3A_1125 {strides = array<i32>} : memref<256xf32, #tpu.memory_space<vmem>>, vector<16xf32>,
      %add3A_1128 = arith.constant 6 : i32
      %add3A_1129 = arith.addi %mul3A_23, %add3A_1128 : i32
      %get3A_1130 = arith.index_cast %add3A_1129 : i32 to index
      %get3A_1131 = arith.constant 0 : index
      %get3A_1132 = tpu.vector_load %arg9[%get3A_1130, %get3A_1131] {strides = array<i32>} : memref<256x64xf32, #tpu.memory_space<vmem>>, vector<16xf32>,
      %get3A_1133 = arith.index_cast %add3A_1129 : i32 to index
      %get3A_1134 = arith.constant 0 : index
      %get3A_1135 = tpu.vector_load %arg10[%get3A_1133, %get3A_1134] {strides = array<i32>} : memref<256x64xf32, #tpu.memory_space<vmem>>, vector<16xf32>,
      %mul3A_1136 = arith.mulf %get3A_1132, %get3A_1135 : vector<16xf32>
      %get3A_1137 = arith.index_cast %add3A_1129 : i32 to index
      %get3A_1138 = arith.constant 16 : index
      %get3A_1139 = tpu.vector_load %arg9[%get3A_1137, %get3A_1138] {strides = array<i32>} : memref<256x64xf32, #tpu.memory_space<vmem>>, vector<16xf32>,
      %get3A_1140 = arith.index_cast %add3A_1129 : i32 to index
      %get3A_1141 = arith.constant 16 : index
      %get3A_1142 = tpu.vector_load %arg10[%get3A_1140, %get3A_1141] {strides = array<i32>} : memref<256x64xf32, #tpu.memory_space<vmem>>, vector<16xf32>,
      %mul3A_1143 = arith.mulf %get3A_1139, %get3A_1142 : vector<16xf32>
      %add3A_1144 = arith.addf %mul3A_1136, %mul3A_1143 : vector<16xf32>
      %get3A_1145 = arith.index_cast %add3A_1129 : i32 to index
      %get3A_1146 = arith.constant 32 : index
      %get3A_1147 = tpu.vector_load %arg9[%get3A_1145, %get3A_1146] {strides = array<i32>} : memref<256x64xf32, #tpu.memory_space<vmem>>, vector<16xf32>,
      %get3A_1148 = arith.index_cast %add3A_1129 : i32 to index
      %get3A_1149 = arith.constant 32 : index
      %get3A_1150 = tpu.vector_load %arg10[%get3A_1148, %get3A_1149] {strides = array<i32>} : memref<256x64xf32, #tpu.memory_space<vmem>>, vector<16xf32>,
      %mul3A_1151 = arith.mulf %get3A_1147, %get3A_1150 : vector<16xf32>
      %add3A_1152 = arith.addf %add3A_1144, %mul3A_1151 : vector<16xf32>
      %get3A_1153 = arith.index_cast %add3A_1129 : i32 to index
      %get3A_1154 = arith.constant 48 : index
      %get3A_1155 = tpu.vector_load %arg9[%get3A_1153, %get3A_1154] {strides = array<i32>} : memref<256x64xf32, #tpu.memory_space<vmem>>, vector<16xf32>,
      %get3A_1156 = arith.index_cast %add3A_1129 : i32 to index
      %get3A_1157 = arith.constant 48 : index
      %get3A_1158 = tpu.vector_load %arg10[%get3A_1156, %get3A_1157] {strides = array<i32>} : memref<256x64xf32, #tpu.memory_space<vmem>>, vector<16xf32>,
      %mul3A_1159 = arith.mulf %get3A_1155, %get3A_1158 : vector<16xf32>
      %add3A_1160 = arith.addf %add3A_1152, %mul3A_1159 : vector<16xf32>
      %swap3A_1161 = arith.constant 96 : index
      %swap3A_1162 = tpu.vector_load %arg12[%swap3A_1161] {strides = array<i32>} : memref<256xf32, #tpu.memory_space<vmem>>, vector<16xf32>,
      tpu.vector_store %arg12[%swap3A_1161], %add3A_1160 {strides = array<i32>} : memref<256xf32, #tpu.memory_space<vmem>>, vector<16xf32>,
      %add3A_1163 = arith.constant 7 : i32
      %add3A_1164 = arith.addi %mul3A_23, %add3A_1163 : i32
      %get3A_1165 = arith.index_cast %add3A_1164 : i32 to index
      %get3A_1166 = arith.constant 0 : index
      %get3A_1167 = tpu.vector_load %arg9[%get3A_1165, %get3A_1166] {strides = array<i32>} : memref<256x64xf32, #tpu.memory_space<vmem>>, vector<16xf32>,
      %get3A_1168 = arith.index_cast %add3A_1164 : i32 to index
      %get3A_1169 = arith.constant 0 : index
      %get3A_1170 = tpu.vector_load %arg10[%get3A_1168, %get3A_1169] {strides = array<i32>} : memref<256x64xf32, #tpu.memory_space<vmem>>, vector<16xf32>,
      %mul3A_1171 = arith.mulf %get3A_1167, %get3A_1170 : vector<16xf32>
      %get3A_1172 = arith.index_cast %add3A_1164 : i32 to index
      %get3A_1173 = arith.constant 16 : index
      %get3A_1174 = tpu.vector_load %arg9[%get3A_1172, %get3A_1173] {strides = array<i32>} : memref<256x64xf32, #tpu.memory_space<vmem>>, vector<16xf32>,
      %get3A_1175 = arith.index_cast %add3A_1164 : i32 to index
      %get3A_1176 = arith.constant 16 : index
      %get3A_1177 = tpu.vector_load %arg10[%get3A_1175, %get3A_1176] {strides = array<i32>} : memref<256x64xf32, #tpu.memory_space<vmem>>, vector<16xf32>,
      %mul3A_1178 = arith.mulf %get3A_1174, %get3A_1177 : vector<16xf32>
      %add3A_1179 = arith.addf %mul3A_1171, %mul3A_1178 : vector<16xf32>
      %get3A_1180 = arith.index_cast %add3A_1164 : i32 to index
      %get3A_1181 = arith.constant 32 : index
      %get3A_1182 = tpu.vector_load %arg9[%get3A_1180, %get3A_1181] {strides = array<i32>} : memref<256x64xf32, #tpu.memory_space<vmem>>, vector<16xf32>,
      %get3A_1183 = arith.index_cast %add3A_1164 : i32 to index
      %get3A_1184 = arith.constant 32 : index
      %get3A_1185 = tpu.vector_load %arg10[%get3A_1183, %get3A_1184] {strides = array<i32>} : memref<256x64xf32, #tpu.memory_space<vmem>>, vector<16xf32>,
      %mul3A_1186 = arith.mulf %get3A_1182, %get3A_1185 : vector<16xf32>
      %add3A_1187 = arith.addf %add3A_1179, %mul3A_1186 : vector<16xf32>
      %get3A_1188 = arith.index_cast %add3A_1164 : i32 to index
      %get3A_1189 = arith.constant 48 : index
      %get3A_1190 = tpu.vector_load %arg9[%get3A_1188, %get3A_1189] {strides = array<i32>} : memref<256x64xf32, #tpu.memory_space<vmem>>, vector<16xf32>,
      %get3A_1191 = arith.index_cast %add3A_1164 : i32 to index
      %get3A_1192 = arith.constant 48 : index
      %get3A_1193 = tpu.vector_load %arg10[%get3A_1191, %get3A_1192] {strides = array<i32>} : memref<256x64xf32, #tpu.memory_space<vmem>>, vector<16xf32>,
      %mul3A_1194 = arith.mulf %get3A_1190, %get3A_1193 : vector<16xf32>
      %add3A_1195 = arith.addf %add3A_1187, %mul3A_1194 : vector<16xf32>
      %swap3A_1196 = arith.constant 112 : index
      %swap3A_1197 = tpu.vector_load %arg12[%swap3A_1196] {strides = array<i32>} : memref<256xf32, #tpu.memory_space<vmem>>, vector<16xf32>,
      tpu.vector_store %arg12[%swap3A_1196], %add3A_1195 {strides = array<i32>} : memref<256xf32, #tpu.memory_space<vmem>>, vector<16xf32>,
      %add3A_1198 = arith.constant 8 : i32
      %add3A_1199 = arith.addi %mul3A_23, %add3A_1198 : i32
      %get3A_1200 = arith.index_cast %add3A_1199 : i32 to index
      %get3A_1201 = arith.constant 0 : index
      %get3A_1202 = tpu.vector_load %arg9[%get3A_1200, %get3A_1201] {strides = array<i32>} : memref<256x64xf32, #tpu.memory_space<vmem>>, vector<16xf32>,
      %get3A_1203 = arith.index_cast %add3A_1199 : i32 to index
      %get3A_1204 = arith.constant 0 : index
      %get3A_1205 = tpu.vector_load %arg10[%get3A_1203, %get3A_1204] {strides = array<i32>} : memref<256x64xf32, #tpu.memory_space<vmem>>, vector<16xf32>,
      %mul3A_1206 = arith.mulf %get3A_1202, %get3A_1205 : vector<16xf32>
      %get3A_1207 = arith.index_cast %add3A_1199 : i32 to index
      %get3A_1208 = arith.constant 16 : index
      %get3A_1209 = tpu.vector_load %arg9[%get3A_1207, %get3A_1208] {strides = array<i32>} : memref<256x64xf32, #tpu.memory_space<vmem>>, vector<16xf32>,
      %get3A_1210 = arith.index_cast %add3A_1199 : i32 to index
      %get3A_1211 = arith.constant 16 : index
      %get3A_1212 = tpu.vector_load %arg10[%get3A_1210, %get3A_1211] {strides = array<i32>} : memref<256x64xf32, #tpu.memory_space<vmem>>, vector<16xf32>,
      %mul3A_1213 = arith.mulf %get3A_1209, %get3A_1212 : vector<16xf32>
      %add3A_1214 = arith.addf %mul3A_1206, %mul3A_1213 : vector<16xf32>
      %get3A_1215 = arith.index_cast %add3A_1199 : i32 to index
      %get3A_1216 = arith.constant 32 : index
      %get3A_1217 = tpu.vector_load %arg9[%get3A_1215, %get3A_1216] {strides = array<i32>} : memref<256x64xf32, #tpu.memory_space<vmem>>, vector<16xf32>,
      %get3A_1218 = arith.index_cast %add3A_1199 : i32 to index
      %get3A_1219 = arith.constant 32 : index
      %get3A_1220 = tpu.vector_load %arg10[%get3A_1218, %get3A_1219] {strides = array<i32>} : memref<256x64xf32, #tpu.memory_space<vmem>>, vector<16xf32>,
      %mul3A_1221 = arith.mulf %get3A_1217, %get3A_1220 : vector<16xf32>
      %add3A_1222 = arith.addf %add3A_1214, %mul3A_1221 : vector<16xf32>
      %get3A_1223 = arith.index_cast %add3A_1199 : i32 to index
      %get3A_1224 = arith.constant 48 : index
      %get3A_1225 = tpu.vector_load %arg9[%get3A_1223, %get3A_1224] {strides = array<i32>} : memref<256x64xf32, #tpu.memory_space<vmem>>, vector<16xf32>,
      %get3A_1226 = arith.index_cast %add3A_1199 : i32 to index
      %get3A_1227 = arith.constant 48 : index
      %get3A_1228 = tpu.vector_load %arg10[%get3A_1226, %get3A_1227] {strides = array<i32>} : memref<256x64xf32, #tpu.memory_space<vmem>>, vector<16xf32>,
      %mul3A_1229 = arith.mulf %get3A_1225, %get3A_1228 : vector<16xf32>
      %add3A_1230 = arith.addf %add3A_1222, %mul3A_1229 : vector<16xf32>
      %swap3A_1231 = arith.constant 128 : index
      %swap3A_1232 = tpu.vector_load %arg12[%swap3A_1231] {strides = array<i32>} : memref<256xf32, #tpu.memory_space<vmem>>, vector<16xf32>,
      tpu.vector_store %arg12[%swap3A_1231], %add3A_1230 {strides = array<i32>} : memref<256xf32, #tpu.memory_space<vmem>>, vector<16xf32>,
      %add3A_1233 = arith.constant 9 : i32
      %add3A_1234 = arith.addi %mul3A_23, %add3A_1233 : i32
      %get3A_1235 = arith.index_cast %add3A_1234 : i32 to index
      %get3A_1236 = arith.constant 0 : index
      %get3A_1237 = tpu.vector_load %arg9[%get3A_1235, %get3A_1236] {strides = array<i32>} : memref<256x64xf32, #tpu.memory_space<vmem>>, vector<16xf32>,
      %get3A_1238 = arith.index_cast %add3A_1234 : i32 to index
      %get3A_1239 = arith.constant 0 : index
      %get3A_1240 = tpu.vector_load %arg10[%get3A_1238, %get3A_1239] {strides = array<i32>} : memref<256x64xf32, #tpu.memory_space<vmem>>, vector<16xf32>,
      %mul3A_1241 = arith.mulf %get3A_1237, %get3A_1240 : vector<16xf32>
      %get3A_1242 = arith.index_cast %add3A_1234 : i32 to index
      %get3A_1243 = arith.constant 16 : index
      %get3A_1244 = tpu.vector_load %arg9[%get3A_1242, %get3A_1243] {strides = array<i32>} : memref<256x64xf32, #tpu.memory_space<vmem>>, vector<16xf32>,
      %get3A_1245 = arith.index_cast %add3A_1234 : i32 to index
      %get3A_1246 = arith.constant 16 : index
      %get3A_1247 = tpu.vector_load %arg10[%get3A_1245, %get3A_1246] {strides = array<i32>} : memref<256x64xf32, #tpu.memory_space<vmem>>, vector<16xf32>,
      %mul3A_1248 = arith.mulf %get3A_1244, %get3A_1247 : vector<16xf32>
      %add3A_1249 = arith.addf %mul3A_1241, %mul3A_1248 : vector<16xf32>
      %get3A_1250 = arith.index_cast %add3A_1234 : i32 to index
      %get3A_1251 = arith.constant 32 : index
      %get3A_1252 = tpu.vector_load %arg9[%get3A_1250, %get3A_1251] {strides = array<i32>} : memref<256x64xf32, #tpu.memory_space<vmem>>, vector<16xf32>,
      %get3A_1253 = arith.index_cast %add3A_1234 : i32 to index
      %get3A_1254 = arith.constant 32 : index
      %get3A_1255 = tpu.vector_load %arg10[%get3A_1253, %get3A_1254] {strides = array<i32>} : memref<256x64xf32, #tpu.memory_space<vmem>>, vector<16xf32>,
      %mul3A_1256 = arith.mulf %get3A_1252, %get3A_1255 : vector<16xf32>
      %add3A_1257 = arith.addf %add3A_1249, %mul3A_1256 : vector<16xf32>
      %get3A_1258 = arith.index_cast %add3A_1234 : i32 to index
      %get3A_1259 = arith.constant 48 : index
      %get3A_1260 = tpu.vector_load %arg9[%get3A_1258, %get3A_1259] {strides = array<i32>} : memref<256x64xf32, #tpu.memory_space<vmem>>, vector<16xf32>,
      %get3A_1261 = arith.index_cast %add3A_1234 : i32 to index
      %get3A_1262 = arith.constant 48 : index
      %get3A_1263 = tpu.vector_load %arg10[%get3A_1261, %get3A_1262] {strides = array<i32>} : memref<256x64xf32, #tpu.memory_space<vmem>>, vector<16xf32>,
      %mul3A_1264 = arith.mulf %get3A_1260, %get3A_1263 : vector<16xf32>
      %add3A_1265 = arith.addf %add3A_1257, %mul3A_1264 : vector<16xf32>
      %swap3A_1266 = arith.constant 144 : index
      %swap3A_1267 = tpu.vector_load %arg12[%swap3A_1266] {strides = array<i32>} : memref<256xf32, #tpu.memory_space<vmem>>, vector<16xf32>,
      tpu.vector_store %arg12[%swap3A_1266], %add3A_1265 {strides = array<i32>} : memref<256xf32, #tpu.memory_space<vmem>>, vector<16xf32>,
      %add3A_1268 = arith.constant 10 : i32
      %add3A_1269 = arith.addi %mul3A_23, %add3A_1268 : i32
      %get3A_1270 = arith.index_cast %add3A_1269 : i32 to index
      %get3A_1271 = arith.constant 0 : index
      %get3A_1272 = tpu.vector_load %arg9[%get3A_1270, %get3A_1271] {strides = array<i32>} : memref<256x64xf32, #tpu.memory_space<vmem>>, vector<16xf32>,
      %get3A_1273 = arith.index_cast %add3A_1269 : i32 to index
      %get3A_1274 = arith.constant 0 : index
      %get3A_1275 = tpu.vector_load %arg10[%get3A_1273, %get3A_1274] {strides = array<i32>} : memref<256x64xf32, #tpu.memory_space<vmem>>, vector<16xf32>,
      %mul3A_1276 = arith.mulf %get3A_1272, %get3A_1275 : vector<16xf32>
      %get3A_1277 = arith.index_cast %add3A_1269 : i32 to index
      %get3A_1278 = arith.constant 16 : index
      %get3A_1279 = tpu.vector_load %arg9[%get3A_1277, %get3A_1278] {strides = array<i32>} : memref<256x64xf32, #tpu.memory_space<vmem>>, vector<16xf32>,
      %get3A_1280 = arith.index_cast %add3A_1269 : i32 to index
      %get3A_1281 = arith.constant 16 : index
      %get3A_1282 = tpu.vector_load %arg10[%get3A_1280, %get3A_1281] {strides = array<i32>} : memref<256x64xf32, #tpu.memory_space<vmem>>, vector<16xf32>,
      %mul3A_1283 = arith.mulf %get3A_1279, %get3A_1282 : vector<16xf32>
      %add3A_1284 = arith.addf %mul3A_1276, %mul3A_1283 : vector<16xf32>
      %get3A_1285 = arith.index_cast %add3A_1269 : i32 to index
      %get3A_1286 = arith.constant 32 : index
      %get3A_1287 = tpu.vector_load %arg9[%get3A_1285, %get3A_1286] {strides = array<i32>} : memref<256x64xf32, #tpu.memory_space<vmem>>, vector<16xf32>,
      %get3A_1288 = arith.index_cast %add3A_1269 : i32 to index
      %get3A_1289 = arith.constant 32 : index
      %get3A_1290 = tpu.vector_load %arg10[%get3A_1288, %get3A_1289] {strides = array<i32>} : memref<256x64xf32, #tpu.memory_space<vmem>>, vector<16xf32>,
      %mul3A_1291 = arith.mulf %get3A_1287, %get3A_1290 : vector<16xf32>
      %add3A_1292 = arith.addf %add3A_1284, %mul3A_1291 : vector<16xf32>
      %get3A_1293 = arith.index_cast %add3A_1269 : i32 to index
      %get3A_1294 = arith.constant 48 : index
      %get3A_1295 = tpu.vector_load %arg9[%get3A_1293, %get3A_1294] {strides = array<i32>} : memref<256x64xf32, #tpu.memory_space<vmem>>, vector<16xf32>,
      %get3A_1296 = arith.index_cast %add3A_1269 : i32 to index
      %get3A_1297 = arith.constant 48 : index
      %get3A_1298 = tpu.vector_load %arg10[%get3A_1296, %get3A_1297] {strides = array<i32>} : memref<256x64xf32, #tpu.memory_space<vmem>>, vector<16xf32>,
      %mul3A_1299 = arith.mulf %get3A_1295, %get3A_1298 : vector<16xf32>
      %add3A_1300 = arith.addf %add3A_1292, %mul3A_1299 : vector<16xf32>
      %swap3A_1301 = arith.constant 160 : index
      %swap3A_1302 = tpu.vector_load %arg12[%swap3A_1301] {strides = array<i32>} : memref<256xf32, #tpu.memory_space<vmem>>, vector<16xf32>,
      tpu.vector_store %arg12[%swap3A_1301], %add3A_1300 {strides = array<i32>} : memref<256xf32, #tpu.memory_space<vmem>>, vector<16xf32>,
      %add3A_1303 = arith.constant 11 : i32
      %add3A_1304 = arith.addi %mul3A_23, %add3A_1303 : i32
      %get3A_1305 = arith.index_cast %add3A_1304 : i32 to index
      %get3A_1306 = arith.constant 0 : index
      %get3A_1307 = tpu.vector_load %arg9[%get3A_1305, %get3A_1306] {strides = array<i32>} : memref<256x64xf32, #tpu.memory_space<vmem>>, vector<16xf32>,
      %get3A_1308 = arith.index_cast %add3A_1304 : i32 to index
      %get3A_1309 = arith.constant 0 : index
      %get3A_1310 = tpu.vector_load %arg10[%get3A_1308, %get3A_1309] {strides = array<i32>} : memref<256x64xf32, #tpu.memory_space<vmem>>, vector<16xf32>,
      %mul3A_1311 = arith.mulf %get3A_1307, %get3A_1310 : vector<16xf32>
      %get3A_1312 = arith.index_cast %add3A_1304 : i32 to index
      %get3A_1313 = arith.constant 16 : index
      %get3A_1314 = tpu.vector_load %arg9[%get3A_1312, %get3A_1313] {strides = array<i32>} : memref<256x64xf32, #tpu.memory_space<vmem>>, vector<16xf32>,
      %get3A_1315 = arith.index_cast %add3A_1304 : i32 to index
      %get3A_1316 = arith.constant 16 : index
      %get3A_1317 = tpu.vector_load %arg10[%get3A_1315, %get3A_1316] {strides = array<i32>} : memref<256x64xf32, #tpu.memory_space<vmem>>, vector<16xf32>,
      %mul3A_1318 = arith.mulf %get3A_1314, %get3A_1317 : vector<16xf32>
      %add3A_1319 = arith.addf %mul3A_1311, %mul3A_1318 : vector<16xf32>
      %get3A_1320 = arith.index_cast %add3A_1304 : i32 to index
      %get3A_1321 = arith.constant 32 : index
      %get3A_1322 = tpu.vector_load %arg9[%get3A_1320, %get3A_1321] {strides = array<i32>} : memref<256x64xf32, #tpu.memory_space<vmem>>, vector<16xf32>,
      %get3A_1323 = arith.index_cast %add3A_1304 : i32 to index
      %get3A_1324 = arith.constant 32 : index
      %get3A_1325 = tpu.vector_load %arg10[%get3A_1323, %get3A_1324] {strides = array<i32>} : memref<256x64xf32, #tpu.memory_space<vmem>>, vector<16xf32>,
      %mul3A_1326 = arith.mulf %get3A_1322, %get3A_1325 : vector<16xf32>
      %add3A_1327 = arith.addf %add3A_1319, %mul3A_1326 : vector<16xf32>
      %get3A_1328 = arith.index_cast %add3A_1304 : i32 to index
      %get3A_1329 = arith.constant 48 : index
      %get3A_1330 = tpu.vector_load %arg9[%get3A_1328, %get3A_1329] {strides = array<i32>} : memref<256x64xf32, #tpu.memory_space<vmem>>, vector<16xf32>,
      %get3A_1331 = arith.index_cast %add3A_1304 : i32 to index
      %get3A_1332 = arith.constant 48 : index
      %get3A_1333 = tpu.vector_load %arg10[%get3A_1331, %get3A_1332] {strides = array<i32>} : memref<256x64xf32, #tpu.memory_space<vmem>>, vector<16xf32>,
      %mul3A_1334 = arith.mulf %get3A_1330, %get3A_1333 : vector<16xf32>
      %add3A_1335 = arith.addf %add3A_1327, %mul3A_1334 : vector<16xf32>
      %swap3A_1336 = arith.constant 176 : index
      %swap3A_1337 = tpu.vector_load %arg12[%swap3A_1336] {strides = array<i32>} : memref<256xf32, #tpu.memory_space<vmem>>, vector<16xf32>,
      tpu.vector_store %arg12[%swap3A_1336], %add3A_1335 {strides = array<i32>} : memref<256xf32, #tpu.memory_space<vmem>>, vector<16xf32>,
      %add3A_1338 = arith.constant 12 : i32
      %add3A_1339 = arith.addi %mul3A_23, %add3A_1338 : i32
      %get3A_1340 = arith.index_cast %add3A_1339 : i32 to index
      %get3A_1341 = arith.constant 0 : index
      %get3A_1342 = tpu.vector_load %arg9[%get3A_1340, %get3A_1341] {strides = array<i32>} : memref<256x64xf32, #tpu.memory_space<vmem>>, vector<16xf32>,
      %get3A_1343 = arith.index_cast %add3A_1339 : i32 to index
      %get3A_1344 = arith.constant 0 : index
      %get3A_1345 = tpu.vector_load %arg10[%get3A_1343, %get3A_1344] {strides = array<i32>} : memref<256x64xf32, #tpu.memory_space<vmem>>, vector<16xf32>,
      %mul3A_1346 = arith.mulf %get3A_1342, %get3A_1345 : vector<16xf32>
      %get3A_1347 = arith.index_cast %add3A_1339 : i32 to index
      %get3A_1348 = arith.constant 16 : index
      %get3A_1349 = tpu.vector_load %arg9[%get3A_1347, %get3A_1348] {strides = array<i32>} : memref<256x64xf32, #tpu.memory_space<vmem>>, vector<16xf32>,
      %get3A_1350 = arith.index_cast %add3A_1339 : i32 to index
      %get3A_1351 = arith.constant 16 : index
      %get3A_1352 = tpu.vector_load %arg10[%get3A_1350, %get3A_1351] {strides = array<i32>} : memref<256x64xf32, #tpu.memory_space<vmem>>, vector<16xf32>,
      %mul3A_1353 = arith.mulf %get3A_1349, %get3A_1352 : vector<16xf32>
      %add3A_1354 = arith.addf %mul3A_1346, %mul3A_1353 : vector<16xf32>
      %get3A_1355 = arith.index_cast %add3A_1339 : i32 to index
      %get3A_1356 = arith.constant 32 : index
      %get3A_1357 = tpu.vector_load %arg9[%get3A_1355, %get3A_1356] {strides = array<i32>} : memref<256x64xf32, #tpu.memory_space<vmem>>, vector<16xf32>,
      %get3A_1358 = arith.index_cast %add3A_1339 : i32 to index
      %get3A_1359 = arith.constant 32 : index
      %get3A_1360 = tpu.vector_load %arg10[%get3A_1358, %get3A_1359] {strides = array<i32>} : memref<256x64xf32, #tpu.memory_space<vmem>>, vector<16xf32>,
      %mul3A_1361 = arith.mulf %get3A_1357, %get3A_1360 : vector<16xf32>
      %add3A_1362 = arith.addf %add3A_1354, %mul3A_1361 : vector<16xf32>
      %get3A_1363 = arith.index_cast %add3A_1339 : i32 to index
      %get3A_1364 = arith.constant 48 : index
      %get3A_1365 = tpu.vector_load %arg9[%get3A_1363, %get3A_1364] {strides = array<i32>} : memref<256x64xf32, #tpu.memory_space<vmem>>, vector<16xf32>,
      %get3A_1366 = arith.index_cast %add3A_1339 : i32 to index
      %get3A_1367 = arith.constant 48 : index
      %get3A_1368 = tpu.vector_load %arg10[%get3A_1366, %get3A_1367] {strides = array<i32>} : memref<256x64xf32, #tpu.memory_space<vmem>>, vector<16xf32>,
      %mul3A_1369 = arith.mulf %get3A_1365, %get3A_1368 : vector<16xf32>
      %add3A_1370 = arith.addf %add3A_1362, %mul3A_1369 : vector<16xf32>
      %swap3A_1371 = arith.constant 192 : index
      %swap3A_1372 = tpu.vector_load %arg12[%swap3A_1371] {strides = array<i32>} : memref<256xf32, #tpu.memory_space<vmem>>, vector<16xf32>,
      tpu.vector_store %arg12[%swap3A_1371], %add3A_1370 {strides = array<i32>} : memref<256xf32, #tpu.memory_space<vmem>>, vector<16xf32>,
      %add3A_1373 = arith.constant 13 : i32
      %add3A_1374 = arith.addi %mul3A_23, %add3A_1373 : i32
      %get3A_1375 = arith.index_cast %add3A_1374 : i32 to index
      %get3A_1376 = arith.constant 0 : index
      %get3A_1377 = tpu.vector_load %arg9[%get3A_1375, %get3A_1376] {strides = array<i32>} : memref<256x64xf32, #tpu.memory_space<vmem>>, vector<16xf32>,
      %get3A_1378 = arith.index_cast %add3A_1374 : i32 to index
      %get3A_1379 = arith.constant 0 : index
      %get3A_1380 = tpu.vector_load %arg10[%get3A_1378, %get3A_1379] {strides = array<i32>} : memref<256x64xf32, #tpu.memory_space<vmem>>, vector<16xf32>,
      %mul3A_1381 = arith.mulf %get3A_1377, %get3A_1380 : vector<16xf32>
      %get3A_1382 = arith.index_cast %add3A_1374 : i32 to index
      %get3A_1383 = arith.constant 16 : index
      %get3A_1384 = tpu.vector_load %arg9[%get3A_1382, %get3A_1383] {strides = array<i32>} : memref<256x64xf32, #tpu.memory_space<vmem>>, vector<16xf32>,
      %get3A_1385 = arith.index_cast %add3A_1374 : i32 to index
      %get3A_1386 = arith.constant 16 : index
      %get3A_1387 = tpu.vector_load %arg10[%get3A_1385, %get3A_1386] {strides = array<i32>} : memref<256x64xf32, #tpu.memory_space<vmem>>, vector<16xf32>,
      %mul3A_1388 = arith.mulf %get3A_1384, %get3A_1387 : vector<16xf32>
      %add3A_1389 = arith.addf %mul3A_1381, %mul3A_1388 : vector<16xf32>
      %get3A_1390 = arith.index_cast %add3A_1374 : i32 to index
      %get3A_1391 = arith.constant 32 : index
      %get3A_1392 = tpu.vector_load %arg9[%get3A_1390, %get3A_1391] {strides = array<i32>} : memref<256x64xf32, #tpu.memory_space<vmem>>, vector<16xf32>,
      %get3A_1393 = arith.index_cast %add3A_1374 : i32 to index
      %get3A_1394 = arith.constant 32 : index
      %get3A_1395 = tpu.vector_load %arg10[%get3A_1393, %get3A_1394] {strides = array<i32>} : memref<256x64xf32, #tpu.memory_space<vmem>>, vector<16xf32>,
      %mul3A_1396 = arith.mulf %get3A_1392, %get3A_1395 : vector<16xf32>
      %add3A_1397 = arith.addf %add3A_1389, %mul3A_1396 : vector<16xf32>
      %get3A_1398 = arith.index_cast %add3A_1374 : i32 to index
      %get3A_1399 = arith.constant 48 : index
      %get3A_1400 = tpu.vector_load %arg9[%get3A_1398, %get3A_1399] {strides = array<i32>} : memref<256x64xf32, #tpu.memory_space<vmem>>, vector<16xf32>,
      %get3A_1401 = arith.index_cast %add3A_1374 : i32 to index
      %get3A_1402 = arith.constant 48 : index
      %get3A_1403 = tpu.vector_load %arg10[%get3A_1401, %get3A_1402] {strides = array<i32>} : memref<256x64xf32, #tpu.memory_space<vmem>>, vector<16xf32>,
      %mul3A_1404 = arith.mulf %get3A_1400, %get3A_1403 : vector<16xf32>
      %add3A_1405 = arith.addf %add3A_1397, %mul3A_1404 : vector<16xf32>
      %swap3A_1406 = arith.constant 208 : index
      %swap3A_1407 = tpu.vector_load %arg12[%swap3A_1406] {strides = array<i32>} : memref<256xf32, #tpu.memory_space<vmem>>, vector<16xf32>,
      tpu.vector_store %arg12[%swap3A_1406], %add3A_1405 {strides = array<i32>} : memref<256xf32, #tpu.memory_space<vmem>>, vector<16xf32>,
      %add3A_1408 = arith.constant 14 : i32
      %add3A_1409 = arith.addi %mul3A_23, %add3A_1408 : i32
      %get3A_1410 = arith.index_cast %add3A_1409 : i32 to index
      %get3A_1411 = arith.constant 0 : index
      %get3A_1412 = tpu.vector_load %arg9[%get3A_1410, %get3A_1411] {strides = array<i32>} : memref<256x64xf32, #tpu.memory_space<vmem>>, vector<16xf32>,
      %get3A_1413 = arith.index_cast %add3A_1409 : i32 to index
      %get3A_1414 = arith.constant 0 : index
      %get3A_1415 = tpu.vector_load %arg10[%get3A_1413, %get3A_1414] {strides = array<i32>} : memref<256x64xf32, #tpu.memory_space<vmem>>, vector<16xf32>,
      %mul3A_1416 = arith.mulf %get3A_1412, %get3A_1415 : vector<16xf32>
      %get3A_1417 = arith.index_cast %add3A_1409 : i32 to index
      %get3A_1418 = arith.constant 16 : index
      %get3A_1419 = tpu.vector_load %arg9[%get3A_1417, %get3A_1418] {strides = array<i32>} : memref<256x64xf32, #tpu.memory_space<vmem>>, vector<16xf32>,
      %get3A_1420 = arith.index_cast %add3A_1409 : i32 to index
      %get3A_1421 = arith.constant 16 : index
      %get3A_1422 = tpu.vector_load %arg10[%get3A_1420, %get3A_1421] {strides = array<i32>} : memref<256x64xf32, #tpu.memory_space<vmem>>, vector<16xf32>,
      %mul3A_1423 = arith.mulf %get3A_1419, %get3A_1422 : vector<16xf32>
      %add3A_1424 = arith.addf %mul3A_1416, %mul3A_1423 : vector<16xf32>
      %get3A_1425 = arith.index_cast %add3A_1409 : i32 to index
      %get3A_1426 = arith.constant 32 : index
      %get3A_1427 = tpu.vector_load %arg9[%get3A_1425, %get3A_1426] {strides = array<i32>} : memref<256x64xf32, #tpu.memory_space<vmem>>, vector<16xf32>,
      %get3A_1428 = arith.index_cast %add3A_1409 : i32 to index
      %get3A_1429 = arith.constant 32 : index
      %get3A_1430 = tpu.vector_load %arg10[%get3A_1428, %get3A_1429] {strides = array<i32>} : memref<256x64xf32, #tpu.memory_space<vmem>>, vector<16xf32>,
      %mul3A_1431 = arith.mulf %get3A_1427, %get3A_1430 : vector<16xf32>
      %add3A_1432 = arith.addf %add3A_1424, %mul3A_1431 : vector<16xf32>
      %get3A_1433 = arith.index_cast %add3A_1409 : i32 to index
      %get3A_1434 = arith.constant 48 : index
      %get3A_1435 = tpu.vector_load %arg9[%get3A_1433, %get3A_1434] {strides = array<i32>} : memref<256x64xf32, #tpu.memory_space<vmem>>, vector<16xf32>,
      %get3A_1436 = arith.index_cast %add3A_1409 : i32 to index
      %get3A_1437 = arith.constant 48 : index
      %get3A_1438 = tpu.vector_load %arg10[%get3A_1436, %get3A_1437] {strides = array<i32>} : memref<256x64xf32, #tpu.memory_space<vmem>>, vector<16xf32>,
      %mul3A_1439 = arith.mulf %get3A_1435, %get3A_1438 : vector<16xf32>
      %add3A_1440 = arith.addf %add3A_1432, %mul3A_1439 : vector<16xf32>
      %swap3A_1441 = arith.constant 224 : index
      %swap3A_1442 = tpu.vector_load %arg12[%swap3A_1441] {strides = array<i32>} : memref<256xf32, #tpu.memory_space<vmem>>, vector<16xf32>,
      tpu.vector_store %arg12[%swap3A_1441], %add3A_1440 {strides = array<i32>} : memref<256xf32, #tpu.memory_space<vmem>>, vector<16xf32>,
      %add3A_1443 = arith.constant 15 : i32
      %add3A_1444 = arith.addi %mul3A_23, %add3A_1443 : i32
      %get3A_1445 = arith.index_cast %add3A_1444 : i32 to index
      %get3A_1446 = arith.constant 0 : index
      %get3A_1447 = tpu.vector_load %arg9[%get3A_1445, %get3A_1446] {strides = array<i32>} : memref<256x64xf32, #tpu.memory_space<vmem>>, vector<16xf32>,
      %get3A_1448 = arith.index_cast %add3A_1444 : i32 to index
      %get3A_1449 = arith.constant 0 : index
      %get3A_1450 = tpu.vector_load %arg10[%get3A_1448, %get3A_1449] {strides = array<i32>} : memref<256x64xf32, #tpu.memory_space<vmem>>, vector<16xf32>,
      %mul3A_1451 = arith.mulf %get3A_1447, %get3A_1450 : vector<16xf32>
      %get3A_1452 = arith.index_cast %add3A_1444 : i32 to index
      %get3A_1453 = arith.constant 16 : index
      %get3A_1454 = tpu.vector_load %arg9[%get3A_1452, %get3A_1453] {strides = array<i32>} : memref<256x64xf32, #tpu.memory_space<vmem>>, vector<16xf32>,
      %get3A_1455 = arith.index_cast %add3A_1444 : i32 to index
      %get3A_1456 = arith.constant 16 : index
      %get3A_1457 = tpu.vector_load %arg10[%get3A_1455, %get3A_1456] {strides = array<i32>} : memref<256x64xf32, #tpu.memory_space<vmem>>, vector<16xf32>,
      %mul3A_1458 = arith.mulf %get3A_1454, %get3A_1457 : vector<16xf32>
      %add3A_1459 = arith.addf %mul3A_1451, %mul3A_1458 : vector<16xf32>
      %get3A_1460 = arith.index_cast %add3A_1444 : i32 to index
      %get3A_1461 = arith.constant 32 : index
      %get3A_1462 = tpu.vector_load %arg9[%get3A_1460, %get3A_1461] {strides = array<i32>} : memref<256x64xf32, #tpu.memory_space<vmem>>, vector<16xf32>,
      %get3A_1463 = arith.index_cast %add3A_1444 : i32 to index
      %get3A_1464 = arith.constant 32 : index
      %get3A_1465 = tpu.vector_load %arg10[%get3A_1463, %get3A_1464] {strides = array<i32>} : memref<256x64xf32, #tpu.memory_space<vmem>>, vector<16xf32>,
      %mul3A_1466 = arith.mulf %get3A_1462, %get3A_1465 : vector<16xf32>
      %add3A_1467 = arith.addf %add3A_1459, %mul3A_1466 : vector<16xf32>
      %get3A_1468 = arith.index_cast %add3A_1444 : i32 to index
      %get3A_1469 = arith.constant 48 : index
      %get3A_1470 = tpu.vector_load %arg9[%get3A_1468, %get3A_1469] {strides = array<i32>} : memref<256x64xf32, #tpu.memory_space<vmem>>, vector<16xf32>,
      %get3A_1471 = arith.index_cast %add3A_1444 : i32 to index
      %get3A_1472 = arith.constant 48 : index
      %get3A_1473 = tpu.vector_load %arg10[%get3A_1471, %get3A_1472] {strides = array<i32>} : memref<256x64xf32, #tpu.memory_space<vmem>>, vector<16xf32>,
      %mul3A_1474 = arith.mulf %get3A_1470, %get3A_1473 : vector<16xf32>
      %add3A_1475 = arith.addf %add3A_1467, %mul3A_1474 : vector<16xf32>
      %swap3A_1476 = arith.constant 240 : index
      %swap3A_1477 = tpu.vector_load %arg12[%swap3A_1476] {strides = array<i32>} : memref<256xf32, #tpu.memory_space<vmem>>, vector<16xf32>,
      tpu.vector_store %arg12[%swap3A_1476], %add3A_1475 {strides = array<i32>} : memref<256xf32, #tpu.memory_space<vmem>>, vector<16xf32>,
      %mul3A_1478 = arith.constant 16 : i32
      %mul3A_1479 = vector.broadcast %mul3A_1478 : i32 to vector<16xi32>
      %mul3A_1480 = arith.muli %iota3A, %mul3A_1479 : vector<16xi32>
      %gather3A = tpu.vector_load_idx %arg12[%mul3A_1480] : memref<256xf32, #tpu.memory_space<vmem>>[vector<16xi32>], vector<16xf32>,
      %mul3A_1481 = arith.constant 16 : i32
      %mul3A_1482 = vector.broadcast %mul3A_1481 : i32 to vector<16xi32>
      %mul3A_1483 = arith.muli %iota3A, %mul3A_1482 : vector<16xi32>
      %add3A_1484 = arith.constant 1 : i32
      %add3A_1485 = vector.broadcast %add3A_1484 : i32 to vector<16xi32>
      %add3A_1486 = arith.addi %mul3A_1483, %add3A_1485 : vector<16xi32>
      %gather3A_1487 = tpu.vector_load_idx %arg12[%add3A_1486] : memref<256xf32, #tpu.memory_space<vmem>>[vector<16xi32>], vector<16xf32>,
      %add3A_1488 = arith.addf %gather3A, %gather3A_1487 : vector<16xf32>
      %mul3A_1489 = arith.constant 16 : i32
      %mul3A_1490 = vector.broadcast %mul3A_1489 : i32 to vector<16xi32>
      %mul3A_1491 = arith.muli %iota3A, %mul3A_1490 : vector<16xi32>
      %add3A_1492 = arith.constant 2 : i32
      %add3A_1493 = vector.broadcast %add3A_1492 : i32 to vector<16xi32>
      %add3A_1494 = arith.addi %mul3A_1491, %add3A_1493 : vector<16xi32>
      %gather3A_1495 = tpu.vector_load_idx %arg12[%add3A_1494] : memref<256xf32, #tpu.memory_space<vmem>>[vector<16xi32>], vector<16xf32>,
      %add3A_1496 = arith.addf %add3A_1488, %gather3A_1495 : vector<16xf32>
      %mul3A_1497 = arith.constant 16 : i32
      %mul3A_1498 = vector.broadcast %mul3A_1497 : i32 to vector<16xi32>
      %mul3A_1499 = arith.muli %iota3A, %mul3A_1498 : vector<16xi32>
      %add3A_1500 = arith.constant 3 : i32
      %add3A_1501 = vector.broadcast %add3A_1500 : i32 to vector<16xi32>
      %add3A_1502 = arith.addi %mul3A_1499, %add3A_1501 : vector<16xi32>
      %gather3A_1503 = tpu.vector_load_idx %arg12[%add3A_1502] : memref<256xf32, #tpu.memory_space<vmem>>[vector<16xi32>], vector<16xf32>,
      %add3A_1504 = arith.addf %add3A_1496, %gather3A_1503 : vector<16xf32>
      %mul3A_1505 = arith.constant 16 : i32
      %mul3A_1506 = vector.broadcast %mul3A_1505 : i32 to vector<16xi32>
      %mul3A_1507 = arith.muli %iota3A, %mul3A_1506 : vector<16xi32>
      %add3A_1508 = arith.constant 4 : i32
      %add3A_1509 = vector.broadcast %add3A_1508 : i32 to vector<16xi32>
      %add3A_1510 = arith.addi %mul3A_1507, %add3A_1509 : vector<16xi32>
      %gather3A_1511 = tpu.vector_load_idx %arg12[%add3A_1510] : memref<256xf32, #tpu.memory_space<vmem>>[vector<16xi32>], vector<16xf32>,
      %add3A_1512 = arith.addf %add3A_1504, %gather3A_1511 : vector<16xf32>
      %mul3A_1513 = arith.constant 16 : i32
      %mul3A_1514 = vector.broadcast %mul3A_1513 : i32 to vector<16xi32>
      %mul3A_1515 = arith.muli %iota3A, %mul3A_1514 : vector<16xi32>
      %add3A_1516 = arith.constant 5 : i32
      %add3A_1517 = vector.broadcast %add3A_1516 : i32 to vector<16xi32>
      %add3A_1518 = arith.addi %mul3A_1515, %add3A_1517 : vector<16xi32>
      %gather3A_1519 = tpu.vector_load_idx %arg12[%add3A_1518] : memref<256xf32, #tpu.memory_space<vmem>>[vector<16xi32>], vector<16xf32>,
      %add3A_1520 = arith.addf %add3A_1512, %gather3A_1519 : vector<16xf32>
      %mul3A_1521 = arith.constant 16 : i32
      %mul3A_1522 = vector.broadcast %mul3A_1521 : i32 to vector<16xi32>
      %mul3A_1523 = arith.muli %iota3A, %mul3A_1522 : vector<16xi32>
      %add3A_1524 = arith.constant 6 : i32
      %add3A_1525 = vector.broadcast %add3A_1524 : i32 to vector<16xi32>
      %add3A_1526 = arith.addi %mul3A_1523, %add3A_1525 : vector<16xi32>
      %gather3A_1527 = tpu.vector_load_idx %arg12[%add3A_1526] : memref<256xf32, #tpu.memory_space<vmem>>[vector<16xi32>], vector<16xf32>,
      %add3A_1528 = arith.addf %add3A_1520, %gather3A_1527 : vector<16xf32>
      %mul3A_1529 = arith.constant 16 : i32
      %mul3A_1530 = vector.broadcast %mul3A_1529 : i32 to vector<16xi32>
      %mul3A_1531 = arith.muli %iota3A, %mul3A_1530 : vector<16xi32>
      %add3A_1532 = arith.constant 7 : i32
      %add3A_1533 = vector.broadcast %add3A_1532 : i32 to vector<16xi32>
      %add3A_1534 = arith.addi %mul3A_1531, %add3A_1533 : vector<16xi32>
      %gather3A_1535 = tpu.vector_load_idx %arg12[%add3A_1534] : memref<256xf32, #tpu.memory_space<vmem>>[vector<16xi32>], vector<16xf32>,
      %add3A_1536 = arith.addf %add3A_1528, %gather3A_1535 : vector<16xf32>
      %mul3A_1537 = arith.constant 16 : i32
      %mul3A_1538 = vector.broadcast %mul3A_1537 : i32 to vector<16xi32>
      %mul3A_1539 = arith.muli %iota3A, %mul3A_1538 : vector<16xi32>
      %add3A_1540 = arith.constant 8 : i32
      %add3A_1541 = vector.broadcast %add3A_1540 : i32 to vector<16xi32>
      %add3A_1542 = arith.addi %mul3A_1539, %add3A_1541 : vector<16xi32>
      %gather3A_1543 = tpu.vector_load_idx %arg12[%add3A_1542] : memref<256xf32, #tpu.memory_space<vmem>>[vector<16xi32>], vector<16xf32>,
      %add3A_1544 = arith.addf %add3A_1536, %gather3A_1543 : vector<16xf32>
      %mul3A_1545 = arith.constant 16 : i32
      %mul3A_1546 = vector.broadcast %mul3A_1545 : i32 to vector<16xi32>
      %mul3A_1547 = arith.muli %iota3A, %mul3A_1546 : vector<16xi32>
      %add3A_1548 = arith.constant 9 : i32
      %add3A_1549 = vector.broadcast %add3A_1548 : i32 to vector<16xi32>
      %add3A_1550 = arith.addi %mul3A_1547, %add3A_1549 : vector<16xi32>
      %gather3A_1551 = tpu.vector_load_idx %arg12[%add3A_1550] : memref<256xf32, #tpu.memory_space<vmem>>[vector<16xi32>], vector<16xf32>,
      %add3A_1552 = arith.addf %add3A_1544, %gather3A_1551 : vector<16xf32>
      %mul3A_1553 = arith.constant 16 : i32
      %mul3A_1554 = vector.broadcast %mul3A_1553 : i32 to vector<16xi32>
      %mul3A_1555 = arith.muli %iota3A, %mul3A_1554 : vector<16xi32>
      %add3A_1556 = arith.constant 10 : i32
      %add3A_1557 = vector.broadcast %add3A_1556 : i32 to vector<16xi32>
      %add3A_1558 = arith.addi %mul3A_1555, %add3A_1557 : vector<16xi32>
      %gather3A_1559 = tpu.vector_load_idx %arg12[%add3A_1558] : memref<256xf32, #tpu.memory_space<vmem>>[vector<16xi32>], vector<16xf32>,
      %add3A_1560 = arith.addf %add3A_1552, %gather3A_1559 : vector<16xf32>
      %mul3A_1561 = arith.constant 16 : i32
      %mul3A_1562 = vector.broadcast %mul3A_1561 : i32 to vector<16xi32>
      %mul3A_1563 = arith.muli %iota3A, %mul3A_1562 : vector<16xi32>
      %add3A_1564 = arith.constant 11 : i32
      %add3A_1565 = vector.broadcast %add3A_1564 : i32 to vector<16xi32>
      %add3A_1566 = arith.addi %mul3A_1563, %add3A_1565 : vector<16xi32>
      %gather3A_1567 = tpu.vector_load_idx %arg12[%add3A_1566] : memref<256xf32, #tpu.memory_space<vmem>>[vector<16xi32>], vector<16xf32>,
      %add3A_1568 = arith.addf %add3A_1560, %gather3A_1567 : vector<16xf32>
      %mul3A_1569 = arith.constant 16 : i32
      %mul3A_1570 = vector.broadcast %mul3A_1569 : i32 to vector<16xi32>
      %mul3A_1571 = arith.muli %iota3A, %mul3A_1570 : vector<16xi32>
      %add3A_1572 = arith.constant 12 : i32
      %add3A_1573 = vector.broadcast %add3A_1572 : i32 to vector<16xi32>
      %add3A_1574 = arith.addi %mul3A_1571, %add3A_1573 : vector<16xi32>
      %gather3A_1575 = tpu.vector_load_idx %arg12[%add3A_1574] : memref<256xf32, #tpu.memory_space<vmem>>[vector<16xi32>], vector<16xf32>,
      %add3A_1576 = arith.addf %add3A_1568, %gather3A_1575 : vector<16xf32>
      %mul3A_1577 = arith.constant 16 : i32
      %mul3A_1578 = vector.broadcast %mul3A_1577 : i32 to vector<16xi32>
      %mul3A_1579 = arith.muli %iota3A, %mul3A_1578 : vector<16xi32>
      %add3A_1580 = arith.constant 13 : i32
      %add3A_1581 = vector.broadcast %add3A_1580 : i32 to vector<16xi32>
      %add3A_1582 = arith.addi %mul3A_1579, %add3A_1581 : vector<16xi32>
      %gather3A_1583 = tpu.vector_load_idx %arg12[%add3A_1582] : memref<256xf32, #tpu.memory_space<vmem>>[vector<16xi32>], vector<16xf32>,
      %add3A_1584 = arith.addf %add3A_1576, %gather3A_1583 : vector<16xf32>
      %mul3A_1585 = arith.constant 16 : i32
      %mul3A_1586 = vector.broadcast %mul3A_1585 : i32 to vector<16xi32>
      %mul3A_1587 = arith.muli %iota3A, %mul3A_1586 : vector<16xi32>
      %add3A_1588 = arith.constant 14 : i32
      %add3A_1589 = vector.broadcast %add3A_1588 : i32 to vector<16xi32>
      %add3A_1590 = arith.addi %mul3A_1587, %add3A_1589 : vector<16xi32>
      %gather3A_1591 = tpu.vector_load_idx %arg12[%add3A_1590] : memref<256xf32, #tpu.memory_space<vmem>>[vector<16xi32>], vector<16xf32>,
      %add3A_1592 = arith.addf %add3A_1584, %gather3A_1591 : vector<16xf32>
      %mul3A_1593 = arith.constant 16 : i32
      %mul3A_1594 = vector.broadcast %mul3A_1593 : i32 to vector<16xi32>
      %mul3A_1595 = arith.muli %iota3A, %mul3A_1594 : vector<16xi32>
      %add3A_1596 = arith.constant 15 : i32
      %add3A_1597 = vector.broadcast %add3A_1596 : i32 to vector<16xi32>
      %add3A_1598 = arith.addi %mul3A_1595, %add3A_1597 : vector<16xi32>
      %gather3A_1599 = tpu.vector_load_idx %arg12[%add3A_1598] : memref<256xf32, #tpu.memory_space<vmem>>[vector<16xi32>], vector<16xf32>,
      %add3A_1600 = arith.addf %add3A_1592, %gather3A_1599 : vector<16xf32>
      %abs3A = math.absf %add3A_1600 : vector<16xf32>
      %neg3A = arith.constant 0.000000e+00 : f32
      %neg3A_1601 = vector.broadcast %neg3A : f32 to vector<16xf32>
      %neg3A_1602 = arith.subf %neg3A_1601, %abs3A : vector<16xf32>
      %exp3A = math.exp %neg3A_1602 : vector<16xf32>
      %ge3A = arith.constant 0.000000e+00 : f32
      %ge3A_1603 = vector.broadcast %ge3A : f32 to vector<16xf32>
      %ge3A_1604 = arith.cmpf oge, %add3A_1600, %ge3A_1603 : vector<16xf32>
      %add3A_1605 = arith.constant 1.000000e+00 : f32
      %add3A_1606 = vector.broadcast %add3A_1605 : f32 to vector<16xf32>
      %add3A_1607 = arith.addf %add3A_1606, %exp3A : vector<16xf32>
      %div3A = arith.constant 1.000000e+00 : f32
      %div3A_1608 = vector.broadcast %div3A : f32 to vector<16xf32>
      %div3A_1609 = arith.divf %div3A_1608, %add3A_1607 : vector<16xf32>
      %add3A_1610 = arith.constant 1.000000e+00 : f32
      %add3A_1611 = vector.broadcast %add3A_1610 : f32 to vector<16xf32>
      %add3A_1612 = arith.addf %add3A_1611, %exp3A : vector<16xf32>
      %div3A_1613 = arith.divf %exp3A, %add3A_1612 : vector<16xf32>
      %select_n3A = arith.select %ge3A_1604, %div3A_1609, %div3A_1613 : vector<16xi1>, vector<16xf32>
      %swap3A_1614 = arith.index_cast %add3A_21 : i32 to index
      %swap3A_1615 = tpu.vector_load %arg11[%swap3A_1614] {strides = array<i32>} : memref<512xf32, #tpu.memory_space<vmem>>, vector<16xf32>,
      tpu.vector_store %arg11[%swap3A_1614], %select_n3A {strides = array<i32>} : memref<512xf32, #tpu.memory_space<vmem>>, vector<16xf32>,
      %scan3A_1616 = arith.constant 0 : i32
      scf.yield %scan3A_1616 : i32
    }
    %scan3A_15 = arith.constant 16 : i32
    "tpu.region"() ({
      %run_scoped3A = tpu.sem_alloc : memref<!tpu.dma_semaphore, #tpu.memory_space<semaphore_mem>>
      %dma_start3A = tpu.memref_slice %arg6[%mul3A_2] : memref<16384xf32, #tpu.memory_space<hbm>> -> memref<512xf32, #tpu.memory_space<hbm>>
      %dma_start3A_16 = tpu.memref_slice %arg6[%mul3A_2] : memref<16384xf32, #tpu.memory_space<hbm>> -> memref<512xf32, #tpu.memory_space<hbm>>
      tpu.enqueue_dma source(%arg11 : memref<512xf32, #tpu.memory_space<vmem>>) target(%dma_start3A_16 : memref<512xf32, #tpu.memory_space<hbm>>) target_semaphore(%run_scoped3A : memref<!tpu.dma_semaphore, #tpu.memory_space<semaphore_mem>>)
      %dma_wait3A = tpu.memref_slice %arg6[%mul3A_2] : memref<16384xf32, #tpu.memory_space<hbm>> -> memref<512xf32, #tpu.memory_space<hbm>>
      %dma_wait3A_17 = tpu.memref_slice %arg6[%mul3A_2] : memref<16384xf32, #tpu.memory_space<hbm>> -> memref<512xf32, #tpu.memory_space<hbm>>
      tpu.wait_dma2 semaphore(%run_scoped3A : memref<!tpu.dma_semaphore, #tpu.memory_space<semaphore_mem>>) src(%arg11 : memref<512xf32, #tpu.memory_space<vmem>>) dst(%dma_wait3A_17 : memref<512xf32, #tpu.memory_space<hbm>>)
      tpu.yield
    }) : () -> ()
    return
  }
}

</mosaic_0001>

<sc_bundles>
// kernel: kernel.3.cloned.1.call-start
scs
__scs_entry_jumppad:
0x0: {  	(pc) =	sbr.rel $0x88, $3  }
0x1: {  	(tag) =	ssettag $0x0;
	lr =	simm.s32 $0x1  }
0x2: {  	[smem:$0x3F9D] =	sst lr;
	_ =	strace $0xD0000000  }
0x3: {  	_ = 	snop  }
0x4: {  	_ = 	snop  }
0x5: {  	_ = 	snop  }
0x6: {  	_ = 	snop  }
0x7: {  	_ = 	snop  }
__scs_overlays_trampoline_lowered:
0x8: {  	[smem:$0x3FAC] =	sst s0  }
0x9: {  	[smem:$0x3FAD] =	sst s1  }
0xa: {  	[smem:$0x3FAE] =	sst s2  }
0xb: {  	[smem:$0x3FAF] =	sst s3  }
0xc: {  	[smem:$0x3FB0] =	sst s4  }
0xd: {  	[smem:$0x3FB1] =	sst s5  }
0xe: {  	[smem:$0x3FB2] =	sst s6  }
0xf: {  	[smem:$0x3FB3] =	sst s7  }
0x10: {  	[smem:$0x3FB4] =	sst s8  }
0x11: {  	[smem:$0x3FB5] =	sst s9;
	s0 =	simm.s32 @!p0 $0x0  }
0x12: {  	s1 =	sld [smem:$0x3F9B];
	s0 =	simm.s32 @p0 $0x1  }
0x13: {  	[smem:$0x3FB6] =	sst s0;
	s0 =	simm.s32 @!p1 $0x0  }
0x14: {  	s2 =	sld [smem:$0x3F9A];
	s0 =	simm.s32 @p1 $0x1  }
0x15: {  	[smem:$0x3FB7] =	sst s0;
	s0 =	simm.s32 @!p2 $0x0  }
0x16: {  	s3 =	sld [smem:$0x3FDB];
	s0 =	simm.s32 @p2 $0x1  }
0x17: {  	s4 =	simm.s32 $0x1BF5;
	[smem:$0x3FB9] =	sst s0  }
0x18: {  	s0 =	sld [smem:$0x3F9C];
	_ =	swait.ge [sflag:s4], $0x0  }
0x19: {  	s7 =	sld [smem:$0x3F9D]  }
0x1a: {  	s8 =	sadd.s32 $0xFFFFE003, lr  }
0x1b: {  	s9 =	sadd.s32 $0xFFFFFEF7, lr;
	s5 =	simm.s32 $0xFFFFFFFF;
	p2 =	slt.u32 s8, $0xFFFFF086  }
0x1c: {  	p1 =	slt.u32 s9, $0xF7A;
	s5 =	simm.s32 @!p2 $0x0  }
0x1d: {  	s5 =	simm.s32 @p1 $0x1;
	p0 =	seq.s32 s7, s2  }
0x1e: {  	s7 =	smul.u32 @!p0 $0xF7A, s2;
	p2 =	seq.s32 @!p0 s5, $0x0  }
0x1f: {  	s9 =	smul.u32 $0xF7A, s1;
	s8 =	simm.s32 @!p0 $0x1BF5;
	p2 =	por !p2, p0  }
0x20: {  	[sflag:s8] =	ssyncset.s32 @!p0 $0xFFFFF086;
	s6 =	sadd.s32 @!p0 s3, s7;
	s7 =	simm.s32 @!p0 $0x108  }
0x21: {  	s3 =	sadd.s32 s3, s9;
	s6 =	sadd.s32 @!p0 $0x88, s6;
	s7 =	simm.s32 @p2 $0x1082  }
0x22: {  	[simem:s7], [sflag:s8] =	dma.local @!p0 [hbm:s6], $0xF7A  }
0x23: {  	s9 =	sor.u32 $0xD0000000, s2;
	s6 =	simm.s32 $0x108;
	_ =	swait.ge @!p0 [sflag:s8], $0x0  }
0x24: {  	s3 =	sadd.s32 $0x88, s3;
	s6 =	simm.s32 @!p1 $0x1082;
	[sflag:s4] =	ssyncset.s32 $0xFFFFF086  }
0x25: {  	[simem:s6], [sflag:s4] =	dma.local [hbm:s3], $0xF7A  }
0x26: {  	[smem:$0x3F9D] =	sst s1;
	(tag) =	ssettag s2;
	_ =	strace s9  }
0x27: {  	s1 =	sld [smem:$0x3FAD]  }
0x28: {  	s2 =	sld [smem:$0x3FAE]  }
0x29: {  	s4 =	sld [smem:$0x3FB0]  }
0x2a: {  	p0 =	seq.s32 s5, $0x0;
	s5 =	sld [smem:$0x3FB1]  }
0x2b: {  	s6 =	sld [smem:$0x3FB2]  }
0x2c: {  	s7 =	sld [smem:$0x3FB3]  }
0x2d: {  	s3 =	simm.s32 $0x108;
	s8 =	sld [smem:$0x3FB4]  }
0x2e: {  	s3 =	simm.s32 @!p0 $0x1082;
	s9 =	sld [smem:$0x3FB5]  }
0x2f: {  	lr =	sadd.s32 s0, s3;
	s0 =	sld [smem:$0x3FAC]  }
0x30: {  	s3 =	sld [smem:$0x3FAF]  }
0x31: {  	[smem:$0x3FB8] =	sst s10  }
0x32: {  	s10 =	sld [smem:$0x3FB6];
	_ =	sdelay $0x3  }
0x33: {  	p0 =	seq.s32 s10, $0x1;
	s10 =	sld [smem:$0x3FB8];
	_ =	sdelay $0x3  }
0x34: {  	[smem:$0x3FB8] =	sst s10  }
0x35: {  	s10 =	sld [smem:$0x3FB7];
	_ =	sdelay $0x3  }
0x36: {  	p1 =	seq.s32 s10, $0x1;
	s10 =	sld [smem:$0x3FB8];
	_ =	sdelay $0x3  }
0x37: {  	[smem:$0x3FB8] =	sst s10  }
0x38: {  	s10 =	sld [smem:$0x3FB9]  }
0x39: {  	_ = 	snop;
	(pc) =	sbr.ind lr, $3  }
0x3a: {  	_ = 	snop  }
0x3b: {  	_ = 	snop  }
0x3c: {  	p2 =	seq.s32 s10, $0x1;
	s10 =	sld [smem:$0x3FB8]  }
0x3d: {  	_ =	shalt  }
0x3e: {  	_ =	shalt  }
0x3f: {  	_ =	shalt  }
0x40: {  	_ =	shalt  }
0x41: {  	_ =	shalt  }
0x42: {  	_ =	shalt  }
0x43: {  	_ =	shalt  }
0x44: {  	_ =	shalt  }
0x45: {  	_ =	shalt  }
0x46: {  	_ =	shalt  }
0x47: {  	_ =	shalt  }
0x48: {  	_ =	shalt  }
0x49: {  	_ =	shalt  }
0x4a: {  	_ =	shalt  }
0x4b: {  	_ =	shalt  }
0x4c: {  	_ =	shalt  }
0x4d: {  	_ =	shalt  }
0x4e: {  	_ =	shalt  }
0x4f: {  	_ =	shalt  }
0x50: {  	_ =	shalt  }
0x51: {  	_ =	shalt  }
0x52: {  	_ =	shalt  }
0x53: {  	_ =	shalt  }
0x54: {  	_ =	shalt  }
0x55: {  	_ =	shalt  }
0x56: {  	_ =	shalt  }
0x57: {  	_ =	shalt  }
0x58: {  	_ =	shalt  }
0x59: {  	_ =	shalt  }
0x5a: {  	_ =	shalt  }
0x5b: {  	_ =	shalt  }
0x5c: {  	_ =	shalt  }
0x5d: {  	_ =	shalt  }
0x5e: {  	_ =	shalt  }
0x5f: {  	_ =	shalt  }
0x60: {  	_ =	shalt  }
0x61: {  	_ =	shalt  }
0x62: {  	_ =	shalt  }
0x63: {  	_ =	shalt  }
0x64: {  	_ =	shalt  }
0x65: {  	_ =	shalt  }
0x66: {  	_ =	shalt  }
0x67: {  	_ =	shalt  }
0x68: {  	_ =	shalt  }
0x69: {  	_ =	shalt  }
0x6a: {  	_ =	shalt  }
0x6b: {  	_ =	shalt  }
0x6c: {  	_ =	shalt  }
0x6d: {  	_ =	shalt  }
0x6e: {  	_ =	shalt  }
0x6f: {  	_ =	shalt  }
0x70: {  	_ =	shalt  }
0x71: {  	_ =	shalt  }
0x72: {  	_ =	shalt  }
0x73: {  	_ =	shalt  }
0x74: {  	_ =	shalt  }
0x75: {  	_ =	shalt  }
0x76: {  	_ =	shalt  }
0x77: {  	_ =	shalt  }
0x78: {  	_ =	shalt  }
0x79: {  	_ =	shalt  }
0x7a: {  	_ =	shalt  }
0x7b: {  	_ =	shalt  }
0x7c: {  	_ =	shalt  }
0x7d: {  	_ =	shalt  }
0x7e: {  	_ =	shalt  }
0x7f: {  	_ =	shalt  }
0x80: {  	_ =	shalt  }
0x81: {  	_ =	shalt  }
0x82: {  	_ =	shalt  }
0x83: {  	_ =	shalt  }
0x84: {  	_ =	shalt  }
0x85: {  	_ =	shalt  }
0x86: {  	_ =	shalt  }
0x87: {  	_ =	shalt  }
.Lfunc_end0:
.L_simem_size_0:
called_computation_lowered:
.L_overlay_start_0:
0x88: {  	s2 =	sld [smem:$0x3FD9]  }
0x89: {  	s3 =	sld [smem:$0x3FFE];
	_ =	sdelay $0x1  }
0x8a: {  	s1 =	srdreg.scid  }
0x8b: {  	s0 =	sand.u32 $0x1, s1  }
0x8c: {  	s17 =	sshll.u32 s0, $0xA;
	s2 =	sadd.s32 s3, s2  }
0x8d: {  	s2 =	sadd.s32 s2, s17  }
0x8e: {  	[smem:$0x3FC4] =	sst s2  }
0x8f: {  	_ = 	snop  }
0x90: {  	s2 =	sld [smem:$0x3FC9]  }
0x91: {  	s18 =	sld [smem:$0x3FC8]  }
0x92: {  	s4 =	sld [smem:$0x3FD0];
	(tm) =	ssettm $0x1  }
0x93: {  	s5 =	sld [smem:$0x3FFB];
	_ =	sdelay $0x3  }
0x94: {  	_ =	strace s5  }
0x95: {  	s5 =	sld [smem:$0x3FFC];
	_ =	sdelay $0x3  }
0x96: {  	_ =	strace s5  }
0x97: {  	s5 =	sld [smem:$0x3FFD];
	_ =	sdelay $0x3  }
0x98: {  	_ =	strace s5  }
0x99: {  	_ =	strace $0x8FFFFFFF  }
0x9a: {  	s19 =	sld [smem:$0x3FDB];
	_ =	sdelay $0x1  }
0x9b: {  	s6 =	simm.s32 $_scs_section_size  }
0x9c: {  	s7 =	simm.s32 $_size__tile_overlayer_lowered;
	s8 =	simm.s32 $_tile_overlayer_lowered  }
0x9d: {  	s22 =	simm.s32 $0x1BFF;
	s21 =	sshll.u32 s8, $0x1;
	s5 =	sadd.s32 s6, s19  }
0x9e: {  	s9 =	simm.s32 $0x0;
	s20 =	sshll.u32 s7, $0x1;
	s7 =	sadd.s32 s21, s5  }
0x9f: {  	[timem:s9], [sflag:s22] =	dma.local [hbm:s7], s20  }
0xa0: {  	_ =	swait.ge [sflag:s22], s20  }
0xa1: {  	s6 =	ssub.s32 $0x0, s20;
	[sflag:s22] =	ssyncset.done $0x0  }
0xa2: {  	[sflag:s22] =	ssyncadd.s32 s6;
	_ =	sdelay $0x1  }
0xa3: {  	s23 =	simm.s32 $0x1B8B  }
0xa4: {  	_ =	swait.ge [sflag:s23], $0x1  }
0xa5: {  	[sflag:s23] =	ssyncset.done $0x0  }
0xa6: {  	s25 =	simm.s32 $0x1B8E;
	s24 =	sld [smem:$0x3FFE];
	[sflag:s23] =	ssyncadd.s32 $0xFFFFFFFF  }
0xa7: {  	s26 =	simm.s32 $execute0_lowered;
	[smem:$0x3FD2] =	sst s25  }
0xa8: {  	s7 =	sshll.u32 s26, $0x1;
	_ =	strace $0x80000046;
	[dreg:$0x1] =	wrdreg $0xFFFFFFFF  }
0xa9: {  	s28 =	simm.s32 $_size_execute0_lowered;
	s5 =	sadd.s32 s5, s7;
	[dreg:$0x0] =	wrdreg $0x0  }
0xaa: {  	s7 =	sshll.u32 s28, $0x1;
	[dreg:$0x2] =	wrdreg s5  }
0xab: {  	[dreg:$0x3] =	wrdreg s7  }
0xac: {  	[dreg:$0x4] =	wrdreg $0xC0  }
0xad: {  	_ =	task [dreg:s9], $0x5FFFF  }
0xae: {  	[dreg:$0x1] =	wrdreg $0xFFFFFFFF  }
0xaf: {  	[dreg:$0x0] =	wrdreg $0x60  }
0xb0: {  	[dreg:$0x2] =	wrdreg s2  }
0xb1: {  	[dreg:$0x3] =	wrdreg s18  }
0xb2: {  	[dreg:$0x4] =	wrdreg s24  }
0xb3: {  	[dreg:$0x5] =	wrdreg s4  }
0xb4: {  	[dreg:$0x6] =	wrdreg $0x9  }
0xb5: {  	_ =	task.clear_ibuf [dreg:s9], $0x7FFFF;
	_ =	strace $0x90000046  }
0xb6: {  	s29 =	simm.s32 $0x9;
	_ =	strace $0x80000048  }
0xb7: {  	_ =	swait.ge [sflag:s29], $0x1  }
0xb8: {  	[sflag:s29] =	ssyncadd.s32 $0xFFFFFFFF  }
0xb9: {  	_ =	strace $0x90000048  }
0xba: {  	_ =	sfence  }
0xbb: {  	s30 =	sld [smem:$0x0];
	_ =	sdelay $0x2  }
0xbc: {  	s31 =	sshll.u32 s1, $0xD;
	s1 =	sshrl.u32 s1, $0x2  }
0xbd: {  	s3 =	sand.u32 $0x4000, s31;
	s1 =	sadd.s32 s1, s30  }
0xbe: {  	s0 =	sor.u32 s3, s0;
	s1 =	sshll.u32 s1, $0x11  }
0xbf: {  	s0 =	sor.u32 s1, s0  }
0xc0: {  	s0 =	sadd.s32 $0x8F2B, s0  }
0xc1: {  	[sflag:s0] =	ssyncadd.remote.s32 $0x1  }
0xc2: {  	_ =	sfence.sel $0xFFFF  }
0xc3: {  	[dreg:$0x0] =	wrdreg $0xFFFFFFFF;
	(pc) =	sbr.abs _section_cstart, $3  }
0xc4: {  	[dreg:$0x1] =	wrdreg $0xFFFFFFFF  }
0xc5: {  	_ =	task.clear_ibuf [dreg:s9], $0x2FFFF;
	_ =	strace $0x9FFFFFFF  }
0xc6: {  	(tm) =	ssettm $0x7FFFFFFF  }
0xc7: {  	_ =	shalt  }
tec
execute0_lowered:
.L_overlay_start_1:
0x0: {  	(tag) =	ssettag $0x1  }
0x1: {  	s5 =	rddreg [dreg:$0x0]  }
0x2: {  	s6 =	rddreg [dreg:$0x1]  }
0x3: {  	s4 =	rddreg [dreg:$0x2]  }
0x4: {  	s7 =	rddreg [dreg:$0x3]  }
0x5: {  	s0 =	rddreg [dreg:$0x4]  }
0x6: {  	s1 =	simm.s32 $0x0;
	s3 =	srdreg.scid;
	v0 =	vlaneseq.u32;
	s2 =	stileid.u32  }
0x7: {  	s12 =	simm.s32 $0x10600;
	s13 =	simm.s32 $0x10400;
	s14 =	simm.s32 $0x0;
	v0 =	vmul.u32 $0x10, v0  }
0x8: {  	[smem:$0x7FF] =	sst s1;
	s3 =	sand.u32 $0x1, s3;
	s9 =	sshll.u32 s2, $0x7  }
0x9: {  	_ =	strace $0x80000047;
	s8 =	ssub.s32 $0x2, s3;
	s10 =	sshll.u32 s3, $0x6;
	v1 =	vor.u32 $0x1, v0;
	v2 =	vor.u32 $0x2, v0;
	v3 =	vor.u32 $0x3, v0  }
0xa: {  	s3 =	sadd.s32 $0x400, s4;
	s4 =	sadd.s32 $0xF42800, s4;
	s11 =	sshrl.u32 s8, $0x1;
	v4 =	vor.u32 $0x4, v0;
	v5 =	vor.u32 $0x5, v0;
	v6 =	vor.u32 $0x6, v0  }
0xb: {  	s9 =	sor.u32 s10, s9;
	v7 =	vor.u32 $0x7, v0;
	v8 =	vor.u32 $0x8, v0;
	v9 =	vor.u32 $0x9, v0;
	s10 =	simm.s32 $0x1;
	s8 =	ssub.s32 s8, s11  }
0xc: {  	v10 =	vor.u32 $0xA, v0;
	v11 =	vor.u32 $0xB, v0;
	v12 =	vor.u32 $0xC, v0;
	s5 =	sadd.s32 s5, s9;
	s6 =	sadd.s32 s6, s9;
	s7 =	sadd.s32 s7, s9  }
0xd: {  	v13 =	vor.u32 $0xD, v0;
	v14 =	vor.u32 $0xE, v0;
	v15 =	vor.u32 $0xF, v0;
	s9 =	simm.s32 $0x3;
	s11 =	simm.s32 $0x2;
	s8 =	smax.u32 s8, $0x1  }
.LBB2_1:
0xe: {  	[tilespmem:s1], [sflag:$0x3] =	stream.linear.gather [hbm4b:s5+s1], $0x200, $0x38;
	[tilespmem:$0x10700] =	vst v63  }
0xf: {  	_ =	swait.ge [sflag:s9], $0x200  }
0x10: {  	[sflag:s9] =	ssyncset.done $0x0  }
0x11: {  	s16 =	simm.s32 $0x200;
	[sflag:s9] =	ssyncadd.s32 $0xFFFFFE00  }
0x12: {  	[tilespmem:s16], [sflag:$0x3] =	stream.linear.gather [hbm4b:s6+s1], $0x200, $0x38;
	[tilespmem:$0x10700] =	vst v63  }
0x13: {  	_ =	swait.ge [sflag:s9], $0x200  }
0x14: {  	s17 =	simm.s32 $0x0;
	[sflag:s9] =	ssyncset.done $0x0  }
0x15: {  	s18 =	simm.s32 $0x10400;
	s19 =	simm.s32 $0x0;
	[sflag:s9] =	ssyncadd.s32 $0xFFFFFE00  }
.LBB2_2:
0x16: {  	v16 =	vld [tilespmem:s17+$0x0];
	_ =	sdelay $0x1  }
0x17: {  	v18 =	vld [tilespmem:s16+$0x0];
	_ =	sdelay $0x2  }
0x18: {  	v17 =	vshll.u32 v16, $0x4  }
0x19: {  	(v2sf) =	vpush v17, $0x0  }
0x1a: {  	v16 =	vshll.u32 v18, $0x4  }
0x1b: {  	(v2sf) =	vpush v16, $0x0;
	_ =	sdelay $0x1  }
0x1c: {  	(v2sf) =	vpush v17, $0x1;
	_ =	sdelay $0x2  }
0x1d: {  	(v2sf) =	vpush v16, $0x1;
	_ =	sdelay $0x7  }
0x1e: {  	s15 =	spop (v2sf);
	(v2sf) =	vpush v17, $0x2;
	_ =	sdelay $0x1  }
0x1f: {  	s25 =	spop (v2sf);
	(v2sf) =	vpush v16, $0x2;
	_ =	sdelay $0x1  }
0x20: {  	s28 =	spop (v2sf);
	(v2sf) =	vpush v17, $0x3;
	_ =	sdelay $0x2  }
0x21: {  	s30 =	spop (v2sf);
	(v2sf) =	vpush v16, $0x3;
	_ =	sdelay $0x4  }
0x22: {  	s20 =	sshra.s32 s19, $0x2;
	s15 =	sand.u32 $0x1FFFFFF0, s15  }
0x23: {  	s21 =	sadd.s32 $0x400, s20;
	s22 =	sadd.s32 s3, s15;
	s15 =	simm.s32 $0x0  }
0x24: {  	[tilespmem:s21], [sflag:$0x1] =	stream.linear.gather [hbm4b:s22+s15], $0x80, $0x38;
	[tilespmem:$0x10700] =	vst v63  }
0x25: {  	s23 =	spop (v2sf);
	(v2sf) =	vpush v17, $0x4  }
0x26: {  	s21 =	sand.u32 $0x1FFFFFF0, s25  }
0x27: {  	s26 =	sadd.s32 $0x8400, s20;
	s21 =	sadd.s32 s4, s21;
	s25 =	spop (v2sf);
	(v2sf) =	vpush v16, $0x4  }
0x28: {  	[tilespmem:s26], [sflag:$0x2] =	stream.linear.gather [hbm4b:s21+s15], $0x80, $0x38;
	[tilespmem:$0x10700] =	vst v63  }
0x29: {  	s21 =	sand.u32 $0x1FFFFFF0, s28;
	s28 =	spop (v2sf);
	(v2sf) =	vpush v17, $0x5  }
0x2a: {  	s29 =	sadd.s32 $0x480, s20;
	s21 =	sadd.s32 s3, s21  }
0x2b: {  	[tilespmem:s29], [sflag:$0x1] =	stream.linear.gather [hbm4b:s21+s15], $0x80, $0x38;
	[tilespmem:$0x10700] =	vst v63  }
0x2c: {  	s21 =	sand.u32 $0x1FFFFFF0, s30;
	s30 =	spop (v2sf);
	(v2sf) =	vpush v16, $0x5;
	_ =	sdelay $0x1  }
0x2d: {  	s31 =	sadd.s32 $0x8480, s20;
	s21 =	sadd.s32 s4, s21  }
0x2e: {  	[tilespmem:s31], [sflag:$0x2] =	stream.linear.gather [hbm4b:s21+s15], $0x80, $0x38;
	[tilespmem:$0x10700] =	vst v63  }
0x2f: {  	s21 =	sand.u32 $0x1FFFFFF0, s23  }
0x30: {  	s24 =	sadd.s32 $0x500, s20;
	s21 =	sadd.s32 s3, s21  }
0x31: {  	[tilespmem:s24], [sflag:$0x1] =	stream.linear.gather [hbm4b:s21+s15], $0x80, $0x38;
	[tilespmem:$0x10700] =	vst v63  }
0x32: {  	s21 =	sand.u32 $0x1FFFFFF0, s25  }
0x33: {  	s26 =	sadd.s32 $0x8500, s20;
	s21 =	sadd.s32 s4, s21;
	s23 =	spop (v2sf);
	(v2sf) =	vpush v17, $0x6  }
0x34: {  	[tilespmem:s26], [sflag:$0x2] =	stream.linear.gather [hbm4b:s21+s15], $0x80, $0x38;
	[tilespmem:$0x10700] =	vst v63  }
0x35: {  	s25 =	spop (v2sf);
	(v2sf) =	vpush v16, $0x6  }
0x36: {  	s21 =	sand.u32 $0x1FFFFFF0, s28  }
0x37: {  	s29 =	sadd.s32 $0x580, s20;
	s21 =	sadd.s32 s3, s21;
	s28 =	spop (v2sf);
	(v2sf) =	vpush v17, $0x7  }
0x38: {  	[tilespmem:s29], [sflag:$0x1] =	stream.linear.gather [hbm4b:s21+s15], $0x80, $0x38;
	[tilespmem:$0x10700] =	vst v63  }
0x39: {  	s21 =	sand.u32 $0x1FFFFFF0, s30  }
0x3a: {  	s31 =	sadd.s32 $0x8580, s20;
	s21 =	sadd.s32 s4, s21;
	s30 =	spop (v2sf);
	(v2sf) =	vpush v16, $0x7  }
0x3b: {  	[tilespmem:s31], [sflag:$0x2] =	stream.linear.gather [hbm4b:s21+s15], $0x80, $0x38;
	[tilespmem:$0x10700] =	vst v63  }
0x3c: {  	s21 =	sand.u32 $0x1FFFFFF0, s23  }
0x3d: {  	s24 =	sadd.s32 $0x600, s20;
	s21 =	sadd.s32 s3, s21  }
0x3e: {  	[tilespmem:s24], [sflag:$0x1] =	stream.linear.gather [hbm4b:s21+s15], $0x80, $0x38;
	[tilespmem:$0x10700] =	vst v63  }
0x3f: {  	s21 =	sand.u32 $0x1FFFFFF0, s25  }
0x40: {  	s26 =	sadd.s32 $0x8600, s20;
	s21 =	sadd.s32 s4, s21  }
0x41: {  	[tilespmem:s26], [sflag:$0x2] =	stream.linear.gather [hbm4b:s21+s15], $0x80, $0x38;
	[tilespmem:$0x10700] =	vst v63  }
0x42: {  	s23 =	spop (v2sf);
	(v2sf) =	vpush v17, $0x8  }
0x43: {  	s21 =	sand.u32 $0x1FFFFFF0, s28  }
0x44: {  	s29 =	sadd.s32 $0x680, s20;
	s21 =	sadd.s32 s3, s21;
	s25 =	spop (v2sf);
	(v2sf) =	vpush v16, $0x8  }
0x45: {  	[tilespmem:s29], [sflag:$0x1] =	stream.linear.gather [hbm4b:s21+s15], $0x80, $0x38;
	[tilespmem:$0x10700] =	vst v63  }
0x46: {  	s21 =	sand.u32 $0x1FFFFFF0, s30;
	s28 =	spop (v2sf);
	(v2sf) =	vpush v17, $0x9  }
0x47: {  	s31 =	sadd.s32 $0x8680, s20;
	s21 =	sadd.s32 s4, s21  }
0x48: {  	[tilespmem:s31], [sflag:$0x2] =	stream.linear.gather [hbm4b:s21+s15], $0x80, $0x38;
	[tilespmem:$0x10700] =	vst v63  }
0x49: {  	s30 =	spop (v2sf);
	(v2sf) =	vpush v16, $0x9  }
0x4a: {  	s21 =	sand.u32 $0x1FFFFFF0, s23  }
0x4b: {  	s24 =	sadd.s32 $0x700, s20;
	s21 =	sadd.s32 s3, s21  }
0x4c: {  	[tilespmem:s24], [sflag:$0x1] =	stream.linear.gather [hbm4b:s21+s15], $0x80, $0x38;
	[tilespmem:$0x10700] =	vst v63  }
0x4d: {  	s21 =	sand.u32 $0x1FFFFFF0, s25  }
0x4e: {  	s26 =	sadd.s32 $0x8700, s20;
	s21 =	sadd.s32 s4, s21  }
0x4f: {  	[tilespmem:s26], [sflag:$0x2] =	stream.linear.gather [hbm4b:s21+s15], $0x80, $0x38;
	[tilespmem:$0x10700] =	vst v63  }
0x50: {  	s21 =	sand.u32 $0x1FFFFFF0, s28  }
0x51: {  	s29 =	sadd.s32 $0x780, s20;
	s21 =	sadd.s32 s3, s21;
	s23 =	spop (v2sf);
	(v2sf) =	vpush v17, $0xA  }
0x52: {  	[tilespmem:s29], [sflag:$0x1] =	stream.linear.gather [hbm4b:s21+s15], $0x80, $0x38;
	[tilespmem:$0x10700] =	vst v63  }
0x53: {  	s25 =	spop (v2sf);
	(v2sf) =	vpush v16, $0xA  }
0x54: {  	s21 =	sand.u32 $0x1FFFFFF0, s30  }
0x55: {  	s31 =	sadd.s32 $0x8780, s20;
	s21 =	sadd.s32 s4, s21;
	s28 =	spop (v2sf);
	(v2sf) =	vpush v17, $0xB  }
0x56: {  	[tilespmem:s31], [sflag:$0x2] =	stream.linear.gather [hbm4b:s21+s15], $0x80, $0x38;
	[tilespmem:$0x10700] =	vst v63  }
0x57: {  	s21 =	sand.u32 $0x1FFFFFF0, s23  }
0x58: {  	s24 =	sadd.s32 $0x800, s20;
	s21 =	sadd.s32 s3, s21;
	s30 =	spop (v2sf);
	(v2sf) =	vpush v16, $0xB  }
0x59: {  	[tilespmem:s24], [sflag:$0x1] =	stream.linear.gather [hbm4b:s21+s15], $0x80, $0x38;
	[tilespmem:$0x10700] =	vst v63  }
0x5a: {  	s21 =	sand.u32 $0x1FFFFFF0, s25  }
0x5b: {  	s26 =	sadd.s32 $0x8800, s20;
	s21 =	sadd.s32 s4, s21  }
0x5c: {  	[tilespmem:s26], [sflag:$0x2] =	stream.linear.gather [hbm4b:s21+s15], $0x80, $0x38;
	[tilespmem:$0x10700] =	vst v63  }
0x5d: {  	s21 =	sand.u32 $0x1FFFFFF0, s28  }
0x5e: {  	s29 =	sadd.s32 $0x880, s20;
	s21 =	sadd.s32 s3, s21  }
0x5f: {  	[tilespmem:s29], [sflag:$0x1] =	stream.linear.gather [hbm4b:s21+s15], $0x80, $0x38;
	[tilespmem:$0x10700] =	vst v63  }
0x60: {  	s23 =	spop (v2sf);
	(v2sf) =	vpush v17, $0xC  }
0x61: {  	s21 =	sand.u32 $0x1FFFFFF0, s30  }
0x62: {  	s31 =	sadd.s32 $0x8880, s20;
	s21 =	sadd.s32 s4, s21;
	s25 =	spop (v2sf);
	(v2sf) =	vpush v16, $0xC  }
0x63: {  	[tilespmem:s31], [sflag:$0x2] =	stream.linear.gather [hbm4b:s21+s15], $0x80, $0x38;
	[tilespmem:$0x10700] =	vst v63  }
0x64: {  	s21 =	sand.u32 $0x1FFFFFF0, s23;
	s28 =	spop (v2sf);
	(v2sf) =	vpush v17, $0xD  }
0x65: {  	s24 =	sadd.s32 $0x900, s20;
	s21 =	sadd.s32 s3, s21  }
0x66: {  	[tilespmem:s24], [sflag:$0x1] =	stream.linear.gather [hbm4b:s21+s15], $0x80, $0x38;
	[tilespmem:$0x10700] =	vst v63  }
0x67: {  	s30 =	spop (v2sf);
	(v2sf) =	vpush v16, $0xD  }
0x68: {  	s21 =	sand.u32 $0x1FFFFFF0, s25  }
0x69: {  	s26 =	sadd.s32 $0x8900, s20;
	s21 =	sadd.s32 s4, s21  }
0x6a: {  	[tilespmem:s26], [sflag:$0x2] =	stream.linear.gather [hbm4b:s21+s15], $0x80, $0x38;
	[tilespmem:$0x10700] =	vst v63  }
0x6b: {  	s21 =	sand.u32 $0x1FFFFFF0, s28  }
0x6c: {  	s29 =	sadd.s32 $0x980, s20;
	s21 =	sadd.s32 s3, s21  }
0x6d: {  	[tilespmem:s29], [sflag:$0x1] =	stream.linear.gather [hbm4b:s21+s15], $0x80, $0x38;
	[tilespmem:$0x10700] =	vst v63  }
0x6e: {  	s21 =	sand.u32 $0x1FFFFFF0, s30  }
0x6f: {  	s31 =	sadd.s32 $0x8980, s20;
	s21 =	sadd.s32 s4, s21;
	s23 =	spop (v2sf);
	(v2sf) =	vpush v17, $0xE  }
0x70: {  	[tilespmem:s31], [sflag:$0x2] =	stream.linear.gather [hbm4b:s21+s15], $0x80, $0x38;
	[tilespmem:$0x10700] =	vst v63  }
0x71: {  	s25 =	spop (v2sf);
	(v2sf) =	vpush v16, $0xE  }
0x72: {  	s21 =	sand.u32 $0x1FFFFFF0, s23  }
0x73: {  	s24 =	sadd.s32 $0xA00, s20;
	s21 =	sadd.s32 s3, s21;
	s28 =	spop (v2sf)  }
0x74: {  	(v2sf) =	vpush v17, $0xF;
	[tilespmem:s24], [sflag:$0x1] =	stream.linear.gather [hbm4b:s21+s15], $0x80, $0x38;
	[tilespmem:$0x10700] =	vst v63  }
0x75: {  	s21 =	sand.u32 $0x1FFFFFF0, s25  }
0x76: {  	s26 =	sadd.s32 $0x8A00, s20;
	s30 =	spop (v2sf);
	s21 =	sadd.s32 s4, s21  }
0x77: {  	(v2sf) =	vpush v16, $0xF;
	[tilespmem:s26], [sflag:$0x2] =	stream.linear.gather [hbm4b:s21+s15], $0x80, $0x38;
	[tilespmem:$0x10700] =	vst v63  }
0x78: {  	s21 =	sand.u32 $0x1FFFFFF0, s28  }
0x79: {  	s29 =	sadd.s32 $0xA80, s20;
	s21 =	sadd.s32 s3, s21  }
0x7a: {  	[tilespmem:s29], [sflag:$0x1] =	stream.linear.gather [hbm4b:s21+s15], $0x80, $0x38;
	[tilespmem:$0x10700] =	vst v63  }
0x7b: {  	s21 =	sand.u32 $0x1FFFFFF0, s30  }
0x7c: {  	s31 =	sadd.s32 $0x8A80, s20;
	s21 =	sadd.s32 s4, s21  }
0x7d: {  	[tilespmem:s31], [sflag:$0x2] =	stream.linear.gather [hbm4b:s21+s15], $0x80, $0x38;
	[tilespmem:$0x10700] =	vst v63  }
0x7e: {  	s23 =	spop (v2sf)  }
0x7f: {  	s21 =	sand.u32 $0x1FFFFFF0, s23  }
0x80: {  	s24 =	sadd.s32 $0xB00, s20;
	s25 =	spop (v2sf);
	s21 =	sadd.s32 s3, s21  }
0x81: {  	[tilespmem:s24], [sflag:$0x1] =	stream.linear.gather [hbm4b:s21+s15], $0x80, $0x38;
	[tilespmem:$0x10700] =	vst v63  }
0x82: {  	s21 =	sand.u32 $0x1FFFFFF0, s25  }
0x83: {  	s26 =	sadd.s32 $0x8B00, s20;
	s28 =	spop (v2sf);
	s21 =	sadd.s32 s4, s21  }
0x84: {  	[tilespmem:s26], [sflag:$0x2] =	stream.linear.gather [hbm4b:s21+s15], $0x80, $0x38;
	[tilespmem:$0x10700] =	vst v63  }
0x85: {  	s21 =	sand.u32 $0x1FFFFFF0, s28  }
0x86: {  	s29 =	sadd.s32 $0xB80, s20;
	s30 =	spop (v2sf);
	s21 =	sadd.s32 s3, s21  }
0x87: {  	[tilespmem:s29], [sflag:$0x1] =	stream.linear.gather [hbm4b:s21+s15], $0x80, $0x38;
	[tilespmem:$0x10700] =	vst v63  }
0x88: {  	s21 =	sand.u32 $0x1FFFFFF0, s30  }
0x89: {  	s31 =	sadd.s32 $0x8B80, s20;
	s21 =	sadd.s32 s4, s21  }
0x8a: {  	[tilespmem:s31], [sflag:$0x2] =	stream.linear.gather [hbm4b:s21+s15], $0x80, $0x38;
	[tilespmem:$0x10700] =	vst v63  }
0x8b: {  	_ =	swait.ge [sflag:s10], $0x80  }
0x8c: {  	[sflag:s10] =	ssyncset.done $0x0  }
0x8d: {  	[sflag:s10] =	ssyncadd.s32 $0xFFFFFF80  }
0x8e: {  	_ =	swait.ge [sflag:s11], $0x80  }
0x8f: {  	[sflag:s11] =	ssyncset.done $0x0  }
0x90: {  	[sflag:s11] =	ssyncadd.s32 $0xFFFFFF80  }
0x91: {  	_ =	swait.ge [sflag:s10], $0x80  }
0x92: {  	[sflag:s10] =	ssyncset.done $0x0  }
0x93: {  	[sflag:s10] =	ssyncadd.s32 $0xFFFFFF80  }
0x94: {  	_ =	swait.ge [sflag:s11], $0x80  }
0x95: {  	[sflag:s11] =	ssyncset.done $0x0  }
0x96: {  	[sflag:s11] =	ssyncadd.s32 $0xFFFFFF80  }
0x97: {  	_ =	swait.ge [sflag:s10], $0x80  }
0x98: {  	[sflag:s10] =	ssyncset.done $0x0  }
0x99: {  	[sflag:s10] =	ssyncadd.s32 $0xFFFFFF80  }
0x9a: {  	_ =	swait.ge [sflag:s11], $0x80  }
0x9b: {  	[sflag:s11] =	ssyncset.done $0x0  }
0x9c: {  	[sflag:s11] =	ssyncadd.s32 $0xFFFFFF80  }
0x9d: {  	_ =	swait.ge [sflag:s10], $0x80  }
0x9e: {  	[sflag:s10] =	ssyncset.done $0x0  }
0x9f: {  	[sflag:s10] =	ssyncadd.s32 $0xFFFFFF80  }
0xa0: {  	_ =	swait.ge [sflag:s11], $0x80  }
0xa1: {  	[sflag:s11] =	ssyncset.done $0x0  }
0xa2: {  	[sflag:s11] =	ssyncadd.s32 $0xFFFFFF80  }
0xa3: {  	_ =	swait.ge [sflag:s10], $0x80  }
0xa4: {  	[sflag:s10] =	ssyncset.done $0x0  }
0xa5: {  	[sflag:s10] =	ssyncadd.s32 $0xFFFFFF80  }
0xa6: {  	_ =	swait.ge [sflag:s11], $0x80  }
0xa7: {  	[sflag:s11] =	ssyncset.done $0x0  }
0xa8: {  	[sflag:s11] =	ssyncadd.s32 $0xFFFFFF80  }
0xa9: {  	_ =	swait.ge [sflag:s10], $0x80  }
0xaa: {  	[sflag:s10] =	ssyncset.done $0x0  }
0xab: {  	[sflag:s10] =	ssyncadd.s32 $0xFFFFFF80  }
0xac: {  	_ =	swait.ge [sflag:s11], $0x80  }
0xad: {  	[sflag:s11] =	ssyncset.done $0x0  }
0xae: {  	[sflag:s11] =	ssyncadd.s32 $0xFFFFFF80  }
0xaf: {  	_ =	swait.ge [sflag:s10], $0x80  }
0xb0: {  	[sflag:s10] =	ssyncset.done $0x0  }
0xb1: {  	[sflag:s10] =	ssyncadd.s32 $0xFFFFFF80  }
0xb2: {  	_ =	swait.ge [sflag:s11], $0x80  }
0xb3: {  	[sflag:s11] =	ssyncset.done $0x0  }
0xb4: {  	[sflag:s11] =	ssyncadd.s32 $0xFFFFFF80  }
0xb5: {  	_ =	swait.ge [sflag:s10], $0x80  }
0xb6: {  	[sflag:s10] =	ssyncset.done $0x0  }
0xb7: {  	[sflag:s10] =	ssyncadd.s32 $0xFFFFFF80  }
0xb8: {  	_ =	swait.ge [sflag:s11], $0x80  }
0xb9: {  	[sflag:s11] =	ssyncset.done $0x0  }
0xba: {  	[sflag:s11] =	ssyncadd.s32 $0xFFFFFF80  }
0xbb: {  	_ =	swait.ge [sflag:s10], $0x80  }
0xbc: {  	[sflag:s10] =	ssyncset.done $0x0  }
0xbd: {  	[sflag:s10] =	ssyncadd.s32 $0xFFFFFF80  }
0xbe: {  	_ =	swait.ge [sflag:s11], $0x80  }
0xbf: {  	[sflag:s11] =	ssyncset.done $0x0  }
0xc0: {  	[sflag:s11] =	ssyncadd.s32 $0xFFFFFF80  }
0xc1: {  	_ =	swait.ge [sflag:s10], $0x80  }
0xc2: {  	[sflag:s10] =	ssyncset.done $0x0  }
0xc3: {  	[sflag:s10] =	ssyncadd.s32 $0xFFFFFF80  }
0xc4: {  	_ =	swait.ge [sflag:s11], $0x80  }
0xc5: {  	[sflag:s11] =	ssyncset.done $0x0  }
0xc6: {  	[sflag:s11] =	ssyncadd.s32 $0xFFFFFF80  }
0xc7: {  	_ =	swait.ge [sflag:s10], $0x80  }
0xc8: {  	[sflag:s10] =	ssyncset.done $0x0  }
0xc9: {  	[sflag:s10] =	ssyncadd.s32 $0xFFFFFF80  }
0xca: {  	_ =	swait.ge [sflag:s11], $0x80  }
0xcb: {  	[sflag:s11] =	ssyncset.done $0x0  }
0xcc: {  	[sflag:s11] =	ssyncadd.s32 $0xFFFFFF80  }
0xcd: {  	_ =	swait.ge [sflag:s10], $0x80  }
0xce: {  	[sflag:s10] =	ssyncset.done $0x0  }
0xcf: {  	[sflag:s10] =	ssyncadd.s32 $0xFFFFFF80  }
0xd0: {  	_ =	swait.ge [sflag:s11], $0x80  }
0xd1: {  	[sflag:s11] =	ssyncset.done $0x0  }
0xd2: {  	[sflag:s11] =	ssyncadd.s32 $0xFFFFFF80  }
0xd3: {  	_ =	swait.ge [sflag:s10], $0x80  }
0xd4: {  	[sflag:s10] =	ssyncset.done $0x0  }
0xd5: {  	[sflag:s10] =	ssyncadd.s32 $0xFFFFFF80  }
0xd6: {  	_ =	swait.ge [sflag:s11], $0x80  }
0xd7: {  	[sflag:s11] =	ssyncset.done $0x0  }
0xd8: {  	[sflag:s11] =	ssyncadd.s32 $0xFFFFFF80  }
0xd9: {  	_ =	swait.ge [sflag:s10], $0x80  }
0xda: {  	[sflag:s10] =	ssyncset.done $0x0  }
0xdb: {  	[sflag:s10] =	ssyncadd.s32 $0xFFFFFF80  }
0xdc: {  	_ =	swait.ge [sflag:s11], $0x80  }
0xdd: {  	[sflag:s11] =	ssyncset.done $0x0  }
0xde: {  	[sflag:s11] =	ssyncadd.s32 $0xFFFFFF80  }
0xdf: {  	_ =	swait.ge [sflag:s10], $0x80  }
0xe0: {  	[sflag:s10] =	ssyncset.done $0x0  }
0xe1: {  	[sflag:s10] =	ssyncadd.s32 $0xFFFFFF80  }
0xe2: {  	_ =	swait.ge [sflag:s11], $0x80  }
0xe3: {  	[sflag:s11] =	ssyncset.done $0x0  }
0xe4: {  	[sflag:s11] =	ssyncadd.s32 $0xFFFFFF80  }
0xe5: {  	_ =	swait.ge [sflag:s10], $0x80  }
0xe6: {  	[sflag:s10] =	ssyncset.done $0x0  }
0xe7: {  	[sflag:s10] =	ssyncadd.s32 $0xFFFFFF80  }
0xe8: {  	_ =	swait.ge [sflag:s11], $0x80  }
0xe9: {  	[sflag:s11] =	ssyncset.done $0x0  }
0xea: {  	[sflag:s11] =	ssyncadd.s32 $0xFFFFFF80  }
0xeb: {  	v16 =	vld [tilespmem:s20+$0x400]  }
0xec: {  	v17 =	vld [tilespmem:s20+$0x8400]  }
0xed: {  	v42 =	vld [tilespmem:s20+$0x410]  }
0xee: {  	v19 =	vld [tilespmem:s20+$0x8410]  }
0xef: {  	v20 =	vld [tilespmem:s20+$0x420]  }
0xf0: {  	v21 =	vld [tilespmem:s20+$0x8420]  }
0xf1: {  	v22 =	vld [tilespmem:s20+$0x430]  }
0xf2: {  	v23 =	vld [tilespmem:s20+$0x8430]  }
0xf3: {  	v16 =	vmul.f32 v17, v16;
	v17 =	vmul.f32 v19, v42;
	_ =	sdelay $0x1  }
0xf4: {  	v16 =	vadd.f32 v17, v16;
	v17 =	vmul.f32 v21, v20;
	_ =	sdelay $0x1  }
0xf5: {  	v16 =	vadd.f32 v17, v16;
	v17 =	vmul.f32 v23, v22;
	_ =	sdelay $0x1  }
0xf6: {  	v16 =	vadd.f32 v17, v16;
	_ =	sdelay $0x1  }
0xf7: {  	[tilespmem:$0x10600] =	vst v16  }
0xf8: {  	v16 =	vld [tilespmem:s20+$0x480]  }
0xf9: {  	v17 =	vld [tilespmem:s20+$0x8480]  }
0xfa: {  	v43 =	vld [tilespmem:s20+$0x490]  }
0xfb: {  	v44 =	vld [tilespmem:s20+$0x8490]  }
0xfc: {  	v45 =	vld [tilespmem:s20+$0x4A0]  }
0xfd: {  	v46 =	vld [tilespmem:s20+$0x84A0]  }
0xfe: {  	v47 =	vld [tilespmem:s20+$0x4B0]  }
0xff: {  	v48 =	vld [tilespmem:s20+$0x84B0]  }
0x100: {  	v16 =	vmul.f32 v17, v16;
	v17 =	vmul.f32 v44, v43;
	_ =	sdelay $0x1  }
0x101: {  	v16 =	vadd.f32 v17, v16;
	v17 =	vmul.f32 v46, v45;
	_ =	sdelay $0x1  }
0x102: {  	v16 =	vadd.f32 v17, v16;
	v17 =	vmul.f32 v48, v47;
	_ =	sdelay $0x1  }
0x103: {  	v16 =	vadd.f32 v17, v16;
	_ =	sdelay $0x1  }
0x104: {  	[tilespmem:$0x10610] =	vst v16  }
0x105: {  	v16 =	vld [tilespmem:s20+$0x500]  }
0x106: {  	v17 =	vld [tilespmem:s20+$0x8500]  }
0x107: {  	v49 =	vld [tilespmem:s20+$0x510]  }
0x108: {  	v50 =	vld [tilespmem:s20+$0x8510]  }
0x109: {  	v51 =	vld [tilespmem:s20+$0x520]  }
0x10a: {  	v52 =	vld [tilespmem:s20+$0x8520]  }
0x10b: {  	v53 =	vld [tilespmem:s20+$0x530]  }
0x10c: {  	v54 =	vld [tilespmem:s20+$0x8530]  }
0x10d: {  	v16 =	vmul.f32 v17, v16;
	v17 =	vmul.f32 v50, v49;
	_ =	sdelay $0x1  }
0x10e: {  	v16 =	vadd.f32 v17, v16;
	v17 =	vmul.f32 v52, v51;
	_ =	sdelay $0x1  }
0x10f: {  	v16 =	vadd.f32 v17, v16;
	v17 =	vmul.f32 v54, v53;
	_ =	sdelay $0x1  }
0x110: {  	v16 =	vadd.f32 v17, v16;
	_ =	sdelay $0x1  }
0x111: {  	[tilespmem:$0x10620] =	vst v16  }
0x112: {  	v16 =	vld [tilespmem:s20+$0x580]  }
0x113: {  	v17 =	vld [tilespmem:s20+$0x8580]  }
0x114: {  	v55 =	vld [tilespmem:s20+$0x590]  }
0x115: {  	v56 =	vld [tilespmem:s20+$0x8590]  }
0x116: {  	v57 =	vld [tilespmem:s20+$0x5A0]  }
0x117: {  	v58 =	vld [tilespmem:s20+$0x85A0]  }
0x118: {  	v59 =	vld [tilespmem:s20+$0x5B0]  }
0x119: {  	v60 =	vld [tilespmem:s20+$0x85B0]  }
0x11a: {  	v16 =	vmul.f32 v17, v16;
	v17 =	vmul.f32 v56, v55;
	_ =	sdelay $0x1  }
0x11b: {  	v16 =	vadd.f32 v17, v16;
	v17 =	vmul.f32 v58, v57;
	_ =	sdelay $0x1  }
0x11c: {  	v16 =	vadd.f32 v17, v16;
	v17 =	vmul.f32 v60, v59;
	_ =	sdelay $0x1  }
0x11d: {  	v16 =	vadd.f32 v17, v16;
	_ =	sdelay $0x1  }
0x11e: {  	[tilespmem:$0x10630] =	vst v16  }
0x11f: {  	v16 =	vld [tilespmem:s20+$0x600]  }
0x120: {  	v17 =	vld [tilespmem:s20+$0x8600]  }
0x121: {  	v61 =	vld [tilespmem:s20+$0x610]  }
0x122: {  	v62 =	vld [tilespmem:s20+$0x8610]  }
0x123: {  	v63 =	vld [tilespmem:s20+$0x620]  }
0x124: {  	v24 =	vld [tilespmem:s20+$0x8620]  }
0x125: {  	v25 =	vld [tilespmem:s20+$0x630]  }
0x126: {  	v26 =	vld [tilespmem:s20+$0x8630]  }
0x127: {  	v16 =	vmul.f32 v17, v16;
	v17 =	vmul.f32 v62, v61;
	_ =	sdelay $0x1  }
0x128: {  	v16 =	vadd.f32 v17, v16;
	v17 =	vmul.f32 v24, v63;
	_ =	sdelay $0x1  }
0x129: {  	v16 =	vadd.f32 v17, v16;
	v17 =	vmul.f32 v26, v25;
	_ =	sdelay $0x1  }
0x12a: {  	v16 =	vadd.f32 v17, v16;
	_ =	sdelay $0x1  }
0x12b: {  	[tilespmem:$0x10640] =	vst v16  }
0x12c: {  	v16 =	vld [tilespmem:s20+$0x680]  }
0x12d: {  	v17 =	vld [tilespmem:s20+$0x8680]  }
0x12e: {  	v27 =	vld [tilespmem:s20+$0x690]  }
0x12f: {  	v28 =	vld [tilespmem:s20+$0x8690]  }
0x130: {  	v29 =	vld [tilespmem:s20+$0x6A0]  }
0x131: {  	v30 =	vld [tilespmem:s20+$0x86A0]  }
0x132: {  	v31 =	vld [tilespmem:s20+$0x6B0]  }
0x133: {  	v32 =	vld [tilespmem:s20+$0x86B0]  }
0x134: {  	v16 =	vmul.f32 v17, v16;
	v17 =	vmul.f32 v28, v27;
	_ =	sdelay $0x1  }
0x135: {  	v16 =	vadd.f32 v17, v16;
	v17 =	vmul.f32 v30, v29;
	_ =	sdelay $0x1  }
0x136: {  	v16 =	vadd.f32 v17, v16;
	v17 =	vmul.f32 v32, v31;
	_ =	sdelay $0x1  }
0x137: {  	v16 =	vadd.f32 v17, v16;
	_ =	sdelay $0x1  }
0x138: {  	[tilespmem:$0x10650] =	vst v16  }
0x139: {  	v16 =	vld [tilespmem:s20+$0x700]  }
0x13a: {  	v17 =	vld [tilespmem:s20+$0x8700]  }
0x13b: {  	v33 =	vld [tilespmem:s20+$0x710]  }
0x13c: {  	v34 =	vld [tilespmem:s20+$0x8710]  }
0x13d: {  	v35 =	vld [tilespmem:s20+$0x720]  }
0x13e: {  	v36 =	vld [tilespmem:s20+$0x8720]  }
0x13f: {  	v37 =	vld [tilespmem:s20+$0x730]  }
0x140: {  	v38 =	vld [tilespmem:s20+$0x8730]  }
0x141: {  	v16 =	vmul.f32 v17, v16;
	v17 =	vmul.f32 v34, v33;
	_ =	sdelay $0x1  }
0x142: {  	v16 =	vadd.f32 v17, v16;
	v17 =	vmul.f32 v36, v35;
	_ =	sdelay $0x1  }
0x143: {  	v16 =	vadd.f32 v17, v16;
	v17 =	vmul.f32 v38, v37;
	_ =	sdelay $0x1  }
0x144: {  	v16 =	vadd.f32 v17, v16;
	_ =	sdelay $0x1  }
0x145: {  	[tilespmem:$0x10660] =	vst v16  }
0x146: {  	v16 =	vld [tilespmem:s20+$0x780]  }
0x147: {  	v17 =	vld [tilespmem:s20+$0x8780]  }
0x148: {  	v39 =	vld [tilespmem:s20+$0x790]  }
0x149: {  	v40 =	vld [tilespmem:s20+$0x8790]  }
0x14a: {  	v41 =	vld [tilespmem:s20+$0x7A0]  }
0x14b: {  	v42 =	vld [tilespmem:s20+$0x87A0]  }
0x14c: {  	v43 =	vld [tilespmem:s20+$0x7B0]  }
0x14d: {  	v44 =	vld [tilespmem:s20+$0x87B0]  }
0x14e: {  	v16 =	vmul.f32 v17, v16;
	v17 =	vmul.f32 v40, v39;
	_ =	sdelay $0x1  }
0x14f: {  	v16 =	vadd.f32 v17, v16;
	v17 =	vmul.f32 v42, v41;
	_ =	sdelay $0x1  }
0x150: {  	v16 =	vadd.f32 v17, v16;
	v17 =	vmul.f32 v44, v43;
	_ =	sdelay $0x1  }
0x151: {  	v16 =	vadd.f32 v17, v16;
	_ =	sdelay $0x1  }
0x152: {  	[tilespmem:$0x10670] =	vst v16  }
0x153: {  	v16 =	vld [tilespmem:s20+$0x800]  }
0x154: {  	v17 =	vld [tilespmem:s20+$0x8800]  }
0x155: {  	v45 =	vld [tilespmem:s20+$0x810]  }
0x156: {  	v46 =	vld [tilespmem:s20+$0x8810]  }
0x157: {  	v47 =	vld [tilespmem:s20+$0x820]  }
0x158: {  	v48 =	vld [tilespmem:s20+$0x8820]  }
0x159: {  	v49 =	vld [tilespmem:s20+$0x830]  }
0x15a: {  	v50 =	vld [tilespmem:s20+$0x8830]  }
0x15b: {  	v16 =	vmul.f32 v17, v16;
	v17 =	vmul.f32 v46, v45;
	_ =	sdelay $0x1  }
0x15c: {  	v16 =	vadd.f32 v17, v16;
	v17 =	vmul.f32 v48, v47;
	_ =	sdelay $0x1  }
0x15d: {  	v16 =	vadd.f32 v17, v16;
	v17 =	vmul.f32 v50, v49;
	_ =	sdelay $0x1  }
0x15e: {  	v16 =	vadd.f32 v17, v16;
	_ =	sdelay $0x1  }
0x15f: {  	[tilespmem:$0x10680] =	vst v16  }
0x160: {  	v16 =	vld [tilespmem:s20+$0x880]  }
0x161: {  	v17 =	vld [tilespmem:s20+$0x8880]  }
0x162: {  	v51 =	vld [tilespmem:s20+$0x890]  }
0x163: {  	v52 =	vld [tilespmem:s20+$0x8890]  }
0x164: {  	v53 =	vld [tilespmem:s20+$0x8A0]  }
0x165: {  	v54 =	vld [tilespmem:s20+$0x88A0]  }
0x166: {  	v55 =	vld [tilespmem:s20+$0x8B0]  }
0x167: {  	v56 =	vld [tilespmem:s20+$0x88B0]  }
0x168: {  	v16 =	vmul.f32 v17, v16;
	v17 =	vmul.f32 v52, v51;
	_ =	sdelay $0x1  }
0x169: {  	v16 =	vadd.f32 v17, v16;
	v17 =	vmul.f32 v54, v53;
	_ =	sdelay $0x1  }
0x16a: {  	v16 =	vadd.f32 v17, v16;
	v17 =	vmul.f32 v56, v55;
	_ =	sdelay $0x1  }
0x16b: {  	v16 =	vadd.f32 v17, v16;
	_ =	sdelay $0x1  }
0x16c: {  	[tilespmem:$0x10690] =	vst v16  }
0x16d: {  	v16 =	vld [tilespmem:s20+$0x900]  }
0x16e: {  	v17 =	vld [tilespmem:s20+$0x8900]  }
0x16f: {  	v57 =	vld [tilespmem:s20+$0x910]  }
0x170: {  	v58 =	vld [tilespmem:s20+$0x8910]  }
0x171: {  	v59 =	vld [tilespmem:s20+$0x920]  }
0x172: {  	v60 =	vld [tilespmem:s20+$0x8920]  }
0x173: {  	v61 =	vld [tilespmem:s20+$0x930]  }
0x174: {  	v62 =	vld [tilespmem:s20+$0x8930]  }
0x175: {  	v16 =	vmul.f32 v17, v16;
	v17 =	vmul.f32 v58, v57;
	_ =	sdelay $0x1  }
0x176: {  	v16 =	vadd.f32 v17, v16;
	v17 =	vmul.f32 v60, v59;
	_ =	sdelay $0x1  }
0x177: {  	v16 =	vadd.f32 v17, v16;
	v17 =	vmul.f32 v62, v61;
	_ =	sdelay $0x1  }
0x178: {  	v16 =	vadd.f32 v17, v16;
	_ =	sdelay $0x1  }
0x179: {  	[tilespmem:$0x106A0] =	vst v16  }
0x17a: {  	v16 =	vld [tilespmem:s20+$0x980]  }
0x17b: {  	v17 =	vld [tilespmem:s20+$0x8980]  }
0x17c: {  	v63 =	vld [tilespmem:s20+$0x990]  }
0x17d: {  	v24 =	vld [tilespmem:s20+$0x8990]  }
0x17e: {  	v25 =	vld [tilespmem:s20+$0x9A0]  }
0x17f: {  	v26 =	vld [tilespmem:s20+$0x89A0]  }
0x180: {  	v27 =	vld [tilespmem:s20+$0x9B0]  }
0x181: {  	v28 =	vld [tilespmem:s20+$0x89B0]  }
0x182: {  	v16 =	vmul.f32 v17, v16;
	v17 =	vmul.f32 v24, v63;
	_ =	sdelay $0x1  }
0x183: {  	v16 =	vadd.f32 v17, v16;
	v17 =	vmul.f32 v26, v25;
	_ =	sdelay $0x1  }
0x184: {  	v16 =	vadd.f32 v17, v16;
	v17 =	vmul.f32 v28, v27;
	_ =	sdelay $0x1  }
0x185: {  	v16 =	vadd.f32 v17, v16;
	_ =	sdelay $0x1  }
0x186: {  	[tilespmem:$0x106B0] =	vst v16  }
0x187: {  	v16 =	vld [tilespmem:s20+$0xA00]  }
0x188: {  	v17 =	vld [tilespmem:s20+$0x8A00]  }
0x189: {  	v29 =	vld [tilespmem:s20+$0xA10]  }
0x18a: {  	v30 =	vld [tilespmem:s20+$0x8A10]  }
0x18b: {  	v31 =	vld [tilespmem:s20+$0xA20]  }
0x18c: {  	v32 =	vld [tilespmem:s20+$0x8A20]  }
0x18d: {  	v33 =	vld [tilespmem:s20+$0xA30]  }
0x18e: {  	v34 =	vld [tilespmem:s20+$0x8A30]  }
0x18f: {  	v16 =	vmul.f32 v17, v16;
	v17 =	vmul.f32 v30, v29;
	_ =	sdelay $0x1  }
0x190: {  	v16 =	vadd.f32 v17, v16;
	v17 =	vmul.f32 v32, v31;
	_ =	sdelay $0x1  }
0x191: {  	v16 =	vadd.f32 v17, v16;
	v17 =	vmul.f32 v34, v33;
	_ =	sdelay $0x1  }
0x192: {  	v16 =	vadd.f32 v17, v16;
	_ =	sdelay $0x1  }
0x193: {  	[tilespmem:$0x106C0] =	vst v16  }
0x194: {  	v16 =	vld [tilespmem:s20+$0xA80]  }
0x195: {  	v17 =	vld [tilespmem:s20+$0x8A80]  }
0x196: {  	v35 =	vld [tilespmem:s20+$0xA90]  }
0x197: {  	v36 =	vld [tilespmem:s20+$0x8A90]  }
0x198: {  	v37 =	vld [tilespmem:s20+$0xAA0]  }
0x199: {  	v38 =	vld [tilespmem:s20+$0x8AA0]  }
0x19a: {  	v39 =	vld [tilespmem:s20+$0xAB0]  }
0x19b: {  	v40 =	vld [tilespmem:s20+$0x8AB0]  }
0x19c: {  	v16 =	vmul.f32 v17, v16;
	v17 =	vmul.f32 v36, v35;
	_ =	sdelay $0x1  }
0x19d: {  	v16 =	vadd.f32 v17, v16;
	v17 =	vmul.f32 v38, v37;
	_ =	sdelay $0x1  }
0x19e: {  	v16 =	vadd.f32 v17, v16;
	v17 =	vmul.f32 v40, v39;
	_ =	sdelay $0x1  }
0x19f: {  	v16 =	vadd.f32 v17, v16;
	_ =	sdelay $0x1  }
0x1a0: {  	[tilespmem:$0x106D0] =	vst v16  }
0x1a1: {  	v16 =	vld [tilespmem:s20+$0xB00]  }
0x1a2: {  	v17 =	vld [tilespmem:s20+$0x8B00]  }
0x1a3: {  	v41 =	vld [tilespmem:s20+$0xB10]  }
0x1a4: {  	v42 =	vld [tilespmem:s20+$0x8B10]  }
0x1a5: {  	v43 =	vld [tilespmem:s20+$0xB20]  }
0x1a6: {  	v44 =	vld [tilespmem:s20+$0x8B20]  }
0x1a7: {  	v45 =	vld [tilespmem:s20+$0xB30]  }
0x1a8: {  	v46 =	vld [tilespmem:s20+$0x8B30]  }
0x1a9: {  	v16 =	vmul.f32 v17, v16;
	v17 =	vmul.f32 v42, v41;
	_ =	sdelay $0x1  }
0x1aa: {  	v16 =	vadd.f32 v17, v16;
	v17 =	vmul.f32 v44, v43;
	_ =	sdelay $0x1  }
0x1ab: {  	v16 =	vadd.f32 v17, v16;
	v17 =	vmul.f32 v46, v45;
	_ =	sdelay $0x1  }
0x1ac: {  	v16 =	vadd.f32 v17, v16;
	_ =	sdelay $0x1  }
0x1ad: {  	[tilespmem:$0x106E0] =	vst v16  }
0x1ae: {  	v16 =	vld [tilespmem:s20+$0xB80]  }
0x1af: {  	v17 =	vld [tilespmem:s20+$0x8B80]  }
0x1b0: {  	v47 =	vld [tilespmem:s20+$0xB90]  }
0x1b1: {  	v48 =	vld [tilespmem:s20+$0x8B90]  }
0x1b2: {  	v49 =	vld [tilespmem:s20+$0xBA0]  }
0x1b3: {  	v50 =	vld [tilespmem:s20+$0x8BA0]  }
0x1b4: {  	v51 =	vld [tilespmem:s20+$0xBB0]  }
0x1b5: {  	v52 =	vld [tilespmem:s20+$0x8BB0]  }
0x1b6: {  	v16 =	vmul.f32 v17, v16;
	v17 =	vmul.f32 v48, v47;
	_ =	sdelay $0x1  }
0x1b7: {  	v16 =	vadd.f32 v17, v16;
	v17 =	vmul.f32 v50, v49;
	_ =	sdelay $0x1  }
0x1b8: {  	v16 =	vadd.f32 v17, v16;
	v17 =	vmul.f32 v52, v51;
	_ =	sdelay $0x1  }
0x1b9: {  	v16 =	vadd.f32 v17, v16;
	_ =	sdelay $0x1  }
0x1ba: {  	[tilespmem:$0x106F0] =	vst v16  }
0x1bb: {  	v16 =	vld.idx.msk [tilespmem:v0+s12+$0x0], $0xffff  }
0x1bc: {  	v17 =	vld.idx.msk [tilespmem:v1+s12+$0x0], $0xffff;
	_ =	sdelay $0x1  }
0x1bd: {  	v53 =	vld.idx.msk [tilespmem:v2+s12+$0x0], $0xffff;
	_ =	sdelay $0x1  }
0x1be: {  	v54 =	vld.idx.msk [tilespmem:v3+s12+$0x0], $0xffff  }
0x1bf: {  	v16 =	vadd.f32 v17, v16  }
0x1c0: {  	v17 =	vld.idx.msk [tilespmem:v4+s12+$0x0], $0xffff  }
0x1c1: {  	v16 =	vadd.f32 v53, v16  }
0x1c2: {  	v55 =	vld.idx.msk [tilespmem:v5+s12+$0x0], $0xffff  }
0x1c3: {  	v16 =	vadd.f32 v54, v16  }
0x1c4: {  	v56 =	vld.idx.msk [tilespmem:v6+s12+$0x0], $0xffff  }
0x1c5: {  	v16 =	vadd.f32 v17, v16  }
0x1c6: {  	v17 =	vld.idx.msk [tilespmem:v7+s12+$0x0], $0xffff  }
0x1c7: {  	v16 =	vadd.f32 v55, v16  }
0x1c8: {  	v57 =	vld.idx.msk [tilespmem:v8+s12+$0x0], $0xffff  }
0x1c9: {  	v16 =	vadd.f32 v56, v16  }
0x1ca: {  	v58 =	vld.idx.msk [tilespmem:v9+s12+$0x0], $0xffff  }
0x1cb: {  	v16 =	vadd.f32 v17, v16  }
0x1cc: {  	v17 =	vld.idx.msk [tilespmem:v10+s12+$0x0], $0xffff  }
0x1cd: {  	v16 =	vadd.f32 v57, v16  }
0x1ce: {  	v59 =	vld.idx.msk [tilespmem:v11+s12+$0x0], $0xffff  }
0x1cf: {  	v16 =	vadd.f32 v58, v16  }
0x1d0: {  	v60 =	vld.idx.msk [tilespmem:v12+s12+$0x0], $0xffff  }
0x1d1: {  	v16 =	vadd.f32 v17, v16  }
0x1d2: {  	v17 =	vld.idx.msk [tilespmem:v13+s12+$0x0], $0xffff  }
0x1d3: {  	v16 =	vadd.f32 v59, v16  }
0x1d4: {  	v61 =	vld.idx.msk [tilespmem:v14+s12+$0x0], $0xffff  }
0x1d5: {  	v16 =	vadd.f32 v60, v16  }
0x1d6: {  	v62 =	vld.idx.msk [tilespmem:v15+s12+$0x0], $0xffff  }
0x1d7: {  	v16 =	vadd.f32 v17, v16;
	_ =	sdelay $0x1  }
0x1d8: {  	v16 =	vadd.f32 v61, v16;
	_ =	sdelay $0x1  }
0x1d9: {  	v16 =	vadd.f32 v62, v16;
	_ =	sdelay $0x1  }
0x1da: {  	v17 =	vand.u32 $0x7FFFFFFF, v16  }
0x1db: {  	v17 =	vsub.f32 $0.0e+00, v17;
	_ =	sdelay $0x1  }
0x1dc: {  	v17 =	vmul.f32 $1.442695020e+00, v17;
	_ =	sdelay $0x1  }
0x1dd: {  	(erf) = vpow2.f32 v17;
	_ =	sdelay $0x8  }
0x1de: {  	v17 =	vpop (erf)  }
0x1df: {  	v63 =	vadd.f32 $1.000000000e+00, v17;
	_ =	sdelay $0x1  }
0x1e0: {  	(erf) = vrcp.f32 v63;
	_ =	sdelay $0x7  }
0x1e1: {  	p0 =	sne.s32 s19, $0x1E000  }
.Ltmp0:
0x1e2: {  	v18 =	vpop (erf);
	(pc) =	sbr.rel @p0 .LBB2_2-.Ltmp0, $4  }
0x1e3: {  	v17 =	vmul.f32 v18, v17  }
0x1e4: {  	vm0 =	vge.f32 v16, $0.0e+00  }
0x1e5: {  	s16 =	sadd.s32 $0x10, s16;
	v16 =	vsel vm0, v18, v17  }
0x1e6: {  	s17 =	sadd.s32 $0x10, s17;
	s19 =	sadd.s32 $0x2000, s19;
	[tilespmem:s18+$0x0] =	vst v16;
	s18 =	sadd.s32 $0x10, s18  }
0x1e7: {  	s16 =	simm.s32 $0x10500;
	s17 =	simm.s32 $0x300;
	s18 =	simm.s32 $0x100  }
.LBB2_4:
0x1e8: {  	v16 =	vld [tilespmem:s18+$0x0];
	_ =	sdelay $0x1  }
0x1e9: {  	v18 =	vld [tilespmem:s17+$0x0];
	_ =	sdelay $0x2  }
0x1ea: {  	v17 =	vshll.u32 v16, $0x4  }
0x1eb: {  	(v2sf) =	vpush v17, $0x0  }
0x1ec: {  	v16 =	vshll.u32 v18, $0x4  }
0x1ed: {  	(v2sf) =	vpush v16, $0x0;
	_ =	sdelay $0x2  }
0x1ee: {  	(v2sf) =	vpush v17, $0x1;
	_ =	sdelay $0x1  }
0x1ef: {  	(v2sf) =	vpush v16, $0x1;
	_ =	sdelay $0x7  }
0x1f0: {  	s20 =	spop (v2sf);
	(v2sf) =	vpush v17, $0x2;
	_ =	sdelay $0x1  }
0x1f1: {  	s19 =	sshra.s32 s15, $0x2;
	s20 =	sand.u32 $0x1FFFFFF0, s20;
	s30 =	spop (v2sf);
	(v2sf) =	vpush v16, $0x2  }
0x1f2: {  	s21 =	sadd.s32 $0x400, s19;
	s20 =	sadd.s32 s3, s20  }
0x1f3: {  	[tilespmem:s21], [sflag:$0x1] =	stream.linear.gather [hbm4b:s20+s1], $0x80, $0x38;
	[tilespmem:$0x10700] =	vst v63  }
0x1f4: {  	s21 =	spop (v2sf);
	(v2sf) =	vpush v17, $0x3;
	_ =	sdelay $0x1  }
0x1f5: {  	s23 =	spop (v2sf);
	(v2sf) =	vpush v16, $0x3;
	_ =	sdelay $0x7  }
0x1f6: {  	s25 =	spop (v2sf);
	(v2sf) =	vpush v17, $0x4  }
0x1f7: {  	s20 =	sand.u32 $0x1FFFFFF0, s30  }
0x1f8: {  	s31 =	sadd.s32 $0x8400, s19;
	s20 =	sadd.s32 s4, s20;
	s28 =	spop (v2sf);
	(v2sf) =	vpush v16, $0x4  }
0x1f9: {  	[tilespmem:s31], [sflag:$0x2] =	stream.linear.gather [hbm4b:s20+s1], $0x80, $0x38;
	[tilespmem:$0x10700] =	vst v63  }
0x1fa: {  	s20 =	sand.u32 $0x1FFFFFF0, s21  }
0x1fb: {  	s22 =	sadd.s32 $0x480, s19;
	s20 =	sadd.s32 s3, s20;
	s30 =	spop (v2sf);
	(v2sf) =	vpush v17, $0x5  }
0x1fc: {  	[tilespmem:s22], [sflag:$0x1] =	stream.linear.gather [hbm4b:s20+s1], $0x80, $0x38;
	[tilespmem:$0x10700] =	vst v63  }
0x1fd: {  	s21 =	spop (v2sf);
	(v2sf) =	vpush v16, $0x5  }
0x1fe: {  	s20 =	sand.u32 $0x1FFFFFF0, s23  }
0x1ff: {  	s24 =	sadd.s32 $0x8480, s19;
	s20 =	sadd.s32 s4, s20  }
0x200: {  	[tilespmem:s24], [sflag:$0x2] =	stream.linear.gather [hbm4b:s20+s1], $0x80, $0x38;
	[tilespmem:$0x10700] =	vst v63  }
0x201: {  	s20 =	sand.u32 $0x1FFFFFF0, s25  }
0x202: {  	s26 =	sadd.s32 $0x500, s19;
	s20 =	sadd.s32 s3, s20  }
0x203: {  	[tilespmem:s26], [sflag:$0x1] =	stream.linear.gather [hbm4b:s20+s1], $0x80, $0x38;
	[tilespmem:$0x10700] =	vst v63  }
0x204: {  	s20 =	sand.u32 $0x1FFFFFF0, s28  }
0x205: {  	s29 =	sadd.s32 $0x8500, s19;
	s20 =	sadd.s32 s4, s20;
	s23 =	spop (v2sf);
	(v2sf) =	vpush v17, $0x6  }
0x206: {  	[tilespmem:s29], [sflag:$0x2] =	stream.linear.gather [hbm4b:s20+s1], $0x80, $0x38;
	[tilespmem:$0x10700] =	vst v63  }
0x207: {  	s20 =	sand.u32 $0x1FFFFFF0, s30;
	s25 =	spop (v2sf);
	(v2sf) =	vpush v16, $0x6  }
0x208: {  	s31 =	sadd.s32 $0x580, s19;
	s20 =	sadd.s32 s3, s20  }
0x209: {  	[tilespmem:s31], [sflag:$0x1] =	stream.linear.gather [hbm4b:s20+s1], $0x80, $0x38;
	[tilespmem:$0x10700] =	vst v63  }
0x20a: {  	s28 =	spop (v2sf);
	(v2sf) =	vpush v17, $0x7  }
0x20b: {  	s20 =	sand.u32 $0x1FFFFFF0, s21  }
0x20c: {  	s22 =	sadd.s32 $0x8580, s19;
	s20 =	sadd.s32 s4, s20;
	s30 =	spop (v2sf);
	(v2sf) =	vpush v16, $0x7  }
0x20d: {  	[tilespmem:s22], [sflag:$0x2] =	stream.linear.gather [hbm4b:s20+s1], $0x80, $0x38;
	[tilespmem:$0x10700] =	vst v63  }
0x20e: {  	s20 =	sand.u32 $0x1FFFFFF0, s23  }
0x20f: {  	s24 =	sadd.s32 $0x600, s19;
	s20 =	sadd.s32 s3, s20  }
0x210: {  	[tilespmem:s24], [sflag:$0x1] =	stream.linear.gather [hbm4b:s20+s1], $0x80, $0x38;
	[tilespmem:$0x10700] =	vst v63  }
0x211: {  	s20 =	sand.u32 $0x1FFFFFF0, s25  }
0x212: {  	s26 =	sadd.s32 $0x8600, s19;
	s20 =	sadd.s32 s4, s20  }
0x213: {  	[tilespmem:s26], [sflag:$0x2] =	stream.linear.gather [hbm4b:s20+s1], $0x80, $0x38;
	[tilespmem:$0x10700] =	vst v63  }
0x214: {  	s21 =	spop (v2sf);
	(v2sf) =	vpush v17, $0x8  }
0x215: {  	s20 =	sand.u32 $0x1FFFFFF0, s28  }
0x216: {  	s29 =	sadd.s32 $0x680, s19;
	s20 =	sadd.s32 s3, s20;
	s23 =	spop (v2sf);
	(v2sf) =	vpush v16, $0x8  }
0x217: {  	[tilespmem:s29], [sflag:$0x1] =	stream.linear.gather [hbm4b:s20+s1], $0x80, $0x38;
	[tilespmem:$0x10700] =	vst v63  }
0x218: {  	s20 =	sand.u32 $0x1FFFFFF0, s30  }
0x219: {  	s31 =	sadd.s32 $0x8680, s19;
	s20 =	sadd.s32 s4, s20;
	s25 =	spop (v2sf);
	(v2sf) =	vpush v17, $0x9  }
0x21a: {  	[tilespmem:s31], [sflag:$0x2] =	stream.linear.gather [hbm4b:s20+s1], $0x80, $0x38;
	[tilespmem:$0x10700] =	vst v63  }
0x21b: {  	s28 =	spop (v2sf);
	(v2sf) =	vpush v16, $0x9  }
0x21c: {  	s20 =	sand.u32 $0x1FFFFFF0, s21  }
0x21d: {  	s22 =	sadd.s32 $0x700, s19;
	s20 =	sadd.s32 s3, s20  }
0x21e: {  	[tilespmem:s22], [sflag:$0x1] =	stream.linear.gather [hbm4b:s20+s1], $0x80, $0x38;
	[tilespmem:$0x10700] =	vst v63  }
0x21f: {  	s20 =	sand.u32 $0x1FFFFFF0, s23  }
0x220: {  	s24 =	sadd.s32 $0x8700, s19;
	s20 =	sadd.s32 s4, s20  }
0x221: {  	[tilespmem:s24], [sflag:$0x2] =	stream.linear.gather [hbm4b:s20+s1], $0x80, $0x38;
	[tilespmem:$0x10700] =	vst v63  }
0x222: {  	s20 =	sand.u32 $0x1FFFFFF0, s25  }
0x223: {  	s26 =	sadd.s32 $0x780, s19;
	s20 =	sadd.s32 s3, s20;
	s30 =	spop (v2sf);
	(v2sf) =	vpush v17, $0xA  }
0x224: {  	[tilespmem:s26], [sflag:$0x1] =	stream.linear.gather [hbm4b:s20+s1], $0x80, $0x38;
	[tilespmem:$0x10700] =	vst v63  }
0x225: {  	s20 =	sand.u32 $0x1FFFFFF0, s28;
	s21 =	spop (v2sf);
	(v2sf) =	vpush v16, $0xA  }
0x226: {  	s29 =	sadd.s32 $0x8780, s19;
	s20 =	sadd.s32 s4, s20  }
0x227: {  	[tilespmem:s29], [sflag:$0x2] =	stream.linear.gather [hbm4b:s20+s1], $0x80, $0x38;
	[tilespmem:$0x10700] =	vst v63  }
0x228: {  	s23 =	spop (v2sf);
	(v2sf) =	vpush v17, $0xB  }
0x229: {  	s20 =	sand.u32 $0x1FFFFFF0, s30  }
0x22a: {  	s31 =	sadd.s32 $0x800, s19;
	s20 =	sadd.s32 s3, s20;
	s25 =	spop (v2sf);
	(v2sf) =	vpush v16, $0xB  }
0x22b: {  	[tilespmem:s31], [sflag:$0x1] =	stream.linear.gather [hbm4b:s20+s1], $0x80, $0x38;
	[tilespmem:$0x10700] =	vst v63  }
0x22c: {  	s20 =	sand.u32 $0x1FFFFFF0, s21  }
0x22d: {  	s22 =	sadd.s32 $0x8800, s19;
	s20 =	sadd.s32 s4, s20  }
0x22e: {  	[tilespmem:s22], [sflag:$0x2] =	stream.linear.gather [hbm4b:s20+s1], $0x80, $0x38;
	[tilespmem:$0x10700] =	vst v63  }
0x22f: {  	s20 =	sand.u32 $0x1FFFFFF0, s23  }
0x230: {  	s24 =	sadd.s32 $0x880, s19;
	s20 =	sadd.s32 s3, s20  }
0x231: {  	[tilespmem:s24], [sflag:$0x1] =	stream.linear.gather [hbm4b:s20+s1], $0x80, $0x38;
	[tilespmem:$0x10700] =	vst v63  }
0x232: {  	s28 =	spop (v2sf);
	(v2sf) =	vpush v17, $0xC  }
0x233: {  	s20 =	sand.u32 $0x1FFFFFF0, s25  }
0x234: {  	s26 =	sadd.s32 $0x8880, s19;
	s20 =	sadd.s32 s4, s20;
	s30 =	spop (v2sf);
	(v2sf) =	vpush v16, $0xC  }
0x235: {  	[tilespmem:s26], [sflag:$0x2] =	stream.linear.gather [hbm4b:s20+s1], $0x80, $0x38;
	[tilespmem:$0x10700] =	vst v63  }
0x236: {  	s20 =	sand.u32 $0x1FFFFFF0, s28  }
0x237: {  	s29 =	sadd.s32 $0x900, s19;
	s20 =	sadd.s32 s3, s20;
	s21 =	spop (v2sf);
	(v2sf) =	vpush v17, $0xD  }
0x238: {  	[tilespmem:s29], [sflag:$0x1] =	stream.linear.gather [hbm4b:s20+s1], $0x80, $0x38;
	[tilespmem:$0x10700] =	vst v63  }
0x239: {  	s23 =	spop (v2sf);
	(v2sf) =	vpush v16, $0xD  }
0x23a: {  	s20 =	sand.u32 $0x1FFFFFF0, s30  }
0x23b: {  	s31 =	sadd.s32 $0x8900, s19;
	s20 =	sadd.s32 s4, s20  }
0x23c: {  	[tilespmem:s31], [sflag:$0x2] =	stream.linear.gather [hbm4b:s20+s1], $0x80, $0x38;
	[tilespmem:$0x10700] =	vst v63  }
0x23d: {  	s20 =	sand.u32 $0x1FFFFFF0, s21  }
0x23e: {  	s22 =	sadd.s32 $0x980, s19;
	s20 =	sadd.s32 s3, s20  }
0x23f: {  	[tilespmem:s22], [sflag:$0x1] =	stream.linear.gather [hbm4b:s20+s1], $0x80, $0x38;
	[tilespmem:$0x10700] =	vst v63  }
0x240: {  	s20 =	sand.u32 $0x1FFFFFF0, s23  }
0x241: {  	s24 =	sadd.s32 $0x8980, s19;
	s20 =	sadd.s32 s4, s20;
	s25 =	spop (v2sf);
	(v2sf) =	vpush v17, $0xE  }
0x242: {  	[tilespmem:s24], [sflag:$0x2] =	stream.linear.gather [hbm4b:s20+s1], $0x80, $0x38;
	[tilespmem:$0x10700] =	vst v63  }
0x243: {  	s20 =	sand.u32 $0x1FFFFFF0, s25;
	s28 =	spop (v2sf);
	(v2sf) =	vpush v16, $0xE  }
0x244: {  	s26 =	sadd.s32 $0xA00, s19;
	s20 =	sadd.s32 s3, s20  }
0x245: {  	[tilespmem:s26], [sflag:$0x1] =	stream.linear.gather [hbm4b:s20+s1], $0x80, $0x38;
	[tilespmem:$0x10700] =	vst v63  }
0x246: {  	s30 =	spop (v2sf);
	(v2sf) =	vpush v17, $0xF  }
0x247: {  	s20 =	sand.u32 $0x1FFFFFF0, s28  }
0x248: {  	s29 =	sadd.s32 $0x8A00, s19;
	s20 =	sadd.s32 s4, s20;
	s21 =	spop (v2sf)  }
0x249: {  	(v2sf) =	vpush v16, $0xF;
	[tilespmem:s29], [sflag:$0x2] =	stream.linear.gather [hbm4b:s20+s1], $0x80, $0x38;
	[tilespmem:$0x10700] =	vst v63  }
0x24a: {  	s20 =	sand.u32 $0x1FFFFFF0, s30  }
0x24b: {  	s31 =	sadd.s32 $0xA80, s19;
	s20 =	sadd.s32 s3, s20  }
0x24c: {  	[tilespmem:s31], [sflag:$0x1] =	stream.linear.gather [hbm4b:s20+s1], $0x80, $0x38;
	[tilespmem:$0x10700] =	vst v63  }
0x24d: {  	s20 =	sand.u32 $0x1FFFFFF0, s21  }
0x24e: {  	s22 =	sadd.s32 $0x8A80, s19;
	s20 =	sadd.s32 s4, s20  }
0x24f: {  	[tilespmem:s22], [sflag:$0x2] =	stream.linear.gather [hbm4b:s20+s1], $0x80, $0x38;
	[tilespmem:$0x10700] =	vst v63  }
0x250: {  	s23 =	spop (v2sf)  }
0x251: {  	s20 =	sand.u32 $0x1FFFFFF0, s23  }
0x252: {  	s24 =	sadd.s32 $0xB00, s19;
	s25 =	spop (v2sf);
	s20 =	sadd.s32 s3, s20  }
0x253: {  	[tilespmem:s24], [sflag:$0x1] =	stream.linear.gather [hbm4b:s20+s1], $0x80, $0x38;
	[tilespmem:$0x10700] =	vst v63  }
0x254: {  	s20 =	sand.u32 $0x1FFFFFF0, s25  }
0x255: {  	s26 =	sadd.s32 $0x8B00, s19;
	s28 =	spop (v2sf);
	s20 =	sadd.s32 s4, s20  }
0x256: {  	[tilespmem:s26], [sflag:$0x2] =	stream.linear.gather [hbm4b:s20+s1], $0x80, $0x38;
	[tilespmem:$0x10700] =	vst v63  }
0x257: {  	s20 =	sand.u32 $0x1FFFFFF0, s28  }
0x258: {  	s29 =	sadd.s32 $0xB80, s19;
	s30 =	spop (v2sf);
	s20 =	sadd.s32 s3, s20  }
0x259: {  	[tilespmem:s29], [sflag:$0x1] =	stream.linear.gather [hbm4b:s20+s1], $0x80, $0x38;
	[tilespmem:$0x10700] =	vst v63  }
0x25a: {  	s20 =	sand.u32 $0x1FFFFFF0, s30  }
0x25b: {  	s31 =	sadd.s32 $0x8B80, s19;
	s20 =	sadd.s32 s4, s20  }
0x25c: {  	[tilespmem:s31], [sflag:$0x2] =	stream.linear.gather [hbm4b:s20+s1], $0x80, $0x38;
	[tilespmem:$0x10700] =	vst v63  }
0x25d: {  	_ =	swait.ge [sflag:s10], $0x80  }
0x25e: {  	[sflag:s10] =	ssyncset.done $0x0  }
0x25f: {  	[sflag:s10] =	ssyncadd.s32 $0xFFFFFF80  }
0x260: {  	_ =	swait.ge [sflag:s11], $0x80  }
0x261: {  	[sflag:s11] =	ssyncset.done $0x0  }
0x262: {  	[sflag:s11] =	ssyncadd.s32 $0xFFFFFF80  }
0x263: {  	_ =	swait.ge [sflag:s10], $0x80  }
0x264: {  	[sflag:s10] =	ssyncset.done $0x0  }
0x265: {  	[sflag:s10] =	ssyncadd.s32 $0xFFFFFF80  }
0x266: {  	_ =	swait.ge [sflag:s11], $0x80  }
0x267: {  	[sflag:s11] =	ssyncset.done $0x0  }
0x268: {  	[sflag:s11] =	ssyncadd.s32 $0xFFFFFF80  }
0x269: {  	_ =	swait.ge [sflag:s10], $0x80  }
0x26a: {  	[sflag:s10] =	ssyncset.done $0x0  }
0x26b: {  	[sflag:s10] =	ssyncadd.s32 $0xFFFFFF80  }
0x26c: {  	_ =	swait.ge [sflag:s11], $0x80  }
0x26d: {  	[sflag:s11] =	ssyncset.done $0x0  }
0x26e: {  	[sflag:s11] =	ssyncadd.s32 $0xFFFFFF80  }
0x26f: {  	_ =	swait.ge [sflag:s10], $0x80  }
0x270: {  	[sflag:s10] =	ssyncset.done $0x0  }
0x271: {  	[sflag:s10] =	ssyncadd.s32 $0xFFFFFF80  }
0x272: {  	_ =	swait.ge [sflag:s11], $0x80  }
0x273: {  	[sflag:s11] =	ssyncset.done $0x0  }
0x274: {  	[sflag:s11] =	ssyncadd.s32 $0xFFFFFF80  }
0x275: {  	_ =	swait.ge [sflag:s10], $0x80  }
0x276: {  	[sflag:s10] =	ssyncset.done $0x0  }
0x277: {  	[sflag:s10] =	ssyncadd.s32 $0xFFFFFF80  }
0x278: {  	_ =	swait.ge [sflag:s11], $0x80  }
0x279: {  	[sflag:s11] =	ssyncset.done $0x0  }
0x27a: {  	[sflag:s11] =	ssyncadd.s32 $0xFFFFFF80  }
0x27b: {  	_ =	swait.ge [sflag:s10], $0x80  }
0x27c: {  	[sflag:s10] =	ssyncset.done $0x0  }
0x27d: {  	[sflag:s10] =	ssyncadd.s32 $0xFFFFFF80  }
0x27e: {  	_ =	swait.ge [sflag:s11], $0x80  }
0x27f: {  	[sflag:s11] =	ssyncset.done $0x0  }
0x280: {  	[sflag:s11] =	ssyncadd.s32 $0xFFFFFF80  }
0x281: {  	_ =	swait.ge [sflag:s10], $0x80  }
0x282: {  	[sflag:s10] =	ssyncset.done $0x0  }
0x283: {  	[sflag:s10] =	ssyncadd.s32 $0xFFFFFF80  }
0x284: {  	_ =	swait.ge [sflag:s11], $0x80  }
0x285: {  	[sflag:s11] =	ssyncset.done $0x0  }
0x286: {  	[sflag:s11] =	ssyncadd.s32 $0xFFFFFF80  }
0x287: {  	_ =	swait.ge [sflag:s10], $0x80  }
0x288: {  	[sflag:s10] =	ssyncset.done $0x0  }
0x289: {  	[sflag:s10] =	ssyncadd.s32 $0xFFFFFF80  }
0x28a: {  	_ =	swait.ge [sflag:s11], $0x80  }
0x28b: {  	[sflag:s11] =	ssyncset.done $0x0  }
0x28c: {  	[sflag:s11] =	ssyncadd.s32 $0xFFFFFF80  }
0x28d: {  	_ =	swait.ge [sflag:s10], $0x80  }
0x28e: {  	[sflag:s10] =	ssyncset.done $0x0  }
0x28f: {  	[sflag:s10] =	ssyncadd.s32 $0xFFFFFF80  }
0x290: {  	_ =	swait.ge [sflag:s11], $0x80  }
0x291: {  	[sflag:s11] =	ssyncset.done $0x0  }
0x292: {  	[sflag:s11] =	ssyncadd.s32 $0xFFFFFF80  }
0x293: {  	_ =	swait.ge [sflag:s10], $0x80  }
0x294: {  	[sflag:s10] =	ssyncset.done $0x0  }
0x295: {  	[sflag:s10] =	ssyncadd.s32 $0xFFFFFF80  }
0x296: {  	_ =	swait.ge [sflag:s11], $0x80  }
0x297: {  	[sflag:s11] =	ssyncset.done $0x0  }
0x298: {  	[sflag:s11] =	ssyncadd.s32 $0xFFFFFF80  }
0x299: {  	_ =	swait.ge [sflag:s10], $0x80  }
0x29a: {  	[sflag:s10] =	ssyncset.done $0x0  }
0x29b: {  	[sflag:s10] =	ssyncadd.s32 $0xFFFFFF80  }
0x29c: {  	_ =	swait.ge [sflag:s11], $0x80  }
0x29d: {  	[sflag:s11] =	ssyncset.done $0x0  }
0x29e: {  	[sflag:s11] =	ssyncadd.s32 $0xFFFFFF80  }
0x29f: {  	_ =	swait.ge [sflag:s10], $0x80  }
0x2a0: {  	[sflag:s10] =	ssyncset.done $0x0  }
0x2a1: {  	[sflag:s10] =	ssyncadd.s32 $0xFFFFFF80  }
0x2a2: {  	_ =	swait.ge [sflag:s11], $0x80  }
0x2a3: {  	[sflag:s11] =	ssyncset.done $0x0  }
0x2a4: {  	[sflag:s11] =	ssyncadd.s32 $0xFFFFFF80  }
0x2a5: {  	_ =	swait.ge [sflag:s10], $0x80  }
0x2a6: {  	[sflag:s10] =	ssyncset.done $0x0  }
0x2a7: {  	[sflag:s10] =	ssyncadd.s32 $0xFFFFFF80  }
0x2a8: {  	_ =	swait.ge [sflag:s11], $0x80  }
0x2a9: {  	[sflag:s11] =	ssyncset.done $0x0  }
0x2aa: {  	[sflag:s11] =	ssyncadd.s32 $0xFFFFFF80  }
0x2ab: {  	_ =	swait.ge [sflag:s10], $0x80  }
0x2ac: {  	[sflag:s10] =	ssyncset.done $0x0  }
0x2ad: {  	[sflag:s10] =	ssyncadd.s32 $0xFFFFFF80  }
0x2ae: {  	_ =	swait.ge [sflag:s11], $0x80  }
0x2af: {  	[sflag:s11] =	ssyncset.done $0x0  }
0x2b0: {  	[sflag:s11] =	ssyncadd.s32 $0xFFFFFF80  }
0x2b1: {  	_ =	swait.ge [sflag:s10], $0x80  }
0x2b2: {  	[sflag:s10] =	ssyncset.done $0x0  }
0x2b3: {  	[sflag:s10] =	ssyncadd.s32 $0xFFFFFF80  }
0x2b4: {  	_ =	swait.ge [sflag:s11], $0x80  }
0x2b5: {  	[sflag:s11] =	ssyncset.done $0x0  }
0x2b6: {  	[sflag:s11] =	ssyncadd.s32 $0xFFFFFF80  }
0x2b7: {  	_ =	swait.ge [sflag:s10], $0x80  }
0x2b8: {  	[sflag:s10] =	ssyncset.done $0x0  }
0x2b9: {  	[sflag:s10] =	ssyncadd.s32 $0xFFFFFF80  }
0x2ba: {  	_ =	swait.ge [sflag:s11], $0x80  }
0x2bb: {  	[sflag:s11] =	ssyncset.done $0x0  }
0x2bc: {  	[sflag:s11] =	ssyncadd.s32 $0xFFFFFF80  }
0x2bd: {  	v16 =	vld [tilespmem:s19+$0x400]  }
0x2be: {  	v17 =	vld [tilespmem:s19+$0x8400]  }
0x2bf: {  	v42 =	vld [tilespmem:s19+$0x410]  }
0x2c0: {  	v19 =	vld [tilespmem:s19+$0x8410]  }
0x2c1: {  	v20 =	vld [tilespmem:s19+$0x420]  }
0x2c2: {  	v21 =	vld [tilespmem:s19+$0x8420]  }
0x2c3: {  	v22 =	vld [tilespmem:s19+$0x430]  }
0x2c4: {  	v23 =	vld [tilespmem:s19+$0x8430]  }
0x2c5: {  	v16 =	vmul.f32 v17, v16;
	v17 =	vmul.f32 v19, v42;
	_ =	sdelay $0x1  }
0x2c6: {  	v16 =	vadd.f32 v17, v16;
	v17 =	vmul.f32 v21, v20;
	_ =	sdelay $0x1  }
0x2c7: {  	v16 =	vadd.f32 v17, v16;
	v17 =	vmul.f32 v23, v22;
	_ =	sdelay $0x1  }
0x2c8: {  	v16 =	vadd.f32 v17, v16;
	_ =	sdelay $0x1  }
0x2c9: {  	[tilespmem:$0x10600] =	vst v16  }
0x2ca: {  	v16 =	vld [tilespmem:s19+$0x480]  }
0x2cb: {  	v17 =	vld [tilespmem:s19+$0x8480]  }
0x2cc: {  	v43 =	vld [tilespmem:s19+$0x490]  }
0x2cd: {  	v44 =	vld [tilespmem:s19+$0x8490]  }
0x2ce: {  	v45 =	vld [tilespmem:s19+$0x4A0]  }
0x2cf: {  	v46 =	vld [tilespmem:s19+$0x84A0]  }
0x2d0: {  	v47 =	vld [tilespmem:s19+$0x4B0]  }
0x2d1: {  	v48 =	vld [tilespmem:s19+$0x84B0]  }
0x2d2: {  	v16 =	vmul.f32 v17, v16;
	v17 =	vmul.f32 v44, v43;
	_ =	sdelay $0x1  }
0x2d3: {  	v16 =	vadd.f32 v17, v16;
	v17 =	vmul.f32 v46, v45;
	_ =	sdelay $0x1  }
0x2d4: {  	v16 =	vadd.f32 v17, v16;
	v17 =	vmul.f32 v48, v47;
	_ =	sdelay $0x1  }
0x2d5: {  	v16 =	vadd.f32 v17, v16;
	_ =	sdelay $0x1  }
0x2d6: {  	[tilespmem:$0x10610] =	vst v16  }
0x2d7: {  	v16 =	vld [tilespmem:s19+$0x500]  }
0x2d8: {  	v17 =	vld [tilespmem:s19+$0x8500]  }
0x2d9: {  	v49 =	vld [tilespmem:s19+$0x510]  }
0x2da: {  	v50 =	vld [tilespmem:s19+$0x8510]  }
0x2db: {  	v51 =	vld [tilespmem:s19+$0x520]  }
0x2dc: {  	v52 =	vld [tilespmem:s19+$0x8520]  }
0x2dd: {  	v53 =	vld [tilespmem:s19+$0x530]  }
0x2de: {  	v54 =	vld [tilespmem:s19+$0x8530]  }
0x2df: {  	v16 =	vmul.f32 v17, v16;
	v17 =	vmul.f32 v50, v49;
	_ =	sdelay $0x1  }
0x2e0: {  	v16 =	vadd.f32 v17, v16;
	v17 =	vmul.f32 v52, v51;
	_ =	sdelay $0x1  }
0x2e1: {  	v16 =	vadd.f32 v17, v16;
	v17 =	vmul.f32 v54, v53;
	_ =	sdelay $0x1  }
0x2e2: {  	v16 =	vadd.f32 v17, v16;
	_ =	sdelay $0x1  }
0x2e3: {  	[tilespmem:$0x10620] =	vst v16  }
0x2e4: {  	v16 =	vld [tilespmem:s19+$0x580]  }
0x2e5: {  	v17 =	vld [tilespmem:s19+$0x8580]  }
0x2e6: {  	v55 =	vld [tilespmem:s19+$0x590]  }
0x2e7: {  	v56 =	vld [tilespmem:s19+$0x8590]  }
0x2e8: {  	v57 =	vld [tilespmem:s19+$0x5A0]  }
0x2e9: {  	v58 =	vld [tilespmem:s19+$0x85A0]  }
0x2ea: {  	v59 =	vld [tilespmem:s19+$0x5B0]  }
0x2eb: {  	v60 =	vld [tilespmem:s19+$0x85B0]  }
0x2ec: {  	v16 =	vmul.f32 v17, v16;
	v17 =	vmul.f32 v56, v55;
	_ =	sdelay $0x1  }
0x2ed: {  	v16 =	vadd.f32 v17, v16;
	v17 =	vmul.f32 v58, v57;
	_ =	sdelay $0x1  }
0x2ee: {  	v16 =	vadd.f32 v17, v16;
	v17 =	vmul.f32 v60, v59;
	_ =	sdelay $0x1  }
0x2ef: {  	v16 =	vadd.f32 v17, v16;
	_ =	sdelay $0x1  }
0x2f0: {  	[tilespmem:$0x10630] =	vst v16  }
0x2f1: {  	v16 =	vld [tilespmem:s19+$0x600]  }
0x2f2: {  	v17 =	vld [tilespmem:s19+$0x8600]  }
0x2f3: {  	v61 =	vld [tilespmem:s19+$0x610]  }
0x2f4: {  	v62 =	vld [tilespmem:s19+$0x8610]  }
0x2f5: {  	v63 =	vld [tilespmem:s19+$0x620]  }
0x2f6: {  	v24 =	vld [tilespmem:s19+$0x8620]  }
0x2f7: {  	v25 =	vld [tilespmem:s19+$0x630]  }
0x2f8: {  	v26 =	vld [tilespmem:s19+$0x8630]  }
0x2f9: {  	v16 =	vmul.f32 v17, v16;
	v17 =	vmul.f32 v62, v61;
	_ =	sdelay $0x1  }
0x2fa: {  	v16 =	vadd.f32 v17, v16;
	v17 =	vmul.f32 v24, v63;
	_ =	sdelay $0x1  }
0x2fb: {  	v16 =	vadd.f32 v17, v16;
	v17 =	vmul.f32 v26, v25;
	_ =	sdelay $0x1  }
0x2fc: {  	v16 =	vadd.f32 v17, v16;
	_ =	sdelay $0x1  }
0x2fd: {  	[tilespmem:$0x10640] =	vst v16  }
0x2fe: {  	v16 =	vld [tilespmem:s19+$0x680]  }
0x2ff: {  	v17 =	vld [tilespmem:s19+$0x8680]  }
0x300: {  	v27 =	vld [tilespmem:s19+$0x690]  }
0x301: {  	v28 =	vld [tilespmem:s19+$0x8690]  }
0x302: {  	v29 =	vld [tilespmem:s19+$0x6A0]  }
0x303: {  	v30 =	vld [tilespmem:s19+$0x86A0]  }
0x304: {  	v31 =	vld [tilespmem:s19+$0x6B0]  }
0x305: {  	v32 =	vld [tilespmem:s19+$0x86B0]  }
0x306: {  	v16 =	vmul.f32 v17, v16;
	v17 =	vmul.f32 v28, v27;
	_ =	sdelay $0x1  }
0x307: {  	v16 =	vadd.f32 v17, v16;
	v17 =	vmul.f32 v30, v29;
	_ =	sdelay $0x1  }
0x308: {  	v16 =	vadd.f32 v17, v16;
	v17 =	vmul.f32 v32, v31;
	_ =	sdelay $0x1  }
0x309: {  	v16 =	vadd.f32 v17, v16;
	_ =	sdelay $0x1  }
0x30a: {  	[tilespmem:$0x10650] =	vst v16  }
0x30b: {  	v16 =	vld [tilespmem:s19+$0x700]  }
0x30c: {  	v17 =	vld [tilespmem:s19+$0x8700]  }
0x30d: {  	v33 =	vld [tilespmem:s19+$0x710]  }
0x30e: {  	v34 =	vld [tilespmem:s19+$0x8710]  }
0x30f: {  	v35 =	vld [tilespmem:s19+$0x720]  }
0x310: {  	v36 =	vld [tilespmem:s19+$0x8720]  }
0x311: {  	v37 =	vld [tilespmem:s19+$0x730]  }
0x312: {  	v38 =	vld [tilespmem:s19+$0x8730]  }
0x313: {  	v16 =	vmul.f32 v17, v16;
	v17 =	vmul.f32 v34, v33;
	_ =	sdelay $0x1  }
0x314: {  	v16 =	vadd.f32 v17, v16;
	v17 =	vmul.f32 v36, v35;
	_ =	sdelay $0x1  }
0x315: {  	v16 =	vadd.f32 v17, v16;
	v17 =	vmul.f32 v38, v37;
	_ =	sdelay $0x1  }
0x316: {  	v16 =	vadd.f32 v17, v16;
	_ =	sdelay $0x1  }
0x317: {  	[tilespmem:$0x10660] =	vst v16  }
0x318: {  	v16 =	vld [tilespmem:s19+$0x780]  }
0x319: {  	v17 =	vld [tilespmem:s19+$0x8780]  }
0x31a: {  	v39 =	vld [tilespmem:s19+$0x790]  }
0x31b: {  	v40 =	vld [tilespmem:s19+$0x8790]  }
0x31c: {  	v41 =	vld [tilespmem:s19+$0x7A0]  }
0x31d: {  	v42 =	vld [tilespmem:s19+$0x87A0]  }
0x31e: {  	v43 =	vld [tilespmem:s19+$0x7B0]  }
0x31f: {  	v44 =	vld [tilespmem:s19+$0x87B0]  }
0x320: {  	v16 =	vmul.f32 v17, v16;
	v17 =	vmul.f32 v40, v39;
	_ =	sdelay $0x1  }
0x321: {  	v16 =	vadd.f32 v17, v16;
	v17 =	vmul.f32 v42, v41;
	_ =	sdelay $0x1  }
0x322: {  	v16 =	vadd.f32 v17, v16;
	v17 =	vmul.f32 v44, v43;
	_ =	sdelay $0x1  }
0x323: {  	v16 =	vadd.f32 v17, v16;
	_ =	sdelay $0x1  }
0x324: {  	[tilespmem:$0x10670] =	vst v16  }
0x325: {  	v16 =	vld [tilespmem:s19+$0x800]  }
0x326: {  	v17 =	vld [tilespmem:s19+$0x8800]  }
0x327: {  	v45 =	vld [tilespmem:s19+$0x810]  }
0x328: {  	v46 =	vld [tilespmem:s19+$0x8810]  }
0x329: {  	v47 =	vld [tilespmem:s19+$0x820]  }
0x32a: {  	v48 =	vld [tilespmem:s19+$0x8820]  }
0x32b: {  	v49 =	vld [tilespmem:s19+$0x830]  }
0x32c: {  	v50 =	vld [tilespmem:s19+$0x8830]  }
0x32d: {  	v16 =	vmul.f32 v17, v16;
	v17 =	vmul.f32 v46, v45;
	_ =	sdelay $0x1  }
0x32e: {  	v16 =	vadd.f32 v17, v16;
	v17 =	vmul.f32 v48, v47;
	_ =	sdelay $0x1  }
0x32f: {  	v16 =	vadd.f32 v17, v16;
	v17 =	vmul.f32 v50, v49;
	_ =	sdelay $0x1  }
0x330: {  	v16 =	vadd.f32 v17, v16;
	_ =	sdelay $0x1  }
0x331: {  	[tilespmem:$0x10680] =	vst v16  }
0x332: {  	v16 =	vld [tilespmem:s19+$0x880]  }
0x333: {  	v17 =	vld [tilespmem:s19+$0x8880]  }
0x334: {  	v51 =	vld [tilespmem:s19+$0x890]  }
0x335: {  	v52 =	vld [tilespmem:s19+$0x8890]  }
0x336: {  	v53 =	vld [tilespmem:s19+$0x8A0]  }
0x337: {  	v54 =	vld [tilespmem:s19+$0x88A0]  }
0x338: {  	v55 =	vld [tilespmem:s19+$0x8B0]  }
0x339: {  	v56 =	vld [tilespmem:s19+$0x88B0]  }
0x33a: {  	v16 =	vmul.f32 v17, v16;
	v17 =	vmul.f32 v52, v51;
	_ =	sdelay $0x1  }
0x33b: {  	v16 =	vadd.f32 v17, v16;
	v17 =	vmul.f32 v54, v53;
	_ =	sdelay $0x1  }
0x33c: {  	v16 =	vadd.f32 v17, v16;
	v17 =	vmul.f32 v56, v55;
	_ =	sdelay $0x1  }
0x33d: {  	v16 =	vadd.f32 v17, v16;
	_ =	sdelay $0x1  }
0x33e: {  	[tilespmem:$0x10690] =	vst v16  }
0x33f: {  	v16 =	vld [tilespmem:s19+$0x900]  }
0x340: {  	v17 =	vld [tilespmem:s19+$0x8900]  }
0x341: {  	v57 =	vld [tilespmem:s19+$0x910]  }
0x342: {  	v58 =	vld [tilespmem:s19+$0x8910]  }
0x343: {  	v59 =	vld [tilespmem:s19+$0x920]  }
0x344: {  	v60 =	vld [tilespmem:s19+$0x8920]  }
0x345: {  	v61 =	vld [tilespmem:s19+$0x930]  }
0x346: {  	v62 =	vld [tilespmem:s19+$0x8930]  }
0x347: {  	v16 =	vmul.f32 v17, v16;
	v17 =	vmul.f32 v58, v57;
	_ =	sdelay $0x1  }
0x348: {  	v16 =	vadd.f32 v17, v16;
	v17 =	vmul.f32 v60, v59;
	_ =	sdelay $0x1  }
0x349: {  	v16 =	vadd.f32 v17, v16;
	v17 =	vmul.f32 v62, v61;
	_ =	sdelay $0x1  }
0x34a: {  	v16 =	vadd.f32 v17, v16;
	_ =	sdelay $0x1  }
0x34b: {  	[tilespmem:$0x106A0] =	vst v16  }
0x34c: {  	v16 =	vld [tilespmem:s19+$0x980]  }
0x34d: {  	v17 =	vld [tilespmem:s19+$0x8980]  }
0x34e: {  	v63 =	vld [tilespmem:s19+$0x990]  }
0x34f: {  	v24 =	vld [tilespmem:s19+$0x8990]  }
0x350: {  	v25 =	vld [tilespmem:s19+$0x9A0]  }
0x351: {  	v26 =	vld [tilespmem:s19+$0x89A0]  }
0x352: {  	v27 =	vld [tilespmem:s19+$0x9B0]  }
0x353: {  	v28 =	vld [tilespmem:s19+$0x89B0]  }
0x354: {  	v16 =	vmul.f32 v17, v16;
	v17 =	vmul.f32 v24, v63;
	_ =	sdelay $0x1  }
0x355: {  	v16 =	vadd.f32 v17, v16;
	v17 =	vmul.f32 v26, v25;
	_ =	sdelay $0x1  }
0x356: {  	v16 =	vadd.f32 v17, v16;
	v17 =	vmul.f32 v28, v27;
	_ =	sdelay $0x1  }
0x357: {  	v16 =	vadd.f32 v17, v16;
	_ =	sdelay $0x1  }
0x358: {  	[tilespmem:$0x106B0] =	vst v16  }
0x359: {  	v16 =	vld [tilespmem:s19+$0xA00]  }
0x35a: {  	v17 =	vld [tilespmem:s19+$0x8A00]  }
0x35b: {  	v29 =	vld [tilespmem:s19+$0xA10]  }
0x35c: {  	v30 =	vld [tilespmem:s19+$0x8A10]  }
0x35d: {  	v31 =	vld [tilespmem:s19+$0xA20]  }
0x35e: {  	v32 =	vld [tilespmem:s19+$0x8A20]  }
0x35f: {  	v33 =	vld [tilespmem:s19+$0xA30]  }
0x360: {  	v34 =	vld [tilespmem:s19+$0x8A30]  }
0x361: {  	v16 =	vmul.f32 v17, v16;
	v17 =	vmul.f32 v30, v29;
	_ =	sdelay $0x1  }
0x362: {  	v16 =	vadd.f32 v17, v16;
	v17 =	vmul.f32 v32, v31;
	_ =	sdelay $0x1  }
0x363: {  	v16 =	vadd.f32 v17, v16;
	v17 =	vmul.f32 v34, v33;
	_ =	sdelay $0x1  }
0x364: {  	v16 =	vadd.f32 v17, v16;
	_ =	sdelay $0x1  }
0x365: {  	[tilespmem:$0x106C0] =	vst v16  }
0x366: {  	v16 =	vld [tilespmem:s19+$0xA80]  }
0x367: {  	v17 =	vld [tilespmem:s19+$0x8A80]  }
0x368: {  	v35 =	vld [tilespmem:s19+$0xA90]  }
0x369: {  	v36 =	vld [tilespmem:s19+$0x8A90]  }
0x36a: {  	v37 =	vld [tilespmem:s19+$0xAA0]  }
0x36b: {  	v38 =	vld [tilespmem:s19+$0x8AA0]  }
0x36c: {  	v39 =	vld [tilespmem:s19+$0xAB0]  }
0x36d: {  	v40 =	vld [tilespmem:s19+$0x8AB0]  }
0x36e: {  	v16 =	vmul.f32 v17, v16;
	v17 =	vmul.f32 v36, v35;
	_ =	sdelay $0x1  }
0x36f: {  	v16 =	vadd.f32 v17, v16;
	v17 =	vmul.f32 v38, v37;
	_ =	sdelay $0x1  }
0x370: {  	v16 =	vadd.f32 v17, v16;
	v17 =	vmul.f32 v40, v39;
	_ =	sdelay $0x1  }
0x371: {  	v16 =	vadd.f32 v17, v16;
	_ =	sdelay $0x1  }
0x372: {  	[tilespmem:$0x106D0] =	vst v16  }
0x373: {  	v16 =	vld [tilespmem:s19+$0xB00]  }
0x374: {  	v17 =	vld [tilespmem:s19+$0x8B00]  }
0x375: {  	v41 =	vld [tilespmem:s19+$0xB10]  }
0x376: {  	v42 =	vld [tilespmem:s19+$0x8B10]  }
0x377: {  	v43 =	vld [tilespmem:s19+$0xB20]  }
0x378: {  	v44 =	vld [tilespmem:s19+$0x8B20]  }
0x379: {  	v45 =	vld [tilespmem:s19+$0xB30]  }
0x37a: {  	v46 =	vld [tilespmem:s19+$0x8B30]  }
0x37b: {  	v16 =	vmul.f32 v17, v16;
	v17 =	vmul.f32 v42, v41;
	_ =	sdelay $0x1  }
0x37c: {  	v16 =	vadd.f32 v17, v16;
	v17 =	vmul.f32 v44, v43;
	_ =	sdelay $0x1  }
0x37d: {  	v16 =	vadd.f32 v17, v16;
	v17 =	vmul.f32 v46, v45;
	_ =	sdelay $0x1  }
0x37e: {  	v16 =	vadd.f32 v17, v16;
	_ =	sdelay $0x1  }
0x37f: {  	[tilespmem:$0x106E0] =	vst v16  }
0x380: {  	v16 =	vld [tilespmem:s19+$0xB80]  }
0x381: {  	v17 =	vld [tilespmem:s19+$0x8B80]  }
0x382: {  	v47 =	vld [tilespmem:s19+$0xB90]  }
0x383: {  	v48 =	vld [tilespmem:s19+$0x8B90]  }
0x384: {  	v49 =	vld [tilespmem:s19+$0xBA0]  }
0x385: {  	v50 =	vld [tilespmem:s19+$0x8BA0]  }
0x386: {  	v51 =	vld [tilespmem:s19+$0xBB0]  }
0x387: {  	v52 =	vld [tilespmem:s19+$0x8BB0]  }
0x388: {  	v16 =	vmul.f32 v17, v16;
	v17 =	vmul.f32 v48, v47;
	_ =	sdelay $0x1  }
0x389: {  	v16 =	vadd.f32 v17, v16;
	v17 =	vmul.f32 v50, v49;
	_ =	sdelay $0x1  }
0x38a: {  	v16 =	vadd.f32 v17, v16;
	v17 =	vmul.f32 v52, v51;
	_ =	sdelay $0x1  }
0x38b: {  	v16 =	vadd.f32 v17, v16;
	_ =	sdelay $0x1  }
0x38c: {  	[tilespmem:$0x106F0] =	vst v16  }
0x38d: {  	v16 =	vld.idx.msk [tilespmem:v0+s12+$0x0], $0xffff  }
0x38e: {  	v17 =	vld.idx.msk [tilespmem:v1+s12+$0x0], $0xffff;
	_ =	sdelay $0x1  }
0x38f: {  	v53 =	vld.idx.msk [tilespmem:v2+s12+$0x0], $0xffff;
	_ =	sdelay $0x1  }
0x390: {  	v54 =	vld.idx.msk [tilespmem:v3+s12+$0x0], $0xffff  }
0x391: {  	v16 =	vadd.f32 v17, v16  }
0x392: {  	v17 =	vld.idx.msk [tilespmem:v4+s12+$0x0], $0xffff  }
0x393: {  	v16 =	vadd.f32 v53, v16  }
0x394: {  	v55 =	vld.idx.msk [tilespmem:v5+s12+$0x0], $0xffff  }
0x395: {  	v16 =	vadd.f32 v54, v16  }
0x396: {  	v56 =	vld.idx.msk [tilespmem:v6+s12+$0x0], $0xffff  }
0x397: {  	v16 =	vadd.f32 v17, v16  }
0x398: {  	v17 =	vld.idx.msk [tilespmem:v7+s12+$0x0], $0xffff  }
0x399: {  	v16 =	vadd.f32 v55, v16  }
0x39a: {  	v57 =	vld.idx.msk [tilespmem:v8+s12+$0x0], $0xffff  }
0x39b: {  	v16 =	vadd.f32 v56, v16  }
0x39c: {  	v58 =	vld.idx.msk [tilespmem:v9+s12+$0x0], $0xffff  }
0x39d: {  	v16 =	vadd.f32 v17, v16  }
0x39e: {  	v17 =	vld.idx.msk [tilespmem:v10+s12+$0x0], $0xffff  }
0x39f: {  	v16 =	vadd.f32 v57, v16  }
0x3a0: {  	v59 =	vld.idx.msk [tilespmem:v11+s12+$0x0], $0xffff  }
0x3a1: {  	v16 =	vadd.f32 v58, v16  }
0x3a2: {  	v60 =	vld.idx.msk [tilespmem:v12+s12+$0x0], $0xffff  }
0x3a3: {  	v16 =	vadd.f32 v17, v16  }
0x3a4: {  	v17 =	vld.idx.msk [tilespmem:v13+s12+$0x0], $0xffff  }
0x3a5: {  	v16 =	vadd.f32 v59, v16  }
0x3a6: {  	v61 =	vld.idx.msk [tilespmem:v14+s12+$0x0], $0xffff  }
0x3a7: {  	v16 =	vadd.f32 v60, v16  }
0x3a8: {  	v62 =	vld.idx.msk [tilespmem:v15+s12+$0x0], $0xffff  }
0x3a9: {  	v16 =	vadd.f32 v17, v16;
	_ =	sdelay $0x1  }
0x3aa: {  	v16 =	vadd.f32 v61, v16;
	_ =	sdelay $0x1  }
0x3ab: {  	v16 =	vadd.f32 v62, v16;
	_ =	sdelay $0x1  }
0x3ac: {  	v17 =	vand.u32 $0x7FFFFFFF, v16  }
0x3ad: {  	v17 =	vsub.f32 $0.0e+00, v17;
	_ =	sdelay $0x1  }
0x3ae: {  	v17 =	vmul.f32 $1.442695020e+00, v17;
	_ =	sdelay $0x1  }
0x3af: {  	(erf) = vpow2.f32 v17;
	_ =	sdelay $0x8  }
0x3b0: {  	v17 =	vpop (erf)  }
0x3b1: {  	v63 =	vadd.f32 $1.000000000e+00, v17;
	_ =	sdelay $0x1  }
0x3b2: {  	(erf) = vrcp.f32 v63;
	_ =	sdelay $0x7  }
0x3b3: {  	p0 =	sne.s32 s15, $0x1E000  }
.Ltmp1:
0x3b4: {  	v18 =	vpop (erf);
	(pc) =	sbr.rel @p0 .LBB2_4-.Ltmp1, $4  }
0x3b5: {  	v17 =	vmul.f32 v18, v17  }
0x3b6: {  	vm0 =	vge.f32 v16, $0.0e+00  }
0x3b7: {  	s17 =	sadd.s32 $0x10, s17;
	v16 =	vsel vm0, v18, v17  }
0x3b8: {  	s18 =	sadd.s32 $0x10, s18;
	s15 =	sadd.s32 $0x2000, s15;
	[tilespmem:s16+$0x0] =	vst v16;
	s16 =	sadd.s32 $0x10, s16  }
0x3b9: {  	s14 =	sadd.s32 $0x1, s14  }
0x3ba: {  	p0 =	sne.s32 s14, s8  }
.Ltmp2:
0x3bb: {  	_ = 	snop;
	(pc) =	sbr.rel @p0 .LBB2_1-.Ltmp2, $4  }
0x3bc: {  	[hbm4b:s7+s1] =	stream.linear.scatter [tilespmem:s13], [sflag:$0x3], $0x200, $0x38;
	[tilespmem:$0x10700] =	vst v63  }
0x3bd: {  	_ =	swait.ge [sflag:s9], $0x200  }
0x3be: {  	[sflag:s9] =	ssyncset.done $0x0  }
0x3bf: {  	[sflag:s9] =	ssyncadd.s32 $0xFFFFFE00  }
0x3c0: {  	_ =	sfence.sel $0x180000  }
0x3c1: {  	[bflag:$0x0] =	sbarrier.arrive $0xFFFF  }
0x3c2: {  	p0 =	sne.s32 s2, $0x0;
	_ =	strace $0x90000047  }
0x3c3: {  	s0 =	sadd.s32 @!p0 $0x100000, s0;
	[bflag:$0x2] =	sbarrier.arrive $0xFFFF  }
0x3c4: {  	[sflag:s0] =	ssyncadd.tile.s32 @!p0 $0x1;
	_ =	shalt  }
.Lfunc_end2:
_tile_overlayer_lowered:
.L_overlay_start_2:
0x3c5: {  	(tag) =	ssettag $0x2  }
0x3c6: {  	s0 =	rddreg [dreg:$0x0];
	s2 =	stileid.u32  }
0x3c7: {  	s1 =	rddreg [dreg:$0x1];
	p0 =	sne.s32 s2, $0x0  }
0x3c8: {  	s3 =	rddreg [dreg:$0x2];
	[bflag:$0x3] =	sbarrier.arrive $0xFFFF;
	s2 =	simm.s32 @!p0 $0x1C03  }
0x3c9: {  	[timem:s3], [sflag:s2] =	dma.local @!p0 [hbm:s0], s1  }
0x3ca: {  	s0 =	simm.s32 @!p0 $0x3  }
0x3cb: {  	_ =	swait.ge @!p0 [sflag:s0], s1  }
0x3cc: {  	s1 =	ssub.s32 @!p0 $0x0, s1;
	[sflag:s0] =	ssyncset.done @!p0 $0x0  }
0x3cd: {  	[sflag:s0] =	ssyncadd.s32 @!p0 s1  }
0x3ce: {  	[bflag:$0x3] =	sbarrier.arrive $0xFFFF  }
0x3cf: {  	_ =	shalt  }

</sc_bundles>
